<compile_context>
chip_gen: v7x
topology: tpu7x:2x2x1
jax: 0.10.2.dev20260603
libtpu: 0.0.44.dev20260713+nightly
codegen_flags: <defaults>
</compile_context>

<pallas_src>
import dataclasses
import functools

import jax
import jax.numpy as jnp
from jax import lax
from jax.experimental import pallas as pl
from jax.experimental.pallas import tpu as pltpu
from jax.experimental.pallas import tpu_sc as plsc

N = 10000
E = 320000
G = 64
D = 128

NPAD = 10240
WE = 112
RPT = 90
NCHUNK = 5
CHW = RPT // NCHUNK
NB = 3
EPAD = 32 * RPT * WE
RB = 1000


def _vsc_mesh():
    return plsc.VectorSubcoreMesh(core_axis_name="c", subcore_axis_name="s")


def _sc_params():
    return dataclasses.replace(pltpu.CompilerParams(),
                               needs_layout_passes=False)



def _sc_degree(col16):
    NV = (E // 16) // 32
    STRIDE = NPAD // 16

    @functools.partial(
        pl.kernel,
        out_type=jax.ShapeDtypeStruct((2, NPAD), jnp.float32),
        mesh=_vsc_mesh(),
        scratch_types=[
            pltpu.VMEM((NV, 16), jnp.int32),
            pltpu.VMEM((NPAD,), jnp.float32),
            pltpu.VMEM((16, STRIDE), jnp.float32),
            pltpu.VMEM((STRIDE,), jnp.float32),
            pltpu.VMEM_SHARED((16, NPAD), jnp.float32),
        ],
        compiler_params=_sc_params(),
    )
    def k(col_hbm, out_hbm, idx_v, hist_v, rbuf, rout, hists_sh):
        c = lax.axis_index("c")
        s = lax.axis_index("s")
        wid = s * 2 + c

        @pl.loop(0, NPAD // 16)
        def _(i):
            hist_v[pl.ds(i * 16, 16)] = jnp.zeros((16,), jnp.float32)

        pltpu.sync_copy(col_hbm.at[wid], idx_v)

        @pl.loop(0, NV)
        def _(j):
            v = idx_v[j, :]
            vals, msk = plsc.scan_count(v)
            plsc.addupdate_scatter(hist_v, [v], vals.astype(jnp.float32),
                                   mask=msk)

        pltpu.sync_copy(hist_v, hists_sh.at[s])
        plsc.subcore_barrier()

        for t in range(16):
            pltpu.sync_copy(hists_sh.at[t, pl.ds(s * STRIDE, STRIDE)],
                            rbuf.at[t])

        @pl.loop(0, STRIDE // 16)
        def _(kk):
            a = rbuf[0, pl.ds(kk * 16, 16)]
            for t in range(1, 16):
                a = a + rbuf[t, pl.ds(kk * 16, 16)]
            rout[pl.ds(kk * 16, 16)] = a

        pltpu.sync_copy(rout, out_hbm.at[c, pl.ds(s * STRIDE, STRIDE)])

    return k(col16)


def _sc_scatter(y, row2d, col2d):

    @functools.partial(
        pl.kernel,
        out_type=jax.ShapeDtypeStruct((2, NPAD, D), jnp.float32),
        mesh=_vsc_mesh(),
        scratch_types=[
            pltpu.VMEM((CHW, WE), jnp.int32),
            pltpu.VMEM((CHW, WE), jnp.int32),
        ] + [pltpu.VMEM((WE, D), jnp.float32)] * NB + [
            pltpu.VMEM_SHARED((NPAD, D), jnp.float32),
        ] + [pltpu.SemaphoreType.DMA] * NB,
    )
    def k(y_hbm, row_hbm, col_hbm, out_hbm, row_v, col_v, *rest):
        gbufs = rest[:NB]
        accum = rest[NB]
        gsems = rest[NB + 1:]
        c = lax.axis_index("c")
        s = lax.axis_index("s")
        wid = s * 2 + c

        @pl.loop(0, 16)
        def _(i):
            @pl.loop(0, D // 16)
            def _(j):
                gbufs[0][i, pl.ds(j * 16, 16)] = jnp.zeros((16,), jnp.float32)

        @pl.loop(0, 40)
        def _(i):
            pltpu.sync_copy(gbufs[0].at[pl.ds(0, 16)],
                            accum.at[pl.ds(s * 640 + i * 16, 16)])

        plsc.subcore_barrier()

        @pl.loop(0, NCHUNK)
        def _(h):
            pltpu.sync_copy(row_hbm.at[wid, h], row_v)
            pltpu.sync_copy(col_hbm.at[wid, h], col_v)
            for b in range(NB - 1):
                pltpu.async_copy(y_hbm.at[row_v.at[b]], gbufs[b], gsems[b])

            @pl.loop(0, CHW // NB)
            def _(i):
                j0 = NB * i
                for b in range(NB):
                    pltpu.make_async_copy(y_hbm.at[row_v.at[j0 + b]],
                                          gbufs[b], gsems[b]).wait()
                    jn = j0 + b + NB - 1
                    bn = (b + NB - 1) % NB

                    @pl.when(jn < CHW)
                    def _(jn=jn, bn=bn):
                        pltpu.async_copy(y_hbm.at[row_v.at[jn]], gbufs[bn],
                                         gsems[bn])

                    pltpu.sync_copy(gbufs[b], accum.at[col_v.at[j0 + b]],
                                    add=True)

        plsc.subcore_barrier()
        pltpu.sync_copy(accum.at[pl.ds(s * 640, 640)],
                        out_hbm.at[c, pl.ds(s * 640, 640)])

    return k(y, row2d, col2d)



def _mm_scale_kernel(x_ref, w_ref, d0_ref, d1_ref, o_ref):
    dis = lax.rsqrt(1.0 + d0_ref[...] + d1_ref[...])
    h = jnp.dot(x_ref[...], w_ref[...], preferred_element_type=jnp.float32)
    o_ref[...] = h * dis


def _mm_scale(x, W, d0, d1):
    return pl.pallas_call(
        _mm_scale_kernel,
        grid=(N // RB,),
        in_specs=[pl.BlockSpec((RB, D), lambda i: (i, 0)),
                  pl.BlockSpec((D, D), lambda i: (0, 0)),
                  pl.BlockSpec((RB, 1), lambda i: (i, 0)),
                  pl.BlockSpec((RB, 1), lambda i: (i, 0))],
        out_specs=pl.BlockSpec((RB, D), lambda i: (i, 0)),
        out_shape=jax.ShapeDtypeStruct((N, D), jnp.float32),
    )(x, W, d0, d1)


def _layer_kernel(p0_ref, p1_ref, y_ref, d0_ref, d1_ref, b_ref, w_ref, o_ref):
    dis = lax.rsqrt(1.0 + d0_ref[...] + d1_ref[...])
    t = (p0_ref[...] + p1_ref[...] + y_ref[...]) * dis + b_ref[...]
    t = jnp.maximum(t, 0.0)
    h = jnp.dot(t, w_ref[...], preferred_element_type=jnp.float32)
    o_ref[...] = h * dis


def _layer(p0, p1, y, d0, d1, b, W):
    return pl.pallas_call(
        _layer_kernel,
        grid=(N // RB,),
        in_specs=[pl.BlockSpec((RB, D), lambda i: (i, 0)),
                  pl.BlockSpec((RB, D), lambda i: (i, 0)),
                  pl.BlockSpec((RB, D), lambda i: (i, 0)),
                  pl.BlockSpec((RB, 1), lambda i: (i, 0)),
                  pl.BlockSpec((RB, 1), lambda i: (i, 0)),
                  pl.BlockSpec((1, D), lambda i: (0, 0)),
                  pl.BlockSpec((D, D), lambda i: (0, 0))],
        out_specs=pl.BlockSpec((RB, D), lambda i: (i, 0)),
        out_shape=jax.ShapeDtypeStruct((N, D), jnp.float32),
    )(p0, p1, y, d0, d1, b.reshape(1, D), W)


def _pool_kernel(p0_ref, p1_ref, y_ref, d0_ref, d1_ref, b_ref, batch_ref,
                 o_ref, acc, cnt):
    i = pl.program_id(0)

    @pl.when(i == 0)
    def _():
        acc[...] = jnp.zeros_like(acc)
        cnt[...] = jnp.zeros_like(cnt)

    dis = lax.rsqrt(1.0 + d0_ref[...] + d1_ref[...])
    h = (p0_ref[...] + p1_ref[...] + y_ref[...]) * dis + b_ref[...]
    gid = lax.broadcasted_iota(jnp.int32, (1, G), 1).astype(jnp.float32)
    sel = (batch_ref[...] == gid).astype(jnp.float32)
    acc[...] += lax.dot_general(sel, h, (((0,), (0,)), ((), ())),
                                preferred_element_type=jnp.float32)
    cnt[...] += lax.dot_general(sel, jnp.ones_like(h), (((0,), (0,)), ((), ())),
                                preferred_element_type=jnp.float32)

    @pl.when(i == pl.num_programs(0) - 1)
    def _():
        o_ref[...] = acc[...] / jnp.maximum(cnt[...], 1.0)


def _pool(p0, p1, y, d0, d1, b, batchf):
    return pl.pallas_call(
        _pool_kernel,
        grid=(N // RB,),
        in_specs=[pl.BlockSpec((RB, D), lambda i: (i, 0)),
                  pl.BlockSpec((RB, D), lambda i: (i, 0)),
                  pl.BlockSpec((RB, D), lambda i: (i, 0)),
                  pl.BlockSpec((RB, 1), lambda i: (i, 0)),
                  pl.BlockSpec((RB, 1), lambda i: (i, 0)),
                  pl.BlockSpec((1, D), lambda i: (0, 0)),
                  pl.BlockSpec((RB, 1), lambda i: (i, 0))],
        out_specs=pl.BlockSpec((G, D), lambda i: (0, 0)),
        out_shape=jax.ShapeDtypeStruct((G, D), jnp.float32),
        scratch_shapes=[pltpu.VMEM((G, D), jnp.float32),
                        pltpu.VMEM((G, D), jnp.float32)],
    )(p0, p1, y, d0, d1, b.reshape(1, D), batchf)



def kernel(x, W1, b1, W2, b2, W3, b3, edge_index, batch):
    x = x.astype(jnp.float32)
    npad_e = EPAD - E
    pad_row = (jnp.arange(npad_e, dtype=jnp.int32) % 1024)
    pad_col = N + (jnp.arange(npad_e, dtype=jnp.int32) % (NPAD - N))
    row2d = jnp.concatenate([edge_index[0], pad_row]).reshape(32, NCHUNK,
                                                              CHW, WE)
    col2d = jnp.concatenate([edge_index[1], pad_col]).reshape(32, NCHUNK,
                                                              CHW, WE)
    col16 = edge_index[1].reshape(32, E // (16 * 32), 16)
    batchf = batch.astype(jnp.float32).reshape(N, 1)

    dsum = _sc_degree(col16)
    d0 = dsum[0, :N].reshape(N, 1)
    d1 = dsum[1, :N].reshape(N, 1)

    y1 = _mm_scale(x, W1, d0, d1)
    p = _sc_scatter(y1, row2d, col2d)
    y2 = _layer(p[0, :N], p[1, :N], y1, d0, d1, b1, W2)
    q = _sc_scatter(y2, row2d, col2d)
    y3 = _layer(q[0, :N], q[1, :N], y2, d0, d1, b2, W3)
    r = _sc_scatter(y3, row2d, col2d)
    return _pool(r[0, :N], r[1, :N], y3, d0, d1, b3, batchf)

# --- scband reference (transcript-rebuilt; emitter-appended) ---
"""Pipeline reference for scband-gcn-69956427317977 (READ-ONLY COPY).

The authoritative reference and input builder live on the scoring server;
editing this copy changes nothing except your own understanding.
"""

import jax, jax.numpy as jnp
import numpy as np

N = 10000
E = 320000
G = 64
D = 128


def setup_inputs(seed: int = 0) -> dict:
    key = jax.random.key(seed)
    ks = jax.random.split(key, 10)
    x = jax.random.normal(ks[0], (N, D), dtype=jnp.float32)
    edge_index = jax.random.randint(ks[1], (2, E), 0, N, dtype=jnp.int32)
    batch = jnp.sort(jax.random.randint(ks[2], (N,), 0, G, dtype=jnp.int32))
    s = 1.0 / np.sqrt(D)
    W1 = jax.random.uniform(ks[3], (D, D), minval=-s, maxval=s, dtype=jnp.float32)
    b1 = jnp.zeros((D,), jnp.float32)
    W2 = jax.random.uniform(ks[4], (D, D), minval=-s, maxval=s, dtype=jnp.float32)
    b2 = jnp.zeros((D,), jnp.float32)
    W3 = jax.random.uniform(ks[5], (D, D), minval=-s, maxval=s, dtype=jnp.float32)
    b3 = jnp.zeros((D,), jnp.float32)
    return {"x": x, "W1": W1, "b1": b1, "W2": W2, "b2": b2, "W3": W3, "b3": b3, "edge_index": edge_index, "batch": batch}


def _gcn_conv(x, W, b, row, col, num_nodes):
    # PyG GCNConv: x' = D^{-1/2} (A + I) D^{-1/2} (x W) + b, self-loops already in row/col
    h = x @ W
    deg = jax.ops.segment_sum(jnp.ones_like(col, jnp.float32), col, num_segments=num_nodes)
    dis = jnp.where(deg > 0, 1.0 / jnp.sqrt(deg), 0.0)
    norm = dis[row] * dis[col]
    msg = h[row] * norm[:, None]
    out = jax.ops.segment_sum(msg, col, num_segments=num_nodes)
    return out + b


def reference(x, W1, b1, W2, b2, W3, b3, edge_index, batch):
    x = x.astype(jnp.float32)
    loop = jnp.arange(N, dtype=edge_index.dtype)
    row = jnp.concatenate([edge_index[0], loop])
    col = jnp.concatenate([edge_index[1], loop])
    h = _gcn_conv(x, W1, b1, row, col, N)
    h = jax.nn.relu(h)  # dropout p=0.0 -> identity
    h = _gcn_conv(h, W2, b2, row, col, N)
    h = jax.nn.relu(h)
    h = _gcn_conv(h, W3, b3, row, col, N)
    # global_mean_pool over batch assignment
    summed = jax.ops.segment_sum(h, batch, num_segments=G)
    counts = jax.ops.segment_sum(jnp.ones((N,), jnp.float32), batch, num_segments=G)
    return summed / jnp.maximum(counts, 1.0)[:, None]

if __name__ == "__main__":
    import jax
    _d = setup_inputs()
    print(jax.jit(kernel)(*tuple(_d.values())))

</pallas_src>

<mosaic_0001>
#map = affine_map<(d0, d1) -> (0, 0)>
#map1 = affine_map<(d0, d1) -> (0, 0, 0, 0)>
#map2 = affine_map<(d0, d1) -> (0, 0, 0)>
module attributes {stable_mosaic.version = 14 : i64} {
  func.func @k(%arg0: i32, %arg1: i32, %arg2: memref<10000x128xf32, #tpu.memory_space<hbm>>, %arg3: memref<32x5x18x112xi32, #tpu.memory_space<hbm>>, %arg4: memref<32x5x18x112xi32, #tpu.memory_space<hbm>>, %arg5: memref<2x10240x128xf32, #tpu.memory_space<hbm>>, %arg6: memref<18x112xi32, #tpu.memory_space<vmem>>, %arg7: memref<18x112xi32, #tpu.memory_space<vmem>>, %arg8: memref<112x128xf32, #tpu.memory_space<vmem>>, %arg9: memref<112x128xf32, #tpu.memory_space<vmem>>, %arg10: memref<112x128xf32, #tpu.memory_space<vmem>>, %arg11: memref<10240x128xf32, #tpu.memory_space<vmem_shared>>, %arg12: memref<!tpu.dma_semaphore, #tpu.memory_space<semaphore_mem>>, %arg13: memref<!tpu.dma_semaphore, #tpu.memory_space<semaphore_mem>>, %arg14: memref<!tpu.dma_semaphore, #tpu.memory_space<semaphore_mem>>) attributes {dimension_semantics = [#tpu.dimension_semantics<core_parallel>, #tpu.dimension_semantics<subcore_parallel>], iteration_bounds = array<i64: 2, 16>, scalar_prefetch = 0 : i64, scratch_operands = 9 : i64, tpu.core_type = #tpu.core_type<sc_vector_subcore>, window_params = [{transform_indices = #map}, {transform_indices = #map1}, {transform_indices = #map1}, {transform_indices = #map2}]} {
    %mul3A = arith.constant 2 : i32
    %mul3A_0 = arith.muli %arg1, %mul3A : i32
    %add3A = arith.addi %mul3A_0, %arg0 : i32
    %scan3A = arith.constant 0 : i32
    %scan3A_1 = arith.constant 16 : i32
    %scan3A_2 = arith.addi %scan3A, %scan3A_1 : i32
    %scan3A_3 = arith.constant 1 : i32
    scf.for %scan3A_20 = %scan3A to %scan3A_2 step %scan3A_3  : i32 {
      %mul3A_21 = arith.constant 1 : i32
      %mul3A_22 = arith.muli %scan3A_20, %mul3A_21 : i32
      %add3A_23 = arith.constant 0 : i32
      %add3A_24 = arith.addi %add3A_23, %mul3A_22 : i32
      %scan3A_25 = arith.constant 0 : i32
      %scan3A_26 = arith.constant 8 : i32
      %scan3A_27 = arith.addi %scan3A_25, %scan3A_26 : i32
      %scan3A_28 = arith.constant 1 : i32
      scf.for %scan3A_30 = %scan3A_25 to %scan3A_27 step %scan3A_28  : i32 {
        %mul3A_31 = arith.constant 1 : i32
        %mul3A_32 = arith.muli %scan3A_30, %mul3A_31 : i32
        %add3A_33 = arith.constant 0 : i32
        %add3A_34 = arith.addi %add3A_33, %mul3A_32 : i32
        %broadcast_in_dim3A = arith.constant 0.000000e+00 : f32
        %broadcast_in_dim3A_35 = vector.broadcast %broadcast_in_dim3A : f32 to vector<16xf32>
        %mul3A_36 = arith.constant 16 : i32
        %mul3A_37 = arith.muli %add3A_34, %mul3A_36 : i32
        %swap3A = arith.index_cast %add3A_24 : i32 to index
        %swap3A_38 = arith.index_cast %mul3A_37 : i32 to index
        %swap3A_39 = tpu.vector_load %arg8[%swap3A, %swap3A_38] {strides = array<i32>} : memref<112x128xf32, #tpu.memory_space<vmem>>, vector<1x16xf32>,
        %swap3A_40 = vector.shape_cast %swap3A_39 : vector<1x16xf32> to vector<16xf32>
        %swap3A_41 = vector.shape_cast %broadcast_in_dim3A_35 : vector<16xf32> to vector<1x16xf32>
        tpu.vector_store %arg8[%swap3A, %swap3A_38], %swap3A_41 {strides = array<i32>} : memref<112x128xf32, #tpu.memory_space<vmem>>, vector<1x16xf32>,
      }
      %scan3A_29 = arith.constant 8 : i32
    }
    %scan3A_4 = arith.constant 16 : i32
    %scan3A_5 = arith.constant 0 : i32
    %scan3A_6 = arith.constant 40 : i32
    %scan3A_7 = arith.addi %scan3A_5, %scan3A_6 : i32
    %scan3A_8 = arith.constant 1 : i32
    scf.for %scan3A_20 = %scan3A_5 to %scan3A_7 step %scan3A_8  : i32 {
      %mul3A_21 = arith.constant 1 : i32
      %mul3A_22 = arith.muli %scan3A_20, %mul3A_21 : i32
      %add3A_23 = arith.constant 0 : i32
      %add3A_24 = arith.addi %add3A_23, %mul3A_22 : i32
      %mul3A_25 = arith.constant 640 : i32
      %mul3A_26 = arith.muli %arg1, %mul3A_25 : i32
      %mul3A_27 = arith.constant 16 : i32
      %mul3A_28 = arith.muli %add3A_24, %mul3A_27 : i32
      %add3A_29 = arith.addi %mul3A_26, %mul3A_28 : i32
      "tpu.region"() ({
        %run_scoped3A = tpu.sem_alloc : memref<!tpu.dma_semaphore, #tpu.memory_space<semaphore_mem>>
        %dma_start3A = arith.constant 0 : i32
        %dma_start3A_30 = arith.constant 0 : i32
        %dma_start3A_31 = tpu.memref_slice %arg8[%dma_start3A, %dma_start3A_30] : memref<112x128xf32, #tpu.memory_space<vmem>> -> memref<16x128xf32, #tpu.memory_space<vmem>>
        %dma_start3A_32 = arith.constant 0 : i32
        %dma_start3A_33 = tpu.memref_slice %arg11[%add3A_29, %dma_start3A_32] : memref<10240x128xf32, #tpu.memory_space<vmem_shared>> -> memref<16x128xf32, #tpu.memory_space<vmem_shared>>
        %dma_start3A_34 = arith.constant 0 : i32
        %dma_start3A_35 = tpu.memref_slice %arg11[%add3A_29, %dma_start3A_34] : memref<10240x128xf32, #tpu.memory_space<vmem_shared>> -> memref<16x128xf32, #tpu.memory_space<vmem_shared>>
        %dma_start3A_36 = arith.constant 0 : i32
        %dma_start3A_37 = arith.constant 0 : i32
        %dma_start3A_38 = tpu.memref_slice %arg8[%dma_start3A_36, %dma_start3A_37] : memref<112x128xf32, #tpu.memory_space<vmem>> -> memref<16x128xf32, #tpu.memory_space<vmem>>
        tpu.enqueue_dma source(%dma_start3A_38 : memref<16x128xf32, #tpu.memory_space<vmem>>) target(%dma_start3A_35 : memref<16x128xf32, #tpu.memory_space<vmem_shared>>) target_semaphore(%run_scoped3A : memref<!tpu.dma_semaphore, #tpu.memory_space<semaphore_mem>>)
        %dma_wait3A = arith.constant 0 : i32
        %dma_wait3A_39 = arith.constant 0 : i32
        %dma_wait3A_40 = tpu.memref_slice %arg8[%dma_wait3A, %dma_wait3A_39] : memref<112x128xf32, #tpu.memory_space<vmem>> -> memref<16x128xf32, #tpu.memory_space<vmem>>
        %dma_wait3A_41 = arith.constant 0 : i32
        %dma_wait3A_42 = tpu.memref_slice %arg11[%add3A_29, %dma_wait3A_41] : memref<10240x128xf32, #tpu.memory_space<vmem_shared>> -> memref<16x128xf32, #tpu.memory_space<vmem_shared>>
        %dma_wait3A_43 = arith.constant 0 : i32
        %dma_wait3A_44 = tpu.memref_slice %arg11[%add3A_29, %dma_wait3A_43] : memref<10240x128xf32, #tpu.memory_space<vmem_shared>> -> memref<16x128xf32, #tpu.memory_space<vmem_shared>>
        %dma_wait3A_45 = arith.constant 0 : i32
        %dma_wait3A_46 = arith.constant 0 : i32
        %dma_wait3A_47 = tpu.memref_slice %arg8[%dma_wait3A_45, %dma_wait3A_46] : memref<112x128xf32, #tpu.memory_space<vmem>> -> memref<16x128xf32, #tpu.memory_space<vmem>>
        tpu.wait_dma2 semaphore(%run_scoped3A : memref<!tpu.dma_semaphore, #tpu.memory_space<semaphore_mem>>) src(%dma_wait3A_47 : memref<16x128xf32, #tpu.memory_space<vmem>>) dst(%dma_wait3A_44 : memref<16x128xf32, #tpu.memory_space<vmem_shared>>)
        tpu.yield
      }) : () -> ()
    }
    %scan3A_9 = arith.constant 40 : i32
    %barrier3A = arith.constant 0 : index
    tpu.barrier barrier_id(%barrier3A)
    %scan3A_10 = arith.constant 0 : i32
    %scan3A_11 = arith.constant 5 : i32
    %scan3A_12 = arith.addi %scan3A_10, %scan3A_11 : i32
    %scan3A_13 = arith.constant 1 : i32
    scf.for %scan3A_20 = %scan3A_10 to %scan3A_12 step %scan3A_13  : i32 {
      %mul3A_21 = arith.constant 1 : i32
      %mul3A_22 = arith.muli %scan3A_20, %mul3A_21 : i32
      %add3A_23 = arith.constant 0 : i32
      %add3A_24 = arith.addi %add3A_23, %mul3A_22 : i32
      "tpu.region"() ({
        %run_scoped3A = tpu.sem_alloc : memref<!tpu.dma_semaphore, #tpu.memory_space<semaphore_mem>>
        %dma_start3A_43 = arith.constant 0 : i32
        %dma_start3A_44 = arith.constant 0 : i32
        %dma_start3A_45 = tpu.memref_slice %arg3[%add3A, %add3A_24, %dma_start3A_43, %dma_start3A_44] : memref<32x5x18x112xi32, #tpu.memory_space<hbm>> -> memref<1x1x18x112xi32, #tpu.memory_space<hbm>>
        %dma_start3A_46 = tpu.memref_squeeze %dma_start3A_45 : memref<1x1x18x112xi32, #tpu.memory_space<hbm>> -> memref<18x112xi32, #tpu.memory_space<hbm>>
        %dma_start3A_47 = arith.constant 0 : i32
        %dma_start3A_48 = arith.constant 0 : i32
        %dma_start3A_49 = tpu.memref_slice %arg3[%add3A, %add3A_24, %dma_start3A_47, %dma_start3A_48] : memref<32x5x18x112xi32, #tpu.memory_space<hbm>> -> memref<1x1x18x112xi32, #tpu.memory_space<hbm>>
        %dma_start3A_50 = tpu.memref_squeeze %dma_start3A_49 : memref<1x1x18x112xi32, #tpu.memory_space<hbm>> -> memref<18x112xi32, #tpu.memory_space<hbm>>
        tpu.enqueue_dma source(%dma_start3A_50 : memref<18x112xi32, #tpu.memory_space<hbm>>) target(%arg6 : memref<18x112xi32, #tpu.memory_space<vmem>>) target_semaphore(%run_scoped3A : memref<!tpu.dma_semaphore, #tpu.memory_space<semaphore_mem>>)
        %dma_wait3A = arith.constant 0 : i32
        %dma_wait3A_51 = arith.constant 0 : i32
        %dma_wait3A_52 = tpu.memref_slice %arg3[%add3A, %add3A_24, %dma_wait3A, %dma_wait3A_51] : memref<32x5x18x112xi32, #tpu.memory_space<hbm>> -> memref<1x1x18x112xi32, #tpu.memory_space<hbm>>
        %dma_wait3A_53 = tpu.memref_squeeze %dma_wait3A_52 : memref<1x1x18x112xi32, #tpu.memory_space<hbm>> -> memref<18x112xi32, #tpu.memory_space<hbm>>
        %dma_wait3A_54 = arith.constant 0 : i32
        %dma_wait3A_55 = arith.constant 0 : i32
        %dma_wait3A_56 = tpu.memref_slice %arg3[%add3A, %add3A_24, %dma_wait3A_54, %dma_wait3A_55] : memref<32x5x18x112xi32, #tpu.memory_space<hbm>> -> memref<1x1x18x112xi32, #tpu.memory_space<hbm>>
        %dma_wait3A_57 = tpu.memref_squeeze %dma_wait3A_56 : memref<1x1x18x112xi32, #tpu.memory_space<hbm>> -> memref<18x112xi32, #tpu.memory_space<hbm>>
        tpu.wait_dma2 semaphore(%run_scoped3A : memref<!tpu.dma_semaphore, #tpu.memory_space<semaphore_mem>>) src(%dma_wait3A_57 : memref<18x112xi32, #tpu.memory_space<hbm>>) dst(%arg6 : memref<18x112xi32, #tpu.memory_space<vmem>>)
        tpu.yield
      }) : () -> ()
      "tpu.region"() ({
        %run_scoped3A = tpu.sem_alloc : memref<!tpu.dma_semaphore, #tpu.memory_space<semaphore_mem>>
        %dma_start3A_43 = arith.constant 0 : i32
        %dma_start3A_44 = arith.constant 0 : i32
        %dma_start3A_45 = tpu.memref_slice %arg4[%add3A, %add3A_24, %dma_start3A_43, %dma_start3A_44] : memref<32x5x18x112xi32, #tpu.memory_space<hbm>> -> memref<1x1x18x112xi32, #tpu.memory_space<hbm>>
        %dma_start3A_46 = tpu.memref_squeeze %dma_start3A_45 : memref<1x1x18x112xi32, #tpu.memory_space<hbm>> -> memref<18x112xi32, #tpu.memory_space<hbm>>
        %dma_start3A_47 = arith.constant 0 : i32
        %dma_start3A_48 = arith.constant 0 : i32
        %dma_start3A_49 = tpu.memref_slice %arg4[%add3A, %add3A_24, %dma_start3A_47, %dma_start3A_48] : memref<32x5x18x112xi32, #tpu.memory_space<hbm>> -> memref<1x1x18x112xi32, #tpu.memory_space<hbm>>
        %dma_start3A_50 = tpu.memref_squeeze %dma_start3A_49 : memref<1x1x18x112xi32, #tpu.memory_space<hbm>> -> memref<18x112xi32, #tpu.memory_space<hbm>>
        tpu.enqueue_dma source(%dma_start3A_50 : memref<18x112xi32, #tpu.memory_space<hbm>>) target(%arg7 : memref<18x112xi32, #tpu.memory_space<vmem>>) target_semaphore(%run_scoped3A : memref<!tpu.dma_semaphore, #tpu.memory_space<semaphore_mem>>)
        %dma_wait3A = arith.constant 0 : i32
        %dma_wait3A_51 = arith.constant 0 : i32
        %dma_wait3A_52 = tpu.memref_slice %arg4[%add3A, %add3A_24, %dma_wait3A, %dma_wait3A_51] : memref<32x5x18x112xi32, #tpu.memory_space<hbm>> -> memref<1x1x18x112xi32, #tpu.memory_space<hbm>>
        %dma_wait3A_53 = tpu.memref_squeeze %dma_wait3A_52 : memref<1x1x18x112xi32, #tpu.memory_space<hbm>> -> memref<18x112xi32, #tpu.memory_space<hbm>>
        %dma_wait3A_54 = arith.constant 0 : i32
        %dma_wait3A_55 = arith.constant 0 : i32
        %dma_wait3A_56 = tpu.memref_slice %arg4[%add3A, %add3A_24, %dma_wait3A_54, %dma_wait3A_55] : memref<32x5x18x112xi32, #tpu.memory_space<hbm>> -> memref<1x1x18x112xi32, #tpu.memory_space<hbm>>
        %dma_wait3A_57 = tpu.memref_squeeze %dma_wait3A_56 : memref<1x1x18x112xi32, #tpu.memory_space<hbm>> -> memref<18x112xi32, #tpu.memory_space<hbm>>
        tpu.wait_dma2 semaphore(%run_scoped3A : memref<!tpu.dma_semaphore, #tpu.memory_space<semaphore_mem>>) src(%dma_wait3A_57 : memref<18x112xi32, #tpu.memory_space<hbm>>) dst(%arg7 : memref<18x112xi32, #tpu.memory_space<vmem>>)
        tpu.yield
      }) : () -> ()
      %dma_start3A = arith.constant 0 : i32
      %dma_start3A_25 = arith.constant 0 : i32
      %dma_start3A_26 = tpu.memref_slice %arg6[%dma_start3A, %dma_start3A_25] : memref<18x112xi32, #tpu.memory_space<vmem>> -> memref<1x112xi32, #tpu.memory_space<vmem>>
      %dma_start3A_27 = tpu.memref_squeeze %dma_start3A_26 : memref<1x112xi32, #tpu.memory_space<vmem>> -> memref<112xi32, #tpu.memory_space<vmem>>
      %dma_start3A_28 = arith.constant 0 : i32
      %dma_start3A_29 = arith.constant 0 : i32
      %dma_start3A_30 = tpu.memref_slice %arg2[%dma_start3A_28, %dma_start3A_29] : memref<10000x128xf32, #tpu.memory_space<hbm>> -> memref<10000x128xf32, #tpu.memory_space<hbm>>
      tpu.enqueue_indirect_dma source(%dma_start3A_30 : memref<10000x128xf32, #tpu.memory_space<hbm>>) target(%arg8 : memref<112x128xf32, #tpu.memory_space<vmem>>) offsets(%dma_start3A_27 : memref<112xi32, #tpu.memory_space<vmem>>) semaphore(%arg12 : memref<!tpu.dma_semaphore, #tpu.memory_space<semaphore_mem>>)
      %dma_start3A_31 = arith.constant 1 : i32
      %dma_start3A_32 = arith.constant 0 : i32
      %dma_start3A_33 = tpu.memref_slice %arg6[%dma_start3A_31, %dma_start3A_32] : memref<18x112xi32, #tpu.memory_space<vmem>> -> memref<1x112xi32, #tpu.memory_space<vmem>>
      %dma_start3A_34 = tpu.memref_squeeze %dma_start3A_33 : memref<1x112xi32, #tpu.memory_space<vmem>> -> memref<112xi32, #tpu.memory_space<vmem>>
      %dma_start3A_35 = arith.constant 0 : i32
      %dma_start3A_36 = arith.constant 0 : i32
      %dma_start3A_37 = tpu.memref_slice %arg2[%dma_start3A_35, %dma_start3A_36] : memref<10000x128xf32, #tpu.memory_space<hbm>> -> memref<10000x128xf32, #tpu.memory_space<hbm>>
      tpu.enqueue_indirect_dma source(%dma_start3A_37 : memref<10000x128xf32, #tpu.memory_space<hbm>>) target(%arg9 : memref<112x128xf32, #tpu.memory_space<vmem>>) offsets(%dma_start3A_34 : memref<112xi32, #tpu.memory_space<vmem>>) semaphore(%arg13 : memref<!tpu.dma_semaphore, #tpu.memory_space<semaphore_mem>>)
      %scan3A_38 = arith.constant 0 : i32
      %scan3A_39 = arith.constant 6 : i32
      %scan3A_40 = arith.addi %scan3A_38, %scan3A_39 : i32
      %scan3A_41 = arith.constant 1 : i32
      scf.for %scan3A_43 = %scan3A_38 to %scan3A_40 step %scan3A_41  : i32 {
        %mul3A_44 = arith.constant 1 : i32
        %mul3A_45 = arith.muli %scan3A_43, %mul3A_44 : i32
        %add3A_46 = arith.constant 0 : i32
        %add3A_47 = arith.addi %add3A_46, %mul3A_45 : i32
        %mul3A_48 = arith.constant 3 : i32
        %mul3A_49 = arith.muli %mul3A_48, %add3A_47 : i32
        %add3A_50 = arith.constant 0 : i32
        %add3A_51 = arith.addi %mul3A_49, %add3A_50 : i32
        %dma_wait3A = arith.constant 0 : i32
        %dma_wait3A_52 = tpu.memref_slice %arg6[%add3A_51, %dma_wait3A] : memref<18x112xi32, #tpu.memory_space<vmem>> -> memref<1x112xi32, #tpu.memory_space<vmem>>
        %dma_wait3A_53 = tpu.memref_squeeze %dma_wait3A_52 : memref<1x112xi32, #tpu.memory_space<vmem>> -> memref<112xi32, #tpu.memory_space<vmem>>
        %dma_wait3A_54 = arith.constant 0 : i32
        %dma_wait3A_55 = arith.constant 0 : i32
        %dma_wait3A_56 = tpu.memref_slice %arg2[%dma_wait3A_54, %dma_wait3A_55] : memref<10000x128xf32, #tpu.memory_space<hbm>> -> memref<10000x128xf32, #tpu.memory_space<hbm>>
        tpu.wait_indirect_dma semaphore(%arg12 : memref<!tpu.dma_semaphore, #tpu.memory_space<semaphore_mem>>) src(%dma_wait3A_56 : memref<10000x128xf32, #tpu.memory_space<hbm>>) dst(%arg8 : memref<112x128xf32, #tpu.memory_space<vmem>>)
        %add3A_57 = arith.constant 0 : i32
        %add3A_58 = arith.addi %mul3A_49, %add3A_57 : i32
        %add3A_59 = arith.constant 3 : i32
        %add3A_60 = arith.addi %add3A_58, %add3A_59 : i32
        %sub3A = arith.constant 1 : i32
        %sub3A_61 = arith.subi %add3A_60, %sub3A : i32
        %lt3A = arith.constant 18 : i32
        %lt3A_62 = arith.cmpi slt, %sub3A_61, %lt3A : i32
        %convert_element_type3A = arith.extui %lt3A_62 : i1 to i32
        %cond3A = arith.constant 0 : i32
        %cond3A_63 = arith.cmpi ne, %convert_element_type3A, %cond3A : i32
        scf.if %cond3A_63 {
          %dma_start3A_108 = arith.constant 0 : i32
          %dma_start3A_109 = tpu.memref_slice %arg6[%sub3A_61, %dma_start3A_108] : memref<18x112xi32, #tpu.memory_space<vmem>> -> memref<1x112xi32, #tpu.memory_space<vmem>>
          %dma_start3A_110 = tpu.memref_squeeze %dma_start3A_109 : memref<1x112xi32, #tpu.memory_space<vmem>> -> memref<112xi32, #tpu.memory_space<vmem>>
          %dma_start3A_111 = arith.constant 0 : i32
          %dma_start3A_112 = arith.constant 0 : i32
          %dma_start3A_113 = tpu.memref_slice %arg2[%dma_start3A_111, %dma_start3A_112] : memref<10000x128xf32, #tpu.memory_space<hbm>> -> memref<10000x128xf32, #tpu.memory_space<hbm>>
          tpu.enqueue_indirect_dma source(%dma_start3A_113 : memref<10000x128xf32, #tpu.memory_space<hbm>>) target(%arg10 : memref<112x128xf32, #tpu.memory_space<vmem>>) offsets(%dma_start3A_110 : memref<112xi32, #tpu.memory_space<vmem>>) semaphore(%arg14 : memref<!tpu.dma_semaphore, #tpu.memory_space<semaphore_mem>>)
        } else {
        }
        %add3A_64 = arith.constant 0 : i32
        %add3A_65 = arith.addi %mul3A_49, %add3A_64 : i32
        "tpu.region"() ({
          %run_scoped3A = tpu.sem_alloc : memref<!tpu.dma_semaphore, #tpu.memory_space<semaphore_mem>>
          %dma_start3A_108 = arith.constant 0 : i32
          %dma_start3A_109 = tpu.memref_slice %arg7[%add3A_65, %dma_start3A_108] : memref<18x112xi32, #tpu.memory_space<vmem>> -> memref<1x112xi32, #tpu.memory_space<vmem>>
          %dma_start3A_110 = tpu.memref_squeeze %dma_start3A_109 : memref<1x112xi32, #tpu.memory_space<vmem>> -> memref<112xi32, #tpu.memory_space<vmem>>
          %dma_start3A_111 = arith.constant 0 : i32
          %dma_start3A_112 = arith.constant 0 : i32
          %dma_start3A_113 = tpu.memref_slice %arg11[%dma_start3A_111, %dma_start3A_112] : memref<10240x128xf32, #tpu.memory_space<vmem_shared>> -> memref<10240x128xf32, #tpu.memory_space<vmem_shared>>
          tpu.enqueue_indirect_dma source(%arg8 : memref<112x128xf32, #tpu.memory_space<vmem>>) target(%dma_start3A_113 : memref<10240x128xf32, #tpu.memory_space<vmem_shared>>) offsets(%dma_start3A_110 : memref<112xi32, #tpu.memory_space<vmem>>) semaphore(%run_scoped3A : memref<!tpu.dma_semaphore, #tpu.memory_space<semaphore_mem>>) {add = true}
          %dma_wait3A_114 = arith.constant 0 : i32
          %dma_wait3A_115 = tpu.memref_slice %arg7[%add3A_65, %dma_wait3A_114] : memref<18x112xi32, #tpu.memory_space<vmem>> -> memref<1x112xi32, #tpu.memory_space<vmem>>
          %dma_wait3A_116 = tpu.memref_squeeze %dma_wait3A_115 : memref<1x112xi32, #tpu.memory_space<vmem>> -> memref<112xi32, #tpu.memory_space<vmem>>
          %dma_wait3A_117 = arith.constant 0 : i32
          %dma_wait3A_118 = arith.constant 0 : i32
          %dma_wait3A_119 = tpu.memref_slice %arg11[%dma_wait3A_117, %dma_wait3A_118] : memref<10240x128xf32, #tpu.memory_space<vmem_shared>> -> memref<10240x128xf32, #tpu.memory_space<vmem_shared>>
          tpu.wait_indirect_dma semaphore(%run_scoped3A : memref<!tpu.dma_semaphore, #tpu.memory_space<semaphore_mem>>) src(%arg8 : memref<112x128xf32, #tpu.memory_space<vmem>>) dst(%dma_wait3A_119 : memref<10240x128xf32, #tpu.memory_space<vmem_shared>>)
          tpu.yield
        }) : () -> ()
        %add3A_66 = arith.constant 1 : i32
        %add3A_67 = arith.addi %mul3A_49, %add3A_66 : i32
        %dma_wait3A_68 = arith.constant 0 : i32
        %dma_wait3A_69 = tpu.memref_slice %arg6[%add3A_67, %dma_wait3A_68] : memref<18x112xi32, #tpu.memory_space<vmem>> -> memref<1x112xi32, #tpu.memory_space<vmem>>
        %dma_wait3A_70 = tpu.memref_squeeze %dma_wait3A_69 : memref<1x112xi32, #tpu.memory_space<vmem>> -> memref<112xi32, #tpu.memory_space<vmem>>
        %dma_wait3A_71 = arith.constant 0 : i32
        %dma_wait3A_72 = arith.constant 0 : i32
        %dma_wait3A_73 = tpu.memref_slice %arg2[%dma_wait3A_71, %dma_wait3A_72] : memref<10000x128xf32, #tpu.memory_space<hbm>> -> memref<10000x128xf32, #tpu.memory_space<hbm>>
        tpu.wait_indirect_dma semaphore(%arg13 : memref<!tpu.dma_semaphore, #tpu.memory_space<semaphore_mem>>) src(%dma_wait3A_73 : memref<10000x128xf32, #tpu.memory_space<hbm>>) dst(%arg9 : memref<112x128xf32, #tpu.memory_space<vmem>>)
        %add3A_74 = arith.constant 1 : i32
        %add3A_75 = arith.addi %mul3A_49, %add3A_74 : i32
        %add3A_76 = arith.constant 3 : i32
        %add3A_77 = arith.addi %add3A_75, %add3A_76 : i32
        %sub3A_78 = arith.constant 1 : i32
        %sub3A_79 = arith.subi %add3A_77, %sub3A_78 : i32
        %lt3A_80 = arith.constant 18 : i32
        %lt3A_81 = arith.cmpi slt, %sub3A_79, %lt3A_80 : i32
        %convert_element_type3A_82 = arith.extui %lt3A_81 : i1 to i32
        %cond3A_83 = arith.constant 0 : i32
        %cond3A_84 = arith.cmpi ne, %convert_element_type3A_82, %cond3A_83 : i32
        scf.if %cond3A_84 {
          %dma_start3A_108 = arith.constant 0 : i32
          %dma_start3A_109 = tpu.memref_slice %arg6[%sub3A_79, %dma_start3A_108] : memref<18x112xi32, #tpu.memory_space<vmem>> -> memref<1x112xi32, #tpu.memory_space<vmem>>
          %dma_start3A_110 = tpu.memref_squeeze %dma_start3A_109 : memref<1x112xi32, #tpu.memory_space<vmem>> -> memref<112xi32, #tpu.memory_space<vmem>>
          %dma_start3A_111 = arith.constant 0 : i32
          %dma_start3A_112 = arith.constant 0 : i32
          %dma_start3A_113 = tpu.memref_slice %arg2[%dma_start3A_111, %dma_start3A_112] : memref<10000x128xf32, #tpu.memory_space<hbm>> -> memref<10000x128xf32, #tpu.memory_space<hbm>>
          tpu.enqueue_indirect_dma source(%dma_start3A_113 : memref<10000x128xf32, #tpu.memory_space<hbm>>) target(%arg8 : memref<112x128xf32, #tpu.memory_space<vmem>>) offsets(%dma_start3A_110 : memref<112xi32, #tpu.memory_space<vmem>>) semaphore(%arg12 : memref<!tpu.dma_semaphore, #tpu.memory_space<semaphore_mem>>)
        } else {
        }
        %add3A_85 = arith.constant 1 : i32
        %add3A_86 = arith.addi %mul3A_49, %add3A_85 : i32
        "tpu.region"() ({
          %run_scoped3A = tpu.sem_alloc : memref<!tpu.dma_semaphore, #tpu.memory_space<semaphore_mem>>
          %dma_start3A_108 = arith.constant 0 : i32
          %dma_start3A_109 = tpu.memref_slice %arg7[%add3A_86, %dma_start3A_108] : memref<18x112xi32, #tpu.memory_space<vmem>> -> memref<1x112xi32, #tpu.memory_space<vmem>>
          %dma_start3A_110 = tpu.memref_squeeze %dma_start3A_109 : memref<1x112xi32, #tpu.memory_space<vmem>> -> memref<112xi32, #tpu.memory_space<vmem>>
          %dma_start3A_111 = arith.constant 0 : i32
          %dma_start3A_112 = arith.constant 0 : i32
          %dma_start3A_113 = tpu.memref_slice %arg11[%dma_start3A_111, %dma_start3A_112] : memref<10240x128xf32, #tpu.memory_space<vmem_shared>> -> memref<10240x128xf32, #tpu.memory_space<vmem_shared>>
          tpu.enqueue_indirect_dma source(%arg9 : memref<112x128xf32, #tpu.memory_space<vmem>>) target(%dma_start3A_113 : memref<10240x128xf32, #tpu.memory_space<vmem_shared>>) offsets(%dma_start3A_110 : memref<112xi32, #tpu.memory_space<vmem>>) semaphore(%run_scoped3A : memref<!tpu.dma_semaphore, #tpu.memory_space<semaphore_mem>>) {add = true}
          %dma_wait3A_114 = arith.constant 0 : i32
          %dma_wait3A_115 = tpu.memref_slice %arg7[%add3A_86, %dma_wait3A_114] : memref<18x112xi32, #tpu.memory_space<vmem>> -> memref<1x112xi32, #tpu.memory_space<vmem>>
          %dma_wait3A_116 = tpu.memref_squeeze %dma_wait3A_115 : memref<1x112xi32, #tpu.memory_space<vmem>> -> memref<112xi32, #tpu.memory_space<vmem>>
          %dma_wait3A_117 = arith.constant 0 : i32
          %dma_wait3A_118 = arith.constant 0 : i32
          %dma_wait3A_119 = tpu.memref_slice %arg11[%dma_wait3A_117, %dma_wait3A_118] : memref<10240x128xf32, #tpu.memory_space<vmem_shared>> -> memref<10240x128xf32, #tpu.memory_space<vmem_shared>>
          tpu.wait_indirect_dma semaphore(%run_scoped3A : memref<!tpu.dma_semaphore, #tpu.memory_space<semaphore_mem>>) src(%arg9 : memref<112x128xf32, #tpu.memory_space<vmem>>) dst(%dma_wait3A_119 : memref<10240x128xf32, #tpu.memory_space<vmem_shared>>)
          tpu.yield
        }) : () -> ()
        %add3A_87 = arith.constant 2 : i32
        %add3A_88 = arith.addi %mul3A_49, %add3A_87 : i32
        %dma_wait3A_89 = arith.constant 0 : i32
        %dma_wait3A_90 = tpu.memref_slice %arg6[%add3A_88, %dma_wait3A_89] : memref<18x112xi32, #tpu.memory_space<vmem>> -> memref<1x112xi32, #tpu.memory_space<vmem>>
        %dma_wait3A_91 = tpu.memref_squeeze %dma_wait3A_90 : memref<1x112xi32, #tpu.memory_space<vmem>> -> memref<112xi32, #tpu.memory_space<vmem>>
        %dma_wait3A_92 = arith.constant 0 : i32
        %dma_wait3A_93 = arith.constant 0 : i32
        %dma_wait3A_94 = tpu.memref_slice %arg2[%dma_wait3A_92, %dma_wait3A_93] : memref<10000x128xf32, #tpu.memory_space<hbm>> -> memref<10000x128xf32, #tpu.memory_space<hbm>>
        tpu.wait_indirect_dma semaphore(%arg14 : memref<!tpu.dma_semaphore, #tpu.memory_space<semaphore_mem>>) src(%dma_wait3A_94 : memref<10000x128xf32, #tpu.memory_space<hbm>>) dst(%arg10 : memref<112x128xf32, #tpu.memory_space<vmem>>)
        %add3A_95 = arith.constant 2 : i32
        %add3A_96 = arith.addi %mul3A_49, %add3A_95 : i32
        %add3A_97 = arith.constant 3 : i32
        %add3A_98 = arith.addi %add3A_96, %add3A_97 : i32
        %sub3A_99 = arith.constant 1 : i32
        %sub3A_100 = arith.subi %add3A_98, %sub3A_99 : i32
        %lt3A_101 = arith.constant 18 : i32
        %lt3A_102 = arith.cmpi slt, %sub3A_100, %lt3A_101 : i32
        %convert_element_type3A_103 = arith.extui %lt3A_102 : i1 to i32
        %cond3A_104 = arith.constant 0 : i32
        %cond3A_105 = arith.cmpi ne, %convert_element_type3A_103, %cond3A_104 : i32
        scf.if %cond3A_105 {
          %dma_start3A_108 = arith.constant 0 : i32
          %dma_start3A_109 = tpu.memref_slice %arg6[%sub3A_100, %dma_start3A_108] : memref<18x112xi32, #tpu.memory_space<vmem>> -> memref<1x112xi32, #tpu.memory_space<vmem>>
          %dma_start3A_110 = tpu.memref_squeeze %dma_start3A_109 : memref<1x112xi32, #tpu.memory_space<vmem>> -> memref<112xi32, #tpu.memory_space<vmem>>
          %dma_start3A_111 = arith.constant 0 : i32
          %dma_start3A_112 = arith.constant 0 : i32
          %dma_start3A_113 = tpu.memref_slice %arg2[%dma_start3A_111, %dma_start3A_112] : memref<10000x128xf32, #tpu.memory_space<hbm>> -> memref<10000x128xf32, #tpu.memory_space<hbm>>
          tpu.enqueue_indirect_dma source(%dma_start3A_113 : memref<10000x128xf32, #tpu.memory_space<hbm>>) target(%arg9 : memref<112x128xf32, #tpu.memory_space<vmem>>) offsets(%dma_start3A_110 : memref<112xi32, #tpu.memory_space<vmem>>) semaphore(%arg13 : memref<!tpu.dma_semaphore, #tpu.memory_space<semaphore_mem>>)
        } else {
        }
        %add3A_106 = arith.constant 2 : i32
        %add3A_107 = arith.addi %mul3A_49, %add3A_106 : i32
        "tpu.region"() ({
          %run_scoped3A = tpu.sem_alloc : memref<!tpu.dma_semaphore, #tpu.memory_space<semaphore_mem>>
          %dma_start3A_108 = arith.constant 0 : i32
          %dma_start3A_109 = tpu.memref_slice %arg7[%add3A_107, %dma_start3A_108] : memref<18x112xi32, #tpu.memory_space<vmem>> -> memref<1x112xi32, #tpu.memory_space<vmem>>
          %dma_start3A_110 = tpu.memref_squeeze %dma_start3A_109 : memref<1x112xi32, #tpu.memory_space<vmem>> -> memref<112xi32, #tpu.memory_space<vmem>>
          %dma_start3A_111 = arith.constant 0 : i32
          %dma_start3A_112 = arith.constant 0 : i32
          %dma_start3A_113 = tpu.memref_slice %arg11[%dma_start3A_111, %dma_start3A_112] : memref<10240x128xf32, #tpu.memory_space<vmem_shared>> -> memref<10240x128xf32, #tpu.memory_space<vmem_shared>>
          tpu.enqueue_indirect_dma source(%arg10 : memref<112x128xf32, #tpu.memory_space<vmem>>) target(%dma_start3A_113 : memref<10240x128xf32, #tpu.memory_space<vmem_shared>>) offsets(%dma_start3A_110 : memref<112xi32, #tpu.memory_space<vmem>>) semaphore(%run_scoped3A : memref<!tpu.dma_semaphore, #tpu.memory_space<semaphore_mem>>) {add = true}
          %dma_wait3A_114 = arith.constant 0 : i32
          %dma_wait3A_115 = tpu.memref_slice %arg7[%add3A_107, %dma_wait3A_114] : memref<18x112xi32, #tpu.memory_space<vmem>> -> memref<1x112xi32, #tpu.memory_space<vmem>>
          %dma_wait3A_116 = tpu.memref_squeeze %dma_wait3A_115 : memref<1x112xi32, #tpu.memory_space<vmem>> -> memref<112xi32, #tpu.memory_space<vmem>>
          %dma_wait3A_117 = arith.constant 0 : i32
          %dma_wait3A_118 = arith.constant 0 : i32
          %dma_wait3A_119 = tpu.memref_slice %arg11[%dma_wait3A_117, %dma_wait3A_118] : memref<10240x128xf32, #tpu.memory_space<vmem_shared>> -> memref<10240x128xf32, #tpu.memory_space<vmem_shared>>
          tpu.wait_indirect_dma semaphore(%run_scoped3A : memref<!tpu.dma_semaphore, #tpu.memory_space<semaphore_mem>>) src(%arg10 : memref<112x128xf32, #tpu.memory_space<vmem>>) dst(%dma_wait3A_119 : memref<10240x128xf32, #tpu.memory_space<vmem_shared>>)
          tpu.yield
        }) : () -> ()
      }
      %scan3A_42 = arith.constant 6 : i32
    }
    %scan3A_14 = arith.constant 5 : i32
    %barrier3A_15 = arith.constant 0 : index
    tpu.barrier barrier_id(%barrier3A_15)
    %mul3A_16 = arith.constant 640 : i32
    %mul3A_17 = arith.muli %arg1, %mul3A_16 : i32
    %mul3A_18 = arith.constant 640 : i32
    %mul3A_19 = arith.muli %arg1, %mul3A_18 : i32
    "tpu.region"() ({
      %run_scoped3A = tpu.sem_alloc : memref<!tpu.dma_semaphore, #tpu.memory_space<semaphore_mem>>
      %dma_start3A = arith.constant 0 : i32
      %dma_start3A_20 = tpu.memref_slice %arg5[%arg0, %mul3A_19, %dma_start3A] : memref<2x10240x128xf32, #tpu.memory_space<hbm>> -> memref<1x640x128xf32, #tpu.memory_space<hbm>>
      %dma_start3A_21 = tpu.memref_squeeze %dma_start3A_20 : memref<1x640x128xf32, #tpu.memory_space<hbm>> -> memref<640x128xf32, #tpu.memory_space<hbm>>
      %dma_start3A_22 = arith.constant 0 : i32
      %dma_start3A_23 = tpu.memref_slice %arg11[%mul3A_17, %dma_start3A_22] : memref<10240x128xf32, #tpu.memory_space<vmem_shared>> -> memref<640x128xf32, #tpu.memory_space<vmem_shared>>
      tpu.enqueue_dma source(%dma_start3A_23 : memref<640x128xf32, #tpu.memory_space<vmem_shared>>) target(%dma_start3A_21 : memref<640x128xf32, #tpu.memory_space<hbm>>) target_semaphore(%run_scoped3A : memref<!tpu.dma_semaphore, #tpu.memory_space<semaphore_mem>>)
      %dma_wait3A = arith.constant 0 : i32
      %dma_wait3A_24 = tpu.memref_slice %arg5[%arg0, %mul3A_19, %dma_wait3A] : memref<2x10240x128xf32, #tpu.memory_space<hbm>> -> memref<1x640x128xf32, #tpu.memory_space<hbm>>
      %dma_wait3A_25 = tpu.memref_squeeze %dma_wait3A_24 : memref<1x640x128xf32, #tpu.memory_space<hbm>> -> memref<640x128xf32, #tpu.memory_space<hbm>>
      %dma_wait3A_26 = arith.constant 0 : i32
      %dma_wait3A_27 = tpu.memref_slice %arg11[%mul3A_17, %dma_wait3A_26] : memref<10240x128xf32, #tpu.memory_space<vmem_shared>> -> memref<640x128xf32, #tpu.memory_space<vmem_shared>>
      tpu.wait_dma2 semaphore(%run_scoped3A : memref<!tpu.dma_semaphore, #tpu.memory_space<semaphore_mem>>) src(%dma_wait3A_27 : memref<640x128xf32, #tpu.memory_space<vmem_shared>>) dst(%dma_wait3A_25 : memref<640x128xf32, #tpu.memory_space<hbm>>)
      tpu.yield
    }) : () -> ()
    return
  }
}

#map = affine_map<(d0, d1) -> (0, 0, 0)>
#map1 = affine_map<(d0, d1) -> (0, 0)>
module attributes {stable_mosaic.version = 14 : i64} {
  func.func @k(%arg0: i32, %arg1: i32, %arg2: memref<32x625x16xi32, #tpu.memory_space<hbm>>, %arg3: memref<2x10240xf32, #tpu.memory_space<hbm>>, %arg4: memref<625x16xi32, #tpu.memory_space<vmem>>, %arg5: memref<10240xf32, #tpu.memory_space<vmem>>, %arg6: memref<16x640xf32, #tpu.memory_space<vmem>>, %arg7: memref<640xf32, #tpu.memory_space<vmem>>, %arg8: memref<16x10240xf32, #tpu.memory_space<vmem_shared>>) attributes {dimension_semantics = [#tpu.dimension_semantics<core_parallel>, #tpu.dimension_semantics<subcore_parallel>], iteration_bounds = array<i64: 2, 16>, scalar_prefetch = 0 : i64, scratch_operands = 5 : i64, tpu.core_type = #tpu.core_type<sc_vector_subcore>, window_params = [{transform_indices = #map}, {transform_indices = #map1}]} {
    %mul3A = arith.constant 2 : i32
    %mul3A_0 = arith.muli %arg1, %mul3A : i32
    %add3A = arith.addi %mul3A_0, %arg0 : i32
    %scan3A = arith.constant 0 : i32
    %scan3A_1 = arith.constant 640 : i32
    %scan3A_2 = arith.addi %scan3A, %scan3A_1 : i32
    %scan3A_3 = arith.constant 1 : i32
    scf.for %scan3A_80 = %scan3A to %scan3A_2 step %scan3A_3  : i32 {
      %mul3A_81 = arith.constant 1 : i32
      %mul3A_82 = arith.muli %scan3A_80, %mul3A_81 : i32
      %add3A_83 = arith.constant 0 : i32
      %add3A_84 = arith.addi %add3A_83, %mul3A_82 : i32
      %broadcast_in_dim3A = arith.constant 0.000000e+00 : f32
      %broadcast_in_dim3A_85 = vector.broadcast %broadcast_in_dim3A : f32 to vector<16xf32>
      %mul3A_86 = arith.constant 16 : i32
      %mul3A_87 = arith.muli %add3A_84, %mul3A_86 : i32
      %swap3A = arith.index_cast %mul3A_87 : i32 to index
      %swap3A_88 = tpu.vector_load %arg5[%swap3A] {strides = array<i32>} : memref<10240xf32, #tpu.memory_space<vmem>>, vector<16xf32>,
      tpu.vector_store %arg5[%swap3A], %broadcast_in_dim3A_85 {strides = array<i32>} : memref<10240xf32, #tpu.memory_space<vmem>>, vector<16xf32>,
    }
    %scan3A_4 = arith.constant 640 : i32
    "tpu.region"() ({
      %run_scoped3A_80 = tpu.sem_alloc : memref<!tpu.dma_semaphore, #tpu.memory_space<semaphore_mem>>
      %dma_start3A = arith.constant 0 : i32
      %dma_start3A_81 = arith.constant 0 : i32
      %dma_start3A_82 = tpu.memref_slice %arg2[%add3A, %dma_start3A, %dma_start3A_81] : memref<32x625x16xi32, #tpu.memory_space<hbm>> -> memref<1x625x16xi32, #tpu.memory_space<hbm>>
      %dma_start3A_83 = tpu.memref_squeeze %dma_start3A_82 : memref<1x625x16xi32, #tpu.memory_space<hbm>> -> memref<625x16xi32, #tpu.memory_space<hbm>>
      %dma_start3A_84 = arith.constant 0 : i32
      %dma_start3A_85 = arith.constant 0 : i32
      %dma_start3A_86 = tpu.memref_slice %arg2[%add3A, %dma_start3A_84, %dma_start3A_85] : memref<32x625x16xi32, #tpu.memory_space<hbm>> -> memref<1x625x16xi32, #tpu.memory_space<hbm>>
      %dma_start3A_87 = tpu.memref_squeeze %dma_start3A_86 : memref<1x625x16xi32, #tpu.memory_space<hbm>> -> memref<625x16xi32, #tpu.memory_space<hbm>>
      tpu.enqueue_dma source(%dma_start3A_87 : memref<625x16xi32, #tpu.memory_space<hbm>>) target(%arg4 : memref<625x16xi32, #tpu.memory_space<vmem>>) target_semaphore(%run_scoped3A_80 : memref<!tpu.dma_semaphore, #tpu.memory_space<semaphore_mem>>)
      %dma_wait3A = arith.constant 0 : i32
      %dma_wait3A_88 = arith.constant 0 : i32
      %dma_wait3A_89 = tpu.memref_slice %arg2[%add3A, %dma_wait3A, %dma_wait3A_88] : memref<32x625x16xi32, #tpu.memory_space<hbm>> -> memref<1x625x16xi32, #tpu.memory_space<hbm>>
      %dma_wait3A_90 = tpu.memref_squeeze %dma_wait3A_89 : memref<1x625x16xi32, #tpu.memory_space<hbm>> -> memref<625x16xi32, #tpu.memory_space<hbm>>
      %dma_wait3A_91 = arith.constant 0 : i32
      %dma_wait3A_92 = arith.constant 0 : i32
      %dma_wait3A_93 = tpu.memref_slice %arg2[%add3A, %dma_wait3A_91, %dma_wait3A_92] : memref<32x625x16xi32, #tpu.memory_space<hbm>> -> memref<1x625x16xi32, #tpu.memory_space<hbm>>
      %dma_wait3A_94 = tpu.memref_squeeze %dma_wait3A_93 : memref<1x625x16xi32, #tpu.memory_space<hbm>> -> memref<625x16xi32, #tpu.memory_space<hbm>>
      tpu.wait_dma2 semaphore(%run_scoped3A_80 : memref<!tpu.dma_semaphore, #tpu.memory_space<semaphore_mem>>) src(%dma_wait3A_94 : memref<625x16xi32, #tpu.memory_space<hbm>>) dst(%arg4 : memref<625x16xi32, #tpu.memory_space<vmem>>)
      tpu.yield
    }) : () -> ()
    %scan3A_5 = arith.constant 0 : i32
    %scan3A_6 = arith.constant 625 : i32
    %scan3A_7 = arith.addi %scan3A_5, %scan3A_6 : i32
    %scan3A_8 = arith.constant 1 : i32
    scf.for %scan3A_80 = %scan3A_5 to %scan3A_7 step %scan3A_8  : i32 {
      %mul3A_81 = arith.constant 1 : i32
      %mul3A_82 = arith.muli %scan3A_80, %mul3A_81 : i32
      %add3A_83 = arith.constant 0 : i32
      %add3A_84 = arith.addi %add3A_83, %mul3A_82 : i32
      %get3A = arith.index_cast %add3A_84 : i32 to index
      %get3A_85 = arith.constant 0 : index
      %get3A_86 = tpu.vector_load %arg4[%get3A, %get3A_85] {strides = array<i32>} : memref<625x16xi32, #tpu.memory_space<vmem>>, vector<16xi32>,
      %broadcast_in_dim3A = arith.constant true
      %broadcast_in_dim3A_87 = vector.broadcast %broadcast_in_dim3A : i1 to vector<16xi1>
      %unique3A, %unique3A_88 = tpu.scan_count mask(%broadcast_in_dim3A_87 : vector<16xi1>) value(%get3A_86 : vector<16xi32>) : vector<16xi1>, vector<16xi32>
      %convert_element_type3A = arith.sitofp %unique3A_88 : vector<16xi32> to vector<16xf32>
      tpu.vector_store_idx %arg5[%get3A_86], %convert_element_type3A masked %unique3A {add = true} : memref<10240xf32, #tpu.memory_space<vmem>>[vector<16xi32>], vector<16xf32>, vector<16xi1>
    }
    %scan3A_9 = arith.constant 625 : i32
    "tpu.region"() ({
      %run_scoped3A_80 = tpu.sem_alloc : memref<!tpu.dma_semaphore, #tpu.memory_space<semaphore_mem>>
      %dma_start3A = arith.constant 0 : i32
      %dma_start3A_81 = tpu.memref_slice %arg8[%arg1, %dma_start3A] : memref<16x10240xf32, #tpu.memory_space<vmem_shared>> -> memref<1x10240xf32, #tpu.memory_space<vmem_shared>>
      %dma_start3A_82 = tpu.memref_squeeze %dma_start3A_81 : memref<1x10240xf32, #tpu.memory_space<vmem_shared>> -> memref<10240xf32, #tpu.memory_space<vmem_shared>>
      %dma_start3A_83 = arith.constant 0 : i32
      %dma_start3A_84 = tpu.memref_slice %arg8[%arg1, %dma_start3A_83] : memref<16x10240xf32, #tpu.memory_space<vmem_shared>> -> memref<1x10240xf32, #tpu.memory_space<vmem_shared>>
      %dma_start3A_85 = tpu.memref_squeeze %dma_start3A_84 : memref<1x10240xf32, #tpu.memory_space<vmem_shared>> -> memref<10240xf32, #tpu.memory_space<vmem_shared>>
      tpu.enqueue_dma source(%arg5 : memref<10240xf32, #tpu.memory_space<vmem>>) target(%dma_start3A_85 : memref<10240xf32, #tpu.memory_space<vmem_shared>>) target_semaphore(%run_scoped3A_80 : memref<!tpu.dma_semaphore, #tpu.memory_space<semaphore_mem>>)
      %dma_wait3A = arith.constant 0 : i32
      %dma_wait3A_86 = tpu.memref_slice %arg8[%arg1, %dma_wait3A] : memref<16x10240xf32, #tpu.memory_space<vmem_shared>> -> memref<1x10240xf32, #tpu.memory_space<vmem_shared>>
      %dma_wait3A_87 = tpu.memref_squeeze %dma_wait3A_86 : memref<1x10240xf32, #tpu.memory_space<vmem_shared>> -> memref<10240xf32, #tpu.memory_space<vmem_shared>>
      %dma_wait3A_88 = arith.constant 0 : i32
      %dma_wait3A_89 = tpu.memref_slice %arg8[%arg1, %dma_wait3A_88] : memref<16x10240xf32, #tpu.memory_space<vmem_shared>> -> memref<1x10240xf32, #tpu.memory_space<vmem_shared>>
      %dma_wait3A_90 = tpu.memref_squeeze %dma_wait3A_89 : memref<1x10240xf32, #tpu.memory_space<vmem_shared>> -> memref<10240xf32, #tpu.memory_space<vmem_shared>>
      tpu.wait_dma2 semaphore(%run_scoped3A_80 : memref<!tpu.dma_semaphore, #tpu.memory_space<semaphore_mem>>) src(%arg5 : memref<10240xf32, #tpu.memory_space<vmem>>) dst(%dma_wait3A_90 : memref<10240xf32, #tpu.memory_space<vmem_shared>>)
      tpu.yield
    }) : () -> ()
    %barrier3A = arith.constant 0 : index
    tpu.barrier barrier_id(%barrier3A)
    %mul3A_10 = arith.constant 640 : i32
    %mul3A_11 = arith.muli %arg1, %mul3A_10 : i32
    %run_scoped3A = arith.constant 0 : i32
    %run_scoped3A_12 = arith.constant 0 : i32
    "tpu.region"() ({
      %run_scoped3A_80 = tpu.sem_alloc : memref<!tpu.dma_semaphore, #tpu.memory_space<semaphore_mem>>
      %dma_start3A = arith.constant 0 : i32
      %dma_start3A_81 = tpu.memref_slice %arg6[%run_scoped3A_12, %dma_start3A] : memref<16x640xf32, #tpu.memory_space<vmem>> -> memref<1x640xf32, #tpu.memory_space<vmem>>
      %dma_start3A_82 = tpu.memref_squeeze %dma_start3A_81 : memref<1x640xf32, #tpu.memory_space<vmem>> -> memref<640xf32, #tpu.memory_space<vmem>>
      %dma_start3A_83 = tpu.memref_slice %arg8[%run_scoped3A, %mul3A_11] : memref<16x10240xf32, #tpu.memory_space<vmem_shared>> -> memref<1x640xf32, #tpu.memory_space<vmem_shared>>
      %dma_start3A_84 = tpu.memref_squeeze %dma_start3A_83 : memref<1x640xf32, #tpu.memory_space<vmem_shared>> -> memref<640xf32, #tpu.memory_space<vmem_shared>>
      %dma_start3A_85 = arith.constant 0 : i32
      %dma_start3A_86 = tpu.memref_slice %arg6[%run_scoped3A_12, %dma_start3A_85] : memref<16x640xf32, #tpu.memory_space<vmem>> -> memref<1x640xf32, #tpu.memory_space<vmem>>
      %dma_start3A_87 = tpu.memref_squeeze %dma_start3A_86 : memref<1x640xf32, #tpu.memory_space<vmem>> -> memref<640xf32, #tpu.memory_space<vmem>>
      %dma_start3A_88 = tpu.memref_slice %arg8[%run_scoped3A, %mul3A_11] : memref<16x10240xf32, #tpu.memory_space<vmem_shared>> -> memref<1x640xf32, #tpu.memory_space<vmem_shared>>
      %dma_start3A_89 = tpu.memref_squeeze %dma_start3A_88 : memref<1x640xf32, #tpu.memory_space<vmem_shared>> -> memref<640xf32, #tpu.memory_space<vmem_shared>>
      tpu.enqueue_dma source(%dma_start3A_89 : memref<640xf32, #tpu.memory_space<vmem_shared>>) target(%dma_start3A_87 : memref<640xf32, #tpu.memory_space<vmem>>) target_semaphore(%run_scoped3A_80 : memref<!tpu.dma_semaphore, #tpu.memory_space<semaphore_mem>>)
      %dma_wait3A = arith.constant 0 : i32
      %dma_wait3A_90 = tpu.memref_slice %arg6[%run_scoped3A_12, %dma_wait3A] : memref<16x640xf32, #tpu.memory_space<vmem>> -> memref<1x640xf32, #tpu.memory_space<vmem>>
      %dma_wait3A_91 = tpu.memref_squeeze %dma_wait3A_90 : memref<1x640xf32, #tpu.memory_space<vmem>> -> memref<640xf32, #tpu.memory_space<vmem>>
      %dma_wait3A_92 = tpu.memref_slice %arg8[%run_scoped3A, %mul3A_11] : memref<16x10240xf32, #tpu.memory_space<vmem_shared>> -> memref<1x640xf32, #tpu.memory_space<vmem_shared>>
      %dma_wait3A_93 = tpu.memref_squeeze %dma_wait3A_92 : memref<1x640xf32, #tpu.memory_space<vmem_shared>> -> memref<640xf32, #tpu.memory_space<vmem_shared>>
      %dma_wait3A_94 = arith.constant 0 : i32
      %dma_wait3A_95 = tpu.memref_slice %arg6[%run_scoped3A_12, %dma_wait3A_94] : memref<16x640xf32, #tpu.memory_space<vmem>> -> memref<1x640xf32, #tpu.memory_space<vmem>>
      %dma_wait3A_96 = tpu.memref_squeeze %dma_wait3A_95 : memref<1x640xf32, #tpu.memory_space<vmem>> -> memref<640xf32, #tpu.memory_space<vmem>>
      %dma_wait3A_97 = tpu.memref_slice %arg8[%run_scoped3A, %mul3A_11] : memref<16x10240xf32, #tpu.memory_space<vmem_shared>> -> memref<1x640xf32, #tpu.memory_space<vmem_shared>>
      %dma_wait3A_98 = tpu.memref_squeeze %dma_wait3A_97 : memref<1x640xf32, #tpu.memory_space<vmem_shared>> -> memref<640xf32, #tpu.memory_space<vmem_shared>>
      tpu.wait_dma2 semaphore(%run_scoped3A_80 : memref<!tpu.dma_semaphore, #tpu.memory_space<semaphore_mem>>) src(%dma_wait3A_98 : memref<640xf32, #tpu.memory_space<vmem_shared>>) dst(%dma_wait3A_96 : memref<640xf32, #tpu.memory_space<vmem>>)
      tpu.yield
    }) : () -> ()
    %mul3A_13 = arith.constant 640 : i32
    %mul3A_14 = arith.muli %arg1, %mul3A_13 : i32
    %run_scoped3A_15 = arith.constant 1 : i32
    %run_scoped3A_16 = arith.constant 1 : i32
    "tpu.region"() ({
      %run_scoped3A_80 = tpu.sem_alloc : memref<!tpu.dma_semaphore, #tpu.memory_space<semaphore_mem>>
      %dma_start3A = arith.constant 0 : i32
      %dma_start3A_81 = tpu.memref_slice %arg6[%run_scoped3A_16, %dma_start3A] : memref<16x640xf32, #tpu.memory_space<vmem>> -> memref<1x640xf32, #tpu.memory_space<vmem>>
      %dma_start3A_82 = tpu.memref_squeeze %dma_start3A_81 : memref<1x640xf32, #tpu.memory_space<vmem>> -> memref<640xf32, #tpu.memory_space<vmem>>
      %dma_start3A_83 = tpu.memref_slice %arg8[%run_scoped3A_15, %mul3A_14] : memref<16x10240xf32, #tpu.memory_space<vmem_shared>> -> memref<1x640xf32, #tpu.memory_space<vmem_shared>>
      %dma_start3A_84 = tpu.memref_squeeze %dma_start3A_83 : memref<1x640xf32, #tpu.memory_space<vmem_shared>> -> memref<640xf32, #tpu.memory_space<vmem_shared>>
      %dma_start3A_85 = arith.constant 0 : i32
      %dma_start3A_86 = tpu.memref_slice %arg6[%run_scoped3A_16, %dma_start3A_85] : memref<16x640xf32, #tpu.memory_space<vmem>> -> memref<1x640xf32, #tpu.memory_space<vmem>>
      %dma_start3A_87 = tpu.memref_squeeze %dma_start3A_86 : memref<1x640xf32, #tpu.memory_space<vmem>> -> memref<640xf32, #tpu.memory_space<vmem>>
      %dma_start3A_88 = tpu.memref_slice %arg8[%run_scoped3A_15, %mul3A_14] : memref<16x10240xf32, #tpu.memory_space<vmem_shared>> -> memref<1x640xf32, #tpu.memory_space<vmem_shared>>
      %dma_start3A_89 = tpu.memref_squeeze %dma_start3A_88 : memref<1x640xf32, #tpu.memory_space<vmem_shared>> -> memref<640xf32, #tpu.memory_space<vmem_shared>>
      tpu.enqueue_dma source(%dma_start3A_89 : memref<640xf32, #tpu.memory_space<vmem_shared>>) target(%dma_start3A_87 : memref<640xf32, #tpu.memory_space<vmem>>) target_semaphore(%run_scoped3A_80 : memref<!tpu.dma_semaphore, #tpu.memory_space<semaphore_mem>>)
      %dma_wait3A = arith.constant 0 : i32
      %dma_wait3A_90 = tpu.memref_slice %arg6[%run_scoped3A_16, %dma_wait3A] : memref<16x640xf32, #tpu.memory_space<vmem>> -> memref<1x640xf32, #tpu.memory_space<vmem>>
      %dma_wait3A_91 = tpu.memref_squeeze %dma_wait3A_90 : memref<1x640xf32, #tpu.memory_space<vmem>> -> memref<640xf32, #tpu.memory_space<vmem>>
      %dma_wait3A_92 = tpu.memref_slice %arg8[%run_scoped3A_15, %mul3A_14] : memref<16x10240xf32, #tpu.memory_space<vmem_shared>> -> memref<1x640xf32, #tpu.memory_space<vmem_shared>>
      %dma_wait3A_93 = tpu.memref_squeeze %dma_wait3A_92 : memref<1x640xf32, #tpu.memory_space<vmem_shared>> -> memref<640xf32, #tpu.memory_space<vmem_shared>>
      %dma_wait3A_94 = arith.constant 0 : i32
      %dma_wait3A_95 = tpu.memref_slice %arg6[%run_scoped3A_16, %dma_wait3A_94] : memref<16x640xf32, #tpu.memory_space<vmem>> -> memref<1x640xf32, #tpu.memory_space<vmem>>
      %dma_wait3A_96 = tpu.memref_squeeze %dma_wait3A_95 : memref<1x640xf32, #tpu.memory_space<vmem>> -> memref<640xf32, #tpu.memory_space<vmem>>
      %dma_wait3A_97 = tpu.memref_slice %arg8[%run_scoped3A_15, %mul3A_14] : memref<16x10240xf32, #tpu.memory_space<vmem_shared>> -> memref<1x640xf32, #tpu.memory_space<vmem_shared>>
      %dma_wait3A_98 = tpu.memref_squeeze %dma_wait3A_97 : memref<1x640xf32, #tpu.memory_space<vmem_shared>> -> memref<640xf32, #tpu.memory_space<vmem_shared>>
      tpu.wait_dma2 semaphore(%run_scoped3A_80 : memref<!tpu.dma_semaphore, #tpu.memory_space<semaphore_mem>>) src(%dma_wait3A_98 : memref<640xf32, #tpu.memory_space<vmem_shared>>) dst(%dma_wait3A_96 : memref<640xf32, #tpu.memory_space<vmem>>)
      tpu.yield
    }) : () -> ()
    %mul3A_17 = arith.constant 640 : i32
    %mul3A_18 = arith.muli %arg1, %mul3A_17 : i32
    %run_scoped3A_19 = arith.constant 2 : i32
    %run_scoped3A_20 = arith.constant 2 : i32
    "tpu.region"() ({
      %run_scoped3A_80 = tpu.sem_alloc : memref<!tpu.dma_semaphore, #tpu.memory_space<semaphore_mem>>
      %dma_start3A = arith.constant 0 : i32
      %dma_start3A_81 = tpu.memref_slice %arg6[%run_scoped3A_20, %dma_start3A] : memref<16x640xf32, #tpu.memory_space<vmem>> -> memref<1x640xf32, #tpu.memory_space<vmem>>
      %dma_start3A_82 = tpu.memref_squeeze %dma_start3A_81 : memref<1x640xf32, #tpu.memory_space<vmem>> -> memref<640xf32, #tpu.memory_space<vmem>>
      %dma_start3A_83 = tpu.memref_slice %arg8[%run_scoped3A_19, %mul3A_18] : memref<16x10240xf32, #tpu.memory_space<vmem_shared>> -> memref<1x640xf32, #tpu.memory_space<vmem_shared>>
      %dma_start3A_84 = tpu.memref_squeeze %dma_start3A_83 : memref<1x640xf32, #tpu.memory_space<vmem_shared>> -> memref<640xf32, #tpu.memory_space<vmem_shared>>
      %dma_start3A_85 = arith.constant 0 : i32
      %dma_start3A_86 = tpu.memref_slice %arg6[%run_scoped3A_20, %dma_start3A_85] : memref<16x640xf32, #tpu.memory_space<vmem>> -> memref<1x640xf32, #tpu.memory_space<vmem>>
      %dma_start3A_87 = tpu.memref_squeeze %dma_start3A_86 : memref<1x640xf32, #tpu.memory_space<vmem>> -> memref<640xf32, #tpu.memory_space<vmem>>
      %dma_start3A_88 = tpu.memref_slice %arg8[%run_scoped3A_19, %mul3A_18] : memref<16x10240xf32, #tpu.memory_space<vmem_shared>> -> memref<1x640xf32, #tpu.memory_space<vmem_shared>>
      %dma_start3A_89 = tpu.memref_squeeze %dma_start3A_88 : memref<1x640xf32, #tpu.memory_space<vmem_shared>> -> memref<640xf32, #tpu.memory_space<vmem_shared>>
      tpu.enqueue_dma source(%dma_start3A_89 : memref<640xf32, #tpu.memory_space<vmem_shared>>) target(%dma_start3A_87 : memref<640xf32, #tpu.memory_space<vmem>>) target_semaphore(%run_scoped3A_80 : memref<!tpu.dma_semaphore, #tpu.memory_space<semaphore_mem>>)
      %dma_wait3A = arith.constant 0 : i32
      %dma_wait3A_90 = tpu.memref_slice %arg6[%run_scoped3A_20, %dma_wait3A] : memref<16x640xf32, #tpu.memory_space<vmem>> -> memref<1x640xf32, #tpu.memory_space<vmem>>
      %dma_wait3A_91 = tpu.memref_squeeze %dma_wait3A_90 : memref<1x640xf32, #tpu.memory_space<vmem>> -> memref<640xf32, #tpu.memory_space<vmem>>
      %dma_wait3A_92 = tpu.memref_slice %arg8[%run_scoped3A_19, %mul3A_18] : memref<16x10240xf32, #tpu.memory_space<vmem_shared>> -> memref<1x640xf32, #tpu.memory_space<vmem_shared>>
      %dma_wait3A_93 = tpu.memref_squeeze %dma_wait3A_92 : memref<1x640xf32, #tpu.memory_space<vmem_shared>> -> memref<640xf32, #tpu.memory_space<vmem_shared>>
      %dma_wait3A_94 = arith.constant 0 : i32
      %dma_wait3A_95 = tpu.memref_slice %arg6[%run_scoped3A_20, %dma_wait3A_94] : memref<16x640xf32, #tpu.memory_space<vmem>> -> memref<1x640xf32, #tpu.memory_space<vmem>>
      %dma_wait3A_96 = tpu.memref_squeeze %dma_wait3A_95 : memref<1x640xf32, #tpu.memory_space<vmem>> -> memref<640xf32, #tpu.memory_space<vmem>>
      %dma_wait3A_97 = tpu.memref_slice %arg8[%run_scoped3A_19, %mul3A_18] : memref<16x10240xf32, #tpu.memory_space<vmem_shared>> -> memref<1x640xf32, #tpu.memory_space<vmem_shared>>
      %dma_wait3A_98 = tpu.memref_squeeze %dma_wait3A_97 : memref<1x640xf32, #tpu.memory_space<vmem_shared>> -> memref<640xf32, #tpu.memory_space<vmem_shared>>
      tpu.wait_dma2 semaphore(%run_scoped3A_80 : memref<!tpu.dma_semaphore, #tpu.memory_space<semaphore_mem>>) src(%dma_wait3A_98 : memref<640xf32, #tpu.memory_space<vmem_shared>>) dst(%dma_wait3A_96 : memref<640xf32, #tpu.memory_space<vmem>>)
      tpu.yield
    }) : () -> ()
    %mul3A_21 = arith.constant 640 : i32
    %mul3A_22 = arith.muli %arg1, %mul3A_21 : i32
    %run_scoped3A_23 = arith.constant 3 : i32
    %run_scoped3A_24 = arith.constant 3 : i32
    "tpu.region"() ({
      %run_scoped3A_80 = tpu.sem_alloc : memref<!tpu.dma_semaphore, #tpu.memory_space<semaphore_mem>>
      %dma_start3A = arith.constant 0 : i32
      %dma_start3A_81 = tpu.memref_slice %arg6[%run_scoped3A_24, %dma_start3A] : memref<16x640xf32, #tpu.memory_space<vmem>> -> memref<1x640xf32, #tpu.memory_space<vmem>>
      %dma_start3A_82 = tpu.memref_squeeze %dma_start3A_81 : memref<1x640xf32, #tpu.memory_space<vmem>> -> memref<640xf32, #tpu.memory_space<vmem>>
      %dma_start3A_83 = tpu.memref_slice %arg8[%run_scoped3A_23, %mul3A_22] : memref<16x10240xf32, #tpu.memory_space<vmem_shared>> -> memref<1x640xf32, #tpu.memory_space<vmem_shared>>
      %dma_start3A_84 = tpu.memref_squeeze %dma_start3A_83 : memref<1x640xf32, #tpu.memory_space<vmem_shared>> -> memref<640xf32, #tpu.memory_space<vmem_shared>>
      %dma_start3A_85 = arith.constant 0 : i32
      %dma_start3A_86 = tpu.memref_slice %arg6[%run_scoped3A_24, %dma_start3A_85] : memref<16x640xf32, #tpu.memory_space<vmem>> -> memref<1x640xf32, #tpu.memory_space<vmem>>
      %dma_start3A_87 = tpu.memref_squeeze %dma_start3A_86 : memref<1x640xf32, #tpu.memory_space<vmem>> -> memref<640xf32, #tpu.memory_space<vmem>>
      %dma_start3A_88 = tpu.memref_slice %arg8[%run_scoped3A_23, %mul3A_22] : memref<16x10240xf32, #tpu.memory_space<vmem_shared>> -> memref<1x640xf32, #tpu.memory_space<vmem_shared>>
      %dma_start3A_89 = tpu.memref_squeeze %dma_start3A_88 : memref<1x640xf32, #tpu.memory_space<vmem_shared>> -> memref<640xf32, #tpu.memory_space<vmem_shared>>
      tpu.enqueue_dma source(%dma_start3A_89 : memref<640xf32, #tpu.memory_space<vmem_shared>>) target(%dma_start3A_87 : memref<640xf32, #tpu.memory_space<vmem>>) target_semaphore(%run_scoped3A_80 : memref<!tpu.dma_semaphore, #tpu.memory_space<semaphore_mem>>)
      %dma_wait3A = arith.constant 0 : i32
      %dma_wait3A_90 = tpu.memref_slice %arg6[%run_scoped3A_24, %dma_wait3A] : memref<16x640xf32, #tpu.memory_space<vmem>> -> memref<1x640xf32, #tpu.memory_space<vmem>>
      %dma_wait3A_91 = tpu.memref_squeeze %dma_wait3A_90 : memref<1x640xf32, #tpu.memory_space<vmem>> -> memref<640xf32, #tpu.memory_space<vmem>>
      %dma_wait3A_92 = tpu.memref_slice %arg8[%run_scoped3A_23, %mul3A_22] : memref<16x10240xf32, #tpu.memory_space<vmem_shared>> -> memref<1x640xf32, #tpu.memory_space<vmem_shared>>
      %dma_wait3A_93 = tpu.memref_squeeze %dma_wait3A_92 : memref<1x640xf32, #tpu.memory_space<vmem_shared>> -> memref<640xf32, #tpu.memory_space<vmem_shared>>
      %dma_wait3A_94 = arith.constant 0 : i32
      %dma_wait3A_95 = tpu.memref_slice %arg6[%run_scoped3A_24, %dma_wait3A_94] : memref<16x640xf32, #tpu.memory_space<vmem>> -> memref<1x640xf32, #tpu.memory_space<vmem>>
      %dma_wait3A_96 = tpu.memref_squeeze %dma_wait3A_95 : memref<1x640xf32, #tpu.memory_space<vmem>> -> memref<640xf32, #tpu.memory_space<vmem>>
      %dma_wait3A_97 = tpu.memref_slice %arg8[%run_scoped3A_23, %mul3A_22] : memref<16x10240xf32, #tpu.memory_space<vmem_shared>> -> memref<1x640xf32, #tpu.memory_space<vmem_shared>>
      %dma_wait3A_98 = tpu.memref_squeeze %dma_wait3A_97 : memref<1x640xf32, #tpu.memory_space<vmem_shared>> -> memref<640xf32, #tpu.memory_space<vmem_shared>>
      tpu.wait_dma2 semaphore(%run_scoped3A_80 : memref<!tpu.dma_semaphore, #tpu.memory_space<semaphore_mem>>) src(%dma_wait3A_98 : memref<640xf32, #tpu.memory_space<vmem_shared>>) dst(%dma_wait3A_96 : memref<640xf32, #tpu.memory_space<vmem>>)
      tpu.yield
    }) : () -> ()
    %mul3A_25 = arith.constant 640 : i32
    %mul3A_26 = arith.muli %arg1, %mul3A_25 : i32
    %run_scoped3A_27 = arith.constant 4 : i32
    %run_scoped3A_28 = arith.constant 4 : i32
    "tpu.region"() ({
      %run_scoped3A_80 = tpu.sem_alloc : memref<!tpu.dma_semaphore, #tpu.memory_space<semaphore_mem>>
      %dma_start3A = arith.constant 0 : i32
      %dma_start3A_81 = tpu.memref_slice %arg6[%run_scoped3A_28, %dma_start3A] : memref<16x640xf32, #tpu.memory_space<vmem>> -> memref<1x640xf32, #tpu.memory_space<vmem>>
      %dma_start3A_82 = tpu.memref_squeeze %dma_start3A_81 : memref<1x640xf32, #tpu.memory_space<vmem>> -> memref<640xf32, #tpu.memory_space<vmem>>
      %dma_start3A_83 = tpu.memref_slice %arg8[%run_scoped3A_27, %mul3A_26] : memref<16x10240xf32, #tpu.memory_space<vmem_shared>> -> memref<1x640xf32, #tpu.memory_space<vmem_shared>>
      %dma_start3A_84 = tpu.memref_squeeze %dma_start3A_83 : memref<1x640xf32, #tpu.memory_space<vmem_shared>> -> memref<640xf32, #tpu.memory_space<vmem_shared>>
      %dma_start3A_85 = arith.constant 0 : i32
      %dma_start3A_86 = tpu.memref_slice %arg6[%run_scoped3A_28, %dma_start3A_85] : memref<16x640xf32, #tpu.memory_space<vmem>> -> memref<1x640xf32, #tpu.memory_space<vmem>>
      %dma_start3A_87 = tpu.memref_squeeze %dma_start3A_86 : memref<1x640xf32, #tpu.memory_space<vmem>> -> memref<640xf32, #tpu.memory_space<vmem>>
      %dma_start3A_88 = tpu.memref_slice %arg8[%run_scoped3A_27, %mul3A_26] : memref<16x10240xf32, #tpu.memory_space<vmem_shared>> -> memref<1x640xf32, #tpu.memory_space<vmem_shared>>
      %dma_start3A_89 = tpu.memref_squeeze %dma_start3A_88 : memref<1x640xf32, #tpu.memory_space<vmem_shared>> -> memref<640xf32, #tpu.memory_space<vmem_shared>>
      tpu.enqueue_dma source(%dma_start3A_89 : memref<640xf32, #tpu.memory_space<vmem_shared>>) target(%dma_start3A_87 : memref<640xf32, #tpu.memory_space<vmem>>) target_semaphore(%run_scoped3A_80 : memref<!tpu.dma_semaphore, #tpu.memory_space<semaphore_mem>>)
      %dma_wait3A = arith.constant 0 : i32
      %dma_wait3A_90 = tpu.memref_slice %arg6[%run_scoped3A_28, %dma_wait3A] : memref<16x640xf32, #tpu.memory_space<vmem>> -> memref<1x640xf32, #tpu.memory_space<vmem>>
      %dma_wait3A_91 = tpu.memref_squeeze %dma_wait3A_90 : memref<1x640xf32, #tpu.memory_space<vmem>> -> memref<640xf32, #tpu.memory_space<vmem>>
      %dma_wait3A_92 = tpu.memref_slice %arg8[%run_scoped3A_27, %mul3A_26] : memref<16x10240xf32, #tpu.memory_space<vmem_shared>> -> memref<1x640xf32, #tpu.memory_space<vmem_shared>>
      %dma_wait3A_93 = tpu.memref_squeeze %dma_wait3A_92 : memref<1x640xf32, #tpu.memory_space<vmem_shared>> -> memref<640xf32, #tpu.memory_space<vmem_shared>>
      %dma_wait3A_94 = arith.constant 0 : i32
      %dma_wait3A_95 = tpu.memref_slice %arg6[%run_scoped3A_28, %dma_wait3A_94] : memref<16x640xf32, #tpu.memory_space<vmem>> -> memref<1x640xf32, #tpu.memory_space<vmem>>
      %dma_wait3A_96 = tpu.memref_squeeze %dma_wait3A_95 : memref<1x640xf32, #tpu.memory_space<vmem>> -> memref<640xf32, #tpu.memory_space<vmem>>
      %dma_wait3A_97 = tpu.memref_slice %arg8[%run_scoped3A_27, %mul3A_26] : memref<16x10240xf32, #tpu.memory_space<vmem_shared>> -> memref<1x640xf32, #tpu.memory_space<vmem_shared>>
      %dma_wait3A_98 = tpu.memref_squeeze %dma_wait3A_97 : memref<1x640xf32, #tpu.memory_space<vmem_shared>> -> memref<640xf32, #tpu.memory_space<vmem_shared>>
      tpu.wait_dma2 semaphore(%run_scoped3A_80 : memref<!tpu.dma_semaphore, #tpu.memory_space<semaphore_mem>>) src(%dma_wait3A_98 : memref<640xf32, #tpu.memory_space<vmem_shared>>) dst(%dma_wait3A_96 : memref<640xf32, #tpu.memory_space<vmem>>)
      tpu.yield
    }) : () -> ()
    %mul3A_29 = arith.constant 640 : i32
    %mul3A_30 = arith.muli %arg1, %mul3A_29 : i32
    %run_scoped3A_31 = arith.constant 5 : i32
    %run_scoped3A_32 = arith.constant 5 : i32
    "tpu.region"() ({
      %run_scoped3A_80 = tpu.sem_alloc : memref<!tpu.dma_semaphore, #tpu.memory_space<semaphore_mem>>
      %dma_start3A = arith.constant 0 : i32
      %dma_start3A_81 = tpu.memref_slice %arg6[%run_scoped3A_32, %dma_start3A] : memref<16x640xf32, #tpu.memory_space<vmem>> -> memref<1x640xf32, #tpu.memory_space<vmem>>
      %dma_start3A_82 = tpu.memref_squeeze %dma_start3A_81 : memref<1x640xf32, #tpu.memory_space<vmem>> -> memref<640xf32, #tpu.memory_space<vmem>>
      %dma_start3A_83 = tpu.memref_slice %arg8[%run_scoped3A_31, %mul3A_30] : memref<16x10240xf32, #tpu.memory_space<vmem_shared>> -> memref<1x640xf32, #tpu.memory_space<vmem_shared>>
      %dma_start3A_84 = tpu.memref_squeeze %dma_start3A_83 : memref<1x640xf32, #tpu.memory_space<vmem_shared>> -> memref<640xf32, #tpu.memory_space<vmem_shared>>
      %dma_start3A_85 = arith.constant 0 : i32
      %dma_start3A_86 = tpu.memref_slice %arg6[%run_scoped3A_32, %dma_start3A_85] : memref<16x640xf32, #tpu.memory_space<vmem>> -> memref<1x640xf32, #tpu.memory_space<vmem>>
      %dma_start3A_87 = tpu.memref_squeeze %dma_start3A_86 : memref<1x640xf32, #tpu.memory_space<vmem>> -> memref<640xf32, #tpu.memory_space<vmem>>
      %dma_start3A_88 = tpu.memref_slice %arg8[%run_scoped3A_31, %mul3A_30] : memref<16x10240xf32, #tpu.memory_space<vmem_shared>> -> memref<1x640xf32, #tpu.memory_space<vmem_shared>>
      %dma_start3A_89 = tpu.memref_squeeze %dma_start3A_88 : memref<1x640xf32, #tpu.memory_space<vmem_shared>> -> memref<640xf32, #tpu.memory_space<vmem_shared>>
      tpu.enqueue_dma source(%dma_start3A_89 : memref<640xf32, #tpu.memory_space<vmem_shared>>) target(%dma_start3A_87 : memref<640xf32, #tpu.memory_space<vmem>>) target_semaphore(%run_scoped3A_80 : memref<!tpu.dma_semaphore, #tpu.memory_space<semaphore_mem>>)
      %dma_wait3A = arith.constant 0 : i32
      %dma_wait3A_90 = tpu.memref_slice %arg6[%run_scoped3A_32, %dma_wait3A] : memref<16x640xf32, #tpu.memory_space<vmem>> -> memref<1x640xf32, #tpu.memory_space<vmem>>
      %dma_wait3A_91 = tpu.memref_squeeze %dma_wait3A_90 : memref<1x640xf32, #tpu.memory_space<vmem>> -> memref<640xf32, #tpu.memory_space<vmem>>
      %dma_wait3A_92 = tpu.memref_slice %arg8[%run_scoped3A_31, %mul3A_30] : memref<16x10240xf32, #tpu.memory_space<vmem_shared>> -> memref<1x640xf32, #tpu.memory_space<vmem_shared>>
      %dma_wait3A_93 = tpu.memref_squeeze %dma_wait3A_92 : memref<1x640xf32, #tpu.memory_space<vmem_shared>> -> memref<640xf32, #tpu.memory_space<vmem_shared>>
      %dma_wait3A_94 = arith.constant 0 : i32
      %dma_wait3A_95 = tpu.memref_slice %arg6[%run_scoped3A_32, %dma_wait3A_94] : memref<16x640xf32, #tpu.memory_space<vmem>> -> memref<1x640xf32, #tpu.memory_space<vmem>>
      %dma_wait3A_96 = tpu.memref_squeeze %dma_wait3A_95 : memref<1x640xf32, #tpu.memory_space<vmem>> -> memref<640xf32, #tpu.memory_space<vmem>>
      %dma_wait3A_97 = tpu.memref_slice %arg8[%run_scoped3A_31, %mul3A_30] : memref<16x10240xf32, #tpu.memory_space<vmem_shared>> -> memref<1x640xf32, #tpu.memory_space<vmem_shared>>
      %dma_wait3A_98 = tpu.memref_squeeze %dma_wait3A_97 : memref<1x640xf32, #tpu.memory_space<vmem_shared>> -> memref<640xf32, #tpu.memory_space<vmem_shared>>
      tpu.wait_dma2 semaphore(%run_scoped3A_80 : memref<!tpu.dma_semaphore, #tpu.memory_space<semaphore_mem>>) src(%dma_wait3A_98 : memref<640xf32, #tpu.memory_space<vmem_shared>>) dst(%dma_wait3A_96 : memref<640xf32, #tpu.memory_space<vmem>>)
      tpu.yield
    }) : () -> ()
    %mul3A_33 = arith.constant 640 : i32
    %mul3A_34 = arith.muli %arg1, %mul3A_33 : i32
    %run_scoped3A_35 = arith.constant 6 : i32
    %run_scoped3A_36 = arith.constant 6 : i32
    "tpu.region"() ({
      %run_scoped3A_80 = tpu.sem_alloc : memref<!tpu.dma_semaphore, #tpu.memory_space<semaphore_mem>>
      %dma_start3A = arith.constant 0 : i32
      %dma_start3A_81 = tpu.memref_slice %arg6[%run_scoped3A_36, %dma_start3A] : memref<16x640xf32, #tpu.memory_space<vmem>> -> memref<1x640xf32, #tpu.memory_space<vmem>>
      %dma_start3A_82 = tpu.memref_squeeze %dma_start3A_81 : memref<1x640xf32, #tpu.memory_space<vmem>> -> memref<640xf32, #tpu.memory_space<vmem>>
      %dma_start3A_83 = tpu.memref_slice %arg8[%run_scoped3A_35, %mul3A_34] : memref<16x10240xf32, #tpu.memory_space<vmem_shared>> -> memref<1x640xf32, #tpu.memory_space<vmem_shared>>
      %dma_start3A_84 = tpu.memref_squeeze %dma_start3A_83 : memref<1x640xf32, #tpu.memory_space<vmem_shared>> -> memref<640xf32, #tpu.memory_space<vmem_shared>>
      %dma_start3A_85 = arith.constant 0 : i32
      %dma_start3A_86 = tpu.memref_slice %arg6[%run_scoped3A_36, %dma_start3A_85] : memref<16x640xf32, #tpu.memory_space<vmem>> -> memref<1x640xf32, #tpu.memory_space<vmem>>
      %dma_start3A_87 = tpu.memref_squeeze %dma_start3A_86 : memref<1x640xf32, #tpu.memory_space<vmem>> -> memref<640xf32, #tpu.memory_space<vmem>>
      %dma_start3A_88 = tpu.memref_slice %arg8[%run_scoped3A_35, %mul3A_34] : memref<16x10240xf32, #tpu.memory_space<vmem_shared>> -> memref<1x640xf32, #tpu.memory_space<vmem_shared>>
      %dma_start3A_89 = tpu.memref_squeeze %dma_start3A_88 : memref<1x640xf32, #tpu.memory_space<vmem_shared>> -> memref<640xf32, #tpu.memory_space<vmem_shared>>
      tpu.enqueue_dma source(%dma_start3A_89 : memref<640xf32, #tpu.memory_space<vmem_shared>>) target(%dma_start3A_87 : memref<640xf32, #tpu.memory_space<vmem>>) target_semaphore(%run_scoped3A_80 : memref<!tpu.dma_semaphore, #tpu.memory_space<semaphore_mem>>)
      %dma_wait3A = arith.constant 0 : i32
      %dma_wait3A_90 = tpu.memref_slice %arg6[%run_scoped3A_36, %dma_wait3A] : memref<16x640xf32, #tpu.memory_space<vmem>> -> memref<1x640xf32, #tpu.memory_space<vmem>>
      %dma_wait3A_91 = tpu.memref_squeeze %dma_wait3A_90 : memref<1x640xf32, #tpu.memory_space<vmem>> -> memref<640xf32, #tpu.memory_space<vmem>>
      %dma_wait3A_92 = tpu.memref_slice %arg8[%run_scoped3A_35, %mul3A_34] : memref<16x10240xf32, #tpu.memory_space<vmem_shared>> -> memref<1x640xf32, #tpu.memory_space<vmem_shared>>
      %dma_wait3A_93 = tpu.memref_squeeze %dma_wait3A_92 : memref<1x640xf32, #tpu.memory_space<vmem_shared>> -> memref<640xf32, #tpu.memory_space<vmem_shared>>
      %dma_wait3A_94 = arith.constant 0 : i32
      %dma_wait3A_95 = tpu.memref_slice %arg6[%run_scoped3A_36, %dma_wait3A_94] : memref<16x640xf32, #tpu.memory_space<vmem>> -> memref<1x640xf32, #tpu.memory_space<vmem>>
      %dma_wait3A_96 = tpu.memref_squeeze %dma_wait3A_95 : memref<1x640xf32, #tpu.memory_space<vmem>> -> memref<640xf32, #tpu.memory_space<vmem>>
      %dma_wait3A_97 = tpu.memref_slice %arg8[%run_scoped3A_35, %mul3A_34] : memref<16x10240xf32, #tpu.memory_space<vmem_shared>> -> memref<1x640xf32, #tpu.memory_space<vmem_shared>>
      %dma_wait3A_98 = tpu.memref_squeeze %dma_wait3A_97 : memref<1x640xf32, #tpu.memory_space<vmem_shared>> -> memref<640xf32, #tpu.memory_space<vmem_shared>>
      tpu.wait_dma2 semaphore(%run_scoped3A_80 : memref<!tpu.dma_semaphore, #tpu.memory_space<semaphore_mem>>) src(%dma_wait3A_98 : memref<640xf32, #tpu.memory_space<vmem_shared>>) dst(%dma_wait3A_96 : memref<640xf32, #tpu.memory_space<vmem>>)
      tpu.yield
    }) : () -> ()
    %mul3A_37 = arith.constant 640 : i32
    %mul3A_38 = arith.muli %arg1, %mul3A_37 : i32
    %run_scoped3A_39 = arith.constant 7 : i32
    %run_scoped3A_40 = arith.constant 7 : i32
    "tpu.region"() ({
      %run_scoped3A_80 = tpu.sem_alloc : memref<!tpu.dma_semaphore, #tpu.memory_space<semaphore_mem>>
      %dma_start3A = arith.constant 0 : i32
      %dma_start3A_81 = tpu.memref_slice %arg6[%run_scoped3A_40, %dma_start3A] : memref<16x640xf32, #tpu.memory_space<vmem>> -> memref<1x640xf32, #tpu.memory_space<vmem>>
      %dma_start3A_82 = tpu.memref_squeeze %dma_start3A_81 : memref<1x640xf32, #tpu.memory_space<vmem>> -> memref<640xf32, #tpu.memory_space<vmem>>
      %dma_start3A_83 = tpu.memref_slice %arg8[%run_scoped3A_39, %mul3A_38] : memref<16x10240xf32, #tpu.memory_space<vmem_shared>> -> memref<1x640xf32, #tpu.memory_space<vmem_shared>>
      %dma_start3A_84 = tpu.memref_squeeze %dma_start3A_83 : memref<1x640xf32, #tpu.memory_space<vmem_shared>> -> memref<640xf32, #tpu.memory_space<vmem_shared>>
      %dma_start3A_85 = arith.constant 0 : i32
      %dma_start3A_86 = tpu.memref_slice %arg6[%run_scoped3A_40, %dma_start3A_85] : memref<16x640xf32, #tpu.memory_space<vmem>> -> memref<1x640xf32, #tpu.memory_space<vmem>>
      %dma_start3A_87 = tpu.memref_squeeze %dma_start3A_86 : memref<1x640xf32, #tpu.memory_space<vmem>> -> memref<640xf32, #tpu.memory_space<vmem>>
      %dma_start3A_88 = tpu.memref_slice %arg8[%run_scoped3A_39, %mul3A_38] : memref<16x10240xf32, #tpu.memory_space<vmem_shared>> -> memref<1x640xf32, #tpu.memory_space<vmem_shared>>
      %dma_start3A_89 = tpu.memref_squeeze %dma_start3A_88 : memref<1x640xf32, #tpu.memory_space<vmem_shared>> -> memref<640xf32, #tpu.memory_space<vmem_shared>>
      tpu.enqueue_dma source(%dma_start3A_89 : memref<640xf32, #tpu.memory_space<vmem_shared>>) target(%dma_start3A_87 : memref<640xf32, #tpu.memory_space<vmem>>) target_semaphore(%run_scoped3A_80 : memref<!tpu.dma_semaphore, #tpu.memory_space<semaphore_mem>>)
      %dma_wait3A = arith.constant 0 : i32
      %dma_wait3A_90 = tpu.memref_slice %arg6[%run_scoped3A_40, %dma_wait3A] : memref<16x640xf32, #tpu.memory_space<vmem>> -> memref<1x640xf32, #tpu.memory_space<vmem>>
      %dma_wait3A_91 = tpu.memref_squeeze %dma_wait3A_90 : memref<1x640xf32, #tpu.memory_space<vmem>> -> memref<640xf32, #tpu.memory_space<vmem>>
      %dma_wait3A_92 = tpu.memref_slice %arg8[%run_scoped3A_39, %mul3A_38] : memref<16x10240xf32, #tpu.memory_space<vmem_shared>> -> memref<1x640xf32, #tpu.memory_space<vmem_shared>>
      %dma_wait3A_93 = tpu.memref_squeeze %dma_wait3A_92 : memref<1x640xf32, #tpu.memory_space<vmem_shared>> -> memref<640xf32, #tpu.memory_space<vmem_shared>>
      %dma_wait3A_94 = arith.constant 0 : i32
      %dma_wait3A_95 = tpu.memref_slice %arg6[%run_scoped3A_40, %dma_wait3A_94] : memref<16x640xf32, #tpu.memory_space<vmem>> -> memref<1x640xf32, #tpu.memory_space<vmem>>
      %dma_wait3A_96 = tpu.memref_squeeze %dma_wait3A_95 : memref<1x640xf32, #tpu.memory_space<vmem>> -> memref<640xf32, #tpu.memory_space<vmem>>
      %dma_wait3A_97 = tpu.memref_slice %arg8[%run_scoped3A_39, %mul3A_38] : memref<16x10240xf32, #tpu.memory_space<vmem_shared>> -> memref<1x640xf32, #tpu.memory_space<vmem_shared>>
      %dma_wait3A_98 = tpu.memref_squeeze %dma_wait3A_97 : memref<1x640xf32, #tpu.memory_space<vmem_shared>> -> memref<640xf32, #tpu.memory_space<vmem_shared>>
      tpu.wait_dma2 semaphore(%run_scoped3A_80 : memref<!tpu.dma_semaphore, #tpu.memory_space<semaphore_mem>>) src(%dma_wait3A_98 : memref<640xf32, #tpu.memory_space<vmem_shared>>) dst(%dma_wait3A_96 : memref<640xf32, #tpu.memory_space<vmem>>)
      tpu.yield
    }) : () -> ()
    %mul3A_41 = arith.constant 640 : i32
    %mul3A_42 = arith.muli %arg1, %mul3A_41 : i32
    %run_scoped3A_43 = arith.constant 8 : i32
    %run_scoped3A_44 = arith.constant 8 : i32
    "tpu.region"() ({
      %run_scoped3A_80 = tpu.sem_alloc : memref<!tpu.dma_semaphore, #tpu.memory_space<semaphore_mem>>
      %dma_start3A = arith.constant 0 : i32
      %dma_start3A_81 = tpu.memref_slice %arg6[%run_scoped3A_44, %dma_start3A] : memref<16x640xf32, #tpu.memory_space<vmem>> -> memref<1x640xf32, #tpu.memory_space<vmem>>
      %dma_start3A_82 = tpu.memref_squeeze %dma_start3A_81 : memref<1x640xf32, #tpu.memory_space<vmem>> -> memref<640xf32, #tpu.memory_space<vmem>>
      %dma_start3A_83 = tpu.memref_slice %arg8[%run_scoped3A_43, %mul3A_42] : memref<16x10240xf32, #tpu.memory_space<vmem_shared>> -> memref<1x640xf32, #tpu.memory_space<vmem_shared>>
      %dma_start3A_84 = tpu.memref_squeeze %dma_start3A_83 : memref<1x640xf32, #tpu.memory_space<vmem_shared>> -> memref<640xf32, #tpu.memory_space<vmem_shared>>
      %dma_start3A_85 = arith.constant 0 : i32
      %dma_start3A_86 = tpu.memref_slice %arg6[%run_scoped3A_44, %dma_start3A_85] : memref<16x640xf32, #tpu.memory_space<vmem>> -> memref<1x640xf32, #tpu.memory_space<vmem>>
      %dma_start3A_87 = tpu.memref_squeeze %dma_start3A_86 : memref<1x640xf32, #tpu.memory_space<vmem>> -> memref<640xf32, #tpu.memory_space<vmem>>
      %dma_start3A_88 = tpu.memref_slice %arg8[%run_scoped3A_43, %mul3A_42] : memref<16x10240xf32, #tpu.memory_space<vmem_shared>> -> memref<1x640xf32, #tpu.memory_space<vmem_shared>>
      %dma_start3A_89 = tpu.memref_squeeze %dma_start3A_88 : memref<1x640xf32, #tpu.memory_space<vmem_shared>> -> memref<640xf32, #tpu.memory_space<vmem_shared>>
      tpu.enqueue_dma source(%dma_start3A_89 : memref<640xf32, #tpu.memory_space<vmem_shared>>) target(%dma_start3A_87 : memref<640xf32, #tpu.memory_space<vmem>>) target_semaphore(%run_scoped3A_80 : memref<!tpu.dma_semaphore, #tpu.memory_space<semaphore_mem>>)
      %dma_wait3A = arith.constant 0 : i32
      %dma_wait3A_90 = tpu.memref_slice %arg6[%run_scoped3A_44, %dma_wait3A] : memref<16x640xf32, #tpu.memory_space<vmem>> -> memref<1x640xf32, #tpu.memory_space<vmem>>
      %dma_wait3A_91 = tpu.memref_squeeze %dma_wait3A_90 : memref<1x640xf32, #tpu.memory_space<vmem>> -> memref<640xf32, #tpu.memory_space<vmem>>
      %dma_wait3A_92 = tpu.memref_slice %arg8[%run_scoped3A_43, %mul3A_42] : memref<16x10240xf32, #tpu.memory_space<vmem_shared>> -> memref<1x640xf32, #tpu.memory_space<vmem_shared>>
      %dma_wait3A_93 = tpu.memref_squeeze %dma_wait3A_92 : memref<1x640xf32, #tpu.memory_space<vmem_shared>> -> memref<640xf32, #tpu.memory_space<vmem_shared>>
      %dma_wait3A_94 = arith.constant 0 : i32
      %dma_wait3A_95 = tpu.memref_slice %arg6[%run_scoped3A_44, %dma_wait3A_94] : memref<16x640xf32, #tpu.memory_space<vmem>> -> memref<1x640xf32, #tpu.memory_space<vmem>>
      %dma_wait3A_96 = tpu.memref_squeeze %dma_wait3A_95 : memref<1x640xf32, #tpu.memory_space<vmem>> -> memref<640xf32, #tpu.memory_space<vmem>>
      %dma_wait3A_97 = tpu.memref_slice %arg8[%run_scoped3A_43, %mul3A_42] : memref<16x10240xf32, #tpu.memory_space<vmem_shared>> -> memref<1x640xf32, #tpu.memory_space<vmem_shared>>
      %dma_wait3A_98 = tpu.memref_squeeze %dma_wait3A_97 : memref<1x640xf32, #tpu.memory_space<vmem_shared>> -> memref<640xf32, #tpu.memory_space<vmem_shared>>
      tpu.wait_dma2 semaphore(%run_scoped3A_80 : memref<!tpu.dma_semaphore, #tpu.memory_space<semaphore_mem>>) src(%dma_wait3A_98 : memref<640xf32, #tpu.memory_space<vmem_shared>>) dst(%dma_wait3A_96 : memref<640xf32, #tpu.memory_space<vmem>>)
      tpu.yield
    }) : () -> ()
    %mul3A_45 = arith.constant 640 : i32
    %mul3A_46 = arith.muli %arg1, %mul3A_45 : i32
    %run_scoped3A_47 = arith.constant 9 : i32
    %run_scoped3A_48 = arith.constant 9 : i32
    "tpu.region"() ({
      %run_scoped3A_80 = tpu.sem_alloc : memref<!tpu.dma_semaphore, #tpu.memory_space<semaphore_mem>>
      %dma_start3A = arith.constant 0 : i32
      %dma_start3A_81 = tpu.memref_slice %arg6[%run_scoped3A_48, %dma_start3A] : memref<16x640xf32, #tpu.memory_space<vmem>> -> memref<1x640xf32, #tpu.memory_space<vmem>>
      %dma_start3A_82 = tpu.memref_squeeze %dma_start3A_81 : memref<1x640xf32, #tpu.memory_space<vmem>> -> memref<640xf32, #tpu.memory_space<vmem>>
      %dma_start3A_83 = tpu.memref_slice %arg8[%run_scoped3A_47, %mul3A_46] : memref<16x10240xf32, #tpu.memory_space<vmem_shared>> -> memref<1x640xf32, #tpu.memory_space<vmem_shared>>
      %dma_start3A_84 = tpu.memref_squeeze %dma_start3A_83 : memref<1x640xf32, #tpu.memory_space<vmem_shared>> -> memref<640xf32, #tpu.memory_space<vmem_shared>>
      %dma_start3A_85 = arith.constant 0 : i32
      %dma_start3A_86 = tpu.memref_slice %arg6[%run_scoped3A_48, %dma_start3A_85] : memref<16x640xf32, #tpu.memory_space<vmem>> -> memref<1x640xf32, #tpu.memory_space<vmem>>
      %dma_start3A_87 = tpu.memref_squeeze %dma_start3A_86 : memref<1x640xf32, #tpu.memory_space<vmem>> -> memref<640xf32, #tpu.memory_space<vmem>>
      %dma_start3A_88 = tpu.memref_slice %arg8[%run_scoped3A_47, %mul3A_46] : memref<16x10240xf32, #tpu.memory_space<vmem_shared>> -> memref<1x640xf32, #tpu.memory_space<vmem_shared>>
      %dma_start3A_89 = tpu.memref_squeeze %dma_start3A_88 : memref<1x640xf32, #tpu.memory_space<vmem_shared>> -> memref<640xf32, #tpu.memory_space<vmem_shared>>
      tpu.enqueue_dma source(%dma_start3A_89 : memref<640xf32, #tpu.memory_space<vmem_shared>>) target(%dma_start3A_87 : memref<640xf32, #tpu.memory_space<vmem>>) target_semaphore(%run_scoped3A_80 : memref<!tpu.dma_semaphore, #tpu.memory_space<semaphore_mem>>)
      %dma_wait3A = arith.constant 0 : i32
      %dma_wait3A_90 = tpu.memref_slice %arg6[%run_scoped3A_48, %dma_wait3A] : memref<16x640xf32, #tpu.memory_space<vmem>> -> memref<1x640xf32, #tpu.memory_space<vmem>>
      %dma_wait3A_91 = tpu.memref_squeeze %dma_wait3A_90 : memref<1x640xf32, #tpu.memory_space<vmem>> -> memref<640xf32, #tpu.memory_space<vmem>>
      %dma_wait3A_92 = tpu.memref_slice %arg8[%run_scoped3A_47, %mul3A_46] : memref<16x10240xf32, #tpu.memory_space<vmem_shared>> -> memref<1x640xf32, #tpu.memory_space<vmem_shared>>
      %dma_wait3A_93 = tpu.memref_squeeze %dma_wait3A_92 : memref<1x640xf32, #tpu.memory_space<vmem_shared>> -> memref<640xf32, #tpu.memory_space<vmem_shared>>
      %dma_wait3A_94 = arith.constant 0 : i32
      %dma_wait3A_95 = tpu.memref_slice %arg6[%run_scoped3A_48, %dma_wait3A_94] : memref<16x640xf32, #tpu.memory_space<vmem>> -> memref<1x640xf32, #tpu.memory_space<vmem>>
      %dma_wait3A_96 = tpu.memref_squeeze %dma_wait3A_95 : memref<1x640xf32, #tpu.memory_space<vmem>> -> memref<640xf32, #tpu.memory_space<vmem>>
      %dma_wait3A_97 = tpu.memref_slice %arg8[%run_scoped3A_47, %mul3A_46] : memref<16x10240xf32, #tpu.memory_space<vmem_shared>> -> memref<1x640xf32, #tpu.memory_space<vmem_shared>>
      %dma_wait3A_98 = tpu.memref_squeeze %dma_wait3A_97 : memref<1x640xf32, #tpu.memory_space<vmem_shared>> -> memref<640xf32, #tpu.memory_space<vmem_shared>>
      tpu.wait_dma2 semaphore(%run_scoped3A_80 : memref<!tpu.dma_semaphore, #tpu.memory_space<semaphore_mem>>) src(%dma_wait3A_98 : memref<640xf32, #tpu.memory_space<vmem_shared>>) dst(%dma_wait3A_96 : memref<640xf32, #tpu.memory_space<vmem>>)
      tpu.yield
    }) : () -> ()
    %mul3A_49 = arith.constant 640 : i32
    %mul3A_50 = arith.muli %arg1, %mul3A_49 : i32
    %run_scoped3A_51 = arith.constant 10 : i32
    %run_scoped3A_52 = arith.constant 10 : i32
    "tpu.region"() ({
      %run_scoped3A_80 = tpu.sem_alloc : memref<!tpu.dma_semaphore, #tpu.memory_space<semaphore_mem>>
      %dma_start3A = arith.constant 0 : i32
      %dma_start3A_81 = tpu.memref_slice %arg6[%run_scoped3A_52, %dma_start3A] : memref<16x640xf32, #tpu.memory_space<vmem>> -> memref<1x640xf32, #tpu.memory_space<vmem>>
      %dma_start3A_82 = tpu.memref_squeeze %dma_start3A_81 : memref<1x640xf32, #tpu.memory_space<vmem>> -> memref<640xf32, #tpu.memory_space<vmem>>
      %dma_start3A_83 = tpu.memref_slice %arg8[%run_scoped3A_51, %mul3A_50] : memref<16x10240xf32, #tpu.memory_space<vmem_shared>> -> memref<1x640xf32, #tpu.memory_space<vmem_shared>>
      %dma_start3A_84 = tpu.memref_squeeze %dma_start3A_83 : memref<1x640xf32, #tpu.memory_space<vmem_shared>> -> memref<640xf32, #tpu.memory_space<vmem_shared>>
      %dma_start3A_85 = arith.constant 0 : i32
      %dma_start3A_86 = tpu.memref_slice %arg6[%run_scoped3A_52, %dma_start3A_85] : memref<16x640xf32, #tpu.memory_space<vmem>> -> memref<1x640xf32, #tpu.memory_space<vmem>>
      %dma_start3A_87 = tpu.memref_squeeze %dma_start3A_86 : memref<1x640xf32, #tpu.memory_space<vmem>> -> memref<640xf32, #tpu.memory_space<vmem>>
      %dma_start3A_88 = tpu.memref_slice %arg8[%run_scoped3A_51, %mul3A_50] : memref<16x10240xf32, #tpu.memory_space<vmem_shared>> -> memref<1x640xf32, #tpu.memory_space<vmem_shared>>
      %dma_start3A_89 = tpu.memref_squeeze %dma_start3A_88 : memref<1x640xf32, #tpu.memory_space<vmem_shared>> -> memref<640xf32, #tpu.memory_space<vmem_shared>>
      tpu.enqueue_dma source(%dma_start3A_89 : memref<640xf32, #tpu.memory_space<vmem_shared>>) target(%dma_start3A_87 : memref<640xf32, #tpu.memory_space<vmem>>) target_semaphore(%run_scoped3A_80 : memref<!tpu.dma_semaphore, #tpu.memory_space<semaphore_mem>>)
      %dma_wait3A = arith.constant 0 : i32
      %dma_wait3A_90 = tpu.memref_slice %arg6[%run_scoped3A_52, %dma_wait3A] : memref<16x640xf32, #tpu.memory_space<vmem>> -> memref<1x640xf32, #tpu.memory_space<vmem>>
      %dma_wait3A_91 = tpu.memref_squeeze %dma_wait3A_90 : memref<1x640xf32, #tpu.memory_space<vmem>> -> memref<640xf32, #tpu.memory_space<vmem>>
      %dma_wait3A_92 = tpu.memref_slice %arg8[%run_scoped3A_51, %mul3A_50] : memref<16x10240xf32, #tpu.memory_space<vmem_shared>> -> memref<1x640xf32, #tpu.memory_space<vmem_shared>>
      %dma_wait3A_93 = tpu.memref_squeeze %dma_wait3A_92 : memref<1x640xf32, #tpu.memory_space<vmem_shared>> -> memref<640xf32, #tpu.memory_space<vmem_shared>>
      %dma_wait3A_94 = arith.constant 0 : i32
      %dma_wait3A_95 = tpu.memref_slice %arg6[%run_scoped3A_52, %dma_wait3A_94] : memref<16x640xf32, #tpu.memory_space<vmem>> -> memref<1x640xf32, #tpu.memory_space<vmem>>
      %dma_wait3A_96 = tpu.memref_squeeze %dma_wait3A_95 : memref<1x640xf32, #tpu.memory_space<vmem>> -> memref<640xf32, #tpu.memory_space<vmem>>
      %dma_wait3A_97 = tpu.memref_slice %arg8[%run_scoped3A_51, %mul3A_50] : memref<16x10240xf32, #tpu.memory_space<vmem_shared>> -> memref<1x640xf32, #tpu.memory_space<vmem_shared>>
      %dma_wait3A_98 = tpu.memref_squeeze %dma_wait3A_97 : memref<1x640xf32, #tpu.memory_space<vmem_shared>> -> memref<640xf32, #tpu.memory_space<vmem_shared>>
      tpu.wait_dma2 semaphore(%run_scoped3A_80 : memref<!tpu.dma_semaphore, #tpu.memory_space<semaphore_mem>>) src(%dma_wait3A_98 : memref<640xf32, #tpu.memory_space<vmem_shared>>) dst(%dma_wait3A_96 : memref<640xf32, #tpu.memory_space<vmem>>)
      tpu.yield
    }) : () -> ()
    %mul3A_53 = arith.constant 640 : i32
    %mul3A_54 = arith.muli %arg1, %mul3A_53 : i32
    %run_scoped3A_55 = arith.constant 11 : i32
    %run_scoped3A_56 = arith.constant 11 : i32
    "tpu.region"() ({
      %run_scoped3A_80 = tpu.sem_alloc : memref<!tpu.dma_semaphore, #tpu.memory_space<semaphore_mem>>
      %dma_start3A = arith.constant 0 : i32
      %dma_start3A_81 = tpu.memref_slice %arg6[%run_scoped3A_56, %dma_start3A] : memref<16x640xf32, #tpu.memory_space<vmem>> -> memref<1x640xf32, #tpu.memory_space<vmem>>
      %dma_start3A_82 = tpu.memref_squeeze %dma_start3A_81 : memref<1x640xf32, #tpu.memory_space<vmem>> -> memref<640xf32, #tpu.memory_space<vmem>>
      %dma_start3A_83 = tpu.memref_slice %arg8[%run_scoped3A_55, %mul3A_54] : memref<16x10240xf32, #tpu.memory_space<vmem_shared>> -> memref<1x640xf32, #tpu.memory_space<vmem_shared>>
      %dma_start3A_84 = tpu.memref_squeeze %dma_start3A_83 : memref<1x640xf32, #tpu.memory_space<vmem_shared>> -> memref<640xf32, #tpu.memory_space<vmem_shared>>
      %dma_start3A_85 = arith.constant 0 : i32
      %dma_start3A_86 = tpu.memref_slice %arg6[%run_scoped3A_56, %dma_start3A_85] : memref<16x640xf32, #tpu.memory_space<vmem>> -> memref<1x640xf32, #tpu.memory_space<vmem>>
      %dma_start3A_87 = tpu.memref_squeeze %dma_start3A_86 : memref<1x640xf32, #tpu.memory_space<vmem>> -> memref<640xf32, #tpu.memory_space<vmem>>
      %dma_start3A_88 = tpu.memref_slice %arg8[%run_scoped3A_55, %mul3A_54] : memref<16x10240xf32, #tpu.memory_space<vmem_shared>> -> memref<1x640xf32, #tpu.memory_space<vmem_shared>>
      %dma_start3A_89 = tpu.memref_squeeze %dma_start3A_88 : memref<1x640xf32, #tpu.memory_space<vmem_shared>> -> memref<640xf32, #tpu.memory_space<vmem_shared>>
      tpu.enqueue_dma source(%dma_start3A_89 : memref<640xf32, #tpu.memory_space<vmem_shared>>) target(%dma_start3A_87 : memref<640xf32, #tpu.memory_space<vmem>>) target_semaphore(%run_scoped3A_80 : memref<!tpu.dma_semaphore, #tpu.memory_space<semaphore_mem>>)
      %dma_wait3A = arith.constant 0 : i32
      %dma_wait3A_90 = tpu.memref_slice %arg6[%run_scoped3A_56, %dma_wait3A] : memref<16x640xf32, #tpu.memory_space<vmem>> -> memref<1x640xf32, #tpu.memory_space<vmem>>
      %dma_wait3A_91 = tpu.memref_squeeze %dma_wait3A_90 : memref<1x640xf32, #tpu.memory_space<vmem>> -> memref<640xf32, #tpu.memory_space<vmem>>
      %dma_wait3A_92 = tpu.memref_slice %arg8[%run_scoped3A_55, %mul3A_54] : memref<16x10240xf32, #tpu.memory_space<vmem_shared>> -> memref<1x640xf32, #tpu.memory_space<vmem_shared>>
      %dma_wait3A_93 = tpu.memref_squeeze %dma_wait3A_92 : memref<1x640xf32, #tpu.memory_space<vmem_shared>> -> memref<640xf32, #tpu.memory_space<vmem_shared>>
      %dma_wait3A_94 = arith.constant 0 : i32
      %dma_wait3A_95 = tpu.memref_slice %arg6[%run_scoped3A_56, %dma_wait3A_94] : memref<16x640xf32, #tpu.memory_space<vmem>> -> memref<1x640xf32, #tpu.memory_space<vmem>>
      %dma_wait3A_96 = tpu.memref_squeeze %dma_wait3A_95 : memref<1x640xf32, #tpu.memory_space<vmem>> -> memref<640xf32, #tpu.memory_space<vmem>>
      %dma_wait3A_97 = tpu.memref_slice %arg8[%run_scoped3A_55, %mul3A_54] : memref<16x10240xf32, #tpu.memory_space<vmem_shared>> -> memref<1x640xf32, #tpu.memory_space<vmem_shared>>
      %dma_wait3A_98 = tpu.memref_squeeze %dma_wait3A_97 : memref<1x640xf32, #tpu.memory_space<vmem_shared>> -> memref<640xf32, #tpu.memory_space<vmem_shared>>
      tpu.wait_dma2 semaphore(%run_scoped3A_80 : memref<!tpu.dma_semaphore, #tpu.memory_space<semaphore_mem>>) src(%dma_wait3A_98 : memref<640xf32, #tpu.memory_space<vmem_shared>>) dst(%dma_wait3A_96 : memref<640xf32, #tpu.memory_space<vmem>>)
      tpu.yield
    }) : () -> ()
    %mul3A_57 = arith.constant 640 : i32
    %mul3A_58 = arith.muli %arg1, %mul3A_57 : i32
    %run_scoped3A_59 = arith.constant 12 : i32
    %run_scoped3A_60 = arith.constant 12 : i32
    "tpu.region"() ({
      %run_scoped3A_80 = tpu.sem_alloc : memref<!tpu.dma_semaphore, #tpu.memory_space<semaphore_mem>>
      %dma_start3A = arith.constant 0 : i32
      %dma_start3A_81 = tpu.memref_slice %arg6[%run_scoped3A_60, %dma_start3A] : memref<16x640xf32, #tpu.memory_space<vmem>> -> memref<1x640xf32, #tpu.memory_space<vmem>>
      %dma_start3A_82 = tpu.memref_squeeze %dma_start3A_81 : memref<1x640xf32, #tpu.memory_space<vmem>> -> memref<640xf32, #tpu.memory_space<vmem>>
      %dma_start3A_83 = tpu.memref_slice %arg8[%run_scoped3A_59, %mul3A_58] : memref<16x10240xf32, #tpu.memory_space<vmem_shared>> -> memref<1x640xf32, #tpu.memory_space<vmem_shared>>
      %dma_start3A_84 = tpu.memref_squeeze %dma_start3A_83 : memref<1x640xf32, #tpu.memory_space<vmem_shared>> -> memref<640xf32, #tpu.memory_space<vmem_shared>>
      %dma_start3A_85 = arith.constant 0 : i32
      %dma_start3A_86 = tpu.memref_slice %arg6[%run_scoped3A_60, %dma_start3A_85] : memref<16x640xf32, #tpu.memory_space<vmem>> -> memref<1x640xf32, #tpu.memory_space<vmem>>
      %dma_start3A_87 = tpu.memref_squeeze %dma_start3A_86 : memref<1x640xf32, #tpu.memory_space<vmem>> -> memref<640xf32, #tpu.memory_space<vmem>>
      %dma_start3A_88 = tpu.memref_slice %arg8[%run_scoped3A_59, %mul3A_58] : memref<16x10240xf32, #tpu.memory_space<vmem_shared>> -> memref<1x640xf32, #tpu.memory_space<vmem_shared>>
      %dma_start3A_89 = tpu.memref_squeeze %dma_start3A_88 : memref<1x640xf32, #tpu.memory_space<vmem_shared>> -> memref<640xf32, #tpu.memory_space<vmem_shared>>
      tpu.enqueue_dma source(%dma_start3A_89 : memref<640xf32, #tpu.memory_space<vmem_shared>>) target(%dma_start3A_87 : memref<640xf32, #tpu.memory_space<vmem>>) target_semaphore(%run_scoped3A_80 : memref<!tpu.dma_semaphore, #tpu.memory_space<semaphore_mem>>)
      %dma_wait3A = arith.constant 0 : i32
      %dma_wait3A_90 = tpu.memref_slice %arg6[%run_scoped3A_60, %dma_wait3A] : memref<16x640xf32, #tpu.memory_space<vmem>> -> memref<1x640xf32, #tpu.memory_space<vmem>>
      %dma_wait3A_91 = tpu.memref_squeeze %dma_wait3A_90 : memref<1x640xf32, #tpu.memory_space<vmem>> -> memref<640xf32, #tpu.memory_space<vmem>>
      %dma_wait3A_92 = tpu.memref_slice %arg8[%run_scoped3A_59, %mul3A_58] : memref<16x10240xf32, #tpu.memory_space<vmem_shared>> -> memref<1x640xf32, #tpu.memory_space<vmem_shared>>
      %dma_wait3A_93 = tpu.memref_squeeze %dma_wait3A_92 : memref<1x640xf32, #tpu.memory_space<vmem_shared>> -> memref<640xf32, #tpu.memory_space<vmem_shared>>
      %dma_wait3A_94 = arith.constant 0 : i32
      %dma_wait3A_95 = tpu.memref_slice %arg6[%run_scoped3A_60, %dma_wait3A_94] : memref<16x640xf32, #tpu.memory_space<vmem>> -> memref<1x640xf32, #tpu.memory_space<vmem>>
      %dma_wait3A_96 = tpu.memref_squeeze %dma_wait3A_95 : memref<1x640xf32, #tpu.memory_space<vmem>> -> memref<640xf32, #tpu.memory_space<vmem>>
      %dma_wait3A_97 = tpu.memref_slice %arg8[%run_scoped3A_59, %mul3A_58] : memref<16x10240xf32, #tpu.memory_space<vmem_shared>> -> memref<1x640xf32, #tpu.memory_space<vmem_shared>>
      %dma_wait3A_98 = tpu.memref_squeeze %dma_wait3A_97 : memref<1x640xf32, #tpu.memory_space<vmem_shared>> -> memref<640xf32, #tpu.memory_space<vmem_shared>>
      tpu.wait_dma2 semaphore(%run_scoped3A_80 : memref<!tpu.dma_semaphore, #tpu.memory_space<semaphore_mem>>) src(%dma_wait3A_98 : memref<640xf32, #tpu.memory_space<vmem_shared>>) dst(%dma_wait3A_96 : memref<640xf32, #tpu.memory_space<vmem>>)
      tpu.yield
    }) : () -> ()
    %mul3A_61 = arith.constant 640 : i32
    %mul3A_62 = arith.muli %arg1, %mul3A_61 : i32
    %run_scoped3A_63 = arith.constant 13 : i32
    %run_scoped3A_64 = arith.constant 13 : i32
    "tpu.region"() ({
      %run_scoped3A_80 = tpu.sem_alloc : memref<!tpu.dma_semaphore, #tpu.memory_space<semaphore_mem>>
      %dma_start3A = arith.constant 0 : i32
      %dma_start3A_81 = tpu.memref_slice %arg6[%run_scoped3A_64, %dma_start3A] : memref<16x640xf32, #tpu.memory_space<vmem>> -> memref<1x640xf32, #tpu.memory_space<vmem>>
      %dma_start3A_82 = tpu.memref_squeeze %dma_start3A_81 : memref<1x640xf32, #tpu.memory_space<vmem>> -> memref<640xf32, #tpu.memory_space<vmem>>
      %dma_start3A_83 = tpu.memref_slice %arg8[%run_scoped3A_63, %mul3A_62] : memref<16x10240xf32, #tpu.memory_space<vmem_shared>> -> memref<1x640xf32, #tpu.memory_space<vmem_shared>>
      %dma_start3A_84 = tpu.memref_squeeze %dma_start3A_83 : memref<1x640xf32, #tpu.memory_space<vmem_shared>> -> memref<640xf32, #tpu.memory_space<vmem_shared>>
      %dma_start3A_85 = arith.constant 0 : i32
      %dma_start3A_86 = tpu.memref_slice %arg6[%run_scoped3A_64, %dma_start3A_85] : memref<16x640xf32, #tpu.memory_space<vmem>> -> memref<1x640xf32, #tpu.memory_space<vmem>>
      %dma_start3A_87 = tpu.memref_squeeze %dma_start3A_86 : memref<1x640xf32, #tpu.memory_space<vmem>> -> memref<640xf32, #tpu.memory_space<vmem>>
      %dma_start3A_88 = tpu.memref_slice %arg8[%run_scoped3A_63, %mul3A_62] : memref<16x10240xf32, #tpu.memory_space<vmem_shared>> -> memref<1x640xf32, #tpu.memory_space<vmem_shared>>
      %dma_start3A_89 = tpu.memref_squeeze %dma_start3A_88 : memref<1x640xf32, #tpu.memory_space<vmem_shared>> -> memref<640xf32, #tpu.memory_space<vmem_shared>>
      tpu.enqueue_dma source(%dma_start3A_89 : memref<640xf32, #tpu.memory_space<vmem_shared>>) target(%dma_start3A_87 : memref<640xf32, #tpu.memory_space<vmem>>) target_semaphore(%run_scoped3A_80 : memref<!tpu.dma_semaphore, #tpu.memory_space<semaphore_mem>>)
      %dma_wait3A = arith.constant 0 : i32
      %dma_wait3A_90 = tpu.memref_slice %arg6[%run_scoped3A_64, %dma_wait3A] : memref<16x640xf32, #tpu.memory_space<vmem>> -> memref<1x640xf32, #tpu.memory_space<vmem>>
      %dma_wait3A_91 = tpu.memref_squeeze %dma_wait3A_90 : memref<1x640xf32, #tpu.memory_space<vmem>> -> memref<640xf32, #tpu.memory_space<vmem>>
      %dma_wait3A_92 = tpu.memref_slice %arg8[%run_scoped3A_63, %mul3A_62] : memref<16x10240xf32, #tpu.memory_space<vmem_shared>> -> memref<1x640xf32, #tpu.memory_space<vmem_shared>>
      %dma_wait3A_93 = tpu.memref_squeeze %dma_wait3A_92 : memref<1x640xf32, #tpu.memory_space<vmem_shared>> -> memref<640xf32, #tpu.memory_space<vmem_shared>>
      %dma_wait3A_94 = arith.constant 0 : i32
      %dma_wait3A_95 = tpu.memref_slice %arg6[%run_scoped3A_64, %dma_wait3A_94] : memref<16x640xf32, #tpu.memory_space<vmem>> -> memref<1x640xf32, #tpu.memory_space<vmem>>
      %dma_wait3A_96 = tpu.memref_squeeze %dma_wait3A_95 : memref<1x640xf32, #tpu.memory_space<vmem>> -> memref<640xf32, #tpu.memory_space<vmem>>
      %dma_wait3A_97 = tpu.memref_slice %arg8[%run_scoped3A_63, %mul3A_62] : memref<16x10240xf32, #tpu.memory_space<vmem_shared>> -> memref<1x640xf32, #tpu.memory_space<vmem_shared>>
      %dma_wait3A_98 = tpu.memref_squeeze %dma_wait3A_97 : memref<1x640xf32, #tpu.memory_space<vmem_shared>> -> memref<640xf32, #tpu.memory_space<vmem_shared>>
      tpu.wait_dma2 semaphore(%run_scoped3A_80 : memref<!tpu.dma_semaphore, #tpu.memory_space<semaphore_mem>>) src(%dma_wait3A_98 : memref<640xf32, #tpu.memory_space<vmem_shared>>) dst(%dma_wait3A_96 : memref<640xf32, #tpu.memory_space<vmem>>)
      tpu.yield
    }) : () -> ()
    %mul3A_65 = arith.constant 640 : i32
    %mul3A_66 = arith.muli %arg1, %mul3A_65 : i32
    %run_scoped3A_67 = arith.constant 14 : i32
    %run_scoped3A_68 = arith.constant 14 : i32
    "tpu.region"() ({
      %run_scoped3A_80 = tpu.sem_alloc : memref<!tpu.dma_semaphore, #tpu.memory_space<semaphore_mem>>
      %dma_start3A = arith.constant 0 : i32
      %dma_start3A_81 = tpu.memref_slice %arg6[%run_scoped3A_68, %dma_start3A] : memref<16x640xf32, #tpu.memory_space<vmem>> -> memref<1x640xf32, #tpu.memory_space<vmem>>
      %dma_start3A_82 = tpu.memref_squeeze %dma_start3A_81 : memref<1x640xf32, #tpu.memory_space<vmem>> -> memref<640xf32, #tpu.memory_space<vmem>>
      %dma_start3A_83 = tpu.memref_slice %arg8[%run_scoped3A_67, %mul3A_66] : memref<16x10240xf32, #tpu.memory_space<vmem_shared>> -> memref<1x640xf32, #tpu.memory_space<vmem_shared>>
      %dma_start3A_84 = tpu.memref_squeeze %dma_start3A_83 : memref<1x640xf32, #tpu.memory_space<vmem_shared>> -> memref<640xf32, #tpu.memory_space<vmem_shared>>
      %dma_start3A_85 = arith.constant 0 : i32
      %dma_start3A_86 = tpu.memref_slice %arg6[%run_scoped3A_68, %dma_start3A_85] : memref<16x640xf32, #tpu.memory_space<vmem>> -> memref<1x640xf32, #tpu.memory_space<vmem>>
      %dma_start3A_87 = tpu.memref_squeeze %dma_start3A_86 : memref<1x640xf32, #tpu.memory_space<vmem>> -> memref<640xf32, #tpu.memory_space<vmem>>
      %dma_start3A_88 = tpu.memref_slice %arg8[%run_scoped3A_67, %mul3A_66] : memref<16x10240xf32, #tpu.memory_space<vmem_shared>> -> memref<1x640xf32, #tpu.memory_space<vmem_shared>>
      %dma_start3A_89 = tpu.memref_squeeze %dma_start3A_88 : memref<1x640xf32, #tpu.memory_space<vmem_shared>> -> memref<640xf32, #tpu.memory_space<vmem_shared>>
      tpu.enqueue_dma source(%dma_start3A_89 : memref<640xf32, #tpu.memory_space<vmem_shared>>) target(%dma_start3A_87 : memref<640xf32, #tpu.memory_space<vmem>>) target_semaphore(%run_scoped3A_80 : memref<!tpu.dma_semaphore, #tpu.memory_space<semaphore_mem>>)
      %dma_wait3A = arith.constant 0 : i32
      %dma_wait3A_90 = tpu.memref_slice %arg6[%run_scoped3A_68, %dma_wait3A] : memref<16x640xf32, #tpu.memory_space<vmem>> -> memref<1x640xf32, #tpu.memory_space<vmem>>
      %dma_wait3A_91 = tpu.memref_squeeze %dma_wait3A_90 : memref<1x640xf32, #tpu.memory_space<vmem>> -> memref<640xf32, #tpu.memory_space<vmem>>
      %dma_wait3A_92 = tpu.memref_slice %arg8[%run_scoped3A_67, %mul3A_66] : memref<16x10240xf32, #tpu.memory_space<vmem_shared>> -> memref<1x640xf32, #tpu.memory_space<vmem_shared>>
      %dma_wait3A_93 = tpu.memref_squeeze %dma_wait3A_92 : memref<1x640xf32, #tpu.memory_space<vmem_shared>> -> memref<640xf32, #tpu.memory_space<vmem_shared>>
      %dma_wait3A_94 = arith.constant 0 : i32
      %dma_wait3A_95 = tpu.memref_slice %arg6[%run_scoped3A_68, %dma_wait3A_94] : memref<16x640xf32, #tpu.memory_space<vmem>> -> memref<1x640xf32, #tpu.memory_space<vmem>>
      %dma_wait3A_96 = tpu.memref_squeeze %dma_wait3A_95 : memref<1x640xf32, #tpu.memory_space<vmem>> -> memref<640xf32, #tpu.memory_space<vmem>>
      %dma_wait3A_97 = tpu.memref_slice %arg8[%run_scoped3A_67, %mul3A_66] : memref<16x10240xf32, #tpu.memory_space<vmem_shared>> -> memref<1x640xf32, #tpu.memory_space<vmem_shared>>
      %dma_wait3A_98 = tpu.memref_squeeze %dma_wait3A_97 : memref<1x640xf32, #tpu.memory_space<vmem_shared>> -> memref<640xf32, #tpu.memory_space<vmem_shared>>
      tpu.wait_dma2 semaphore(%run_scoped3A_80 : memref<!tpu.dma_semaphore, #tpu.memory_space<semaphore_mem>>) src(%dma_wait3A_98 : memref<640xf32, #tpu.memory_space<vmem_shared>>) dst(%dma_wait3A_96 : memref<640xf32, #tpu.memory_space<vmem>>)
      tpu.yield
    }) : () -> ()
    %mul3A_69 = arith.constant 640 : i32
    %mul3A_70 = arith.muli %arg1, %mul3A_69 : i32
    %run_scoped3A_71 = arith.constant 15 : i32
    %run_scoped3A_72 = arith.constant 15 : i32
    "tpu.region"() ({
      %run_scoped3A_80 = tpu.sem_alloc : memref<!tpu.dma_semaphore, #tpu.memory_space<semaphore_mem>>
      %dma_start3A = arith.constant 0 : i32
      %dma_start3A_81 = tpu.memref_slice %arg6[%run_scoped3A_72, %dma_start3A] : memref<16x640xf32, #tpu.memory_space<vmem>> -> memref<1x640xf32, #tpu.memory_space<vmem>>
      %dma_start3A_82 = tpu.memref_squeeze %dma_start3A_81 : memref<1x640xf32, #tpu.memory_space<vmem>> -> memref<640xf32, #tpu.memory_space<vmem>>
      %dma_start3A_83 = tpu.memref_slice %arg8[%run_scoped3A_71, %mul3A_70] : memref<16x10240xf32, #tpu.memory_space<vmem_shared>> -> memref<1x640xf32, #tpu.memory_space<vmem_shared>>
      %dma_start3A_84 = tpu.memref_squeeze %dma_start3A_83 : memref<1x640xf32, #tpu.memory_space<vmem_shared>> -> memref<640xf32, #tpu.memory_space<vmem_shared>>
      %dma_start3A_85 = arith.constant 0 : i32
      %dma_start3A_86 = tpu.memref_slice %arg6[%run_scoped3A_72, %dma_start3A_85] : memref<16x640xf32, #tpu.memory_space<vmem>> -> memref<1x640xf32, #tpu.memory_space<vmem>>
      %dma_start3A_87 = tpu.memref_squeeze %dma_start3A_86 : memref<1x640xf32, #tpu.memory_space<vmem>> -> memref<640xf32, #tpu.memory_space<vmem>>
      %dma_start3A_88 = tpu.memref_slice %arg8[%run_scoped3A_71, %mul3A_70] : memref<16x10240xf32, #tpu.memory_space<vmem_shared>> -> memref<1x640xf32, #tpu.memory_space<vmem_shared>>
      %dma_start3A_89 = tpu.memref_squeeze %dma_start3A_88 : memref<1x640xf32, #tpu.memory_space<vmem_shared>> -> memref<640xf32, #tpu.memory_space<vmem_shared>>
      tpu.enqueue_dma source(%dma_start3A_89 : memref<640xf32, #tpu.memory_space<vmem_shared>>) target(%dma_start3A_87 : memref<640xf32, #tpu.memory_space<vmem>>) target_semaphore(%run_scoped3A_80 : memref<!tpu.dma_semaphore, #tpu.memory_space<semaphore_mem>>)
      %dma_wait3A = arith.constant 0 : i32
      %dma_wait3A_90 = tpu.memref_slice %arg6[%run_scoped3A_72, %dma_wait3A] : memref<16x640xf32, #tpu.memory_space<vmem>> -> memref<1x640xf32, #tpu.memory_space<vmem>>
      %dma_wait3A_91 = tpu.memref_squeeze %dma_wait3A_90 : memref<1x640xf32, #tpu.memory_space<vmem>> -> memref<640xf32, #tpu.memory_space<vmem>>
      %dma_wait3A_92 = tpu.memref_slice %arg8[%run_scoped3A_71, %mul3A_70] : memref<16x10240xf32, #tpu.memory_space<vmem_shared>> -> memref<1x640xf32, #tpu.memory_space<vmem_shared>>
      %dma_wait3A_93 = tpu.memref_squeeze %dma_wait3A_92 : memref<1x640xf32, #tpu.memory_space<vmem_shared>> -> memref<640xf32, #tpu.memory_space<vmem_shared>>
      %dma_wait3A_94 = arith.constant 0 : i32
      %dma_wait3A_95 = tpu.memref_slice %arg6[%run_scoped3A_72, %dma_wait3A_94] : memref<16x640xf32, #tpu.memory_space<vmem>> -> memref<1x640xf32, #tpu.memory_space<vmem>>
      %dma_wait3A_96 = tpu.memref_squeeze %dma_wait3A_95 : memref<1x640xf32, #tpu.memory_space<vmem>> -> memref<640xf32, #tpu.memory_space<vmem>>
      %dma_wait3A_97 = tpu.memref_slice %arg8[%run_scoped3A_71, %mul3A_70] : memref<16x10240xf32, #tpu.memory_space<vmem_shared>> -> memref<1x640xf32, #tpu.memory_space<vmem_shared>>
      %dma_wait3A_98 = tpu.memref_squeeze %dma_wait3A_97 : memref<1x640xf32, #tpu.memory_space<vmem_shared>> -> memref<640xf32, #tpu.memory_space<vmem_shared>>
      tpu.wait_dma2 semaphore(%run_scoped3A_80 : memref<!tpu.dma_semaphore, #tpu.memory_space<semaphore_mem>>) src(%dma_wait3A_98 : memref<640xf32, #tpu.memory_space<vmem_shared>>) dst(%dma_wait3A_96 : memref<640xf32, #tpu.memory_space<vmem>>)
      tpu.yield
    }) : () -> ()
    %scan3A_73 = arith.constant 0 : i32
    %scan3A_74 = arith.constant 40 : i32
    %scan3A_75 = arith.addi %scan3A_73, %scan3A_74 : i32
    %scan3A_76 = arith.constant 1 : i32
    scf.for %scan3A_80 = %scan3A_73 to %scan3A_75 step %scan3A_76  : i32 {
      %mul3A_81 = arith.constant 1 : i32
      %mul3A_82 = arith.muli %scan3A_80, %mul3A_81 : i32
      %add3A_83 = arith.constant 0 : i32
      %add3A_84 = arith.addi %add3A_83, %mul3A_82 : i32
      %mul3A_85 = arith.constant 16 : i32
      %mul3A_86 = arith.muli %add3A_84, %mul3A_85 : i32
      %get3A = arith.constant 0 : i32
      %get3A_87 = arith.index_cast %get3A : i32 to index
      %get3A_88 = arith.index_cast %mul3A_86 : i32 to index
      %get3A_89 = tpu.vector_load %arg6[%get3A_87, %get3A_88] {strides = array<i32>} : memref<16x640xf32, #tpu.memory_space<vmem>>, vector<16xf32>,
      %mul3A_90 = arith.constant 16 : i32
      %mul3A_91 = arith.muli %add3A_84, %mul3A_90 : i32
      %get3A_92 = arith.constant 1 : i32
      %get3A_93 = arith.index_cast %get3A_92 : i32 to index
      %get3A_94 = arith.index_cast %mul3A_91 : i32 to index
      %get3A_95 = tpu.vector_load %arg6[%get3A_93, %get3A_94] {strides = array<i32>} : memref<16x640xf32, #tpu.memory_space<vmem>>, vector<16xf32>,
      %add3A_96 = arith.addf %get3A_89, %get3A_95 : vector<16xf32>
      %mul3A_97 = arith.constant 16 : i32
      %mul3A_98 = arith.muli %add3A_84, %mul3A_97 : i32
      %get3A_99 = arith.constant 2 : i32
      %get3A_100 = arith.index_cast %get3A_99 : i32 to index
      %get3A_101 = arith.index_cast %mul3A_98 : i32 to index
      %get3A_102 = tpu.vector_load %arg6[%get3A_100, %get3A_101] {strides = array<i32>} : memref<16x640xf32, #tpu.memory_space<vmem>>, vector<16xf32>,
      %add3A_103 = arith.addf %add3A_96, %get3A_102 : vector<16xf32>
      %mul3A_104 = arith.constant 16 : i32
      %mul3A_105 = arith.muli %add3A_84, %mul3A_104 : i32
      %get3A_106 = arith.constant 3 : i32
      %get3A_107 = arith.index_cast %get3A_106 : i32 to index
      %get3A_108 = arith.index_cast %mul3A_105 : i32 to index
      %get3A_109 = tpu.vector_load %arg6[%get3A_107, %get3A_108] {strides = array<i32>} : memref<16x640xf32, #tpu.memory_space<vmem>>, vector<16xf32>,
      %add3A_110 = arith.addf %add3A_103, %get3A_109 : vector<16xf32>
      %mul3A_111 = arith.constant 16 : i32
      %mul3A_112 = arith.muli %add3A_84, %mul3A_111 : i32
      %get3A_113 = arith.constant 4 : i32
      %get3A_114 = arith.index_cast %get3A_113 : i32 to index
      %get3A_115 = arith.index_cast %mul3A_112 : i32 to index
      %get3A_116 = tpu.vector_load %arg6[%get3A_114, %get3A_115] {strides = array<i32>} : memref<16x640xf32, #tpu.memory_space<vmem>>, vector<16xf32>,
      %add3A_117 = arith.addf %add3A_110, %get3A_116 : vector<16xf32>
      %mul3A_118 = arith.constant 16 : i32
      %mul3A_119 = arith.muli %add3A_84, %mul3A_118 : i32
      %get3A_120 = arith.constant 5 : i32
      %get3A_121 = arith.index_cast %get3A_120 : i32 to index
      %get3A_122 = arith.index_cast %mul3A_119 : i32 to index
      %get3A_123 = tpu.vector_load %arg6[%get3A_121, %get3A_122] {strides = array<i32>} : memref<16x640xf32, #tpu.memory_space<vmem>>, vector<16xf32>,
      %add3A_124 = arith.addf %add3A_117, %get3A_123 : vector<16xf32>
      %mul3A_125 = arith.constant 16 : i32
      %mul3A_126 = arith.muli %add3A_84, %mul3A_125 : i32
      %get3A_127 = arith.constant 6 : i32
      %get3A_128 = arith.index_cast %get3A_127 : i32 to index
      %get3A_129 = arith.index_cast %mul3A_126 : i32 to index
      %get3A_130 = tpu.vector_load %arg6[%get3A_128, %get3A_129] {strides = array<i32>} : memref<16x640xf32, #tpu.memory_space<vmem>>, vector<16xf32>,
      %add3A_131 = arith.addf %add3A_124, %get3A_130 : vector<16xf32>
      %mul3A_132 = arith.constant 16 : i32
      %mul3A_133 = arith.muli %add3A_84, %mul3A_132 : i32
      %get3A_134 = arith.constant 7 : i32
      %get3A_135 = arith.index_cast %get3A_134 : i32 to index
      %get3A_136 = arith.index_cast %mul3A_133 : i32 to index
      %get3A_137 = tpu.vector_load %arg6[%get3A_135, %get3A_136] {strides = array<i32>} : memref<16x640xf32, #tpu.memory_space<vmem>>, vector<16xf32>,
      %add3A_138 = arith.addf %add3A_131, %get3A_137 : vector<16xf32>
      %mul3A_139 = arith.constant 16 : i32
      %mul3A_140 = arith.muli %add3A_84, %mul3A_139 : i32
      %get3A_141 = arith.constant 8 : i32
      %get3A_142 = arith.index_cast %get3A_141 : i32 to index
      %get3A_143 = arith.index_cast %mul3A_140 : i32 to index
      %get3A_144 = tpu.vector_load %arg6[%get3A_142, %get3A_143] {strides = array<i32>} : memref<16x640xf32, #tpu.memory_space<vmem>>, vector<16xf32>,
      %add3A_145 = arith.addf %add3A_138, %get3A_144 : vector<16xf32>
      %mul3A_146 = arith.constant 16 : i32
      %mul3A_147 = arith.muli %add3A_84, %mul3A_146 : i32
      %get3A_148 = arith.constant 9 : i32
      %get3A_149 = arith.index_cast %get3A_148 : i32 to index
      %get3A_150 = arith.index_cast %mul3A_147 : i32 to index
      %get3A_151 = tpu.vector_load %arg6[%get3A_149, %get3A_150] {strides = array<i32>} : memref<16x640xf32, #tpu.memory_space<vmem>>, vector<16xf32>,
      %add3A_152 = arith.addf %add3A_145, %get3A_151 : vector<16xf32>
      %mul3A_153 = arith.constant 16 : i32
      %mul3A_154 = arith.muli %add3A_84, %mul3A_153 : i32
      %get3A_155 = arith.constant 10 : i32
      %get3A_156 = arith.index_cast %get3A_155 : i32 to index
      %get3A_157 = arith.index_cast %mul3A_154 : i32 to index
      %get3A_158 = tpu.vector_load %arg6[%get3A_156, %get3A_157] {strides = array<i32>} : memref<16x640xf32, #tpu.memory_space<vmem>>, vector<16xf32>,
      %add3A_159 = arith.addf %add3A_152, %get3A_158 : vector<16xf32>
      %mul3A_160 = arith.constant 16 : i32
      %mul3A_161 = arith.muli %add3A_84, %mul3A_160 : i32
      %get3A_162 = arith.constant 11 : i32
      %get3A_163 = arith.index_cast %get3A_162 : i32 to index
      %get3A_164 = arith.index_cast %mul3A_161 : i32 to index
      %get3A_165 = tpu.vector_load %arg6[%get3A_163, %get3A_164] {strides = array<i32>} : memref<16x640xf32, #tpu.memory_space<vmem>>, vector<16xf32>,
      %add3A_166 = arith.addf %add3A_159, %get3A_165 : vector<16xf32>
      %mul3A_167 = arith.constant 16 : i32
      %mul3A_168 = arith.muli %add3A_84, %mul3A_167 : i32
      %get3A_169 = arith.constant 12 : i32
      %get3A_170 = arith.index_cast %get3A_169 : i32 to index
      %get3A_171 = arith.index_cast %mul3A_168 : i32 to index
      %get3A_172 = tpu.vector_load %arg6[%get3A_170, %get3A_171] {strides = array<i32>} : memref<16x640xf32, #tpu.memory_space<vmem>>, vector<16xf32>,
      %add3A_173 = arith.addf %add3A_166, %get3A_172 : vector<16xf32>
      %mul3A_174 = arith.constant 16 : i32
      %mul3A_175 = arith.muli %add3A_84, %mul3A_174 : i32
      %get3A_176 = arith.constant 13 : i32
      %get3A_177 = arith.index_cast %get3A_176 : i32 to index
      %get3A_178 = arith.index_cast %mul3A_175 : i32 to index
      %get3A_179 = tpu.vector_load %arg6[%get3A_177, %get3A_178] {strides = array<i32>} : memref<16x640xf32, #tpu.memory_space<vmem>>, vector<16xf32>,
      %add3A_180 = arith.addf %add3A_173, %get3A_179 : vector<16xf32>
      %mul3A_181 = arith.constant 16 : i32
      %mul3A_182 = arith.muli %add3A_84, %mul3A_181 : i32
      %get3A_183 = arith.constant 14 : i32
      %get3A_184 = arith.index_cast %get3A_183 : i32 to index
      %get3A_185 = arith.index_cast %mul3A_182 : i32 to index
      %get3A_186 = tpu.vector_load %arg6[%get3A_184, %get3A_185] {strides = array<i32>} : memref<16x640xf32, #tpu.memory_space<vmem>>, vector<16xf32>,
      %add3A_187 = arith.addf %add3A_180, %get3A_186 : vector<16xf32>
      %mul3A_188 = arith.constant 16 : i32
      %mul3A_189 = arith.muli %add3A_84, %mul3A_188 : i32
      %get3A_190 = arith.constant 15 : i32
      %get3A_191 = arith.index_cast %get3A_190 : i32 to index
      %get3A_192 = arith.index_cast %mul3A_189 : i32 to index
      %get3A_193 = tpu.vector_load %arg6[%get3A_191, %get3A_192] {strides = array<i32>} : memref<16x640xf32, #tpu.memory_space<vmem>>, vector<16xf32>,
      %add3A_194 = arith.addf %add3A_187, %get3A_193 : vector<16xf32>
      %mul3A_195 = arith.constant 16 : i32
      %mul3A_196 = arith.muli %add3A_84, %mul3A_195 : i32
      %swap3A = arith.index_cast %mul3A_196 : i32 to index
      %swap3A_197 = tpu.vector_load %arg7[%swap3A] {strides = array<i32>} : memref<640xf32, #tpu.memory_space<vmem>>, vector<16xf32>,
      tpu.vector_store %arg7[%swap3A], %add3A_194 {strides = array<i32>} : memref<640xf32, #tpu.memory_space<vmem>>, vector<16xf32>,
    }
    %scan3A_77 = arith.constant 40 : i32
    %mul3A_78 = arith.constant 640 : i32
    %mul3A_79 = arith.muli %arg1, %mul3A_78 : i32
    "tpu.region"() ({
      %run_scoped3A_80 = tpu.sem_alloc : memref<!tpu.dma_semaphore, #tpu.memory_space<semaphore_mem>>
      %dma_start3A = tpu.memref_slice %arg3[%arg0, %mul3A_79] : memref<2x10240xf32, #tpu.memory_space<hbm>> -> memref<1x640xf32, #tpu.memory_space<hbm>>
      %dma_start3A_81 = tpu.memref_squeeze %dma_start3A : memref<1x640xf32, #tpu.memory_space<hbm>> -> memref<640xf32, #tpu.memory_space<hbm>>
      %dma_start3A_82 = tpu.memref_slice %arg3[%arg0, %mul3A_79] : memref<2x10240xf32, #tpu.memory_space<hbm>> -> memref<1x640xf32, #tpu.memory_space<hbm>>
      %dma_start3A_83 = tpu.memref_squeeze %dma_start3A_82 : memref<1x640xf32, #tpu.memory_space<hbm>> -> memref<640xf32, #tpu.memory_space<hbm>>
      tpu.enqueue_dma source(%arg7 : memref<640xf32, #tpu.memory_space<vmem>>) target(%dma_start3A_83 : memref<640xf32, #tpu.memory_space<hbm>>) target_semaphore(%run_scoped3A_80 : memref<!tpu.dma_semaphore, #tpu.memory_space<semaphore_mem>>)
      %dma_wait3A = tpu.memref_slice %arg3[%arg0, %mul3A_79] : memref<2x10240xf32, #tpu.memory_space<hbm>> -> memref<1x640xf32, #tpu.memory_space<hbm>>
      %dma_wait3A_84 = tpu.memref_squeeze %dma_wait3A : memref<1x640xf32, #tpu.memory_space<hbm>> -> memref<640xf32, #tpu.memory_space<hbm>>
      %dma_wait3A_85 = tpu.memref_slice %arg3[%arg0, %mul3A_79] : memref<2x10240xf32, #tpu.memory_space<hbm>> -> memref<1x640xf32, #tpu.memory_space<hbm>>
      %dma_wait3A_86 = tpu.memref_squeeze %dma_wait3A_85 : memref<1x640xf32, #tpu.memory_space<hbm>> -> memref<640xf32, #tpu.memory_space<hbm>>
      tpu.wait_dma2 semaphore(%run_scoped3A_80 : memref<!tpu.dma_semaphore, #tpu.memory_space<semaphore_mem>>) src(%arg7 : memref<640xf32, #tpu.memory_space<vmem>>) dst(%dma_wait3A_86 : memref<640xf32, #tpu.memory_space<hbm>>)
      tpu.yield
    }) : () -> ()
    return
  }
}

#map = affine_map<(d0, d1) -> (0, 0)>
#map1 = affine_map<(d0, d1) -> (0, 0, 0, 0)>
#map2 = affine_map<(d0, d1) -> (0, 0, 0)>
module attributes {stable_mosaic.version = 14 : i64} {
  func.func @k(%arg0: i32, %arg1: i32, %arg2: memref<10000x128xf32, #tpu.memory_space<hbm>>, %arg3: memref<32x5x18x112xi32, #tpu.memory_space<hbm>>, %arg4: memref<32x5x18x112xi32, #tpu.memory_space<hbm>>, %arg5: memref<2x10240x128xf32, #tpu.memory_space<hbm>>, %arg6: memref<18x112xi32, #tpu.memory_space<vmem>>, %arg7: memref<18x112xi32, #tpu.memory_space<vmem>>, %arg8: memref<112x128xf32, #tpu.memory_space<vmem>>, %arg9: memref<112x128xf32, #tpu.memory_space<vmem>>, %arg10: memref<112x128xf32, #tpu.memory_space<vmem>>, %arg11: memref<10240x128xf32, #tpu.memory_space<vmem_shared>>, %arg12: memref<!tpu.dma_semaphore, #tpu.memory_space<semaphore_mem>>, %arg13: memref<!tpu.dma_semaphore, #tpu.memory_space<semaphore_mem>>, %arg14: memref<!tpu.dma_semaphore, #tpu.memory_space<semaphore_mem>>) attributes {dimension_semantics = [#tpu.dimension_semantics<core_parallel>, #tpu.dimension_semantics<subcore_parallel>], iteration_bounds = array<i64: 2, 16>, scalar_prefetch = 0 : i64, scratch_operands = 9 : i64, tpu.core_type = #tpu.core_type<sc_vector_subcore>, window_params = [{transform_indices = #map}, {transform_indices = #map1}, {transform_indices = #map1}, {transform_indices = #map2}]} {
    %mul3A = arith.constant 2 : i32
    %mul3A_0 = arith.muli %arg1, %mul3A : i32
    %add3A = arith.addi %mul3A_0, %arg0 : i32
    %scan3A = arith.constant 0 : i32
    %scan3A_1 = arith.constant 16 : i32
    %scan3A_2 = arith.addi %scan3A, %scan3A_1 : i32
    %scan3A_3 = arith.constant 1 : i32
    scf.for %scan3A_20 = %scan3A to %scan3A_2 step %scan3A_3  : i32 {
      %mul3A_21 = arith.constant 1 : i32
      %mul3A_22 = arith.muli %scan3A_20, %mul3A_21 : i32
      %add3A_23 = arith.constant 0 : i32
      %add3A_24 = arith.addi %add3A_23, %mul3A_22 : i32
      %scan3A_25 = arith.constant 0 : i32
      %scan3A_26 = arith.constant 8 : i32
      %scan3A_27 = arith.addi %scan3A_25, %scan3A_26 : i32
      %scan3A_28 = arith.constant 1 : i32
      scf.for %scan3A_30 = %scan3A_25 to %scan3A_27 step %scan3A_28  : i32 {
        %mul3A_31 = arith.constant 1 : i32
        %mul3A_32 = arith.muli %scan3A_30, %mul3A_31 : i32
        %add3A_33 = arith.constant 0 : i32
        %add3A_34 = arith.addi %add3A_33, %mul3A_32 : i32
        %broadcast_in_dim3A = arith.constant 0.000000e+00 : f32
        %broadcast_in_dim3A_35 = vector.broadcast %broadcast_in_dim3A : f32 to vector<16xf32>
        %mul3A_36 = arith.constant 16 : i32
        %mul3A_37 = arith.muli %add3A_34, %mul3A_36 : i32
        %swap3A = arith.index_cast %add3A_24 : i32 to index
        %swap3A_38 = arith.index_cast %mul3A_37 : i32 to index
        %swap3A_39 = tpu.vector_load %arg8[%swap3A, %swap3A_38] {strides = array<i32>} : memref<112x128xf32, #tpu.memory_space<vmem>>, vector<1x16xf32>,
        %swap3A_40 = vector.shape_cast %swap3A_39 : vector<1x16xf32> to vector<16xf32>
        %swap3A_41 = vector.shape_cast %broadcast_in_dim3A_35 : vector<16xf32> to vector<1x16xf32>
        tpu.vector_store %arg8[%swap3A, %swap3A_38], %swap3A_41 {strides = array<i32>} : memref<112x128xf32, #tpu.memory_space<vmem>>, vector<1x16xf32>,
      }
      %scan3A_29 = arith.constant 8 : i32
    }
    %scan3A_4 = arith.constant 16 : i32
    %scan3A_5 = arith.constant 0 : i32
    %scan3A_6 = arith.constant 40 : i32
    %scan3A_7 = arith.addi %scan3A_5, %scan3A_6 : i32
    %scan3A_8 = arith.constant 1 : i32
    scf.for %scan3A_20 = %scan3A_5 to %scan3A_7 step %scan3A_8  : i32 {
      %mul3A_21 = arith.constant 1 : i32
      %mul3A_22 = arith.muli %scan3A_20, %mul3A_21 : i32
      %add3A_23 = arith.constant 0 : i32
      %add3A_24 = arith.addi %add3A_23, %mul3A_22 : i32
      %mul3A_25 = arith.constant 640 : i32
      %mul3A_26 = arith.muli %arg1, %mul3A_25 : i32
      %mul3A_27 = arith.constant 16 : i32
      %mul3A_28 = arith.muli %add3A_24, %mul3A_27 : i32
      %add3A_29 = arith.addi %mul3A_26, %mul3A_28 : i32
      "tpu.region"() ({
        %run_scoped3A = tpu.sem_alloc : memref<!tpu.dma_semaphore, #tpu.memory_space<semaphore_mem>>
        %dma_start3A = arith.constant 0 : i32
        %dma_start3A_30 = arith.constant 0 : i32
        %dma_start3A_31 = tpu.memref_slice %arg8[%dma_start3A, %dma_start3A_30] : memref<112x128xf32, #tpu.memory_space<vmem>> -> memref<16x128xf32, #tpu.memory_space<vmem>>
        %dma_start3A_32 = arith.constant 0 : i32
        %dma_start3A_33 = tpu.memref_slice %arg11[%add3A_29, %dma_start3A_32] : memref<10240x128xf32, #tpu.memory_space<vmem_shared>> -> memref<16x128xf32, #tpu.memory_space<vmem_shared>>
        %dma_start3A_34 = arith.constant 0 : i32
        %dma_start3A_35 = tpu.memref_slice %arg11[%add3A_29, %dma_start3A_34] : memref<10240x128xf32, #tpu.memory_space<vmem_shared>> -> memref<16x128xf32, #tpu.memory_space<vmem_shared>>
        %dma_start3A_36 = arith.constant 0 : i32
        %dma_start3A_37 = arith.constant 0 : i32
        %dma_start3A_38 = tpu.memref_slice %arg8[%dma_start3A_36, %dma_start3A_37] : memref<112x128xf32, #tpu.memory_space<vmem>> -> memref<16x128xf32, #tpu.memory_space<vmem>>
        tpu.enqueue_dma source(%dma_start3A_38 : memref<16x128xf32, #tpu.memory_space<vmem>>) target(%dma_start3A_35 : memref<16x128xf32, #tpu.memory_space<vmem_shared>>) target_semaphore(%run_scoped3A : memref<!tpu.dma_semaphore, #tpu.memory_space<semaphore_mem>>)
        %dma_wait3A = arith.constant 0 : i32
        %dma_wait3A_39 = arith.constant 0 : i32
        %dma_wait3A_40 = tpu.memref_slice %arg8[%dma_wait3A, %dma_wait3A_39] : memref<112x128xf32, #tpu.memory_space<vmem>> -> memref<16x128xf32, #tpu.memory_space<vmem>>
        %dma_wait3A_41 = arith.constant 0 : i32
        %dma_wait3A_42 = tpu.memref_slice %arg11[%add3A_29, %dma_wait3A_41] : memref<10240x128xf32, #tpu.memory_space<vmem_shared>> -> memref<16x128xf32, #tpu.memory_space<vmem_shared>>
        %dma_wait3A_43 = arith.constant 0 : i32
        %dma_wait3A_44 = tpu.memref_slice %arg11[%add3A_29, %dma_wait3A_43] : memref<10240x128xf32, #tpu.memory_space<vmem_shared>> -> memref<16x128xf32, #tpu.memory_space<vmem_shared>>
        %dma_wait3A_45 = arith.constant 0 : i32
        %dma_wait3A_46 = arith.constant 0 : i32
        %dma_wait3A_47 = tpu.memref_slice %arg8[%dma_wait3A_45, %dma_wait3A_46] : memref<112x128xf32, #tpu.memory_space<vmem>> -> memref<16x128xf32, #tpu.memory_space<vmem>>
        tpu.wait_dma2 semaphore(%run_scoped3A : memref<!tpu.dma_semaphore, #tpu.memory_space<semaphore_mem>>) src(%dma_wait3A_47 : memref<16x128xf32, #tpu.memory_space<vmem>>) dst(%dma_wait3A_44 : memref<16x128xf32, #tpu.memory_space<vmem_shared>>)
        tpu.yield
      }) : () -> ()
    }
    %scan3A_9 = arith.constant 40 : i32
    %barrier3A = arith.constant 0 : index
    tpu.barrier barrier_id(%barrier3A)
    %scan3A_10 = arith.constant 0 : i32
    %scan3A_11 = arith.constant 5 : i32
    %scan3A_12 = arith.addi %scan3A_10, %scan3A_11 : i32
    %scan3A_13 = arith.constant 1 : i32
    scf.for %scan3A_20 = %scan3A_10 to %scan3A_12 step %scan3A_13  : i32 {
      %mul3A_21 = arith.constant 1 : i32
      %mul3A_22 = arith.muli %scan3A_20, %mul3A_21 : i32
      %add3A_23 = arith.constant 0 : i32
      %add3A_24 = arith.addi %add3A_23, %mul3A_22 : i32
      "tpu.region"() ({
        %run_scoped3A = tpu.sem_alloc : memref<!tpu.dma_semaphore, #tpu.memory_space<semaphore_mem>>
        %dma_start3A_43 = arith.constant 0 : i32
        %dma_start3A_44 = arith.constant 0 : i32
        %dma_start3A_45 = tpu.memref_slice %arg3[%add3A, %add3A_24, %dma_start3A_43, %dma_start3A_44] : memref<32x5x18x112xi32, #tpu.memory_space<hbm>> -> memref<1x1x18x112xi32, #tpu.memory_space<hbm>>
        %dma_start3A_46 = tpu.memref_squeeze %dma_start3A_45 : memref<1x1x18x112xi32, #tpu.memory_space<hbm>> -> memref<18x112xi32, #tpu.memory_space<hbm>>
        %dma_start3A_47 = arith.constant 0 : i32
        %dma_start3A_48 = arith.constant 0 : i32
        %dma_start3A_49 = tpu.memref_slice %arg3[%add3A, %add3A_24, %dma_start3A_47, %dma_start3A_48] : memref<32x5x18x112xi32, #tpu.memory_space<hbm>> -> memref<1x1x18x112xi32, #tpu.memory_space<hbm>>
        %dma_start3A_50 = tpu.memref_squeeze %dma_start3A_49 : memref<1x1x18x112xi32, #tpu.memory_space<hbm>> -> memref<18x112xi32, #tpu.memory_space<hbm>>
        tpu.enqueue_dma source(%dma_start3A_50 : memref<18x112xi32, #tpu.memory_space<hbm>>) target(%arg6 : memref<18x112xi32, #tpu.memory_space<vmem>>) target_semaphore(%run_scoped3A : memref<!tpu.dma_semaphore, #tpu.memory_space<semaphore_mem>>)
        %dma_wait3A = arith.constant 0 : i32
        %dma_wait3A_51 = arith.constant 0 : i32
        %dma_wait3A_52 = tpu.memref_slice %arg3[%add3A, %add3A_24, %dma_wait3A, %dma_wait3A_51] : memref<32x5x18x112xi32, #tpu.memory_space<hbm>> -> memref<1x1x18x112xi32, #tpu.memory_space<hbm>>
        %dma_wait3A_53 = tpu.memref_squeeze %dma_wait3A_52 : memref<1x1x18x112xi32, #tpu.memory_space<hbm>> -> memref<18x112xi32, #tpu.memory_space<hbm>>
        %dma_wait3A_54 = arith.constant 0 : i32
        %dma_wait3A_55 = arith.constant 0 : i32
        %dma_wait3A_56 = tpu.memref_slice %arg3[%add3A, %add3A_24, %dma_wait3A_54, %dma_wait3A_55] : memref<32x5x18x112xi32, #tpu.memory_space<hbm>> -> memref<1x1x18x112xi32, #tpu.memory_space<hbm>>
        %dma_wait3A_57 = tpu.memref_squeeze %dma_wait3A_56 : memref<1x1x18x112xi32, #tpu.memory_space<hbm>> -> memref<18x112xi32, #tpu.memory_space<hbm>>
        tpu.wait_dma2 semaphore(%run_scoped3A : memref<!tpu.dma_semaphore, #tpu.memory_space<semaphore_mem>>) src(%dma_wait3A_57 : memref<18x112xi32, #tpu.memory_space<hbm>>) dst(%arg6 : memref<18x112xi32, #tpu.memory_space<vmem>>)
        tpu.yield
      }) : () -> ()
      "tpu.region"() ({
        %run_scoped3A = tpu.sem_alloc : memref<!tpu.dma_semaphore, #tpu.memory_space<semaphore_mem>>
        %dma_start3A_43 = arith.constant 0 : i32
        %dma_start3A_44 = arith.constant 0 : i32
        %dma_start3A_45 = tpu.memref_slice %arg4[%add3A, %add3A_24, %dma_start3A_43, %dma_start3A_44] : memref<32x5x18x112xi32, #tpu.memory_space<hbm>> -> memref<1x1x18x112xi32, #tpu.memory_space<hbm>>
        %dma_start3A_46 = tpu.memref_squeeze %dma_start3A_45 : memref<1x1x18x112xi32, #tpu.memory_space<hbm>> -> memref<18x112xi32, #tpu.memory_space<hbm>>
        %dma_start3A_47 = arith.constant 0 : i32
        %dma_start3A_48 = arith.constant 0 : i32
        %dma_start3A_49 = tpu.memref_slice %arg4[%add3A, %add3A_24, %dma_start3A_47, %dma_start3A_48] : memref<32x5x18x112xi32, #tpu.memory_space<hbm>> -> memref<1x1x18x112xi32, #tpu.memory_space<hbm>>
        %dma_start3A_50 = tpu.memref_squeeze %dma_start3A_49 : memref<1x1x18x112xi32, #tpu.memory_space<hbm>> -> memref<18x112xi32, #tpu.memory_space<hbm>>
        tpu.enqueue_dma source(%dma_start3A_50 : memref<18x112xi32, #tpu.memory_space<hbm>>) target(%arg7 : memref<18x112xi32, #tpu.memory_space<vmem>>) target_semaphore(%run_scoped3A : memref<!tpu.dma_semaphore, #tpu.memory_space<semaphore_mem>>)
        %dma_wait3A = arith.constant 0 : i32
        %dma_wait3A_51 = arith.constant 0 : i32
        %dma_wait3A_52 = tpu.memref_slice %arg4[%add3A, %add3A_24, %dma_wait3A, %dma_wait3A_51] : memref<32x5x18x112xi32, #tpu.memory_space<hbm>> -> memref<1x1x18x112xi32, #tpu.memory_space<hbm>>
        %dma_wait3A_53 = tpu.memref_squeeze %dma_wait3A_52 : memref<1x1x18x112xi32, #tpu.memory_space<hbm>> -> memref<18x112xi32, #tpu.memory_space<hbm>>
        %dma_wait3A_54 = arith.constant 0 : i32
        %dma_wait3A_55 = arith.constant 0 : i32
        %dma_wait3A_56 = tpu.memref_slice %arg4[%add3A, %add3A_24, %dma_wait3A_54, %dma_wait3A_55] : memref<32x5x18x112xi32, #tpu.memory_space<hbm>> -> memref<1x1x18x112xi32, #tpu.memory_space<hbm>>
        %dma_wait3A_57 = tpu.memref_squeeze %dma_wait3A_56 : memref<1x1x18x112xi32, #tpu.memory_space<hbm>> -> memref<18x112xi32, #tpu.memory_space<hbm>>
        tpu.wait_dma2 semaphore(%run_scoped3A : memref<!tpu.dma_semaphore, #tpu.memory_space<semaphore_mem>>) src(%dma_wait3A_57 : memref<18x112xi32, #tpu.memory_space<hbm>>) dst(%arg7 : memref<18x112xi32, #tpu.memory_space<vmem>>)
        tpu.yield
      }) : () -> ()
      %dma_start3A = arith.constant 0 : i32
      %dma_start3A_25 = arith.constant 0 : i32
      %dma_start3A_26 = tpu.memref_slice %arg6[%dma_start3A, %dma_start3A_25] : memref<18x112xi32, #tpu.memory_space<vmem>> -> memref<1x112xi32, #tpu.memory_space<vmem>>
      %dma_start3A_27 = tpu.memref_squeeze %dma_start3A_26 : memref<1x112xi32, #tpu.memory_space<vmem>> -> memref<112xi32, #tpu.memory_space<vmem>>
      %dma_start3A_28 = arith.constant 0 : i32
      %dma_start3A_29 = arith.constant 0 : i32
      %dma_start3A_30 = tpu.memref_slice %arg2[%dma_start3A_28, %dma_start3A_29] : memref<10000x128xf32, #tpu.memory_space<hbm>> -> memref<10000x128xf32, #tpu.memory_space<hbm>>
      tpu.enqueue_indirect_dma source(%dma_start3A_30 : memref<10000x128xf32, #tpu.memory_space<hbm>>) target(%arg8 : memref<112x128xf32, #tpu.memory_space<vmem>>) offsets(%dma_start3A_27 : memref<112xi32, #tpu.memory_space<vmem>>) semaphore(%arg12 : memref<!tpu.dma_semaphore, #tpu.memory_space<semaphore_mem>>)
      %dma_start3A_31 = arith.constant 1 : i32
      %dma_start3A_32 = arith.constant 0 : i32
      %dma_start3A_33 = tpu.memref_slice %arg6[%dma_start3A_31, %dma_start3A_32] : memref<18x112xi32, #tpu.memory_space<vmem>> -> memref<1x112xi32, #tpu.memory_space<vmem>>
      %dma_start3A_34 = tpu.memref_squeeze %dma_start3A_33 : memref<1x112xi32, #tpu.memory_space<vmem>> -> memref<112xi32, #tpu.memory_space<vmem>>
      %dma_start3A_35 = arith.constant 0 : i32
      %dma_start3A_36 = arith.constant 0 : i32
      %dma_start3A_37 = tpu.memref_slice %arg2[%dma_start3A_35, %dma_start3A_36] : memref<10000x128xf32, #tpu.memory_space<hbm>> -> memref<10000x128xf32, #tpu.memory_space<hbm>>
      tpu.enqueue_indirect_dma source(%dma_start3A_37 : memref<10000x128xf32, #tpu.memory_space<hbm>>) target(%arg9 : memref<112x128xf32, #tpu.memory_space<vmem>>) offsets(%dma_start3A_34 : memref<112xi32, #tpu.memory_space<vmem>>) semaphore(%arg13 : memref<!tpu.dma_semaphore, #tpu.memory_space<semaphore_mem>>)
      %scan3A_38 = arith.constant 0 : i32
      %scan3A_39 = arith.constant 6 : i32
      %scan3A_40 = arith.addi %scan3A_38, %scan3A_39 : i32
      %scan3A_41 = arith.constant 1 : i32
      scf.for %scan3A_43 = %scan3A_38 to %scan3A_40 step %scan3A_41  : i32 {
        %mul3A_44 = arith.constant 1 : i32
        %mul3A_45 = arith.muli %scan3A_43, %mul3A_44 : i32
        %add3A_46 = arith.constant 0 : i32
        %add3A_47 = arith.addi %add3A_46, %mul3A_45 : i32
        %mul3A_48 = arith.constant 3 : i32
        %mul3A_49 = arith.muli %mul3A_48, %add3A_47 : i32
        %add3A_50 = arith.constant 0 : i32
        %add3A_51 = arith.addi %mul3A_49, %add3A_50 : i32
        %dma_wait3A = arith.constant 0 : i32
        %dma_wait3A_52 = tpu.memref_slice %arg6[%add3A_51, %dma_wait3A] : memref<18x112xi32, #tpu.memory_space<vmem>> -> memref<1x112xi32, #tpu.memory_space<vmem>>
        %dma_wait3A_53 = tpu.memref_squeeze %dma_wait3A_52 : memref<1x112xi32, #tpu.memory_space<vmem>> -> memref<112xi32, #tpu.memory_space<vmem>>
        %dma_wait3A_54 = arith.constant 0 : i32
        %dma_wait3A_55 = arith.constant 0 : i32
        %dma_wait3A_56 = tpu.memref_slice %arg2[%dma_wait3A_54, %dma_wait3A_55] : memref<10000x128xf32, #tpu.memory_space<hbm>> -> memref<10000x128xf32, #tpu.memory_space<hbm>>
        tpu.wait_indirect_dma semaphore(%arg12 : memref<!tpu.dma_semaphore, #tpu.memory_space<semaphore_mem>>) src(%dma_wait3A_56 : memref<10000x128xf32, #tpu.memory_space<hbm>>) dst(%arg8 : memref<112x128xf32, #tpu.memory_space<vmem>>)
        %add3A_57 = arith.constant 0 : i32
        %add3A_58 = arith.addi %mul3A_49, %add3A_57 : i32
        %add3A_59 = arith.constant 3 : i32
        %add3A_60 = arith.addi %add3A_58, %add3A_59 : i32
        %sub3A = arith.constant 1 : i32
        %sub3A_61 = arith.subi %add3A_60, %sub3A : i32
        %lt3A = arith.constant 18 : i32
        %lt3A_62 = arith.cmpi slt, %sub3A_61, %lt3A : i32
        %convert_element_type3A = arith.extui %lt3A_62 : i1 to i32
        %cond3A = arith.constant 0 : i32
        %cond3A_63 = arith.cmpi ne, %convert_element_type3A, %cond3A : i32
        scf.if %cond3A_63 {
          %dma_start3A_108 = arith.constant 0 : i32
          %dma_start3A_109 = tpu.memref_slice %arg6[%sub3A_61, %dma_start3A_108] : memref<18x112xi32, #tpu.memory_space<vmem>> -> memref<1x112xi32, #tpu.memory_space<vmem>>
          %dma_start3A_110 = tpu.memref_squeeze %dma_start3A_109 : memref<1x112xi32, #tpu.memory_space<vmem>> -> memref<112xi32, #tpu.memory_space<vmem>>
          %dma_start3A_111 = arith.constant 0 : i32
          %dma_start3A_112 = arith.constant 0 : i32
          %dma_start3A_113 = tpu.memref_slice %arg2[%dma_start3A_111, %dma_start3A_112] : memref<10000x128xf32, #tpu.memory_space<hbm>> -> memref<10000x128xf32, #tpu.memory_space<hbm>>
          tpu.enqueue_indirect_dma source(%dma_start3A_113 : memref<10000x128xf32, #tpu.memory_space<hbm>>) target(%arg10 : memref<112x128xf32, #tpu.memory_space<vmem>>) offsets(%dma_start3A_110 : memref<112xi32, #tpu.memory_space<vmem>>) semaphore(%arg14 : memref<!tpu.dma_semaphore, #tpu.memory_space<semaphore_mem>>)
        } else {
        }
        %add3A_64 = arith.constant 0 : i32
        %add3A_65 = arith.addi %mul3A_49, %add3A_64 : i32
        "tpu.region"() ({
          %run_scoped3A = tpu.sem_alloc : memref<!tpu.dma_semaphore, #tpu.memory_space<semaphore_mem>>
          %dma_start3A_108 = arith.constant 0 : i32
          %dma_start3A_109 = tpu.memref_slice %arg7[%add3A_65, %dma_start3A_108] : memref<18x112xi32, #tpu.memory_space<vmem>> -> memref<1x112xi32, #tpu.memory_space<vmem>>
          %dma_start3A_110 = tpu.memref_squeeze %dma_start3A_109 : memref<1x112xi32, #tpu.memory_space<vmem>> -> memref<112xi32, #tpu.memory_space<vmem>>
          %dma_start3A_111 = arith.constant 0 : i32
          %dma_start3A_112 = arith.constant 0 : i32
          %dma_start3A_113 = tpu.memref_slice %arg11[%dma_start3A_111, %dma_start3A_112] : memref<10240x128xf32, #tpu.memory_space<vmem_shared>> -> memref<10240x128xf32, #tpu.memory_space<vmem_shared>>
          tpu.enqueue_indirect_dma source(%arg8 : memref<112x128xf32, #tpu.memory_space<vmem>>) target(%dma_start3A_113 : memref<10240x128xf32, #tpu.memory_space<vmem_shared>>) offsets(%dma_start3A_110 : memref<112xi32, #tpu.memory_space<vmem>>) semaphore(%run_scoped3A : memref<!tpu.dma_semaphore, #tpu.memory_space<semaphore_mem>>) {add = true}
          %dma_wait3A_114 = arith.constant 0 : i32
          %dma_wait3A_115 = tpu.memref_slice %arg7[%add3A_65, %dma_wait3A_114] : memref<18x112xi32, #tpu.memory_space<vmem>> -> memref<1x112xi32, #tpu.memory_space<vmem>>
          %dma_wait3A_116 = tpu.memref_squeeze %dma_wait3A_115 : memref<1x112xi32, #tpu.memory_space<vmem>> -> memref<112xi32, #tpu.memory_space<vmem>>
          %dma_wait3A_117 = arith.constant 0 : i32
          %dma_wait3A_118 = arith.constant 0 : i32
          %dma_wait3A_119 = tpu.memref_slice %arg11[%dma_wait3A_117, %dma_wait3A_118] : memref<10240x128xf32, #tpu.memory_space<vmem_shared>> -> memref<10240x128xf32, #tpu.memory_space<vmem_shared>>
          tpu.wait_indirect_dma semaphore(%run_scoped3A : memref<!tpu.dma_semaphore, #tpu.memory_space<semaphore_mem>>) src(%arg8 : memref<112x128xf32, #tpu.memory_space<vmem>>) dst(%dma_wait3A_119 : memref<10240x128xf32, #tpu.memory_space<vmem_shared>>)
          tpu.yield
        }) : () -> ()
        %add3A_66 = arith.constant 1 : i32
        %add3A_67 = arith.addi %mul3A_49, %add3A_66 : i32
        %dma_wait3A_68 = arith.constant 0 : i32
        %dma_wait3A_69 = tpu.memref_slice %arg6[%add3A_67, %dma_wait3A_68] : memref<18x112xi32, #tpu.memory_space<vmem>> -> memref<1x112xi32, #tpu.memory_space<vmem>>
        %dma_wait3A_70 = tpu.memref_squeeze %dma_wait3A_69 : memref<1x112xi32, #tpu.memory_space<vmem>> -> memref<112xi32, #tpu.memory_space<vmem>>
        %dma_wait3A_71 = arith.constant 0 : i32
        %dma_wait3A_72 = arith.constant 0 : i32
        %dma_wait3A_73 = tpu.memref_slice %arg2[%dma_wait3A_71, %dma_wait3A_72] : memref<10000x128xf32, #tpu.memory_space<hbm>> -> memref<10000x128xf32, #tpu.memory_space<hbm>>
        tpu.wait_indirect_dma semaphore(%arg13 : memref<!tpu.dma_semaphore, #tpu.memory_space<semaphore_mem>>) src(%dma_wait3A_73 : memref<10000x128xf32, #tpu.memory_space<hbm>>) dst(%arg9 : memref<112x128xf32, #tpu.memory_space<vmem>>)
        %add3A_74 = arith.constant 1 : i32
        %add3A_75 = arith.addi %mul3A_49, %add3A_74 : i32
        %add3A_76 = arith.constant 3 : i32
        %add3A_77 = arith.addi %add3A_75, %add3A_76 : i32
        %sub3A_78 = arith.constant 1 : i32
        %sub3A_79 = arith.subi %add3A_77, %sub3A_78 : i32
        %lt3A_80 = arith.constant 18 : i32
        %lt3A_81 = arith.cmpi slt, %sub3A_79, %lt3A_80 : i32
        %convert_element_type3A_82 = arith.extui %lt3A_81 : i1 to i32
        %cond3A_83 = arith.constant 0 : i32
        %cond3A_84 = arith.cmpi ne, %convert_element_type3A_82, %cond3A_83 : i32
        scf.if %cond3A_84 {
          %dma_start3A_108 = arith.constant 0 : i32
          %dma_start3A_109 = tpu.memref_slice %arg6[%sub3A_79, %dma_start3A_108] : memref<18x112xi32, #tpu.memory_space<vmem>> -> memref<1x112xi32, #tpu.memory_space<vmem>>
          %dma_start3A_110 = tpu.memref_squeeze %dma_start3A_109 : memref<1x112xi32, #tpu.memory_space<vmem>> -> memref<112xi32, #tpu.memory_space<vmem>>
          %dma_start3A_111 = arith.constant 0 : i32
          %dma_start3A_112 = arith.constant 0 : i32
          %dma_start3A_113 = tpu.memref_slice %arg2[%dma_start3A_111, %dma_start3A_112] : memref<10000x128xf32, #tpu.memory_space<hbm>> -> memref<10000x128xf32, #tpu.memory_space<hbm>>
          tpu.enqueue_indirect_dma source(%dma_start3A_113 : memref<10000x128xf32, #tpu.memory_space<hbm>>) target(%arg8 : memref<112x128xf32, #tpu.memory_space<vmem>>) offsets(%dma_start3A_110 : memref<112xi32, #tpu.memory_space<vmem>>) semaphore(%arg12 : memref<!tpu.dma_semaphore, #tpu.memory_space<semaphore_mem>>)
        } else {
        }
        %add3A_85 = arith.constant 1 : i32
        %add3A_86 = arith.addi %mul3A_49, %add3A_85 : i32
        "tpu.region"() ({
          %run_scoped3A = tpu.sem_alloc : memref<!tpu.dma_semaphore, #tpu.memory_space<semaphore_mem>>
          %dma_start3A_108 = arith.constant 0 : i32
          %dma_start3A_109 = tpu.memref_slice %arg7[%add3A_86, %dma_start3A_108] : memref<18x112xi32, #tpu.memory_space<vmem>> -> memref<1x112xi32, #tpu.memory_space<vmem>>
          %dma_start3A_110 = tpu.memref_squeeze %dma_start3A_109 : memref<1x112xi32, #tpu.memory_space<vmem>> -> memref<112xi32, #tpu.memory_space<vmem>>
          %dma_start3A_111 = arith.constant 0 : i32
          %dma_start3A_112 = arith.constant 0 : i32
          %dma_start3A_113 = tpu.memref_slice %arg11[%dma_start3A_111, %dma_start3A_112] : memref<10240x128xf32, #tpu.memory_space<vmem_shared>> -> memref<10240x128xf32, #tpu.memory_space<vmem_shared>>
          tpu.enqueue_indirect_dma source(%arg9 : memref<112x128xf32, #tpu.memory_space<vmem>>) target(%dma_start3A_113 : memref<10240x128xf32, #tpu.memory_space<vmem_shared>>) offsets(%dma_start3A_110 : memref<112xi32, #tpu.memory_space<vmem>>) semaphore(%run_scoped3A : memref<!tpu.dma_semaphore, #tpu.memory_space<semaphore_mem>>) {add = true}
          %dma_wait3A_114 = arith.constant 0 : i32
          %dma_wait3A_115 = tpu.memref_slice %arg7[%add3A_86, %dma_wait3A_114] : memref<18x112xi32, #tpu.memory_space<vmem>> -> memref<1x112xi32, #tpu.memory_space<vmem>>
          %dma_wait3A_116 = tpu.memref_squeeze %dma_wait3A_115 : memref<1x112xi32, #tpu.memory_space<vmem>> -> memref<112xi32, #tpu.memory_space<vmem>>
          %dma_wait3A_117 = arith.constant 0 : i32
          %dma_wait3A_118 = arith.constant 0 : i32
          %dma_wait3A_119 = tpu.memref_slice %arg11[%dma_wait3A_117, %dma_wait3A_118] : memref<10240x128xf32, #tpu.memory_space<vmem_shared>> -> memref<10240x128xf32, #tpu.memory_space<vmem_shared>>
          tpu.wait_indirect_dma semaphore(%run_scoped3A : memref<!tpu.dma_semaphore, #tpu.memory_space<semaphore_mem>>) src(%arg9 : memref<112x128xf32, #tpu.memory_space<vmem>>) dst(%dma_wait3A_119 : memref<10240x128xf32, #tpu.memory_space<vmem_shared>>)
          tpu.yield
        }) : () -> ()
        %add3A_87 = arith.constant 2 : i32
        %add3A_88 = arith.addi %mul3A_49, %add3A_87 : i32
        %dma_wait3A_89 = arith.constant 0 : i32
        %dma_wait3A_90 = tpu.memref_slice %arg6[%add3A_88, %dma_wait3A_89] : memref<18x112xi32, #tpu.memory_space<vmem>> -> memref<1x112xi32, #tpu.memory_space<vmem>>
        %dma_wait3A_91 = tpu.memref_squeeze %dma_wait3A_90 : memref<1x112xi32, #tpu.memory_space<vmem>> -> memref<112xi32, #tpu.memory_space<vmem>>
        %dma_wait3A_92 = arith.constant 0 : i32
        %dma_wait3A_93 = arith.constant 0 : i32
        %dma_wait3A_94 = tpu.memref_slice %arg2[%dma_wait3A_92, %dma_wait3A_93] : memref<10000x128xf32, #tpu.memory_space<hbm>> -> memref<10000x128xf32, #tpu.memory_space<hbm>>
        tpu.wait_indirect_dma semaphore(%arg14 : memref<!tpu.dma_semaphore, #tpu.memory_space<semaphore_mem>>) src(%dma_wait3A_94 : memref<10000x128xf32, #tpu.memory_space<hbm>>) dst(%arg10 : memref<112x128xf32, #tpu.memory_space<vmem>>)
        %add3A_95 = arith.constant 2 : i32
        %add3A_96 = arith.addi %mul3A_49, %add3A_95 : i32
        %add3A_97 = arith.constant 3 : i32
        %add3A_98 = arith.addi %add3A_96, %add3A_97 : i32
        %sub3A_99 = arith.constant 1 : i32
        %sub3A_100 = arith.subi %add3A_98, %sub3A_99 : i32
        %lt3A_101 = arith.constant 18 : i32
        %lt3A_102 = arith.cmpi slt, %sub3A_100, %lt3A_101 : i32
        %convert_element_type3A_103 = arith.extui %lt3A_102 : i1 to i32
        %cond3A_104 = arith.constant 0 : i32
        %cond3A_105 = arith.cmpi ne, %convert_element_type3A_103, %cond3A_104 : i32
        scf.if %cond3A_105 {
          %dma_start3A_108 = arith.constant 0 : i32
          %dma_start3A_109 = tpu.memref_slice %arg6[%sub3A_100, %dma_start3A_108] : memref<18x112xi32, #tpu.memory_space<vmem>> -> memref<1x112xi32, #tpu.memory_space<vmem>>
          %dma_start3A_110 = tpu.memref_squeeze %dma_start3A_109 : memref<1x112xi32, #tpu.memory_space<vmem>> -> memref<112xi32, #tpu.memory_space<vmem>>
          %dma_start3A_111 = arith.constant 0 : i32
          %dma_start3A_112 = arith.constant 0 : i32
          %dma_start3A_113 = tpu.memref_slice %arg2[%dma_start3A_111, %dma_start3A_112] : memref<10000x128xf32, #tpu.memory_space<hbm>> -> memref<10000x128xf32, #tpu.memory_space<hbm>>
          tpu.enqueue_indirect_dma source(%dma_start3A_113 : memref<10000x128xf32, #tpu.memory_space<hbm>>) target(%arg9 : memref<112x128xf32, #tpu.memory_space<vmem>>) offsets(%dma_start3A_110 : memref<112xi32, #tpu.memory_space<vmem>>) semaphore(%arg13 : memref<!tpu.dma_semaphore, #tpu.memory_space<semaphore_mem>>)
        } else {
        }
        %add3A_106 = arith.constant 2 : i32
        %add3A_107 = arith.addi %mul3A_49, %add3A_106 : i32
        "tpu.region"() ({
          %run_scoped3A = tpu.sem_alloc : memref<!tpu.dma_semaphore, #tpu.memory_space<semaphore_mem>>
          %dma_start3A_108 = arith.constant 0 : i32
          %dma_start3A_109 = tpu.memref_slice %arg7[%add3A_107, %dma_start3A_108] : memref<18x112xi32, #tpu.memory_space<vmem>> -> memref<1x112xi32, #tpu.memory_space<vmem>>
          %dma_start3A_110 = tpu.memref_squeeze %dma_start3A_109 : memref<1x112xi32, #tpu.memory_space<vmem>> -> memref<112xi32, #tpu.memory_space<vmem>>
          %dma_start3A_111 = arith.constant 0 : i32
          %dma_start3A_112 = arith.constant 0 : i32
          %dma_start3A_113 = tpu.memref_slice %arg11[%dma_start3A_111, %dma_start3A_112] : memref<10240x128xf32, #tpu.memory_space<vmem_shared>> -> memref<10240x128xf32, #tpu.memory_space<vmem_shared>>
          tpu.enqueue_indirect_dma source(%arg10 : memref<112x128xf32, #tpu.memory_space<vmem>>) target(%dma_start3A_113 : memref<10240x128xf32, #tpu.memory_space<vmem_shared>>) offsets(%dma_start3A_110 : memref<112xi32, #tpu.memory_space<vmem>>) semaphore(%run_scoped3A : memref<!tpu.dma_semaphore, #tpu.memory_space<semaphore_mem>>) {add = true}
          %dma_wait3A_114 = arith.constant 0 : i32
          %dma_wait3A_115 = tpu.memref_slice %arg7[%add3A_107, %dma_wait3A_114] : memref<18x112xi32, #tpu.memory_space<vmem>> -> memref<1x112xi32, #tpu.memory_space<vmem>>
          %dma_wait3A_116 = tpu.memref_squeeze %dma_wait3A_115 : memref<1x112xi32, #tpu.memory_space<vmem>> -> memref<112xi32, #tpu.memory_space<vmem>>
          %dma_wait3A_117 = arith.constant 0 : i32
          %dma_wait3A_118 = arith.constant 0 : i32
          %dma_wait3A_119 = tpu.memref_slice %arg11[%dma_wait3A_117, %dma_wait3A_118] : memref<10240x128xf32, #tpu.memory_space<vmem_shared>> -> memref<10240x128xf32, #tpu.memory_space<vmem_shared>>
          tpu.wait_indirect_dma semaphore(%run_scoped3A : memref<!tpu.dma_semaphore, #tpu.memory_space<semaphore_mem>>) src(%arg10 : memref<112x128xf32, #tpu.memory_space<vmem>>) dst(%dma_wait3A_119 : memref<10240x128xf32, #tpu.memory_space<vmem_shared>>)
          tpu.yield
        }) : () -> ()
      }
      %scan3A_42 = arith.constant 6 : i32
    }
    %scan3A_14 = arith.constant 5 : i32
    %barrier3A_15 = arith.constant 0 : index
    tpu.barrier barrier_id(%barrier3A_15)
    %mul3A_16 = arith.constant 640 : i32
    %mul3A_17 = arith.muli %arg1, %mul3A_16 : i32
    %mul3A_18 = arith.constant 640 : i32
    %mul3A_19 = arith.muli %arg1, %mul3A_18 : i32
    "tpu.region"() ({
      %run_scoped3A = tpu.sem_alloc : memref<!tpu.dma_semaphore, #tpu.memory_space<semaphore_mem>>
      %dma_start3A = arith.constant 0 : i32
      %dma_start3A_20 = tpu.memref_slice %arg5[%arg0, %mul3A_19, %dma_start3A] : memref<2x10240x128xf32, #tpu.memory_space<hbm>> -> memref<1x640x128xf32, #tpu.memory_space<hbm>>
      %dma_start3A_21 = tpu.memref_squeeze %dma_start3A_20 : memref<1x640x128xf32, #tpu.memory_space<hbm>> -> memref<640x128xf32, #tpu.memory_space<hbm>>
      %dma_start3A_22 = arith.constant 0 : i32
      %dma_start3A_23 = tpu.memref_slice %arg11[%mul3A_17, %dma_start3A_22] : memref<10240x128xf32, #tpu.memory_space<vmem_shared>> -> memref<640x128xf32, #tpu.memory_space<vmem_shared>>
      tpu.enqueue_dma source(%dma_start3A_23 : memref<640x128xf32, #tpu.memory_space<vmem_shared>>) target(%dma_start3A_21 : memref<640x128xf32, #tpu.memory_space<hbm>>) target_semaphore(%run_scoped3A : memref<!tpu.dma_semaphore, #tpu.memory_space<semaphore_mem>>)
      %dma_wait3A = arith.constant 0 : i32
      %dma_wait3A_24 = tpu.memref_slice %arg5[%arg0, %mul3A_19, %dma_wait3A] : memref<2x10240x128xf32, #tpu.memory_space<hbm>> -> memref<1x640x128xf32, #tpu.memory_space<hbm>>
      %dma_wait3A_25 = tpu.memref_squeeze %dma_wait3A_24 : memref<1x640x128xf32, #tpu.memory_space<hbm>> -> memref<640x128xf32, #tpu.memory_space<hbm>>
      %dma_wait3A_26 = arith.constant 0 : i32
      %dma_wait3A_27 = tpu.memref_slice %arg11[%mul3A_17, %dma_wait3A_26] : memref<10240x128xf32, #tpu.memory_space<vmem_shared>> -> memref<640x128xf32, #tpu.memory_space<vmem_shared>>
      tpu.wait_dma2 semaphore(%run_scoped3A : memref<!tpu.dma_semaphore, #tpu.memory_space<semaphore_mem>>) src(%dma_wait3A_27 : memref<640x128xf32, #tpu.memory_space<vmem_shared>>) dst(%dma_wait3A_25 : memref<640x128xf32, #tpu.memory_space<hbm>>)
      tpu.yield
    }) : () -> ()
    return
  }
}

#map = affine_map<(d0, d1) -> (0, 0)>
#map1 = affine_map<(d0, d1) -> (0, 0, 0, 0)>
#map2 = affine_map<(d0, d1) -> (0, 0, 0)>
module attributes {stable_mosaic.version = 14 : i64} {
  func.func @k(%arg0: i32, %arg1: i32, %arg2: memref<10000x128xf32, #tpu.memory_space<hbm>>, %arg3: memref<32x5x18x112xi32, #tpu.memory_space<hbm>>, %arg4: memref<32x5x18x112xi32, #tpu.memory_space<hbm>>, %arg5: memref<2x10240x128xf32, #tpu.memory_space<hbm>>, %arg6: memref<18x112xi32, #tpu.memory_space<vmem>>, %arg7: memref<18x112xi32, #tpu.memory_space<vmem>>, %arg8: memref<112x128xf32, #tpu.memory_space<vmem>>, %arg9: memref<112x128xf32, #tpu.memory_space<vmem>>, %arg10: memref<112x128xf32, #tpu.memory_space<vmem>>, %arg11: memref<10240x128xf32, #tpu.memory_space<vmem_shared>>, %arg12: memref<!tpu.dma_semaphore, #tpu.memory_space<semaphore_mem>>, %arg13: memref<!tpu.dma_semaphore, #tpu.memory_space<semaphore_mem>>, %arg14: memref<!tpu.dma_semaphore, #tpu.memory_space<semaphore_mem>>) attributes {dimension_semantics = [#tpu.dimension_semantics<core_parallel>, #tpu.dimension_semantics<subcore_parallel>], iteration_bounds = array<i64: 2, 16>, scalar_prefetch = 0 : i64, scratch_operands = 9 : i64, tpu.core_type = #tpu.core_type<sc_vector_subcore>, window_params = [{transform_indices = #map}, {transform_indices = #map1}, {transform_indices = #map1}, {transform_indices = #map2}]} {
    %mul3A = arith.constant 2 : i32
    %mul3A_0 = arith.muli %arg1, %mul3A : i32
    %add3A = arith.addi %mul3A_0, %arg0 : i32
    %scan3A = arith.constant 0 : i32
    %scan3A_1 = arith.constant 16 : i32
    %scan3A_2 = arith.addi %scan3A, %scan3A_1 : i32
    %scan3A_3 = arith.constant 1 : i32
    scf.for %scan3A_20 = %scan3A to %scan3A_2 step %scan3A_3  : i32 {
      %mul3A_21 = arith.constant 1 : i32
      %mul3A_22 = arith.muli %scan3A_20, %mul3A_21 : i32
      %add3A_23 = arith.constant 0 : i32
      %add3A_24 = arith.addi %add3A_23, %mul3A_22 : i32
      %scan3A_25 = arith.constant 0 : i32
      %scan3A_26 = arith.constant 8 : i32
      %scan3A_27 = arith.addi %scan3A_25, %scan3A_26 : i32
      %scan3A_28 = arith.constant 1 : i32
      scf.for %scan3A_30 = %scan3A_25 to %scan3A_27 step %scan3A_28  : i32 {
        %mul3A_31 = arith.constant 1 : i32
        %mul3A_32 = arith.muli %scan3A_30, %mul3A_31 : i32
        %add3A_33 = arith.constant 0 : i32
        %add3A_34 = arith.addi %add3A_33, %mul3A_32 : i32
        %broadcast_in_dim3A = arith.constant 0.000000e+00 : f32
        %broadcast_in_dim3A_35 = vector.broadcast %broadcast_in_dim3A : f32 to vector<16xf32>
        %mul3A_36 = arith.constant 16 : i32
        %mul3A_37 = arith.muli %add3A_34, %mul3A_36 : i32
        %swap3A = arith.index_cast %add3A_24 : i32 to index
        %swap3A_38 = arith.index_cast %mul3A_37 : i32 to index
        %swap3A_39 = tpu.vector_load %arg8[%swap3A, %swap3A_38] {strides = array<i32>} : memref<112x128xf32, #tpu.memory_space<vmem>>, vector<1x16xf32>,
        %swap3A_40 = vector.shape_cast %swap3A_39 : vector<1x16xf32> to vector<16xf32>
        %swap3A_41 = vector.shape_cast %broadcast_in_dim3A_35 : vector<16xf32> to vector<1x16xf32>
        tpu.vector_store %arg8[%swap3A, %swap3A_38], %swap3A_41 {strides = array<i32>} : memref<112x128xf32, #tpu.memory_space<vmem>>, vector<1x16xf32>,
      }
      %scan3A_29 = arith.constant 8 : i32
    }
    %scan3A_4 = arith.constant 16 : i32
    %scan3A_5 = arith.constant 0 : i32
    %scan3A_6 = arith.constant 40 : i32
    %scan3A_7 = arith.addi %scan3A_5, %scan3A_6 : i32
    %scan3A_8 = arith.constant 1 : i32
    scf.for %scan3A_20 = %scan3A_5 to %scan3A_7 step %scan3A_8  : i32 {
      %mul3A_21 = arith.constant 1 : i32
      %mul3A_22 = arith.muli %scan3A_20, %mul3A_21 : i32
      %add3A_23 = arith.constant 0 : i32
      %add3A_24 = arith.addi %add3A_23, %mul3A_22 : i32
      %mul3A_25 = arith.constant 640 : i32
      %mul3A_26 = arith.muli %arg1, %mul3A_25 : i32
      %mul3A_27 = arith.constant 16 : i32
      %mul3A_28 = arith.muli %add3A_24, %mul3A_27 : i32
      %add3A_29 = arith.addi %mul3A_26, %mul3A_28 : i32
      "tpu.region"() ({
        %run_scoped3A = tpu.sem_alloc : memref<!tpu.dma_semaphore, #tpu.memory_space<semaphore_mem>>
        %dma_start3A = arith.constant 0 : i32
        %dma_start3A_30 = arith.constant 0 : i32
        %dma_start3A_31 = tpu.memref_slice %arg8[%dma_start3A, %dma_start3A_30] : memref<112x128xf32, #tpu.memory_space<vmem>> -> memref<16x128xf32, #tpu.memory_space<vmem>>
        %dma_start3A_32 = arith.constant 0 : i32
        %dma_start3A_33 = tpu.memref_slice %arg11[%add3A_29, %dma_start3A_32] : memref<10240x128xf32, #tpu.memory_space<vmem_shared>> -> memref<16x128xf32, #tpu.memory_space<vmem_shared>>
        %dma_start3A_34 = arith.constant 0 : i32
        %dma_start3A_35 = tpu.memref_slice %arg11[%add3A_29, %dma_start3A_34] : memref<10240x128xf32, #tpu.memory_space<vmem_shared>> -> memref<16x128xf32, #tpu.memory_space<vmem_shared>>
        %dma_start3A_36 = arith.constant 0 : i32
        %dma_start3A_37 = arith.constant 0 : i32
        %dma_start3A_38 = tpu.memref_slice %arg8[%dma_start3A_36, %dma_start3A_37] : memref<112x128xf32, #tpu.memory_space<vmem>> -> memref<16x128xf32, #tpu.memory_space<vmem>>
        tpu.enqueue_dma source(%dma_start3A_38 : memref<16x128xf32, #tpu.memory_space<vmem>>) target(%dma_start3A_35 : memref<16x128xf32, #tpu.memory_space<vmem_shared>>) target_semaphore(%run_scoped3A : memref<!tpu.dma_semaphore, #tpu.memory_space<semaphore_mem>>)
        %dma_wait3A = arith.constant 0 : i32
        %dma_wait3A_39 = arith.constant 0 : i32
        %dma_wait3A_40 = tpu.memref_slice %arg8[%dma_wait3A, %dma_wait3A_39] : memref<112x128xf32, #tpu.memory_space<vmem>> -> memref<16x128xf32, #tpu.memory_space<vmem>>
        %dma_wait3A_41 = arith.constant 0 : i32
        %dma_wait3A_42 = tpu.memref_slice %arg11[%add3A_29, %dma_wait3A_41] : memref<10240x128xf32, #tpu.memory_space<vmem_shared>> -> memref<16x128xf32, #tpu.memory_space<vmem_shared>>
        %dma_wait3A_43 = arith.constant 0 : i32
        %dma_wait3A_44 = tpu.memref_slice %arg11[%add3A_29, %dma_wait3A_43] : memref<10240x128xf32, #tpu.memory_space<vmem_shared>> -> memref<16x128xf32, #tpu.memory_space<vmem_shared>>
        %dma_wait3A_45 = arith.constant 0 : i32
        %dma_wait3A_46 = arith.constant 0 : i32
        %dma_wait3A_47 = tpu.memref_slice %arg8[%dma_wait3A_45, %dma_wait3A_46] : memref<112x128xf32, #tpu.memory_space<vmem>> -> memref<16x128xf32, #tpu.memory_space<vmem>>
        tpu.wait_dma2 semaphore(%run_scoped3A : memref<!tpu.dma_semaphore, #tpu.memory_space<semaphore_mem>>) src(%dma_wait3A_47 : memref<16x128xf32, #tpu.memory_space<vmem>>) dst(%dma_wait3A_44 : memref<16x128xf32, #tpu.memory_space<vmem_shared>>)
        tpu.yield
      }) : () -> ()
    }
    %scan3A_9 = arith.constant 40 : i32
    %barrier3A = arith.constant 0 : index
    tpu.barrier barrier_id(%barrier3A)
    %scan3A_10 = arith.constant 0 : i32
    %scan3A_11 = arith.constant 5 : i32
    %scan3A_12 = arith.addi %scan3A_10, %scan3A_11 : i32
    %scan3A_13 = arith.constant 1 : i32
    scf.for %scan3A_20 = %scan3A_10 to %scan3A_12 step %scan3A_13  : i32 {
      %mul3A_21 = arith.constant 1 : i32
      %mul3A_22 = arith.muli %scan3A_20, %mul3A_21 : i32
      %add3A_23 = arith.constant 0 : i32
      %add3A_24 = arith.addi %add3A_23, %mul3A_22 : i32
      "tpu.region"() ({
        %run_scoped3A = tpu.sem_alloc : memref<!tpu.dma_semaphore, #tpu.memory_space<semaphore_mem>>
        %dma_start3A_43 = arith.constant 0 : i32
        %dma_start3A_44 = arith.constant 0 : i32
        %dma_start3A_45 = tpu.memref_slice %arg3[%add3A, %add3A_24, %dma_start3A_43, %dma_start3A_44] : memref<32x5x18x112xi32, #tpu.memory_space<hbm>> -> memref<1x1x18x112xi32, #tpu.memory_space<hbm>>
        %dma_start3A_46 = tpu.memref_squeeze %dma_start3A_45 : memref<1x1x18x112xi32, #tpu.memory_space<hbm>> -> memref<18x112xi32, #tpu.memory_space<hbm>>
        %dma_start3A_47 = arith.constant 0 : i32
        %dma_start3A_48 = arith.constant 0 : i32
        %dma_start3A_49 = tpu.memref_slice %arg3[%add3A, %add3A_24, %dma_start3A_47, %dma_start3A_48] : memref<32x5x18x112xi32, #tpu.memory_space<hbm>> -> memref<1x1x18x112xi32, #tpu.memory_space<hbm>>
        %dma_start3A_50 = tpu.memref_squeeze %dma_start3A_49 : memref<1x1x18x112xi32, #tpu.memory_space<hbm>> -> memref<18x112xi32, #tpu.memory_space<hbm>>
        tpu.enqueue_dma source(%dma_start3A_50 : memref<18x112xi32, #tpu.memory_space<hbm>>) target(%arg6 : memref<18x112xi32, #tpu.memory_space<vmem>>) target_semaphore(%run_scoped3A : memref<!tpu.dma_semaphore, #tpu.memory_space<semaphore_mem>>)
        %dma_wait3A = arith.constant 0 : i32
        %dma_wait3A_51 = arith.constant 0 : i32
        %dma_wait3A_52 = tpu.memref_slice %arg3[%add3A, %add3A_24, %dma_wait3A, %dma_wait3A_51] : memref<32x5x18x112xi32, #tpu.memory_space<hbm>> -> memref<1x1x18x112xi32, #tpu.memory_space<hbm>>
        %dma_wait3A_53 = tpu.memref_squeeze %dma_wait3A_52 : memref<1x1x18x112xi32, #tpu.memory_space<hbm>> -> memref<18x112xi32, #tpu.memory_space<hbm>>
        %dma_wait3A_54 = arith.constant 0 : i32
        %dma_wait3A_55 = arith.constant 0 : i32
        %dma_wait3A_56 = tpu.memref_slice %arg3[%add3A, %add3A_24, %dma_wait3A_54, %dma_wait3A_55] : memref<32x5x18x112xi32, #tpu.memory_space<hbm>> -> memref<1x1x18x112xi32, #tpu.memory_space<hbm>>
        %dma_wait3A_57 = tpu.memref_squeeze %dma_wait3A_56 : memref<1x1x18x112xi32, #tpu.memory_space<hbm>> -> memref<18x112xi32, #tpu.memory_space<hbm>>
        tpu.wait_dma2 semaphore(%run_scoped3A : memref<!tpu.dma_semaphore, #tpu.memory_space<semaphore_mem>>) src(%dma_wait3A_57 : memref<18x112xi32, #tpu.memory_space<hbm>>) dst(%arg6 : memref<18x112xi32, #tpu.memory_space<vmem>>)
        tpu.yield
      }) : () -> ()
      "tpu.region"() ({
        %run_scoped3A = tpu.sem_alloc : memref<!tpu.dma_semaphore, #tpu.memory_space<semaphore_mem>>
        %dma_start3A_43 = arith.constant 0 : i32
        %dma_start3A_44 = arith.constant 0 : i32
        %dma_start3A_45 = tpu.memref_slice %arg4[%add3A, %add3A_24, %dma_start3A_43, %dma_start3A_44] : memref<32x5x18x112xi32, #tpu.memory_space<hbm>> -> memref<1x1x18x112xi32, #tpu.memory_space<hbm>>
        %dma_start3A_46 = tpu.memref_squeeze %dma_start3A_45 : memref<1x1x18x112xi32, #tpu.memory_space<hbm>> -> memref<18x112xi32, #tpu.memory_space<hbm>>
        %dma_start3A_47 = arith.constant 0 : i32
        %dma_start3A_48 = arith.constant 0 : i32
        %dma_start3A_49 = tpu.memref_slice %arg4[%add3A, %add3A_24, %dma_start3A_47, %dma_start3A_48] : memref<32x5x18x112xi32, #tpu.memory_space<hbm>> -> memref<1x1x18x112xi32, #tpu.memory_space<hbm>>
        %dma_start3A_50 = tpu.memref_squeeze %dma_start3A_49 : memref<1x1x18x112xi32, #tpu.memory_space<hbm>> -> memref<18x112xi32, #tpu.memory_space<hbm>>
        tpu.enqueue_dma source(%dma_start3A_50 : memref<18x112xi32, #tpu.memory_space<hbm>>) target(%arg7 : memref<18x112xi32, #tpu.memory_space<vmem>>) target_semaphore(%run_scoped3A : memref<!tpu.dma_semaphore, #tpu.memory_space<semaphore_mem>>)
        %dma_wait3A = arith.constant 0 : i32
        %dma_wait3A_51 = arith.constant 0 : i32
        %dma_wait3A_52 = tpu.memref_slice %arg4[%add3A, %add3A_24, %dma_wait3A, %dma_wait3A_51] : memref<32x5x18x112xi32, #tpu.memory_space<hbm>> -> memref<1x1x18x112xi32, #tpu.memory_space<hbm>>
        %dma_wait3A_53 = tpu.memref_squeeze %dma_wait3A_52 : memref<1x1x18x112xi32, #tpu.memory_space<hbm>> -> memref<18x112xi32, #tpu.memory_space<hbm>>
        %dma_wait3A_54 = arith.constant 0 : i32
        %dma_wait3A_55 = arith.constant 0 : i32
        %dma_wait3A_56 = tpu.memref_slice %arg4[%add3A, %add3A_24, %dma_wait3A_54, %dma_wait3A_55] : memref<32x5x18x112xi32, #tpu.memory_space<hbm>> -> memref<1x1x18x112xi32, #tpu.memory_space<hbm>>
        %dma_wait3A_57 = tpu.memref_squeeze %dma_wait3A_56 : memref<1x1x18x112xi32, #tpu.memory_space<hbm>> -> memref<18x112xi32, #tpu.memory_space<hbm>>
        tpu.wait_dma2 semaphore(%run_scoped3A : memref<!tpu.dma_semaphore, #tpu.memory_space<semaphore_mem>>) src(%dma_wait3A_57 : memref<18x112xi32, #tpu.memory_space<hbm>>) dst(%arg7 : memref<18x112xi32, #tpu.memory_space<vmem>>)
        tpu.yield
      }) : () -> ()
      %dma_start3A = arith.constant 0 : i32
      %dma_start3A_25 = arith.constant 0 : i32
      %dma_start3A_26 = tpu.memref_slice %arg6[%dma_start3A, %dma_start3A_25] : memref<18x112xi32, #tpu.memory_space<vmem>> -> memref<1x112xi32, #tpu.memory_space<vmem>>
      %dma_start3A_27 = tpu.memref_squeeze %dma_start3A_26 : memref<1x112xi32, #tpu.memory_space<vmem>> -> memref<112xi32, #tpu.memory_space<vmem>>
      %dma_start3A_28 = arith.constant 0 : i32
      %dma_start3A_29 = arith.constant 0 : i32
      %dma_start3A_30 = tpu.memref_slice %arg2[%dma_start3A_28, %dma_start3A_29] : memref<10000x128xf32, #tpu.memory_space<hbm>> -> memref<10000x128xf32, #tpu.memory_space<hbm>>
      tpu.enqueue_indirect_dma source(%dma_start3A_30 : memref<10000x128xf32, #tpu.memory_space<hbm>>) target(%arg8 : memref<112x128xf32, #tpu.memory_space<vmem>>) offsets(%dma_start3A_27 : memref<112xi32, #tpu.memory_space<vmem>>) semaphore(%arg12 : memref<!tpu.dma_semaphore, #tpu.memory_space<semaphore_mem>>)
      %dma_start3A_31 = arith.constant 1 : i32
      %dma_start3A_32 = arith.constant 0 : i32
      %dma_start3A_33 = tpu.memref_slice %arg6[%dma_start3A_31, %dma_start3A_32] : memref<18x112xi32, #tpu.memory_space<vmem>> -> memref<1x112xi32, #tpu.memory_space<vmem>>
      %dma_start3A_34 = tpu.memref_squeeze %dma_start3A_33 : memref<1x112xi32, #tpu.memory_space<vmem>> -> memref<112xi32, #tpu.memory_space<vmem>>
      %dma_start3A_35 = arith.constant 0 : i32
      %dma_start3A_36 = arith.constant 0 : i32
      %dma_start3A_37 = tpu.memref_slice %arg2[%dma_start3A_35, %dma_start3A_36] : memref<10000x128xf32, #tpu.memory_space<hbm>> -> memref<10000x128xf32, #tpu.memory_space<hbm>>
      tpu.enqueue_indirect_dma source(%dma_start3A_37 : memref<10000x128xf32, #tpu.memory_space<hbm>>) target(%arg9 : memref<112x128xf32, #tpu.memory_space<vmem>>) offsets(%dma_start3A_34 : memref<112xi32, #tpu.memory_space<vmem>>) semaphore(%arg13 : memref<!tpu.dma_semaphore, #tpu.memory_space<semaphore_mem>>)
      %scan3A_38 = arith.constant 0 : i32
      %scan3A_39 = arith.constant 6 : i32
      %scan3A_40 = arith.addi %scan3A_38, %scan3A_39 : i32
      %scan3A_41 = arith.constant 1 : i32
      scf.for %scan3A_43 = %scan3A_38 to %scan3A_40 step %scan3A_41  : i32 {
        %mul3A_44 = arith.constant 1 : i32
        %mul3A_45 = arith.muli %scan3A_43, %mul3A_44 : i32
        %add3A_46 = arith.constant 0 : i32
        %add3A_47 = arith.addi %add3A_46, %mul3A_45 : i32
        %mul3A_48 = arith.constant 3 : i32
        %mul3A_49 = arith.muli %mul3A_48, %add3A_47 : i32
        %add3A_50 = arith.constant 0 : i32
        %add3A_51 = arith.addi %mul3A_49, %add3A_50 : i32
        %dma_wait3A = arith.constant 0 : i32
        %dma_wait3A_52 = tpu.memref_slice %arg6[%add3A_51, %dma_wait3A] : memref<18x112xi32, #tpu.memory_space<vmem>> -> memref<1x112xi32, #tpu.memory_space<vmem>>
        %dma_wait3A_53 = tpu.memref_squeeze %dma_wait3A_52 : memref<1x112xi32, #tpu.memory_space<vmem>> -> memref<112xi32, #tpu.memory_space<vmem>>
        %dma_wait3A_54 = arith.constant 0 : i32
        %dma_wait3A_55 = arith.constant 0 : i32
        %dma_wait3A_56 = tpu.memref_slice %arg2[%dma_wait3A_54, %dma_wait3A_55] : memref<10000x128xf32, #tpu.memory_space<hbm>> -> memref<10000x128xf32, #tpu.memory_space<hbm>>
        tpu.wait_indirect_dma semaphore(%arg12 : memref<!tpu.dma_semaphore, #tpu.memory_space<semaphore_mem>>) src(%dma_wait3A_56 : memref<10000x128xf32, #tpu.memory_space<hbm>>) dst(%arg8 : memref<112x128xf32, #tpu.memory_space<vmem>>)
        %add3A_57 = arith.constant 0 : i32
        %add3A_58 = arith.addi %mul3A_49, %add3A_57 : i32
        %add3A_59 = arith.constant 3 : i32
        %add3A_60 = arith.addi %add3A_58, %add3A_59 : i32
        %sub3A = arith.constant 1 : i32
        %sub3A_61 = arith.subi %add3A_60, %sub3A : i32
        %lt3A = arith.constant 18 : i32
        %lt3A_62 = arith.cmpi slt, %sub3A_61, %lt3A : i32
        %convert_element_type3A = arith.extui %lt3A_62 : i1 to i32
        %cond3A = arith.constant 0 : i32
        %cond3A_63 = arith.cmpi ne, %convert_element_type3A, %cond3A : i32
        scf.if %cond3A_63 {
          %dma_start3A_108 = arith.constant 0 : i32
          %dma_start3A_109 = tpu.memref_slice %arg6[%sub3A_61, %dma_start3A_108] : memref<18x112xi32, #tpu.memory_space<vmem>> -> memref<1x112xi32, #tpu.memory_space<vmem>>
          %dma_start3A_110 = tpu.memref_squeeze %dma_start3A_109 : memref<1x112xi32, #tpu.memory_space<vmem>> -> memref<112xi32, #tpu.memory_space<vmem>>
          %dma_start3A_111 = arith.constant 0 : i32
          %dma_start3A_112 = arith.constant 0 : i32
          %dma_start3A_113 = tpu.memref_slice %arg2[%dma_start3A_111, %dma_start3A_112] : memref<10000x128xf32, #tpu.memory_space<hbm>> -> memref<10000x128xf32, #tpu.memory_space<hbm>>
          tpu.enqueue_indirect_dma source(%dma_start3A_113 : memref<10000x128xf32, #tpu.memory_space<hbm>>) target(%arg10 : memref<112x128xf32, #tpu.memory_space<vmem>>) offsets(%dma_start3A_110 : memref<112xi32, #tpu.memory_space<vmem>>) semaphore(%arg14 : memref<!tpu.dma_semaphore, #tpu.memory_space<semaphore_mem>>)
        } else {
        }
        %add3A_64 = arith.constant 0 : i32
        %add3A_65 = arith.addi %mul3A_49, %add3A_64 : i32
        "tpu.region"() ({
          %run_scoped3A = tpu.sem_alloc : memref<!tpu.dma_semaphore, #tpu.memory_space<semaphore_mem>>
          %dma_start3A_108 = arith.constant 0 : i32
          %dma_start3A_109 = tpu.memref_slice %arg7[%add3A_65, %dma_start3A_108] : memref<18x112xi32, #tpu.memory_space<vmem>> -> memref<1x112xi32, #tpu.memory_space<vmem>>
          %dma_start3A_110 = tpu.memref_squeeze %dma_start3A_109 : memref<1x112xi32, #tpu.memory_space<vmem>> -> memref<112xi32, #tpu.memory_space<vmem>>
          %dma_start3A_111 = arith.constant 0 : i32
          %dma_start3A_112 = arith.constant 0 : i32
          %dma_start3A_113 = tpu.memref_slice %arg11[%dma_start3A_111, %dma_start3A_112] : memref<10240x128xf32, #tpu.memory_space<vmem_shared>> -> memref<10240x128xf32, #tpu.memory_space<vmem_shared>>
          tpu.enqueue_indirect_dma source(%arg8 : memref<112x128xf32, #tpu.memory_space<vmem>>) target(%dma_start3A_113 : memref<10240x128xf32, #tpu.memory_space<vmem_shared>>) offsets(%dma_start3A_110 : memref<112xi32, #tpu.memory_space<vmem>>) semaphore(%run_scoped3A : memref<!tpu.dma_semaphore, #tpu.memory_space<semaphore_mem>>) {add = true}
          %dma_wait3A_114 = arith.constant 0 : i32
          %dma_wait3A_115 = tpu.memref_slice %arg7[%add3A_65, %dma_wait3A_114] : memref<18x112xi32, #tpu.memory_space<vmem>> -> memref<1x112xi32, #tpu.memory_space<vmem>>
          %dma_wait3A_116 = tpu.memref_squeeze %dma_wait3A_115 : memref<1x112xi32, #tpu.memory_space<vmem>> -> memref<112xi32, #tpu.memory_space<vmem>>
          %dma_wait3A_117 = arith.constant 0 : i32
          %dma_wait3A_118 = arith.constant 0 : i32
          %dma_wait3A_119 = tpu.memref_slice %arg11[%dma_wait3A_117, %dma_wait3A_118] : memref<10240x128xf32, #tpu.memory_space<vmem_shared>> -> memref<10240x128xf32, #tpu.memory_space<vmem_shared>>
          tpu.wait_indirect_dma semaphore(%run_scoped3A : memref<!tpu.dma_semaphore, #tpu.memory_space<semaphore_mem>>) src(%arg8 : memref<112x128xf32, #tpu.memory_space<vmem>>) dst(%dma_wait3A_119 : memref<10240x128xf32, #tpu.memory_space<vmem_shared>>)
          tpu.yield
        }) : () -> ()
        %add3A_66 = arith.constant 1 : i32
        %add3A_67 = arith.addi %mul3A_49, %add3A_66 : i32
        %dma_wait3A_68 = arith.constant 0 : i32
        %dma_wait3A_69 = tpu.memref_slice %arg6[%add3A_67, %dma_wait3A_68] : memref<18x112xi32, #tpu.memory_space<vmem>> -> memref<1x112xi32, #tpu.memory_space<vmem>>
        %dma_wait3A_70 = tpu.memref_squeeze %dma_wait3A_69 : memref<1x112xi32, #tpu.memory_space<vmem>> -> memref<112xi32, #tpu.memory_space<vmem>>
        %dma_wait3A_71 = arith.constant 0 : i32
        %dma_wait3A_72 = arith.constant 0 : i32
        %dma_wait3A_73 = tpu.memref_slice %arg2[%dma_wait3A_71, %dma_wait3A_72] : memref<10000x128xf32, #tpu.memory_space<hbm>> -> memref<10000x128xf32, #tpu.memory_space<hbm>>
        tpu.wait_indirect_dma semaphore(%arg13 : memref<!tpu.dma_semaphore, #tpu.memory_space<semaphore_mem>>) src(%dma_wait3A_73 : memref<10000x128xf32, #tpu.memory_space<hbm>>) dst(%arg9 : memref<112x128xf32, #tpu.memory_space<vmem>>)
        %add3A_74 = arith.constant 1 : i32
        %add3A_75 = arith.addi %mul3A_49, %add3A_74 : i32
        %add3A_76 = arith.constant 3 : i32
        %add3A_77 = arith.addi %add3A_75, %add3A_76 : i32
        %sub3A_78 = arith.constant 1 : i32
        %sub3A_79 = arith.subi %add3A_77, %sub3A_78 : i32
        %lt3A_80 = arith.constant 18 : i32
        %lt3A_81 = arith.cmpi slt, %sub3A_79, %lt3A_80 : i32
        %convert_element_type3A_82 = arith.extui %lt3A_81 : i1 to i32
        %cond3A_83 = arith.constant 0 : i32
        %cond3A_84 = arith.cmpi ne, %convert_element_type3A_82, %cond3A_83 : i32
        scf.if %cond3A_84 {
          %dma_start3A_108 = arith.constant 0 : i32
          %dma_start3A_109 = tpu.memref_slice %arg6[%sub3A_79, %dma_start3A_108] : memref<18x112xi32, #tpu.memory_space<vmem>> -> memref<1x112xi32, #tpu.memory_space<vmem>>
          %dma_start3A_110 = tpu.memref_squeeze %dma_start3A_109 : memref<1x112xi32, #tpu.memory_space<vmem>> -> memref<112xi32, #tpu.memory_space<vmem>>
          %dma_start3A_111 = arith.constant 0 : i32
          %dma_start3A_112 = arith.constant 0 : i32
          %dma_start3A_113 = tpu.memref_slice %arg2[%dma_start3A_111, %dma_start3A_112] : memref<10000x128xf32, #tpu.memory_space<hbm>> -> memref<10000x128xf32, #tpu.memory_space<hbm>>
          tpu.enqueue_indirect_dma source(%dma_start3A_113 : memref<10000x128xf32, #tpu.memory_space<hbm>>) target(%arg8 : memref<112x128xf32, #tpu.memory_space<vmem>>) offsets(%dma_start3A_110 : memref<112xi32, #tpu.memory_space<vmem>>) semaphore(%arg12 : memref<!tpu.dma_semaphore, #tpu.memory_space<semaphore_mem>>)
        } else {
        }
        %add3A_85 = arith.constant 1 : i32
        %add3A_86 = arith.addi %mul3A_49, %add3A_85 : i32
        "tpu.region"() ({
          %run_scoped3A = tpu.sem_alloc : memref<!tpu.dma_semaphore, #tpu.memory_space<semaphore_mem>>
          %dma_start3A_108 = arith.constant 0 : i32
          %dma_start3A_109 = tpu.memref_slice %arg7[%add3A_86, %dma_start3A_108] : memref<18x112xi32, #tpu.memory_space<vmem>> -> memref<1x112xi32, #tpu.memory_space<vmem>>
          %dma_start3A_110 = tpu.memref_squeeze %dma_start3A_109 : memref<1x112xi32, #tpu.memory_space<vmem>> -> memref<112xi32, #tpu.memory_space<vmem>>
          %dma_start3A_111 = arith.constant 0 : i32
          %dma_start3A_112 = arith.constant 0 : i32
          %dma_start3A_113 = tpu.memref_slice %arg11[%dma_start3A_111, %dma_start3A_112] : memref<10240x128xf32, #tpu.memory_space<vmem_shared>> -> memref<10240x128xf32, #tpu.memory_space<vmem_shared>>
          tpu.enqueue_indirect_dma source(%arg9 : memref<112x128xf32, #tpu.memory_space<vmem>>) target(%dma_start3A_113 : memref<10240x128xf32, #tpu.memory_space<vmem_shared>>) offsets(%dma_start3A_110 : memref<112xi32, #tpu.memory_space<vmem>>) semaphore(%run_scoped3A : memref<!tpu.dma_semaphore, #tpu.memory_space<semaphore_mem>>) {add = true}
          %dma_wait3A_114 = arith.constant 0 : i32
          %dma_wait3A_115 = tpu.memref_slice %arg7[%add3A_86, %dma_wait3A_114] : memref<18x112xi32, #tpu.memory_space<vmem>> -> memref<1x112xi32, #tpu.memory_space<vmem>>
          %dma_wait3A_116 = tpu.memref_squeeze %dma_wait3A_115 : memref<1x112xi32, #tpu.memory_space<vmem>> -> memref<112xi32, #tpu.memory_space<vmem>>
          %dma_wait3A_117 = arith.constant 0 : i32
          %dma_wait3A_118 = arith.constant 0 : i32
          %dma_wait3A_119 = tpu.memref_slice %arg11[%dma_wait3A_117, %dma_wait3A_118] : memref<10240x128xf32, #tpu.memory_space<vmem_shared>> -> memref<10240x128xf32, #tpu.memory_space<vmem_shared>>
          tpu.wait_indirect_dma semaphore(%run_scoped3A : memref<!tpu.dma_semaphore, #tpu.memory_space<semaphore_mem>>) src(%arg9 : memref<112x128xf32, #tpu.memory_space<vmem>>) dst(%dma_wait3A_119 : memref<10240x128xf32, #tpu.memory_space<vmem_shared>>)
          tpu.yield
        }) : () -> ()
        %add3A_87 = arith.constant 2 : i32
        %add3A_88 = arith.addi %mul3A_49, %add3A_87 : i32
        %dma_wait3A_89 = arith.constant 0 : i32
        %dma_wait3A_90 = tpu.memref_slice %arg6[%add3A_88, %dma_wait3A_89] : memref<18x112xi32, #tpu.memory_space<vmem>> -> memref<1x112xi32, #tpu.memory_space<vmem>>
        %dma_wait3A_91 = tpu.memref_squeeze %dma_wait3A_90 : memref<1x112xi32, #tpu.memory_space<vmem>> -> memref<112xi32, #tpu.memory_space<vmem>>
        %dma_wait3A_92 = arith.constant 0 : i32
        %dma_wait3A_93 = arith.constant 0 : i32
        %dma_wait3A_94 = tpu.memref_slice %arg2[%dma_wait3A_92, %dma_wait3A_93] : memref<10000x128xf32, #tpu.memory_space<hbm>> -> memref<10000x128xf32, #tpu.memory_space<hbm>>
        tpu.wait_indirect_dma semaphore(%arg14 : memref<!tpu.dma_semaphore, #tpu.memory_space<semaphore_mem>>) src(%dma_wait3A_94 : memref<10000x128xf32, #tpu.memory_space<hbm>>) dst(%arg10 : memref<112x128xf32, #tpu.memory_space<vmem>>)
        %add3A_95 = arith.constant 2 : i32
        %add3A_96 = arith.addi %mul3A_49, %add3A_95 : i32
        %add3A_97 = arith.constant 3 : i32
        %add3A_98 = arith.addi %add3A_96, %add3A_97 : i32
        %sub3A_99 = arith.constant 1 : i32
        %sub3A_100 = arith.subi %add3A_98, %sub3A_99 : i32
        %lt3A_101 = arith.constant 18 : i32
        %lt3A_102 = arith.cmpi slt, %sub3A_100, %lt3A_101 : i32
        %convert_element_type3A_103 = arith.extui %lt3A_102 : i1 to i32
        %cond3A_104 = arith.constant 0 : i32
        %cond3A_105 = arith.cmpi ne, %convert_element_type3A_103, %cond3A_104 : i32
        scf.if %cond3A_105 {
          %dma_start3A_108 = arith.constant 0 : i32
          %dma_start3A_109 = tpu.memref_slice %arg6[%sub3A_100, %dma_start3A_108] : memref<18x112xi32, #tpu.memory_space<vmem>> -> memref<1x112xi32, #tpu.memory_space<vmem>>
          %dma_start3A_110 = tpu.memref_squeeze %dma_start3A_109 : memref<1x112xi32, #tpu.memory_space<vmem>> -> memref<112xi32, #tpu.memory_space<vmem>>
          %dma_start3A_111 = arith.constant 0 : i32
          %dma_start3A_112 = arith.constant 0 : i32
          %dma_start3A_113 = tpu.memref_slice %arg2[%dma_start3A_111, %dma_start3A_112] : memref<10000x128xf32, #tpu.memory_space<hbm>> -> memref<10000x128xf32, #tpu.memory_space<hbm>>
          tpu.enqueue_indirect_dma source(%dma_start3A_113 : memref<10000x128xf32, #tpu.memory_space<hbm>>) target(%arg9 : memref<112x128xf32, #tpu.memory_space<vmem>>) offsets(%dma_start3A_110 : memref<112xi32, #tpu.memory_space<vmem>>) semaphore(%arg13 : memref<!tpu.dma_semaphore, #tpu.memory_space<semaphore_mem>>)
        } else {
        }
        %add3A_106 = arith.constant 2 : i32
        %add3A_107 = arith.addi %mul3A_49, %add3A_106 : i32
        "tpu.region"() ({
          %run_scoped3A = tpu.sem_alloc : memref<!tpu.dma_semaphore, #tpu.memory_space<semaphore_mem>>
          %dma_start3A_108 = arith.constant 0 : i32
          %dma_start3A_109 = tpu.memref_slice %arg7[%add3A_107, %dma_start3A_108] : memref<18x112xi32, #tpu.memory_space<vmem>> -> memref<1x112xi32, #tpu.memory_space<vmem>>
          %dma_start3A_110 = tpu.memref_squeeze %dma_start3A_109 : memref<1x112xi32, #tpu.memory_space<vmem>> -> memref<112xi32, #tpu.memory_space<vmem>>
          %dma_start3A_111 = arith.constant 0 : i32
          %dma_start3A_112 = arith.constant 0 : i32
          %dma_start3A_113 = tpu.memref_slice %arg11[%dma_start3A_111, %dma_start3A_112] : memref<10240x128xf32, #tpu.memory_space<vmem_shared>> -> memref<10240x128xf32, #tpu.memory_space<vmem_shared>>
          tpu.enqueue_indirect_dma source(%arg10 : memref<112x128xf32, #tpu.memory_space<vmem>>) target(%dma_start3A_113 : memref<10240x128xf32, #tpu.memory_space<vmem_shared>>) offsets(%dma_start3A_110 : memref<112xi32, #tpu.memory_space<vmem>>) semaphore(%run_scoped3A : memref<!tpu.dma_semaphore, #tpu.memory_space<semaphore_mem>>) {add = true}
          %dma_wait3A_114 = arith.constant 0 : i32
          %dma_wait3A_115 = tpu.memref_slice %arg7[%add3A_107, %dma_wait3A_114] : memref<18x112xi32, #tpu.memory_space<vmem>> -> memref<1x112xi32, #tpu.memory_space<vmem>>
          %dma_wait3A_116 = tpu.memref_squeeze %dma_wait3A_115 : memref<1x112xi32, #tpu.memory_space<vmem>> -> memref<112xi32, #tpu.memory_space<vmem>>
          %dma_wait3A_117 = arith.constant 0 : i32
          %dma_wait3A_118 = arith.constant 0 : i32
          %dma_wait3A_119 = tpu.memref_slice %arg11[%dma_wait3A_117, %dma_wait3A_118] : memref<10240x128xf32, #tpu.memory_space<vmem_shared>> -> memref<10240x128xf32, #tpu.memory_space<vmem_shared>>
          tpu.wait_indirect_dma semaphore(%run_scoped3A : memref<!tpu.dma_semaphore, #tpu.memory_space<semaphore_mem>>) src(%arg10 : memref<112x128xf32, #tpu.memory_space<vmem>>) dst(%dma_wait3A_119 : memref<10240x128xf32, #tpu.memory_space<vmem_shared>>)
          tpu.yield
        }) : () -> ()
      }
      %scan3A_42 = arith.constant 6 : i32
    }
    %scan3A_14 = arith.constant 5 : i32
    %barrier3A_15 = arith.constant 0 : index
    tpu.barrier barrier_id(%barrier3A_15)
    %mul3A_16 = arith.constant 640 : i32
    %mul3A_17 = arith.muli %arg1, %mul3A_16 : i32
    %mul3A_18 = arith.constant 640 : i32
    %mul3A_19 = arith.muli %arg1, %mul3A_18 : i32
    "tpu.region"() ({
      %run_scoped3A = tpu.sem_alloc : memref<!tpu.dma_semaphore, #tpu.memory_space<semaphore_mem>>
      %dma_start3A = arith.constant 0 : i32
      %dma_start3A_20 = tpu.memref_slice %arg5[%arg0, %mul3A_19, %dma_start3A] : memref<2x10240x128xf32, #tpu.memory_space<hbm>> -> memref<1x640x128xf32, #tpu.memory_space<hbm>>
      %dma_start3A_21 = tpu.memref_squeeze %dma_start3A_20 : memref<1x640x128xf32, #tpu.memory_space<hbm>> -> memref<640x128xf32, #tpu.memory_space<hbm>>
      %dma_start3A_22 = arith.constant 0 : i32
      %dma_start3A_23 = tpu.memref_slice %arg11[%mul3A_17, %dma_start3A_22] : memref<10240x128xf32, #tpu.memory_space<vmem_shared>> -> memref<640x128xf32, #tpu.memory_space<vmem_shared>>
      tpu.enqueue_dma source(%dma_start3A_23 : memref<640x128xf32, #tpu.memory_space<vmem_shared>>) target(%dma_start3A_21 : memref<640x128xf32, #tpu.memory_space<hbm>>) target_semaphore(%run_scoped3A : memref<!tpu.dma_semaphore, #tpu.memory_space<semaphore_mem>>)
      %dma_wait3A = arith.constant 0 : i32
      %dma_wait3A_24 = tpu.memref_slice %arg5[%arg0, %mul3A_19, %dma_wait3A] : memref<2x10240x128xf32, #tpu.memory_space<hbm>> -> memref<1x640x128xf32, #tpu.memory_space<hbm>>
      %dma_wait3A_25 = tpu.memref_squeeze %dma_wait3A_24 : memref<1x640x128xf32, #tpu.memory_space<hbm>> -> memref<640x128xf32, #tpu.memory_space<hbm>>
      %dma_wait3A_26 = arith.constant 0 : i32
      %dma_wait3A_27 = tpu.memref_slice %arg11[%mul3A_17, %dma_wait3A_26] : memref<10240x128xf32, #tpu.memory_space<vmem_shared>> -> memref<640x128xf32, #tpu.memory_space<vmem_shared>>
      tpu.wait_dma2 semaphore(%run_scoped3A : memref<!tpu.dma_semaphore, #tpu.memory_space<semaphore_mem>>) src(%dma_wait3A_27 : memref<640x128xf32, #tpu.memory_space<vmem_shared>>) dst(%dma_wait3A_25 : memref<640x128xf32, #tpu.memory_space<hbm>>)
      tpu.yield
    }) : () -> ()
    return
  }
}

module attributes {stable_mosaic.version = 14 : i64} {
  func.func @_mm_scale_kernel(%arg0: i32, %arg1: memref<1000x128xf32, #tpu.memory_space<vmem>>, %arg2: memref<128x128xf32, #tpu.memory_space<vmem>>, %arg3: memref<1000x1xf32, #tpu.memory_space<vmem>>, %arg4: memref<1000x1xf32, #tpu.memory_space<vmem>>, %arg5: memref<1000x128xf32, #tpu.memory_space<vmem>>) attributes {dimension_semantics = [#tpu.dimension_semantics<arbitrary>], iteration_bounds = array<i64: 10>, scalar_prefetch = 0 : i64, scratch_operands = 0 : i64, tpu.core_type = #tpu.core_type<tc>, window_params = [{transform_indices = @transform_0, window_bounds = array<i64: 1000, 128>}, {pipeline_mode = #tpu.pipeline_mode<synchronous>, transform_indices = @transform_1, window_bounds = array<i64: 128, 128>}, {transform_indices = @transform_2, window_bounds = array<i64: 1000, 1>}, {transform_indices = @transform_3, window_bounds = array<i64: 1000, 1>}, {transform_indices = @transform_4, window_bounds = array<i64: 1000, 128>}]} {
    %get3A = arith.constant 0 : index
    %get3A_0 = arith.constant 0 : index
    %get3A_1 = vector.load %arg3[%get3A, %get3A_0] : memref<1000x1xf32, #tpu.memory_space<vmem>>, vector<1000x1xf32>
    %add3A = arith.constant 1.000000e+00 : f32
    %add3A_2 = vector.broadcast %add3A : f32 to vector<1000x1xf32>
    %add3A_3 = arith.addf %add3A_2, %get3A_1 : vector<1000x1xf32>
    %get3A_4 = arith.constant 0 : index
    %get3A_5 = arith.constant 0 : index
    %get3A_6 = vector.load %arg4[%get3A_4, %get3A_5] : memref<1000x1xf32, #tpu.memory_space<vmem>>, vector<1000x1xf32>
    %add3A_7 = arith.addf %add3A_3, %get3A_6 : vector<1000x1xf32>
    %rsqrt3A = math.rsqrt %add3A_7 : vector<1000x1xf32>
    %get3A_8 = arith.constant 0 : index
    %get3A_9 = arith.constant 0 : index
    %get3A_10 = vector.load %arg1[%get3A_8, %get3A_9] : memref<1000x128xf32, #tpu.memory_space<vmem>>, vector<1000x128xf32>
    %get3A_11 = arith.constant 0 : index
    %get3A_12 = arith.constant 0 : index
    %get3A_13 = vector.load %arg2[%get3A_11, %get3A_12] : memref<128x128xf32, #tpu.memory_space<vmem>>, vector<128x128xf32>
    %dot_general3A = arith.constant dense<0.000000e+00> : vector<1000x128xf32>
    %dot_general3A_14 = tpu.matmul %get3A_10, %get3A_13, %dot_general3A {dimension_numbers = #tpu.dot_dimension_numbers<[1], [0], [0], [1], [0, 0, 1, 1], [], []>, transpose_lhs_hint = false} : vector<1000x128xf32>, vector<128x128xf32>, vector<1000x128xf32> -> vector<1000x128xf32>
    %mul3A = vector.broadcast %rsqrt3A : vector<1000x1xf32> to vector<1000x128xf32>
    %mul3A_15 = arith.mulf %dot_general3A_14, %mul3A : vector<1000x128xf32>
    %swap3A = arith.constant 0 : index
    %swap3A_16 = arith.constant 0 : index
    %swap3A_17 = vector.load %arg5[%swap3A, %swap3A_16] : memref<1000x128xf32, #tpu.memory_space<vmem>>, vector<1000x128xf32>
    tpu.vector_store %arg5[%swap3A, %swap3A_16], %mul3A_15 {strides = array<i32>} : memref<1000x128xf32, #tpu.memory_space<vmem>>, vector<1000x128xf32>,
    return
  }
  func.func @transform_0(%arg0: i32) -> (i32, i32) {
    %c0_i32 = arith.constant 0 : i32
    %c0_i32_0 = arith.constant 0 : i32
    return %arg0, %c0_i32 : i32, i32
  }
  func.func @transform_1(%arg0: i32) -> (i32, i32) {
    %c0_i32 = arith.constant 0 : i32
    %c0_i32_0 = arith.constant 0 : i32
    %c0_i32_1 = arith.constant 0 : i32
    return %c0_i32, %c0_i32_0 : i32, i32
  }
  func.func @transform_2(%arg0: i32) -> (i32, i32) {
    %c0_i32 = arith.constant 0 : i32
    %c0_i32_0 = arith.constant 0 : i32
    return %arg0, %c0_i32 : i32, i32
  }
  func.func @transform_3(%arg0: i32) -> (i32, i32) {
    %c0_i32 = arith.constant 0 : i32
    %c0_i32_0 = arith.constant 0 : i32
    return %arg0, %c0_i32 : i32, i32
  }
  func.func @transform_4(%arg0: i32) -> (i32, i32) {
    %c0_i32 = arith.constant 0 : i32
    %c0_i32_0 = arith.constant 0 : i32
    return %arg0, %c0_i32 : i32, i32
  }
}

module attributes {stable_mosaic.version = 14 : i64} {
  func.func @_layer_kernel(%arg0: i32, %arg1: memref<1000x128xf32, #tpu.memory_space<vmem>>, %arg2: memref<1000x128xf32, #tpu.memory_space<vmem>>, %arg3: memref<1000x128xf32, #tpu.memory_space<vmem>>, %arg4: memref<1000x1xf32, #tpu.memory_space<vmem>>, %arg5: memref<1000x1xf32, #tpu.memory_space<vmem>>, %arg6: memref<1x128xf32, #tpu.memory_space<vmem>>, %arg7: memref<128x128xf32, #tpu.memory_space<vmem>>, %arg8: memref<1000x128xf32, #tpu.memory_space<vmem>>) attributes {dimension_semantics = [#tpu.dimension_semantics<arbitrary>], iteration_bounds = array<i64: 10>, scalar_prefetch = 0 : i64, scratch_operands = 0 : i64, tpu.core_type = #tpu.core_type<tc>, window_params = [{transform_indices = @transform_0, window_bounds = array<i64: 1000, 128>}, {transform_indices = @transform_1, window_bounds = array<i64: 1000, 128>}, {transform_indices = @transform_2, window_bounds = array<i64: 1000, 128>}, {transform_indices = @transform_3, window_bounds = array<i64: 1000, 1>}, {transform_indices = @transform_4, window_bounds = array<i64: 1000, 1>}, {pipeline_mode = #tpu.pipeline_mode<synchronous>, transform_indices = @transform_5, window_bounds = array<i64: 1, 128>}, {pipeline_mode = #tpu.pipeline_mode<synchronous>, transform_indices = @transform_6, window_bounds = array<i64: 128, 128>}, {transform_indices = @transform_7, window_bounds = array<i64: 1000, 128>}]} {
    %get3A = arith.constant 0 : index
    %get3A_0 = arith.constant 0 : index
    %get3A_1 = vector.load %arg4[%get3A, %get3A_0] : memref<1000x1xf32, #tpu.memory_space<vmem>>, vector<1000x1xf32>
    %add3A = arith.constant 1.000000e+00 : f32
    %add3A_2 = vector.broadcast %add3A : f32 to vector<1000x1xf32>
    %add3A_3 = arith.addf %add3A_2, %get3A_1 : vector<1000x1xf32>
    %get3A_4 = arith.constant 0 : index
    %get3A_5 = arith.constant 0 : index
    %get3A_6 = vector.load %arg5[%get3A_4, %get3A_5] : memref<1000x1xf32, #tpu.memory_space<vmem>>, vector<1000x1xf32>
    %add3A_7 = arith.addf %add3A_3, %get3A_6 : vector<1000x1xf32>
    %rsqrt3A = math.rsqrt %add3A_7 : vector<1000x1xf32>
    %get3A_8 = arith.constant 0 : index
    %get3A_9 = arith.constant 0 : index
    %get3A_10 = vector.load %arg1[%get3A_8, %get3A_9] : memref<1000x128xf32, #tpu.memory_space<vmem>>, vector<1000x128xf32>
    %get3A_11 = arith.constant 0 : index
    %get3A_12 = arith.constant 0 : index
    %get3A_13 = vector.load %arg2[%get3A_11, %get3A_12] : memref<1000x128xf32, #tpu.memory_space<vmem>>, vector<1000x128xf32>
    %add3A_14 = arith.addf %get3A_10, %get3A_13 : vector<1000x128xf32>
    %get3A_15 = arith.constant 0 : index
    %get3A_16 = arith.constant 0 : index
    %get3A_17 = vector.load %arg3[%get3A_15, %get3A_16] : memref<1000x128xf32, #tpu.memory_space<vmem>>, vector<1000x128xf32>
    %add3A_18 = arith.addf %add3A_14, %get3A_17 : vector<1000x128xf32>
    %mul3A = vector.broadcast %rsqrt3A : vector<1000x1xf32> to vector<1000x128xf32>
    %mul3A_19 = arith.mulf %add3A_18, %mul3A : vector<1000x128xf32>
    %get3A_20 = arith.constant 0 : index
    %get3A_21 = arith.constant 0 : index
    %get3A_22 = vector.load %arg6[%get3A_20, %get3A_21] : memref<1x128xf32, #tpu.memory_space<vmem>>, vector<1x128xf32>
    %add3A_23 = vector.broadcast %get3A_22 : vector<1x128xf32> to vector<1000x128xf32>
    %add3A_24 = arith.addf %mul3A_19, %add3A_23 : vector<1000x128xf32>
    %max3A = arith.constant 0.000000e+00 : f32
    %max3A_25 = vector.broadcast %max3A : f32 to vector<1000x128xf32>
    %max3A_26 = arith.maximumf %add3A_24, %max3A_25 : vector<1000x128xf32>
    %get3A_27 = arith.constant 0 : index
    %get3A_28 = arith.constant 0 : index
    %get3A_29 = vector.load %arg7[%get3A_27, %get3A_28] : memref<128x128xf32, #tpu.memory_space<vmem>>, vector<128x128xf32>
    %dot_general3A = arith.constant dense<0.000000e+00> : vector<1000x128xf32>
    %dot_general3A_30 = tpu.matmul %max3A_26, %get3A_29, %dot_general3A {dimension_numbers = #tpu.dot_dimension_numbers<[1], [0], [0], [1], [0, 0, 1, 1], [], []>, transpose_lhs_hint = false} : vector<1000x128xf32>, vector<128x128xf32>, vector<1000x128xf32> -> vector<1000x128xf32>
    %mul3A_31 = vector.broadcast %rsqrt3A : vector<1000x1xf32> to vector<1000x128xf32>
    %mul3A_32 = arith.mulf %dot_general3A_30, %mul3A_31 : vector<1000x128xf32>
    %swap3A = arith.constant 0 : index
    %swap3A_33 = arith.constant 0 : index
    %swap3A_34 = vector.load %arg8[%swap3A, %swap3A_33] : memref<1000x128xf32, #tpu.memory_space<vmem>>, vector<1000x128xf32>
    tpu.vector_store %arg8[%swap3A, %swap3A_33], %mul3A_32 {strides = array<i32>} : memref<1000x128xf32, #tpu.memory_space<vmem>>, vector<1000x128xf32>,
    return
  }
  func.func @transform_0(%arg0: i32) -> (i32, i32) {
    %c0_i32 = arith.constant 0 : i32
    %c0_i32_0 = arith.constant 0 : i32
    return %arg0, %c0_i32 : i32, i32
  }
  func.func @transform_1(%arg0: i32) -> (i32, i32) {
    %c0_i32 = arith.constant 0 : i32
    %c0_i32_0 = arith.constant 0 : i32
    return %arg0, %c0_i32 : i32, i32
  }
  func.func @transform_2(%arg0: i32) -> (i32, i32) {
    %c0_i32 = arith.constant 0 : i32
    %c0_i32_0 = arith.constant 0 : i32
    return %arg0, %c0_i32 : i32, i32
  }
  func.func @transform_3(%arg0: i32) -> (i32, i32) {
    %c0_i32 = arith.constant 0 : i32
    %c0_i32_0 = arith.constant 0 : i32
    return %arg0, %c0_i32 : i32, i32
  }
  func.func @transform_4(%arg0: i32) -> (i32, i32) {
    %c0_i32 = arith.constant 0 : i32
    %c0_i32_0 = arith.constant 0 : i32
    return %arg0, %c0_i32 : i32, i32
  }
  func.func @transform_5(%arg0: i32) -> (i32, i32) {
    %c0_i32 = arith.constant 0 : i32
    %c0_i32_0 = arith.constant 0 : i32
    %c0_i32_1 = arith.constant 0 : i32
    return %c0_i32, %c0_i32_0 : i32, i32
  }
  func.func @transform_6(%arg0: i32) -> (i32, i32) {
    %c0_i32 = arith.constant 0 : i32
    %c0_i32_0 = arith.constant 0 : i32
    %c0_i32_1 = arith.constant 0 : i32
    return %c0_i32, %c0_i32_0 : i32, i32
  }
  func.func @transform_7(%arg0: i32) -> (i32, i32) {
    %c0_i32 = arith.constant 0 : i32
    %c0_i32_0 = arith.constant 0 : i32
    return %arg0, %c0_i32 : i32, i32
  }
}

module attributes {stable_mosaic.version = 14 : i64} {
  func.func @_pool_kernel(%arg0: i32, %arg1: memref<1000x128xf32, #tpu.memory_space<vmem>>, %arg2: memref<1000x128xf32, #tpu.memory_space<vmem>>, %arg3: memref<1000x128xf32, #tpu.memory_space<vmem>>, %arg4: memref<1000x1xf32, #tpu.memory_space<vmem>>, %arg5: memref<1000x1xf32, #tpu.memory_space<vmem>>, %arg6: memref<1x128xf32, #tpu.memory_space<vmem>>, %arg7: memref<1000x1xf32, #tpu.memory_space<vmem>>, %arg8: memref<64x128xf32, #tpu.memory_space<vmem>>, %arg9: memref<64x128xf32, #tpu.memory_space<vmem>>, %arg10: memref<64x128xf32, #tpu.memory_space<vmem>>) attributes {dimension_semantics = [#tpu.dimension_semantics<arbitrary>], iteration_bounds = array<i64: 10>, scalar_prefetch = 0 : i64, scratch_operands = 2 : i64, tpu.core_type = #tpu.core_type<tc>, window_params = [{transform_indices = @transform_0, window_bounds = array<i64: 1000, 128>}, {transform_indices = @transform_1, window_bounds = array<i64: 1000, 128>}, {transform_indices = @transform_2, window_bounds = array<i64: 1000, 128>}, {transform_indices = @transform_3, window_bounds = array<i64: 1000, 1>}, {transform_indices = @transform_4, window_bounds = array<i64: 1000, 1>}, {pipeline_mode = #tpu.pipeline_mode<synchronous>, transform_indices = @transform_5, window_bounds = array<i64: 1, 128>}, {transform_indices = @transform_6, window_bounds = array<i64: 1000, 1>}, {pipeline_mode = #tpu.pipeline_mode<synchronous>, transform_indices = @transform_7, window_bounds = array<i64: 64, 128>}]} {
    %eq3A = arith.constant 0 : i32
    %eq3A_0 = arith.cmpi eq, %arg0, %eq3A : i32
    %convert_element_type3A = arith.extui %eq3A_0 : i1 to i32
    %cond3A = arith.constant 0 : i32
    %cond3A_1 = arith.cmpi ne, %convert_element_type3A, %cond3A : i32
    scf.if %cond3A_1 {
      %broadcast_in_dim3A_58 = arith.constant 0.000000e+00 : f32
      %broadcast_in_dim3A_59 = vector.broadcast %broadcast_in_dim3A_58 : f32 to vector<64x128xf32>
      %swap3A_60 = arith.constant 0 : index
      %swap3A_61 = arith.constant 0 : index
      %swap3A_62 = vector.load %arg9[%swap3A_60, %swap3A_61] : memref<64x128xf32, #tpu.memory_space<vmem>>, vector<64x128xf32>
      tpu.vector_store %arg9[%swap3A_60, %swap3A_61], %broadcast_in_dim3A_59 {strides = array<i32>} : memref<64x128xf32, #tpu.memory_space<vmem>>, vector<64x128xf32>,
      %broadcast_in_dim3A_63 = arith.constant 0.000000e+00 : f32
      %broadcast_in_dim3A_64 = vector.broadcast %broadcast_in_dim3A_63 : f32 to vector<64x128xf32>
      %swap3A_65 = arith.constant 0 : index
      %swap3A_66 = arith.constant 0 : index
      %swap3A_67 = vector.load %arg10[%swap3A_65, %swap3A_66] : memref<64x128xf32, #tpu.memory_space<vmem>>, vector<64x128xf32>
      tpu.vector_store %arg10[%swap3A_65, %swap3A_66], %broadcast_in_dim3A_64 {strides = array<i32>} : memref<64x128xf32, #tpu.memory_space<vmem>>, vector<64x128xf32>,
    } else {
    }
    %get3A = arith.constant 0 : index
    %get3A_2 = arith.constant 0 : index
    %get3A_3 = vector.load %arg4[%get3A, %get3A_2] : memref<1000x1xf32, #tpu.memory_space<vmem>>, vector<1000x1xf32>
    %add3A = arith.constant 1.000000e+00 : f32
    %add3A_4 = vector.broadcast %add3A : f32 to vector<1000x1xf32>
    %add3A_5 = arith.addf %add3A_4, %get3A_3 : vector<1000x1xf32>
    %get3A_6 = arith.constant 0 : index
    %get3A_7 = arith.constant 0 : index
    %get3A_8 = vector.load %arg5[%get3A_6, %get3A_7] : memref<1000x1xf32, #tpu.memory_space<vmem>>, vector<1000x1xf32>
    %add3A_9 = arith.addf %add3A_5, %get3A_8 : vector<1000x1xf32>
    %rsqrt3A = math.rsqrt %add3A_9 : vector<1000x1xf32>
    %get3A_10 = arith.constant 0 : index
    %get3A_11 = arith.constant 0 : index
    %get3A_12 = vector.load %arg1[%get3A_10, %get3A_11] : memref<1000x128xf32, #tpu.memory_space<vmem>>, vector<1000x128xf32>
    %get3A_13 = arith.constant 0 : index
    %get3A_14 = arith.constant 0 : index
    %get3A_15 = vector.load %arg2[%get3A_13, %get3A_14] : memref<1000x128xf32, #tpu.memory_space<vmem>>, vector<1000x128xf32>
    %add3A_16 = arith.addf %get3A_12, %get3A_15 : vector<1000x128xf32>
    %get3A_17 = arith.constant 0 : index
    %get3A_18 = arith.constant 0 : index
    %get3A_19 = vector.load %arg3[%get3A_17, %get3A_18] : memref<1000x128xf32, #tpu.memory_space<vmem>>, vector<1000x128xf32>
    %add3A_20 = arith.addf %add3A_16, %get3A_19 : vector<1000x128xf32>
    %mul3A = vector.broadcast %rsqrt3A : vector<1000x1xf32> to vector<1000x128xf32>
    %mul3A_21 = arith.mulf %add3A_20, %mul3A : vector<1000x128xf32>
    %get3A_22 = arith.constant 0 : index
    %get3A_23 = arith.constant 0 : index
    %get3A_24 = vector.load %arg6[%get3A_22, %get3A_23] : memref<1x128xf32, #tpu.memory_space<vmem>>, vector<1x128xf32>
    %add3A_25 = vector.broadcast %get3A_24 : vector<1x128xf32> to vector<1000x128xf32>
    %add3A_26 = arith.addf %mul3A_21, %add3A_25 : vector<1000x128xf32>
    %iota3A = tpu.iota {dimensions = array<i32: 1>} : vector<1x64xi32>
    %convert_element_type3A_27 = arith.sitofp %iota3A : vector<1x64xi32> to vector<1x64xf32>
    %get3A_28 = arith.constant 0 : index
    %get3A_29 = arith.constant 0 : index
    %get3A_30 = vector.load %arg7[%get3A_28, %get3A_29] : memref<1000x1xf32, #tpu.memory_space<vmem>>, vector<1000x1xf32>
    %eq3A_31 = vector.broadcast %get3A_30 : vector<1000x1xf32> to vector<1000x64xf32>
    %eq3A_32 = vector.broadcast %convert_element_type3A_27 : vector<1x64xf32> to vector<1000x64xf32>
    %eq3A_33 = arith.cmpf oeq, %eq3A_31, %eq3A_32 : vector<1000x64xf32>
    %convert_element_type3A_34 = arith.extui %eq3A_33 : vector<1000x64xi1> to vector<1000x64xi32>
    %convert_element_type3A_35 = arith.sitofp %convert_element_type3A_34 : vector<1000x64xi32> to vector<1000x64xf32>
    %get3A_36 = arith.constant 0 : index
    %get3A_37 = arith.constant 0 : index
    %get3A_38 = vector.load %arg9[%get3A_36, %get3A_37] : memref<64x128xf32, #tpu.memory_space<vmem>>, vector<64x128xf32>
    %dot_general3A = arith.constant dense<0.000000e+00> : vector<64x128xf32>
    %dot_general3A_39 = tpu.matmul %convert_element_type3A_35, %add3A_26, %dot_general3A {dimension_numbers = #tpu.dot_dimension_numbers<[0], [0], [1], [1], [0, 1, 1, 1], [], []>, transpose_lhs_hint = false} : vector<1000x64xf32>, vector<1000x128xf32>, vector<64x128xf32> -> vector<64x128xf32>
    %add3A_40 = arith.addf %get3A_38, %dot_general3A_39 : vector<64x128xf32>
    %swap3A = arith.constant 0 : index
    %swap3A_41 = arith.constant 0 : index
    %swap3A_42 = vector.load %arg9[%swap3A, %swap3A_41] : memref<64x128xf32, #tpu.memory_space<vmem>>, vector<64x128xf32>
    tpu.vector_store %arg9[%swap3A, %swap3A_41], %add3A_40 {strides = array<i32>} : memref<64x128xf32, #tpu.memory_space<vmem>>, vector<64x128xf32>,
    %get3A_43 = arith.constant 0 : index
    %get3A_44 = arith.constant 0 : index
    %get3A_45 = vector.load %arg10[%get3A_43, %get3A_44] : memref<64x128xf32, #tpu.memory_space<vmem>>, vector<64x128xf32>
    %broadcast_in_dim3A = arith.constant 1.000000e+00 : f32
    %broadcast_in_dim3A_46 = vector.broadcast %broadcast_in_dim3A : f32 to vector<1000x128xf32>
    %dot_general3A_47 = arith.constant dense<0.000000e+00> : vector<64x128xf32>
    %dot_general3A_48 = tpu.matmul %convert_element_type3A_35, %broadcast_in_dim3A_46, %dot_general3A_47 {dimension_numbers = #tpu.dot_dimension_numbers<[0], [0], [1], [1], [0, 1, 1, 1], [], []>, transpose_lhs_hint = false} : vector<1000x64xf32>, vector<1000x128xf32>, vector<64x128xf32> -> vector<64x128xf32>
    %add3A_49 = arith.addf %get3A_45, %dot_general3A_48 : vector<64x128xf32>
    %swap3A_50 = arith.constant 0 : index
    %swap3A_51 = arith.constant 0 : index
    %swap3A_52 = vector.load %arg10[%swap3A_50, %swap3A_51] : memref<64x128xf32, #tpu.memory_space<vmem>>, vector<64x128xf32>
    tpu.vector_store %arg10[%swap3A_50, %swap3A_51], %add3A_49 {strides = array<i32>} : memref<64x128xf32, #tpu.memory_space<vmem>>, vector<64x128xf32>,
    %eq3A_53 = arith.constant 9 : i32
    %eq3A_54 = arith.cmpi eq, %arg0, %eq3A_53 : i32
    %convert_element_type3A_55 = arith.extui %eq3A_54 : i1 to i32
    %cond3A_56 = arith.constant 0 : i32
    %cond3A_57 = arith.cmpi ne, %convert_element_type3A_55, %cond3A_56 : i32
    scf.if %cond3A_57 {
      %get3A_58 = arith.constant 0 : index
      %get3A_59 = arith.constant 0 : index
      %get3A_60 = vector.load %arg9[%get3A_58, %get3A_59] : memref<64x128xf32, #tpu.memory_space<vmem>>, vector<64x128xf32>
      %get3A_61 = arith.constant 0 : index
      %get3A_62 = arith.constant 0 : index
      %get3A_63 = vector.load %arg10[%get3A_61, %get3A_62] : memref<64x128xf32, #tpu.memory_space<vmem>>, vector<64x128xf32>
      %max3A = arith.constant 1.000000e+00 : f32
      %max3A_64 = vector.broadcast %max3A : f32 to vector<64x128xf32>
      %max3A_65 = arith.maximumf %get3A_63, %max3A_64 : vector<64x128xf32>
      %div3A = arith.divf %get3A_60, %max3A_65 : vector<64x128xf32>
      %swap3A_66 = arith.constant 0 : index
      %swap3A_67 = arith.constant 0 : index
      %swap3A_68 = vector.load %arg8[%swap3A_66, %swap3A_67] : memref<64x128xf32, #tpu.memory_space<vmem>>, vector<64x128xf32>
      tpu.vector_store %arg8[%swap3A_66, %swap3A_67], %div3A {strides = array<i32>} : memref<64x128xf32, #tpu.memory_space<vmem>>, vector<64x128xf32>,
    } else {
    }
    return
  }
  func.func @transform_0(%arg0: i32) -> (i32, i32) {
    %c0_i32 = arith.constant 0 : i32
    %c0_i32_0 = arith.constant 0 : i32
    return %arg0, %c0_i32 : i32, i32
  }
  func.func @transform_1(%arg0: i32) -> (i32, i32) {
    %c0_i32 = arith.constant 0 : i32
    %c0_i32_0 = arith.constant 0 : i32
    return %arg0, %c0_i32 : i32, i32
  }
  func.func @transform_2(%arg0: i32) -> (i32, i32) {
    %c0_i32 = arith.constant 0 : i32
    %c0_i32_0 = arith.constant 0 : i32
    return %arg0, %c0_i32 : i32, i32
  }
  func.func @transform_3(%arg0: i32) -> (i32, i32) {
    %c0_i32 = arith.constant 0 : i32
    %c0_i32_0 = arith.constant 0 : i32
    return %arg0, %c0_i32 : i32, i32
  }
  func.func @transform_4(%arg0: i32) -> (i32, i32) {
    %c0_i32 = arith.constant 0 : i32
    %c0_i32_0 = arith.constant 0 : i32
    return %arg0, %c0_i32 : i32, i32
  }
  func.func @transform_5(%arg0: i32) -> (i32, i32) {
    %c0_i32 = arith.constant 0 : i32
    %c0_i32_0 = arith.constant 0 : i32
    %c0_i32_1 = arith.constant 0 : i32
    return %c0_i32, %c0_i32_0 : i32, i32
  }
  func.func @transform_6(%arg0: i32) -> (i32, i32) {
    %c0_i32 = arith.constant 0 : i32
    %c0_i32_0 = arith.constant 0 : i32
    return %arg0, %c0_i32 : i32, i32
  }
  func.func @transform_7(%arg0: i32) -> (i32, i32) {
    %c0_i32 = arith.constant 0 : i32
    %c0_i32_0 = arith.constant 0 : i32
    %c0_i32_1 = arith.constant 0 : i32
    return %c0_i32, %c0_i32_0 : i32, i32
  }
}

</mosaic_0001>

<sc_bundles>
// kernel: kernel.10.cloned.1.call-start
scs
__scs_entry_jumppad:
0x0: {  	(pc) =	sbr.rel $0x88, $3  }
0x1: {  	(tag) =	ssettag $0x0;
	lr =	simm.s32 $0x1  }
0x2: {  	[smem:$0x3F98] =	sst lr;
	_ =	strace $0xD0000000  }
0x3: {  	_ = 	snop  }
0x4: {  	_ = 	snop  }
0x5: {  	_ = 	snop  }
0x6: {  	_ = 	snop  }
0x7: {  	_ = 	snop  }
__scs_overlays_trampoline_lowered:
0x8: {  	[smem:$0x3FA7] =	sst s0  }
0x9: {  	[smem:$0x3FA8] =	sst s1  }
0xa: {  	[smem:$0x3FA9] =	sst s2  }
0xb: {  	[smem:$0x3FAA] =	sst s3  }
0xc: {  	[smem:$0x3FAB] =	sst s4  }
0xd: {  	[smem:$0x3FAC] =	sst s5  }
0xe: {  	[smem:$0x3FAD] =	sst s6  }
0xf: {  	[smem:$0x3FAE] =	sst s7  }
0x10: {  	[smem:$0x3FAF] =	sst s8  }
0x11: {  	[smem:$0x3FB0] =	sst s9;
	s0 =	simm.s32 @!p0 $0x0  }
0x12: {  	s1 =	sld [smem:$0x3F96];
	s0 =	simm.s32 @p0 $0x1  }
0x13: {  	[smem:$0x3FB1] =	sst s0;
	s0 =	simm.s32 @!p1 $0x0  }
0x14: {  	s2 =	sld [smem:$0x3F95];
	s0 =	simm.s32 @p1 $0x1  }
0x15: {  	[smem:$0x3FB2] =	sst s0;
	s0 =	simm.s32 @!p2 $0x0  }
0x16: {  	s3 =	sld [smem:$0x3FDB];
	s0 =	simm.s32 @p2 $0x1  }
0x17: {  	s4 =	simm.s32 $0x1BF5;
	[smem:$0x3FB4] =	sst s0  }
0x18: {  	s0 =	sld [smem:$0x3F97];
	_ =	swait.ge [sflag:s4], $0x0  }
0x19: {  	s7 =	sld [smem:$0x3F98]  }
0x1a: {  	s8 =	sadd.s32 $0xFFFFE003, lr  }
0x1b: {  	s9 =	sadd.s32 $0xFFFFFEF7, lr;
	s5 =	simm.s32 $0xFFFFFFFF;
	p2 =	slt.u32 s8, $0xFFFFF086  }
0x1c: {  	p1 =	slt.u32 s9, $0xF7A;
	s5 =	simm.s32 @!p2 $0x0  }
0x1d: {  	s5 =	simm.s32 @p1 $0x1;
	p0 =	seq.s32 s7, s2  }
0x1e: {  	s7 =	smul.u32 @!p0 $0xF7A, s2;
	p2 =	seq.s32 @!p0 s5, $0x0  }
0x1f: {  	s9 =	smul.u32 $0xF7A, s1;
	s8 =	simm.s32 @!p0 $0x1BF5;
	p2 =	por !p2, p0  }
0x20: {  	[sflag:s8] =	ssyncset.s32 @!p0 $0xFFFFF086;
	s6 =	sadd.s32 @!p0 s3, s7;
	s7 =	simm.s32 @!p0 $0x108  }
0x21: {  	s3 =	sadd.s32 s3, s9;
	s6 =	sadd.s32 @!p0 $0x88, s6;
	s7 =	simm.s32 @p2 $0x1082  }
0x22: {  	[simem:s7], [sflag:s8] =	dma.local @!p0 [hbm:s6], $0xF7A  }
0x23: {  	s9 =	sor.u32 $0xD0000000, s2;
	s6 =	simm.s32 $0x108;
	_ =	swait.ge @!p0 [sflag:s8], $0x0  }
0x24: {  	s3 =	sadd.s32 $0x88, s3;
	s6 =	simm.s32 @!p1 $0x1082;
	[sflag:s4] =	ssyncset.s32 $0xFFFFF086  }
0x25: {  	[simem:s6], [sflag:s4] =	dma.local [hbm:s3], $0xF7A  }
0x26: {  	[smem:$0x3F98] =	sst s1;
	(tag) =	ssettag s2;
	_ =	strace s9  }
0x27: {  	s1 =	sld [smem:$0x3FA8]  }
0x28: {  	s2 =	sld [smem:$0x3FA9]  }
0x29: {  	s4 =	sld [smem:$0x3FAB]  }
0x2a: {  	p0 =	seq.s32 s5, $0x0;
	s5 =	sld [smem:$0x3FAC]  }
0x2b: {  	s6 =	sld [smem:$0x3FAD]  }
0x2c: {  	s7 =	sld [smem:$0x3FAE]  }
0x2d: {  	s3 =	simm.s32 $0x108;
	s8 =	sld [smem:$0x3FAF]  }
0x2e: {  	s3 =	simm.s32 @!p0 $0x1082;
	s9 =	sld [smem:$0x3FB0]  }
0x2f: {  	lr =	sadd.s32 s0, s3;
	s0 =	sld [smem:$0x3FA7]  }
0x30: {  	s3 =	sld [smem:$0x3FAA]  }
0x31: {  	[smem:$0x3FB3] =	sst s10  }
0x32: {  	s10 =	sld [smem:$0x3FB1];
	_ =	sdelay $0x3  }
0x33: {  	p0 =	seq.s32 s10, $0x1;
	s10 =	sld [smem:$0x3FB3];
	_ =	sdelay $0x3  }
0x34: {  	[smem:$0x3FB3] =	sst s10  }
0x35: {  	s10 =	sld [smem:$0x3FB2];
	_ =	sdelay $0x3  }
0x36: {  	p1 =	seq.s32 s10, $0x1;
	s10 =	sld [smem:$0x3FB3];
	_ =	sdelay $0x3  }
0x37: {  	[smem:$0x3FB3] =	sst s10  }
0x38: {  	s10 =	sld [smem:$0x3FB4]  }
0x39: {  	_ = 	snop;
	(pc) =	sbr.ind lr, $3  }
0x3a: {  	_ = 	snop  }
0x3b: {  	_ = 	snop  }
0x3c: {  	p2 =	seq.s32 s10, $0x1;
	s10 =	sld [smem:$0x3FB3]  }
0x3d: {  	_ =	shalt  }
0x3e: {  	_ =	shalt  }
0x3f: {  	_ =	shalt  }
0x40: {  	_ =	shalt  }
0x41: {  	_ =	shalt  }
0x42: {  	_ =	shalt  }
0x43: {  	_ =	shalt  }
0x44: {  	_ =	shalt  }
0x45: {  	_ =	shalt  }
0x46: {  	_ =	shalt  }
0x47: {  	_ =	shalt  }
0x48: {  	_ =	shalt  }
0x49: {  	_ =	shalt  }
0x4a: {  	_ =	shalt  }
0x4b: {  	_ =	shalt  }
0x4c: {  	_ =	shalt  }
0x4d: {  	_ =	shalt  }
0x4e: {  	_ =	shalt  }
0x4f: {  	_ =	shalt  }
0x50: {  	_ =	shalt  }
0x51: {  	_ =	shalt  }
0x52: {  	_ =	shalt  }
0x53: {  	_ =	shalt  }
0x54: {  	_ =	shalt  }
0x55: {  	_ =	shalt  }
0x56: {  	_ =	shalt  }
0x57: {  	_ =	shalt  }
0x58: {  	_ =	shalt  }
0x59: {  	_ =	shalt  }
0x5a: {  	_ =	shalt  }
0x5b: {  	_ =	shalt  }
0x5c: {  	_ =	shalt  }
0x5d: {  	_ =	shalt  }
0x5e: {  	_ =	shalt  }
0x5f: {  	_ =	shalt  }
0x60: {  	_ =	shalt  }
0x61: {  	_ =	shalt  }
0x62: {  	_ =	shalt  }
0x63: {  	_ =	shalt  }
0x64: {  	_ =	shalt  }
0x65: {  	_ =	shalt  }
0x66: {  	_ =	shalt  }
0x67: {  	_ =	shalt  }
0x68: {  	_ =	shalt  }
0x69: {  	_ =	shalt  }
0x6a: {  	_ =	shalt  }
0x6b: {  	_ =	shalt  }
0x6c: {  	_ =	shalt  }
0x6d: {  	_ =	shalt  }
0x6e: {  	_ =	shalt  }
0x6f: {  	_ =	shalt  }
0x70: {  	_ =	shalt  }
0x71: {  	_ =	shalt  }
0x72: {  	_ =	shalt  }
0x73: {  	_ =	shalt  }
0x74: {  	_ =	shalt  }
0x75: {  	_ =	shalt  }
0x76: {  	_ =	shalt  }
0x77: {  	_ =	shalt  }
0x78: {  	_ =	shalt  }
0x79: {  	_ =	shalt  }
0x7a: {  	_ =	shalt  }
0x7b: {  	_ =	shalt  }
0x7c: {  	_ =	shalt  }
0x7d: {  	_ =	shalt  }
0x7e: {  	_ =	shalt  }
0x7f: {  	_ =	shalt  }
0x80: {  	_ =	shalt  }
0x81: {  	_ =	shalt  }
0x82: {  	_ =	shalt  }
0x83: {  	_ =	shalt  }
0x84: {  	_ =	shalt  }
0x85: {  	_ =	shalt  }
0x86: {  	_ =	shalt  }
0x87: {  	_ =	shalt  }
.Lfunc_end0:
.L_simem_size_0:
called_computation_lowered:
.L_overlay_start_0:
0x88: {  	s2 =	sld [smem:$0x3FD9]  }
0x89: {  	s3 =	sld [smem:$0x3FFE];
	_ =	sdelay $0x1  }
0x8a: {  	s1 =	srdreg.scid  }
0x8b: {  	s0 =	sand.u32 $0x1, s1  }
0x8c: {  	s16 =	sshll.u32 s0, $0xA;
	s2 =	sadd.s32 s3, s2  }
0x8d: {  	s2 =	sadd.s32 s2, s16  }
0x8e: {  	[smem:$0x3FBF] =	sst s2  }
0x8f: {  	_ = 	snop  }
0x90: {  	(tm) =	ssettm $0x1  }
0x91: {  	s17 =	sld [smem:$0x3FFB];
	_ =	sdelay $0x3  }
0x92: {  	_ =	strace s17  }
0x93: {  	s2 =	sld [smem:$0x3FFC];
	_ =	sdelay $0x3  }
0x94: {  	_ =	strace s2  }
0x95: {  	s2 =	sld [smem:$0x3FFD];
	_ =	sdelay $0x3  }
0x96: {  	_ =	strace s2  }
0x97: {  	_ =	strace $0x8FFFFFFF  }
0x98: {  	s18 =	sld [smem:$0x3FDB];
	_ =	sdelay $0x1  }
0x99: {  	s19 =	simm.s32 $_scs_section_size  }
0x9a: {  	s4 =	simm.s32 $_size__tile_overlayer_lowered;
	s5 =	simm.s32 $_tile_overlayer_lowered  }
0x9b: {  	s22 =	simm.s32 $0x1BFF;
	s21 =	sshll.u32 s5, $0x1;
	s2 =	sadd.s32 s19, s18  }
0x9c: {  	s6 =	simm.s32 $0x0;
	s20 =	sshll.u32 s4, $0x1;
	s4 =	sadd.s32 s21, s2  }
0x9d: {  	[timem:s6], [sflag:s22] =	dma.local [hbm:s4], s20  }
0x9e: {  	_ =	swait.ge [sflag:s22], s20  }
0x9f: {  	s3 =	ssub.s32 $0x0, s20;
	[sflag:s22] =	ssyncset.done $0x0  }
0xa0: {  	[sflag:s22] =	ssyncadd.s32 s3;
	_ =	sdelay $0x1  }
0xa1: {  	s23 =	simm.s32 $0x1B8B  }
0xa2: {  	_ =	swait.ge [sflag:s23], $0x1  }
0xa3: {  	[sflag:s23] =	ssyncset.done $0x0  }
0xa4: {  	s25 =	simm.s32 $0x1B8E;
	s24 =	sld [smem:$0x3FFE];
	[sflag:s23] =	ssyncadd.s32 $0xFFFFFFFF  }
0xa5: {  	s26 =	simm.s32 $execute0_lowered;
	[smem:$0x3FD2] =	sst s25  }
0xa6: {  	s4 =	sshll.u32 s26, $0x1;
	_ =	strace $0x80000046;
	[dreg:$0x1] =	wrdreg $0xFFFFFFFF  }
0xa7: {  	s28 =	simm.s32 $_size_execute0_lowered;
	s2 =	sadd.s32 s2, s4;
	[dreg:$0x0] =	wrdreg $0x0  }
0xa8: {  	s4 =	sshll.u32 s28, $0x1;
	[dreg:$0x2] =	wrdreg s2  }
0xa9: {  	[dreg:$0x3] =	wrdreg s4  }
0xaa: {  	[dreg:$0x4] =	wrdreg $0xC0  }
0xab: {  	_ =	task [dreg:s6], $0x5FFFF  }
0xac: {  	[dreg:$0x1] =	wrdreg $0xFFFFFFFF  }
0xad: {  	[dreg:$0x0] =	wrdreg $0x60  }
0xae: {  	[dreg:$0x2] =	wrdreg s24  }
0xaf: {  	[dreg:$0x3] =	wrdreg $0x18E800  }
0xb0: {  	[dreg:$0x4] =	wrdreg $0x9  }
0xb1: {  	_ =	task.clear_ibuf [dreg:s6], $0x5FFFF;
	_ =	strace $0x90000046  }
0xb2: {  	s29 =	simm.s32 $0x9;
	_ =	strace $0x80000048  }
0xb3: {  	_ =	swait.ge [sflag:s29], $0x1  }
0xb4: {  	[sflag:s29] =	ssyncadd.s32 $0xFFFFFFFF  }
0xb5: {  	_ =	strace $0x90000048  }
0xb6: {  	_ =	sfence  }
0xb7: {  	s30 =	sld [smem:$0x0];
	_ =	sdelay $0x2  }
0xb8: {  	s31 =	sshll.u32 s1, $0xD;
	s1 =	sshrl.u32 s1, $0x2  }
0xb9: {  	s3 =	sand.u32 $0x4000, s31;
	s1 =	sadd.s32 s1, s30  }
0xba: {  	s0 =	sor.u32 s3, s0;
	s1 =	sshll.u32 s1, $0x11  }
0xbb: {  	s0 =	sor.u32 s1, s0  }
0xbc: {  	s0 =	sadd.s32 $0x8F2B, s0  }
0xbd: {  	[sflag:s0] =	ssyncadd.remote.s32 $0x1  }
0xbe: {  	_ =	sfence.sel $0xFFFF  }
0xbf: {  	[dreg:$0x0] =	wrdreg $0xFFFFFFFF;
	(pc) =	sbr.abs _section_cstart, $3  }
0xc0: {  	[dreg:$0x1] =	wrdreg $0xFFFFFFFF  }
0xc1: {  	_ =	task.clear_ibuf [dreg:s6], $0x2FFFF;
	_ =	strace $0x9FFFFFFF  }
0xc2: {  	(tm) =	ssettm $0x7FFFFFFF  }
0xc3: {  	_ =	shalt  }
tec
execute0_lowered:
.L_overlay_start_1:
0x0: {  	(tag) =	ssettag $0x1  }
0x1: {  	s0 =	rddreg [dreg:$0x0]  }
0x2: {  	s1 =	srdreg.scid;
	s9 =	stileid.u32  }
0x3: {  	s3 =	rddreg [dreg:$0x1];
	s2 =	simm.s32 $0x0;
	s1 =	sand.u32 $0x1, s1  }
0x4: {  	s4 =	sshll.u32 s9, $0x1;
	[smem:$0x7FF] =	sst s2;
	s5 =	smul.u32 $0x500, s9  }
0x5: {  	s7 =	sshrl.u32 s9, $0x3;
	s8 =	smul.u32 $0x5000, s9;
	s9 =	sshll.u32 s9, $0x7  }
0x6: {  	s4 =	sor.u32 s1, s4;
	_ =	strace $0x80000047;
	s6 =	sshll.u32 s1, $0x7  }
0x7: {  	s1 =	ssub.s32 $0x2, s1;
	s25 =	smul.u32 $0x50000, s7;
	s12 =	sand.u32 $0x380, s9  }
0x8: {  	s4 =	smul.u32 $0x2780, s4;
	s5 =	sor.u32 s6, s5;
	s26 =	sshrl.u32 s1, $0x1  }
0x9: {  	s5 =	sshrl.u32 s5, $0x3;
	s1 =	ssub.s32 s1, s26;
	s10 =	sshrl.u32 s25, $0x2  }
0xa: {  	s4 =	sadd.s32 s4, s0;
	s0 =	sadd.s32 s5, s0;
	s7 =	smax.u32 s1, $0x1  }
0xb: {  	s5 =	sadd.s32 s10, s3;
	s4 =	sadd.s32 $0x5200, s4;
	[dreg:$0x15] =	wrdreg s7  }
0xc: {  	s11 =	sshrl.u32 s8, $0x2;
	s13 =	sadd.s32 s12, s5;
	[dreg:$0x3] =	wrdreg s4  }
0xd: {  	s0 =	sadd.s32 $0x54200, s0;
	s4 =	sadd.s32 s11, s3;
	[dreg:$0x4] =	wrdreg s13  }
0xe: {  	[dreg:$0x14] =	wrdreg s0;
	s14 =	sadd.s32 $0x80, s4  }
0xf: {  	s15 =	sadd.s32 $0x100, s4;
	[dreg:$0x5] =	wrdreg s14  }
0x10: {  	s16 =	sadd.s32 $0x180, s4;
	[dreg:$0x6] =	wrdreg s15  }
0x11: {  	s17 =	sadd.s32 $0x200, s4;
	[dreg:$0x7] =	wrdreg s16  }
0x12: {  	s18 =	sadd.s32 $0x280, s4;
	[dreg:$0x8] =	wrdreg s17  }
0x13: {  	s19 =	sadd.s32 $0x300, s4;
	[dreg:$0x9] =	wrdreg s18  }
0x14: {  	s20 =	sadd.s32 $0x380, s4;
	[dreg:$0xa] =	wrdreg s19  }
0x15: {  	s21 =	sadd.s32 $0x14000, s4;
	[dreg:$0xb] =	wrdreg s20  }
0x16: {  	s22 =	sadd.s32 $0x14080, s4;
	[dreg:$0xc] =	wrdreg s21  }
0x17: {  	s23 =	sadd.s32 $0x14100, s4;
	[dreg:$0xd] =	wrdreg s22  }
0x18: {  	s24 =	sadd.s32 $0x14180, s4;
	[dreg:$0xe] =	wrdreg s23  }
0x19: {  	s25 =	sadd.s32 $0x14200, s4;
	[dreg:$0xf] =	wrdreg s24  }
0x1a: {  	s26 =	sadd.s32 $0x14280, s4;
	[dreg:$0x10] =	wrdreg s25  }
0x1b: {  	s5 =	sadd.s32 $0x14300, s4;
	[dreg:$0x11] =	wrdreg s26  }
0x1c: {  	s6 =	sadd.s32 $0x14380, s4;
	[dreg:$0x12] =	wrdreg s5  }
0x1d: {  	s8 =	sadd.s32 $0x400, s4;
	[dreg:$0x13] =	wrdreg s6  }
0x1e: {  	s9 =	sadd.s32 $0x800, s4;
	[dreg:$0x16] =	wrdreg s8  }
0x1f: {  	s10 =	sadd.s32 $0xC00, s4;
	[dreg:$0x17] =	wrdreg s9  }
0x20: {  	s11 =	sadd.s32 $0x1000, s4;
	[dreg:$0x18] =	wrdreg s10  }
0x21: {  	s12 =	sadd.s32 $0x480, s4;
	[dreg:$0x19] =	wrdreg s11  }
0x22: {  	s13 =	sadd.s32 $0x880, s4;
	[dreg:$0x1a] =	wrdreg s12  }
0x23: {  	s1 =	sadd.s32 $0x1200, s4;
	[dreg:$0x1b] =	wrdreg s13  }
0x24: {  	s3 =	sadd.s32 $0x680, s4;
	[smem:$0x7E6] =	sst s1  }
0x25: {  	s7 =	sadd.s32 $0x1280, s4;
	[smem:$0x7E7] =	sst s3  }
0x26: {  	s14 =	sadd.s32 $0xC80, s4;
	[smem:$0x7EA] =	sst s7  }
0x27: {  	s15 =	sadd.s32 $0x1080, s4;
	[dreg:$0x1c] =	wrdreg s14  }
0x28: {  	s16 =	sadd.s32 $0x500, s4;
	[dreg:$0x1d] =	wrdreg s15  }
0x29: {  	s17 =	sadd.s32 $0x900, s4;
	[dreg:$0x1e] =	wrdreg s16  }
0x2a: {  	s18 =	sadd.s32 $0xD00, s4;
	[dreg:$0x1f] =	wrdreg s17  }
0x2b: {  	s19 =	sadd.s32 $0x1100, s4;
	[smem:$0x7DD] =	sst s18  }
0x2c: {  	s20 =	sadd.s32 $0x580, s4;
	[smem:$0x7DE] =	sst s19  }
0x2d: {  	s21 =	sadd.s32 $0x980, s4;
	[smem:$0x7DF] =	sst s20  }
0x2e: {  	s22 =	sadd.s32 $0xD80, s4;
	[smem:$0x7E0] =	sst s21  }
0x2f: {  	s23 =	sadd.s32 $0x1180, s4;
	[smem:$0x7E1] =	sst s22  }
0x30: {  	s24 =	sadd.s32 $0x600, s4;
	[smem:$0x7E2] =	sst s23  }
0x31: {  	s25 =	sadd.s32 $0xA00, s4;
	[smem:$0x7E3] =	sst s24  }
0x32: {  	s26 =	sadd.s32 $0xE00, s4;
	[smem:$0x7E4] =	sst s25  }
0x33: {  	s5 =	sadd.s32 $0xA80, s4;
	[smem:$0x7E5] =	sst s26  }
0x34: {  	s6 =	sadd.s32 $0xE80, s4;
	[smem:$0x7E8] =	sst s5  }
0x35: {  	s8 =	sadd.s32 $0x700, s4;
	[smem:$0x7E9] =	sst s6  }
0x36: {  	s9 =	sadd.s32 $0xB00, s4;
	[smem:$0x7EB] =	sst s8  }
0x37: {  	s10 =	sadd.s32 $0xF00, s4;
	[smem:$0x7EC] =	sst s9  }
0x38: {  	s11 =	sadd.s32 $0x1300, s4;
	[smem:$0x7ED] =	sst s10  }
0x39: {  	s12 =	sadd.s32 $0x780, s4;
	[smem:$0x7EE] =	sst s11  }
0x3a: {  	s13 =	sadd.s32 $0xB80, s4;
	[smem:$0x7EF] =	sst s12  }
0x3b: {  	[smem:$0x7F0] =	sst s13;
	s14 =	sadd.s32 $0xF80, s4  }
0x3c: {  	s15 =	sadd.s32 $0x1380, s4;
	[smem:$0x7F1] =	sst s14  }
0x3d: {  	s16 =	sadd.s32 $0x14400, s4;
	[smem:$0x7F2] =	sst s15  }
0x3e: {  	s30 =	simm.s32 $0x1;
	s17 =	sadd.s32 $0x14800, s4;
	[smem:$0x7F3] =	sst s16  }
0x3f: {  	s31 =	simm.s32 $0x13C00;
	s18 =	sadd.s32 $0x14C00, s4;
	[smem:$0x7F4] =	sst s17  }
0x40: {  	s28 =	sadd.s32 $0x14F80, s4;
	s19 =	sadd.s32 $0x15000, s4;
	[smem:$0x7F5] =	sst s18  }
0x41: {  	s29 =	sadd.s32 $0x15380, s4;
	s20 =	sadd.s32 $0x14480, s4;
	[smem:$0x7F6] =	sst s19  }
0x42: {  	s1 =	simm.s32 $0x80;
	s21 =	sadd.s32 $0x14880, s4;
	[smem:$0x7F7] =	sst s20  }
0x43: {  	s22 =	sadd.s32 $0x14C80, s4;
	s23 =	sadd.s32 $0x15080, s4;
	[smem:$0x7F8] =	sst s21  }
0x44: {  	s24 =	sadd.s32 $0x14500, s4;
	s25 =	sadd.s32 $0x14900, s4;
	[smem:$0x7F9] =	sst s22  }
0x45: {  	s26 =	sadd.s32 $0x14D00, s4;
	s8 =	sadd.s32 $0x15100, s4;
	[smem:$0x7FA] =	sst s23  }
0x46: {  	s9 =	sadd.s32 $0x14580, s4;
	s10 =	sadd.s32 $0x14980, s4;
	[smem:$0x7FB] =	sst s24  }
0x47: {  	s11 =	sadd.s32 $0x14D80, s4;
	s12 =	sadd.s32 $0x15180, s4;
	[smem:$0x7FC] =	sst s25  }
0x48: {  	s13 =	sadd.s32 $0x14600, s4;
	[smem:$0x7FD] =	sst s26;
	s14 =	sadd.s32 $0x14A00, s4  }
0x49: {  	s15 =	sadd.s32 $0x14E00, s4;
	s16 =	sadd.s32 $0x15200, s4;
	s17 =	sadd.s32 $0x14680, s4  }
0x4a: {  	s18 =	sadd.s32 $0x14A80, s4;
	s19 =	sadd.s32 $0x14E80, s4;
	s20 =	sadd.s32 $0x15280, s4  }
0x4b: {  	s21 =	sadd.s32 $0x14700, s4;
	s22 =	sadd.s32 $0x14B00, s4;
	s23 =	sadd.s32 $0x14F00, s4  }
0x4c: {  	v0 =	vimm.f32 $0.0e+00;
	s24 =	sadd.s32 $0x15300, s4;
	s25 =	sadd.s32 $0x14780, s4;
	s26 =	sadd.s32 $0x14B80, s4  }
.LBB2_1:
0x4d: {  	s0 =	simm.s32 $0x40;
	s3 =	simm.s32 $0x0  }
.LBB2_2:
0x4e: {  	p0 =	sne.s32 s0, $0x9FC0;
	[tilespmem:s3+$0x13C00] =	vst v0;
	s3 =	smov.u32 s0;
	s0 =	sadd.s32 $0x40, s0  }
.Ltmp0:
0x4f: {  	(pc) =	sbr.rel @p0 .LBB2_2-.Ltmp0, $2  }
0x50: {  	_ =	sdelay $0x2  }
0x51: {  	s3 =	sshra.s32 s3, $0x2  }
0x52: {  	[tilespmem:s3+$0x13C00] =	vst v0;
	s0 =	simm.s32 $0x0;
	s7 =	rddreg [dreg:$0x3]  }
0x53: {  	[tilespmem:s0], [sflag:$0x1] =	stream.linear.gather [hbm4b:s7+s0], $0x13880, $0x38;
	[tilespmem:$0x1B680] =	vst v63  }
0x54: {  	_ =	swait.ge [sflag:s30], $0x13880  }
0x55: {  	[sflag:s30] =	ssyncset.done $0x0  }
0x56: {  	s3 =	simm.s32 $0x0;
	s0 =	simm.s32 $0x200;
	[sflag:s30] =	ssyncadd.s32 $0xFFFEC780  }
.LBB2_4:
0x57: {  	p0 =	sne.s32 s0, $0x4E000;
	v1 =	vld [tilespmem:s3+$0x0];
	_ =	sdelay $0x4  }
0x58: {  	(xrf1) =	vunique.msk.u32 $0xffff, v1;
	_ =	sdelay $0xd  }
0x59: {  	_, v2, vm0 =	vpop (xrf1);
	_ =	sdelay $0x1  }
.Ltmp1:
0x5a: {  	(pc) =	sbr.rel @p0 .LBB2_4-.Ltmp1, $3  }
0x5b: {  	_ = 	snop  }
0x5c: {  	v2 =	vcvt.s32.f32 v2;
	_ =	sdelay $0x1  }
0x5d: {  	s3 =	sshra.s32 s0, $0x2;
	s0 =	sadd.s32 $0x200, s0;
	[tilespmem:v1+s31+$0x0] =	vst.idx.add.f32.msk vm0, v2  }
0x5e: {  	v1 =	vld [tilespmem:s3+$0x0];
	_ =	sdelay $0x4  }
0x5f: {  	(xrf1) =	vunique.msk.u32 $0xffff, v1;
	_ =	sdelay $0xd  }
0x60: {  	_, v2, vm0 =	vpop (xrf1);
	_ =	sdelay $0x3  }
0x61: {  	v2 =	vcvt.s32.f32 v2;
	_ =	sdelay $0x1  }
0x62: {  	s0 =	rddreg [dreg:$0x4];
	s7 =	simm.s32 $0x400;
	[tilespmem:v1+s31+$0x0] =	vst.idx.add.f32.msk vm0, v2  }
0x63: {  	[spmem:s0] =	stream.strided.scatter [tilespmem:s31], [sflag:$0x1], $0x2800, s7, s1, $0x38;
	[tilespmem:$0x1B680] =	vst v63  }
0x64: {  	_ =	swait.ge [sflag:s30], $0x2800  }
0x65: {  	[sflag:s30] =	ssyncset.done $0x0  }
0x66: {  	[sflag:s30] =	ssyncadd.s32 $0xFFFFD800  }
0x67: {  	s5 =	simm.s32 $0x16400;
	[bflag:$0x0] =	sbarrier.arrive $0xFFFF  }
0x68: {  	[tilespmem:s5], [sflag:$0x1] =	stream.linear.gather [spmem:s4], $0x80, $0x38;
	[tilespmem:$0x1B680] =	vst v63  }
0x69: {  	s7 =	simm.s32 $0x16800;
	s6 =	rddreg [dreg:$0x16]  }
0x6a: {  	[tilespmem:s7], [sflag:$0x1] =	stream.linear.gather [spmem:s6], $0x80, $0x38;
	[tilespmem:$0x1B680] =	vst v63  }
0x6b: {  	s3 =	rddreg [dreg:$0x17];
	s5 =	simm.s32 $0x16C00  }
0x6c: {  	[tilespmem:s5], [sflag:$0x1] =	stream.linear.gather [spmem:s3], $0x80, $0x38;
	[tilespmem:$0x1B680] =	vst v63  }
0x6d: {  	s6 =	rddreg [dreg:$0x18];
	s7 =	simm.s32 $0x17000  }
0x6e: {  	[tilespmem:s7], [sflag:$0x1] =	stream.linear.gather [spmem:s6], $0x80, $0x38;
	[tilespmem:$0x1B680] =	vst v63  }
0x6f: {  	s3 =	rddreg [dreg:$0x19];
	s5 =	simm.s32 $0x17400  }
0x70: {  	[tilespmem:s5], [sflag:$0x1] =	stream.linear.gather [spmem:s3], $0x80, $0x38;
	[tilespmem:$0x1B680] =	vst v63  }
0x71: {  	_ =	swait.ge [sflag:s30], $0x280  }
0x72: {  	[sflag:s30] =	ssyncset.done $0x0  }
0x73: {  	s7 =	simm.s32 $0x16480;
	s6 =	rddreg [dreg:$0x5];
	[sflag:s30] =	ssyncadd.s32 $0xFFFFFD80  }
0x74: {  	[tilespmem:s7], [sflag:$0x1] =	stream.linear.gather [spmem:s6], $0x80, $0x38;
	[tilespmem:$0x1B680] =	vst v63  }
0x75: {  	s5 =	simm.s32 $0x16880;
	s3 =	rddreg [dreg:$0x1a]  }
0x76: {  	[tilespmem:s5], [sflag:$0x1] =	stream.linear.gather [spmem:s3], $0x80, $0x38;
	[tilespmem:$0x1B680] =	vst v63  }
0x77: {  	s6 =	rddreg [dreg:$0x1b];
	s7 =	simm.s32 $0x16C80  }
0x78: {  	[tilespmem:s7], [sflag:$0x1] =	stream.linear.gather [spmem:s6], $0x80, $0x38;
	[tilespmem:$0x1B680] =	vst v63  }
0x79: {  	s3 =	rddreg [dreg:$0x1c];
	s5 =	simm.s32 $0x17080  }
0x7a: {  	[tilespmem:s5], [sflag:$0x1] =	stream.linear.gather [spmem:s3], $0x80, $0x38;
	[tilespmem:$0x1B680] =	vst v63  }
0x7b: {  	s6 =	rddreg [dreg:$0x1d];
	s7 =	simm.s32 $0x17480  }
0x7c: {  	[tilespmem:s7], [sflag:$0x1] =	stream.linear.gather [spmem:s6], $0x80, $0x38;
	[tilespmem:$0x1B680] =	vst v63  }
0x7d: {  	_ =	swait.ge [sflag:s30], $0x280  }
0x7e: {  	[sflag:s30] =	ssyncset.done $0x0;
	s3 =	rddreg [dreg:$0x6]  }
0x7f: {  	s5 =	simm.s32 $0x16500;
	s6 =	rddreg [dreg:$0x1e];
	[sflag:s30] =	ssyncadd.s32 $0xFFFFFD80  }
0x80: {  	[tilespmem:s5], [sflag:$0x1] =	stream.linear.gather [spmem:s3], $0x80, $0x38;
	[tilespmem:$0x1B680] =	vst v63  }
0x81: {  	s7 =	simm.s32 $0x16900;
	s3 =	rddreg [dreg:$0x1f]  }
0x82: {  	[tilespmem:s7], [sflag:$0x1] =	stream.linear.gather [spmem:s6], $0x80, $0x38;
	[tilespmem:$0x1B680] =	vst v63  }
0x83: {  	s5 =	simm.s32 $0x16D00;
	s6 =	sld [smem:$0x7DD]  }
0x84: {  	[tilespmem:s5], [sflag:$0x1] =	stream.linear.gather [spmem:s3], $0x80, $0x38;
	[tilespmem:$0x1B680] =	vst v63  }
0x85: {  	s7 =	simm.s32 $0x17100;
	s3 =	sld [smem:$0x7DE]  }
0x86: {  	[tilespmem:s7], [sflag:$0x1] =	stream.linear.gather [spmem:s6], $0x80, $0x38;
	[tilespmem:$0x1B680] =	vst v63  }
0x87: {  	s5 =	simm.s32 $0x17500  }
0x88: {  	[tilespmem:s5], [sflag:$0x1] =	stream.linear.gather [spmem:s3], $0x80, $0x38;
	[tilespmem:$0x1B680] =	vst v63  }
0x89: {  	_ =	swait.ge [sflag:s30], $0x280  }
0x8a: {  	[sflag:s30] =	ssyncset.done $0x0;
	s6 =	rddreg [dreg:$0x7]  }
0x8b: {  	s7 =	simm.s32 $0x16580;
	s3 =	sld [smem:$0x7DF];
	[sflag:s30] =	ssyncadd.s32 $0xFFFFFD80  }
0x8c: {  	[tilespmem:s7], [sflag:$0x1] =	stream.linear.gather [spmem:s6], $0x80, $0x38;
	[tilespmem:$0x1B680] =	vst v63  }
0x8d: {  	s5 =	simm.s32 $0x16980;
	s6 =	sld [smem:$0x7E0]  }
0x8e: {  	[tilespmem:s5], [sflag:$0x1] =	stream.linear.gather [spmem:s3], $0x80, $0x38;
	[tilespmem:$0x1B680] =	vst v63  }
0x8f: {  	s7 =	simm.s32 $0x16D80;
	s3 =	sld [smem:$0x7E1]  }
0x90: {  	[tilespmem:s7], [sflag:$0x1] =	stream.linear.gather [spmem:s6], $0x80, $0x38;
	[tilespmem:$0x1B680] =	vst v63  }
0x91: {  	s5 =	simm.s32 $0x17180;
	s6 =	sld [smem:$0x7E2]  }
0x92: {  	[tilespmem:s5], [sflag:$0x1] =	stream.linear.gather [spmem:s3], $0x80, $0x38;
	[tilespmem:$0x1B680] =	vst v63  }
0x93: {  	s7 =	simm.s32 $0x17580  }
0x94: {  	[tilespmem:s7], [sflag:$0x1] =	stream.linear.gather [spmem:s6], $0x80, $0x38;
	[tilespmem:$0x1B680] =	vst v63  }
0x95: {  	_ =	swait.ge [sflag:s30], $0x280  }
0x96: {  	[sflag:s30] =	ssyncset.done $0x0;
	s3 =	rddreg [dreg:$0x8]  }
0x97: {  	s5 =	simm.s32 $0x16600;
	s6 =	sld [smem:$0x7E3];
	[sflag:s30] =	ssyncadd.s32 $0xFFFFFD80  }
0x98: {  	[tilespmem:s5], [sflag:$0x1] =	stream.linear.gather [spmem:s3], $0x80, $0x38;
	[tilespmem:$0x1B680] =	vst v63  }
0x99: {  	s7 =	simm.s32 $0x16A00;
	s3 =	sld [smem:$0x7E4]  }
0x9a: {  	[tilespmem:s7], [sflag:$0x1] =	stream.linear.gather [spmem:s6], $0x80, $0x38;
	[tilespmem:$0x1B680] =	vst v63  }
0x9b: {  	s5 =	simm.s32 $0x16E00;
	s6 =	sld [smem:$0x7E5]  }
0x9c: {  	[tilespmem:s5], [sflag:$0x1] =	stream.linear.gather [spmem:s3], $0x80, $0x38;
	[tilespmem:$0x1B680] =	vst v63  }
0x9d: {  	s7 =	simm.s32 $0x17200;
	s3 =	sld [smem:$0x7E6]  }
0x9e: {  	[tilespmem:s7], [sflag:$0x1] =	stream.linear.gather [spmem:s6], $0x80, $0x38;
	[tilespmem:$0x1B680] =	vst v63  }
0x9f: {  	s5 =	simm.s32 $0x17600  }
0xa0: {  	[tilespmem:s5], [sflag:$0x1] =	stream.linear.gather [spmem:s3], $0x80, $0x38;
	[tilespmem:$0x1B680] =	vst v63  }
0xa1: {  	_ =	swait.ge [sflag:s30], $0x280  }
0xa2: {  	[sflag:s30] =	ssyncset.done $0x0;
	s6 =	rddreg [dreg:$0x9]  }
0xa3: {  	s7 =	simm.s32 $0x16680;
	s3 =	sld [smem:$0x7E7];
	[sflag:s30] =	ssyncadd.s32 $0xFFFFFD80  }
0xa4: {  	[tilespmem:s7], [sflag:$0x1] =	stream.linear.gather [spmem:s6], $0x80, $0x38;
	[tilespmem:$0x1B680] =	vst v63  }
0xa5: {  	s5 =	simm.s32 $0x16A80;
	s6 =	sld [smem:$0x7E8]  }
0xa6: {  	[tilespmem:s5], [sflag:$0x1] =	stream.linear.gather [spmem:s3], $0x80, $0x38;
	[tilespmem:$0x1B680] =	vst v63  }
0xa7: {  	s7 =	simm.s32 $0x16E80;
	s3 =	sld [smem:$0x7E9]  }
0xa8: {  	[tilespmem:s7], [sflag:$0x1] =	stream.linear.gather [spmem:s6], $0x80, $0x38;
	[tilespmem:$0x1B680] =	vst v63  }
0xa9: {  	s5 =	simm.s32 $0x17280;
	s6 =	sld [smem:$0x7EA]  }
0xaa: {  	[tilespmem:s5], [sflag:$0x1] =	stream.linear.gather [spmem:s3], $0x80, $0x38;
	[tilespmem:$0x1B680] =	vst v63  }
0xab: {  	s7 =	simm.s32 $0x17680  }
0xac: {  	[tilespmem:s7], [sflag:$0x1] =	stream.linear.gather [spmem:s6], $0x80, $0x38;
	[tilespmem:$0x1B680] =	vst v63  }
0xad: {  	_ =	swait.ge [sflag:s30], $0x280  }
0xae: {  	[sflag:s30] =	ssyncset.done $0x0;
	s3 =	rddreg [dreg:$0xa]  }
0xaf: {  	s5 =	simm.s32 $0x16700;
	s6 =	sld [smem:$0x7EB];
	[sflag:s30] =	ssyncadd.s32 $0xFFFFFD80  }
0xb0: {  	[tilespmem:s5], [sflag:$0x1] =	stream.linear.gather [spmem:s3], $0x80, $0x38;
	[tilespmem:$0x1B680] =	vst v63  }
0xb1: {  	s7 =	simm.s32 $0x16B00;
	s3 =	sld [smem:$0x7EC]  }
0xb2: {  	[tilespmem:s7], [sflag:$0x1] =	stream.linear.gather [spmem:s6], $0x80, $0x38;
	[tilespmem:$0x1B680] =	vst v63  }
0xb3: {  	s5 =	simm.s32 $0x16F00;
	s6 =	sld [smem:$0x7ED]  }
0xb4: {  	[tilespmem:s5], [sflag:$0x1] =	stream.linear.gather [spmem:s3], $0x80, $0x38;
	[tilespmem:$0x1B680] =	vst v63  }
0xb5: {  	s7 =	simm.s32 $0x17300;
	s3 =	sld [smem:$0x7EE]  }
0xb6: {  	[tilespmem:s7], [sflag:$0x1] =	stream.linear.gather [spmem:s6], $0x80, $0x38;
	[tilespmem:$0x1B680] =	vst v63  }
0xb7: {  	s5 =	simm.s32 $0x17700  }
0xb8: {  	[tilespmem:s5], [sflag:$0x1] =	stream.linear.gather [spmem:s3], $0x80, $0x38;
	[tilespmem:$0x1B680] =	vst v63  }
0xb9: {  	_ =	swait.ge [sflag:s30], $0x280  }
0xba: {  	[sflag:s30] =	ssyncset.done $0x0;
	s6 =	rddreg [dreg:$0xb]  }
0xbb: {  	s7 =	simm.s32 $0x16780;
	s3 =	sld [smem:$0x7EF];
	[sflag:s30] =	ssyncadd.s32 $0xFFFFFD80  }
0xbc: {  	[tilespmem:s7], [sflag:$0x1] =	stream.linear.gather [spmem:s6], $0x80, $0x38;
	[tilespmem:$0x1B680] =	vst v63  }
0xbd: {  	s5 =	simm.s32 $0x16B80;
	s6 =	sld [smem:$0x7F0]  }
0xbe: {  	[tilespmem:s5], [sflag:$0x1] =	stream.linear.gather [spmem:s3], $0x80, $0x38;
	[tilespmem:$0x1B680] =	vst v63  }
0xbf: {  	s7 =	simm.s32 $0x16F80;
	s3 =	sld [smem:$0x7F1]  }
0xc0: {  	[tilespmem:s7], [sflag:$0x1] =	stream.linear.gather [spmem:s6], $0x80, $0x38;
	[tilespmem:$0x1B680] =	vst v63  }
0xc1: {  	s5 =	simm.s32 $0x17380;
	s6 =	sld [smem:$0x7F2]  }
0xc2: {  	[tilespmem:s5], [sflag:$0x1] =	stream.linear.gather [spmem:s3], $0x80, $0x38;
	[tilespmem:$0x1B680] =	vst v63  }
0xc3: {  	s7 =	simm.s32 $0x17780  }
0xc4: {  	[tilespmem:s7], [sflag:$0x1] =	stream.linear.gather [spmem:s6], $0x80, $0x38;
	[tilespmem:$0x1B680] =	vst v63  }
0xc5: {  	_ =	swait.ge [sflag:s30], $0x280  }
0xc6: {  	[sflag:s30] =	ssyncset.done $0x0;
	s3 =	rddreg [dreg:$0xc]  }
0xc7: {  	s5 =	simm.s32 $0x17800;
	s6 =	sld [smem:$0x7F3];
	[sflag:s30] =	ssyncadd.s32 $0xFFFFFD80  }
0xc8: {  	[tilespmem:s5], [sflag:$0x1] =	stream.linear.gather [spmem:s3], $0x80, $0x38;
	[tilespmem:$0x1B680] =	vst v63  }
0xc9: {  	s7 =	simm.s32 $0x17C00;
	s3 =	sld [smem:$0x7F4]  }
0xca: {  	[tilespmem:s7], [sflag:$0x1] =	stream.linear.gather [spmem:s6], $0x80, $0x38;
	[tilespmem:$0x1B680] =	vst v63  }
0xcb: {  	s5 =	simm.s32 $0x18000;
	s6 =	sld [smem:$0x7F5]  }
0xcc: {  	[tilespmem:s5], [sflag:$0x1] =	stream.linear.gather [spmem:s3], $0x80, $0x38;
	[tilespmem:$0x1B680] =	vst v63  }
0xcd: {  	s7 =	simm.s32 $0x18400;
	s3 =	sld [smem:$0x7F6]  }
0xce: {  	[tilespmem:s7], [sflag:$0x1] =	stream.linear.gather [spmem:s6], $0x80, $0x38;
	[tilespmem:$0x1B680] =	vst v63  }
0xcf: {  	s5 =	simm.s32 $0x18800  }
0xd0: {  	[tilespmem:s5], [sflag:$0x1] =	stream.linear.gather [spmem:s3], $0x80, $0x38;
	[tilespmem:$0x1B680] =	vst v63  }
0xd1: {  	_ =	swait.ge [sflag:s30], $0x280  }
0xd2: {  	[sflag:s30] =	ssyncset.done $0x0;
	s6 =	rddreg [dreg:$0xd]  }
0xd3: {  	s7 =	simm.s32 $0x17880;
	s3 =	sld [smem:$0x7F7];
	[sflag:s30] =	ssyncadd.s32 $0xFFFFFD80  }
0xd4: {  	[tilespmem:s7], [sflag:$0x1] =	stream.linear.gather [spmem:s6], $0x80, $0x38;
	[tilespmem:$0x1B680] =	vst v63  }
0xd5: {  	s5 =	simm.s32 $0x17C80;
	s6 =	sld [smem:$0x7F8]  }
0xd6: {  	[tilespmem:s5], [sflag:$0x1] =	stream.linear.gather [spmem:s3], $0x80, $0x38;
	[tilespmem:$0x1B680] =	vst v63  }
0xd7: {  	s7 =	simm.s32 $0x18080;
	s3 =	sld [smem:$0x7F9]  }
0xd8: {  	[tilespmem:s7], [sflag:$0x1] =	stream.linear.gather [spmem:s6], $0x80, $0x38;
	[tilespmem:$0x1B680] =	vst v63  }
0xd9: {  	s5 =	simm.s32 $0x18480;
	s6 =	sld [smem:$0x7FA]  }
0xda: {  	[tilespmem:s5], [sflag:$0x1] =	stream.linear.gather [spmem:s3], $0x80, $0x38;
	[tilespmem:$0x1B680] =	vst v63  }
0xdb: {  	s7 =	simm.s32 $0x18880  }
0xdc: {  	[tilespmem:s7], [sflag:$0x1] =	stream.linear.gather [spmem:s6], $0x80, $0x38;
	[tilespmem:$0x1B680] =	vst v63  }
0xdd: {  	_ =	swait.ge [sflag:s30], $0x280  }
0xde: {  	[sflag:s30] =	ssyncset.done $0x0;
	s3 =	rddreg [dreg:$0xe]  }
0xdf: {  	s5 =	simm.s32 $0x17900;
	s6 =	sld [smem:$0x7FB];
	[sflag:s30] =	ssyncadd.s32 $0xFFFFFD80  }
0xe0: {  	[tilespmem:s5], [sflag:$0x1] =	stream.linear.gather [spmem:s3], $0x80, $0x38;
	[tilespmem:$0x1B680] =	vst v63  }
0xe1: {  	s7 =	simm.s32 $0x17D00;
	s3 =	sld [smem:$0x7FC]  }
0xe2: {  	[tilespmem:s7], [sflag:$0x1] =	stream.linear.gather [spmem:s6], $0x80, $0x38;
	[tilespmem:$0x1B680] =	vst v63  }
0xe3: {  	s5 =	simm.s32 $0x18100;
	s6 =	sld [smem:$0x7FD]  }
0xe4: {  	[tilespmem:s5], [sflag:$0x1] =	stream.linear.gather [spmem:s3], $0x80, $0x38;
	[tilespmem:$0x1B680] =	vst v63  }
0xe5: {  	s7 =	simm.s32 $0x18500  }
0xe6: {  	[tilespmem:s7], [sflag:$0x1] =	stream.linear.gather [spmem:s6], $0x80, $0x38;
	[tilespmem:$0x1B680] =	vst v63  }
0xe7: {  	s5 =	simm.s32 $0x18900  }
0xe8: {  	[tilespmem:s5], [sflag:$0x1] =	stream.linear.gather [spmem:s8], $0x80, $0x38;
	[tilespmem:$0x1B680] =	vst v63  }
0xe9: {  	_ =	swait.ge [sflag:s30], $0x280  }
0xea: {  	[sflag:s30] =	ssyncset.done $0x0  }
0xeb: {  	s7 =	simm.s32 $0x17980;
	s6 =	rddreg [dreg:$0xf];
	[sflag:s30] =	ssyncadd.s32 $0xFFFFFD80  }
0xec: {  	[tilespmem:s7], [sflag:$0x1] =	stream.linear.gather [spmem:s6], $0x80, $0x38;
	[tilespmem:$0x1B680] =	vst v63  }
0xed: {  	s3 =	simm.s32 $0x17D80  }
0xee: {  	[tilespmem:s3], [sflag:$0x1] =	stream.linear.gather [spmem:s9], $0x80, $0x38;
	[tilespmem:$0x1B680] =	vst v63  }
0xef: {  	s5 =	simm.s32 $0x18180  }
0xf0: {  	[tilespmem:s5], [sflag:$0x1] =	stream.linear.gather [spmem:s10], $0x80, $0x38;
	[tilespmem:$0x1B680] =	vst v63  }
0xf1: {  	s6 =	simm.s32 $0x18580  }
0xf2: {  	[tilespmem:s6], [sflag:$0x1] =	stream.linear.gather [spmem:s11], $0x80, $0x38;
	[tilespmem:$0x1B680] =	vst v63  }
0xf3: {  	s7 =	simm.s32 $0x18980  }
0xf4: {  	[tilespmem:s7], [sflag:$0x1] =	stream.linear.gather [spmem:s12], $0x80, $0x38;
	[tilespmem:$0x1B680] =	vst v63  }
0xf5: {  	_ =	swait.ge [sflag:s30], $0x280  }
0xf6: {  	[sflag:s30] =	ssyncset.done $0x0  }
0xf7: {  	s5 =	simm.s32 $0x17A00;
	s3 =	rddreg [dreg:$0x10];
	[sflag:s30] =	ssyncadd.s32 $0xFFFFFD80  }
0xf8: {  	[tilespmem:s5], [sflag:$0x1] =	stream.linear.gather [spmem:s3], $0x80, $0x38;
	[tilespmem:$0x1B680] =	vst v63  }
0xf9: {  	s6 =	simm.s32 $0x17E00  }
0xfa: {  	[tilespmem:s6], [sflag:$0x1] =	stream.linear.gather [spmem:s13], $0x80, $0x38;
	[tilespmem:$0x1B680] =	vst v63  }
0xfb: {  	s7 =	simm.s32 $0x18200  }
0xfc: {  	[tilespmem:s7], [sflag:$0x1] =	stream.linear.gather [spmem:s14], $0x80, $0x38;
	[tilespmem:$0x1B680] =	vst v63  }
0xfd: {  	s3 =	simm.s32 $0x18600  }
0xfe: {  	[tilespmem:s3], [sflag:$0x1] =	stream.linear.gather [spmem:s15], $0x80, $0x38;
	[tilespmem:$0x1B680] =	vst v63  }
0xff: {  	s5 =	simm.s32 $0x18A00  }
0x100: {  	[tilespmem:s5], [sflag:$0x1] =	stream.linear.gather [spmem:s16], $0x80, $0x38;
	[tilespmem:$0x1B680] =	vst v63  }
0x101: {  	_ =	swait.ge [sflag:s30], $0x280  }
0x102: {  	[sflag:s30] =	ssyncset.done $0x0  }
0x103: {  	s7 =	simm.s32 $0x17A80;
	s6 =	rddreg [dreg:$0x11];
	[sflag:s30] =	ssyncadd.s32 $0xFFFFFD80  }
0x104: {  	[tilespmem:s7], [sflag:$0x1] =	stream.linear.gather [spmem:s6], $0x80, $0x38;
	[tilespmem:$0x1B680] =	vst v63  }
0x105: {  	s3 =	simm.s32 $0x17E80  }
0x106: {  	[tilespmem:s3], [sflag:$0x1] =	stream.linear.gather [spmem:s17], $0x80, $0x38;
	[tilespmem:$0x1B680] =	vst v63  }
0x107: {  	s5 =	simm.s32 $0x18280  }
0x108: {  	[tilespmem:s5], [sflag:$0x1] =	stream.linear.gather [spmem:s18], $0x80, $0x38;
	[tilespmem:$0x1B680] =	vst v63  }
0x109: {  	s6 =	simm.s32 $0x18680  }
0x10a: {  	[tilespmem:s6], [sflag:$0x1] =	stream.linear.gather [spmem:s19], $0x80, $0x38;
	[tilespmem:$0x1B680] =	vst v63  }
0x10b: {  	s7 =	simm.s32 $0x18A80  }
0x10c: {  	[tilespmem:s7], [sflag:$0x1] =	stream.linear.gather [spmem:s20], $0x80, $0x38;
	[tilespmem:$0x1B680] =	vst v63  }
0x10d: {  	_ =	swait.ge [sflag:s30], $0x280  }
0x10e: {  	[sflag:s30] =	ssyncset.done $0x0  }
0x10f: {  	s5 =	simm.s32 $0x17B00;
	s3 =	rddreg [dreg:$0x12];
	[sflag:s30] =	ssyncadd.s32 $0xFFFFFD80  }
0x110: {  	[tilespmem:s5], [sflag:$0x1] =	stream.linear.gather [spmem:s3], $0x80, $0x38;
	[tilespmem:$0x1B680] =	vst v63  }
0x111: {  	s6 =	simm.s32 $0x17F00  }
0x112: {  	[tilespmem:s6], [sflag:$0x1] =	stream.linear.gather [spmem:s21], $0x80, $0x38;
	[tilespmem:$0x1B680] =	vst v63  }
0x113: {  	s7 =	simm.s32 $0x18300  }
0x114: {  	[tilespmem:s7], [sflag:$0x1] =	stream.linear.gather [spmem:s22], $0x80, $0x38;
	[tilespmem:$0x1B680] =	vst v63  }
0x115: {  	s3 =	simm.s32 $0x18700  }
0x116: {  	[tilespmem:s3], [sflag:$0x1] =	stream.linear.gather [spmem:s23], $0x80, $0x38;
	[tilespmem:$0x1B680] =	vst v63  }
0x117: {  	s5 =	simm.s32 $0x18B00  }
0x118: {  	[tilespmem:s5], [sflag:$0x1] =	stream.linear.gather [spmem:s24], $0x80, $0x38;
	[tilespmem:$0x1B680] =	vst v63  }
0x119: {  	_ =	swait.ge [sflag:s30], $0x280  }
0x11a: {  	[sflag:s30] =	ssyncset.done $0x0  }
0x11b: {  	s7 =	simm.s32 $0x17B80;
	s6 =	rddreg [dreg:$0x13];
	[sflag:s30] =	ssyncadd.s32 $0xFFFFFD80  }
0x11c: {  	[tilespmem:s7], [sflag:$0x1] =	stream.linear.gather [spmem:s6], $0x80, $0x38;
	[tilespmem:$0x1B680] =	vst v63  }
0x11d: {  	s3 =	simm.s32 $0x17F80  }
0x11e: {  	[tilespmem:s3], [sflag:$0x1] =	stream.linear.gather [spmem:s25], $0x80, $0x38;
	[tilespmem:$0x1B680] =	vst v63  }
0x11f: {  	s5 =	simm.s32 $0x18380  }
0x120: {  	[tilespmem:s5], [sflag:$0x1] =	stream.linear.gather [spmem:s26], $0x80, $0x38;
	[tilespmem:$0x1B680] =	vst v63  }
0x121: {  	s6 =	simm.s32 $0x18780  }
0x122: {  	[tilespmem:s6], [sflag:$0x1] =	stream.linear.gather [spmem:s28], $0x80, $0x38;
	[tilespmem:$0x1B680] =	vst v63  }
0x123: {  	s7 =	simm.s32 $0x18B80;
	s3 =	simm.s32 $0x0  }
0x124: {  	[tilespmem:s7], [sflag:$0x1] =	stream.linear.gather [spmem:s29], $0x80, $0x38;
	[tilespmem:$0x1B680] =	vst v63  }
0x125: {  	s0 =	sand.u32 $0x1C00, s3;
	s5 =	sand.u32 $0x70, s3;
	_ =	swait.ge [sflag:s30], $0x280  }
0x126: {  	s0 =	sor.u32 s5, s0;
	[sflag:s30] =	ssyncset.done $0x0  }
0x127: {  	s3 =	sadd.s32 $0x16400, s0;
	[sflag:s30] =	ssyncadd.s32 $0xFFFFFD80  }
0x128: {  	v1 =	vld [tilespmem:s3+$0x80]  }
0x129: {  	v2 =	vld [tilespmem:s0+$0x16400];
	_ =	sdelay $0x1  }
0x12a: {  	v3 =	vld [tilespmem:s3+$0x100];
	_ =	sdelay $0x1  }
0x12b: {  	v4 =	vld [tilespmem:s3+$0x180]  }
0x12c: {  	v1 =	vadd.f32 v1, v2  }
0x12d: {  	v2 =	vld [tilespmem:s3+$0x200]  }
0x12e: {  	v1 =	vadd.f32 v3, v1  }
0x12f: {  	v3 =	vld [tilespmem:s3+$0x280]  }
0x130: {  	v1 =	vadd.f32 v4, v1  }
0x131: {  	v60 =	vld [tilespmem:s3+$0x300]  }
0x132: {  	v1 =	vadd.f32 v2, v1  }
0x133: {  	v2 =	vld [tilespmem:s3+$0x380]  }
0x134: {  	v1 =	vadd.f32 v3, v1  }
0x135: {  	v3 =	vld [tilespmem:s0+$0x17800]  }
0x136: {  	v1 =	vadd.f32 v60, v1  }
0x137: {  	v61 =	vld [tilespmem:s0+$0x17880]  }
0x138: {  	v1 =	vadd.f32 v2, v1  }
0x139: {  	v2 =	vld [tilespmem:s0+$0x17900]  }
0x13a: {  	v1 =	vadd.f32 v3, v1  }
0x13b: {  	v3 =	vld [tilespmem:s0+$0x17980]  }
0x13c: {  	v1 =	vadd.f32 v61, v1  }
0x13d: {  	v62 =	vld [tilespmem:s0+$0x17A00]  }
0x13e: {  	v1 =	vadd.f32 v2, v1  }
0x13f: {  	v2 =	vld [tilespmem:s0+$0x17A80]  }
0x140: {  	v1 =	vadd.f32 v3, v1  }
0x141: {  	v3 =	vld [tilespmem:s0+$0x17B00]  }
0x142: {  	v1 =	vadd.f32 v62, v1  }
0x143: {  	v63 =	vld [tilespmem:s0+$0x17B80]  }
0x144: {  	v1 =	vadd.f32 v2, v1;
	_ =	sdelay $0x1  }
0x145: {  	v1 =	vadd.f32 v3, v1  }
0x146: {  	s5 =	simm.s32 $0x80;
	s6 =	simm.s32 $0x10  }
0x147: {  	s7 =	sand.u32 $0x70, s6;
	s6 =	sand.u32 $0x1C00, s5;
	v1 =	vadd.f32 v63, v1  }
0x148: {  	s3 =	sor.u32 s7, s6;
	s6 =	simm.s32 $0x20;
	s0 =	simm.s32 $0x18C00  }
.LBB2_6:
0x149: {  	p0 =	sne.s32 s6, $0x270;
	s7 =	sadd.s32 $0x16400, s3;
	[tilespmem:s0+$0x0] =	vst v1  }
0x14a: {  	v1 =	vld [tilespmem:s7+$0x80]  }
0x14b: {  	v2 =	vld [tilespmem:s3+$0x16400];
	_ =	sdelay $0x1  }
0x14c: {  	v3 =	vld [tilespmem:s7+$0x100];
	_ =	sdelay $0x1  }
0x14d: {  	v4 =	vld [tilespmem:s7+$0x180]  }
0x14e: {  	v1 =	vadd.f32 v1, v2  }
0x14f: {  	v2 =	vld [tilespmem:s7+$0x200]  }
0x150: {  	v1 =	vadd.f32 v3, v1  }
0x151: {  	v3 =	vld [tilespmem:s7+$0x280]  }
0x152: {  	v1 =	vadd.f32 v4, v1  }
0x153: {  	v4 =	vld [tilespmem:s7+$0x300]  }
0x154: {  	v1 =	vadd.f32 v2, v1  }
0x155: {  	v2 =	vld [tilespmem:s7+$0x380]  }
0x156: {  	v1 =	vadd.f32 v3, v1  }
0x157: {  	v3 =	vld [tilespmem:s3+$0x17800]  }
0x158: {  	v1 =	vadd.f32 v4, v1  }
0x159: {  	v4 =	vld [tilespmem:s3+$0x17880]  }
0x15a: {  	v1 =	vadd.f32 v2, v1  }
0x15b: {  	v2 =	vld [tilespmem:s3+$0x17900]  }
0x15c: {  	v1 =	vadd.f32 v3, v1  }
0x15d: {  	v3 =	vld [tilespmem:s3+$0x17980]  }
0x15e: {  	v1 =	vadd.f32 v4, v1  }
0x15f: {  	v4 =	vld [tilespmem:s3+$0x17A00]  }
0x160: {  	v1 =	vadd.f32 v2, v1  }
0x161: {  	v2 =	vld [tilespmem:s3+$0x17A80]  }
0x162: {  	v1 =	vadd.f32 v3, v1  }
0x163: {  	v3 =	vld [tilespmem:s3+$0x17B00]  }
0x164: {  	v1 =	vadd.f32 v4, v1  }
0x165: {  	v4 =	vld [tilespmem:s3+$0x17B80]  }
0x166: {  	v1 =	vadd.f32 v2, v1  }
.Ltmp2:
0x167: {  	(pc) =	sbr.rel @p0 .LBB2_6-.Ltmp2, $4  }
0x168: {  	v1 =	vadd.f32 v3, v1  }
0x169: {  	s5 =	sadd.s32 $0x80, s5  }
0x16a: {  	s7 =	sand.u32 $0x1C00, s5;
	s3 =	sand.u32 $0x70, s6;
	v1 =	vadd.f32 v4, v1  }
0x16b: {  	s0 =	sadd.s32 $0x10, s0;
	s6 =	sadd.s32 $0x10, s6;
	s3 =	sor.u32 s3, s7  }
0x16c: {  	s5 =	sadd.s32 $0x16400, s3;
	[tilespmem:s0+$0x0] =	vst v1  }
0x16d: {  	v1 =	vld [tilespmem:s5+$0x80]  }
0x16e: {  	v2 =	vld [tilespmem:s3+$0x16400];
	_ =	sdelay $0x1  }
0x16f: {  	v3 =	vld [tilespmem:s5+$0x100];
	_ =	sdelay $0x1  }
0x170: {  	v4 =	vld [tilespmem:s5+$0x180]  }
0x171: {  	v1 =	vadd.f32 v1, v2  }
0x172: {  	v2 =	vld [tilespmem:s5+$0x200]  }
0x173: {  	v1 =	vadd.f32 v3, v1  }
0x174: {  	v3 =	vld [tilespmem:s5+$0x280]  }
0x175: {  	v1 =	vadd.f32 v4, v1  }
0x176: {  	v60 =	vld [tilespmem:s5+$0x300]  }
0x177: {  	v1 =	vadd.f32 v2, v1  }
0x178: {  	v2 =	vld [tilespmem:s5+$0x380]  }
0x179: {  	v1 =	vadd.f32 v3, v1  }
0x17a: {  	v3 =	vld [tilespmem:s3+$0x17800]  }
0x17b: {  	v1 =	vadd.f32 v60, v1  }
0x17c: {  	v61 =	vld [tilespmem:s3+$0x17880]  }
0x17d: {  	v1 =	vadd.f32 v2, v1  }
0x17e: {  	v2 =	vld [tilespmem:s3+$0x17900]  }
0x17f: {  	v1 =	vadd.f32 v3, v1  }
0x180: {  	v3 =	vld [tilespmem:s3+$0x17980]  }
0x181: {  	v1 =	vadd.f32 v61, v1  }
0x182: {  	v62 =	vld [tilespmem:s3+$0x17A00]  }
0x183: {  	v1 =	vadd.f32 v2, v1  }
0x184: {  	v2 =	vld [tilespmem:s3+$0x17A80]  }
0x185: {  	v1 =	vadd.f32 v3, v1  }
0x186: {  	v3 =	vld [tilespmem:s3+$0x17B00]  }
0x187: {  	v1 =	vadd.f32 v62, v1  }
0x188: {  	v63 =	vld [tilespmem:s3+$0x17B80]  }
0x189: {  	v1 =	vadd.f32 v2, v1;
	_ =	sdelay $0x1  }
0x18a: {  	v1 =	vadd.f32 v3, v1;
	_ =	sdelay $0x1  }
0x18b: {  	v1 =	vadd.f32 v63, v1  }
0x18c: {  	s7 =	sadd.s32 $0x10, s0  }
0x18d: {  	s6 =	simm.s32 $0x18C00;
	s5 =	simm.s32 $0x100;
	s3 =	rddreg [dreg:$0x14];
	[tilespmem:s7+$0x0] =	vst v1  }
0x18e: {  	[hbm4b:s3+s1] =	stream.strided.scatter [tilespmem:s6], [sflag:$0x1], $0x280, s5, s1, $0x38;
	[tilespmem:$0x1B680] =	vst v63  }
0x18f: {  	_ =	swait.ge [sflag:s30], $0x280  }
0x190: {  	s2 =	sadd.s32 $0x1, s2;
	s7 =	rddreg [dreg:$0x15]  }
0x191: {  	p0 =	sne.s32 s2, s7  }
.Ltmp3:
0x192: {  	_ = 	snop;
	(pc) =	sbr.rel @p0 .LBB2_1-.Ltmp3, $3  }
0x193: {  	_ =	sdelay $0x1  }
0x194: {  	[sflag:s30] =	ssyncset.done $0x0  }
0x195: {  	[sflag:s30] =	ssyncadd.s32 $0xFFFFFD80  }
0x196: {  	_ =	sfence.sel $0x180000  }
0x197: {  	[bflag:$0x0] =	sbarrier.arrive $0xFFFF  }
0x198: {  	_ =	strace $0x90000047  }
0x199: {  	s0 =	stileid.u32;
	[bflag:$0x2] =	sbarrier.arrive $0xFFFF  }
0x19a: {  	p0 =	sne.s32 s0, $0x0;
	s0 =	rddreg [dreg:$0x2]  }
0x19b: {  	s0 =	sadd.s32 @!p0 $0x100000, s0  }
0x19c: {  	[sflag:s0] =	ssyncadd.tile.s32 @!p0 $0x1;
	_ =	shalt  }
.Lfunc_end2:
_tile_overlayer_lowered:
.L_overlay_start_2:
0x19d: {  	(tag) =	ssettag $0x2  }
0x19e: {  	s0 =	rddreg [dreg:$0x0];
	s2 =	stileid.u32  }
0x19f: {  	s1 =	rddreg [dreg:$0x1];
	p0 =	sne.s32 s2, $0x0  }
0x1a0: {  	s3 =	rddreg [dreg:$0x2];
	[bflag:$0x3] =	sbarrier.arrive $0xFFFF;
	s2 =	simm.s32 @!p0 $0x1C01  }
0x1a1: {  	[timem:s3], [sflag:s2] =	dma.local @!p0 [hbm:s0], s1  }
0x1a2: {  	s0 =	simm.s32 @!p0 $0x1  }
0x1a3: {  	_ =	swait.ge @!p0 [sflag:s0], s1  }
0x1a4: {  	s1 =	ssub.s32 @!p0 $0x0, s1;
	[sflag:s0] =	ssyncset.done @!p0 $0x0  }
0x1a5: {  	[sflag:s0] =	ssyncadd.s32 @!p0 s1  }
0x1a6: {  	[bflag:$0x3] =	sbarrier.arrive $0xFFFF  }
0x1a7: {  	_ =	shalt  }

// kernel: kernel.13.cloned.1.call-start
scs
__scs_entry_jumppad:
0x0: {  	(pc) =	sbr.rel $0x88, $3  }
0x1: {  	(tag) =	ssettag $0x0;
	lr =	simm.s32 $0x1  }
0x2: {  	[smem:$0x3F98] =	sst lr;
	_ =	strace $0xD0000000  }
0x3: {  	_ = 	snop  }
0x4: {  	_ = 	snop  }
0x5: {  	_ = 	snop  }
0x6: {  	_ = 	snop  }
0x7: {  	_ = 	snop  }
__scs_overlays_trampoline_lowered:
0x8: {  	[smem:$0x3FA7] =	sst s0  }
0x9: {  	[smem:$0x3FA8] =	sst s1  }
0xa: {  	[smem:$0x3FA9] =	sst s2  }
0xb: {  	[smem:$0x3FAA] =	sst s3  }
0xc: {  	[smem:$0x3FAB] =	sst s4  }
0xd: {  	[smem:$0x3FAC] =	sst s5  }
0xe: {  	[smem:$0x3FAD] =	sst s6  }
0xf: {  	[smem:$0x3FAE] =	sst s7  }
0x10: {  	[smem:$0x3FAF] =	sst s8  }
0x11: {  	[smem:$0x3FB0] =	sst s9;
	s0 =	simm.s32 @!p0 $0x0  }
0x12: {  	s1 =	sld [smem:$0x3F96];
	s0 =	simm.s32 @p0 $0x1  }
0x13: {  	[smem:$0x3FB1] =	sst s0;
	s0 =	simm.s32 @!p1 $0x0  }
0x14: {  	s2 =	sld [smem:$0x3F95];
	s0 =	simm.s32 @p1 $0x1  }
0x15: {  	[smem:$0x3FB2] =	sst s0;
	s0 =	simm.s32 @!p2 $0x0  }
0x16: {  	s3 =	sld [smem:$0x3FDB];
	s0 =	simm.s32 @p2 $0x1  }
0x17: {  	s4 =	simm.s32 $0x1BF5;
	[smem:$0x3FB4] =	sst s0  }
0x18: {  	s0 =	sld [smem:$0x3F97];
	_ =	swait.ge [sflag:s4], $0x0  }
0x19: {  	s7 =	sld [smem:$0x3F98]  }
0x1a: {  	s8 =	sadd.s32 $0xFFFFE003, lr  }
0x1b: {  	s9 =	sadd.s32 $0xFFFFFEF7, lr;
	s5 =	simm.s32 $0xFFFFFFFF;
	p2 =	slt.u32 s8, $0xFFFFF086  }
0x1c: {  	p1 =	slt.u32 s9, $0xF7A;
	s5 =	simm.s32 @!p2 $0x0  }
0x1d: {  	s5 =	simm.s32 @p1 $0x1;
	p0 =	seq.s32 s7, s2  }
0x1e: {  	s7 =	smul.u32 @!p0 $0xF7A, s2;
	p2 =	seq.s32 @!p0 s5, $0x0  }
0x1f: {  	s9 =	smul.u32 $0xF7A, s1;
	s8 =	simm.s32 @!p0 $0x1BF5;
	p2 =	por !p2, p0  }
0x20: {  	[sflag:s8] =	ssyncset.s32 @!p0 $0xFFFFF086;
	s6 =	sadd.s32 @!p0 s3, s7;
	s7 =	simm.s32 @!p0 $0x108  }
0x21: {  	s3 =	sadd.s32 s3, s9;
	s6 =	sadd.s32 @!p0 $0x88, s6;
	s7 =	simm.s32 @p2 $0x1082  }
0x22: {  	[simem:s7], [sflag:s8] =	dma.local @!p0 [hbm:s6], $0xF7A  }
0x23: {  	s9 =	sor.u32 $0xD0000000, s2;
	s6 =	simm.s32 $0x108;
	_ =	swait.ge @!p0 [sflag:s8], $0x0  }
0x24: {  	s3 =	sadd.s32 $0x88, s3;
	s6 =	simm.s32 @!p1 $0x1082;
	[sflag:s4] =	ssyncset.s32 $0xFFFFF086  }
0x25: {  	[simem:s6], [sflag:s4] =	dma.local [hbm:s3], $0xF7A  }
0x26: {  	[smem:$0x3F98] =	sst s1;
	(tag) =	ssettag s2;
	_ =	strace s9  }
0x27: {  	s1 =	sld [smem:$0x3FA8]  }
0x28: {  	s2 =	sld [smem:$0x3FA9]  }
0x29: {  	s4 =	sld [smem:$0x3FAB]  }
0x2a: {  	p0 =	seq.s32 s5, $0x0;
	s5 =	sld [smem:$0x3FAC]  }
0x2b: {  	s6 =	sld [smem:$0x3FAD]  }
0x2c: {  	s7 =	sld [smem:$0x3FAE]  }
0x2d: {  	s3 =	simm.s32 $0x108;
	s8 =	sld [smem:$0x3FAF]  }
0x2e: {  	s3 =	simm.s32 @!p0 $0x1082;
	s9 =	sld [smem:$0x3FB0]  }
0x2f: {  	lr =	sadd.s32 s0, s3;
	s0 =	sld [smem:$0x3FA7]  }
0x30: {  	s3 =	sld [smem:$0x3FAA]  }
0x31: {  	[smem:$0x3FB3] =	sst s10  }
0x32: {  	s10 =	sld [smem:$0x3FB1];
	_ =	sdelay $0x3  }
0x33: {  	p0 =	seq.s32 s10, $0x1;
	s10 =	sld [smem:$0x3FB3];
	_ =	sdelay $0x3  }
0x34: {  	[smem:$0x3FB3] =	sst s10  }
0x35: {  	s10 =	sld [smem:$0x3FB2];
	_ =	sdelay $0x3  }
0x36: {  	p1 =	seq.s32 s10, $0x1;
	s10 =	sld [smem:$0x3FB3];
	_ =	sdelay $0x3  }
0x37: {  	[smem:$0x3FB3] =	sst s10  }
0x38: {  	s10 =	sld [smem:$0x3FB4]  }
0x39: {  	_ = 	snop;
	(pc) =	sbr.ind lr, $3  }
0x3a: {  	_ = 	snop  }
0x3b: {  	_ = 	snop  }
0x3c: {  	p2 =	seq.s32 s10, $0x1;
	s10 =	sld [smem:$0x3FB3]  }
0x3d: {  	_ =	shalt  }
0x3e: {  	_ =	shalt  }
0x3f: {  	_ =	shalt  }
0x40: {  	_ =	shalt  }
0x41: {  	_ =	shalt  }
0x42: {  	_ =	shalt  }
0x43: {  	_ =	shalt  }
0x44: {  	_ =	shalt  }
0x45: {  	_ =	shalt  }
0x46: {  	_ =	shalt  }
0x47: {  	_ =	shalt  }
0x48: {  	_ =	shalt  }
0x49: {  	_ =	shalt  }
0x4a: {  	_ =	shalt  }
0x4b: {  	_ =	shalt  }
0x4c: {  	_ =	shalt  }
0x4d: {  	_ =	shalt  }
0x4e: {  	_ =	shalt  }
0x4f: {  	_ =	shalt  }
0x50: {  	_ =	shalt  }
0x51: {  	_ =	shalt  }
0x52: {  	_ =	shalt  }
0x53: {  	_ =	shalt  }
0x54: {  	_ =	shalt  }
0x55: {  	_ =	shalt  }
0x56: {  	_ =	shalt  }
0x57: {  	_ =	shalt  }
0x58: {  	_ =	shalt  }
0x59: {  	_ =	shalt  }
0x5a: {  	_ =	shalt  }
0x5b: {  	_ =	shalt  }
0x5c: {  	_ =	shalt  }
0x5d: {  	_ =	shalt  }
0x5e: {  	_ =	shalt  }
0x5f: {  	_ =	shalt  }
0x60: {  	_ =	shalt  }
0x61: {  	_ =	shalt  }
0x62: {  	_ =	shalt  }
0x63: {  	_ =	shalt  }
0x64: {  	_ =	shalt  }
0x65: {  	_ =	shalt  }
0x66: {  	_ =	shalt  }
0x67: {  	_ =	shalt  }
0x68: {  	_ =	shalt  }
0x69: {  	_ =	shalt  }
0x6a: {  	_ =	shalt  }
0x6b: {  	_ =	shalt  }
0x6c: {  	_ =	shalt  }
0x6d: {  	_ =	shalt  }
0x6e: {  	_ =	shalt  }
0x6f: {  	_ =	shalt  }
0x70: {  	_ =	shalt  }
0x71: {  	_ =	shalt  }
0x72: {  	_ =	shalt  }
0x73: {  	_ =	shalt  }
0x74: {  	_ =	shalt  }
0x75: {  	_ =	shalt  }
0x76: {  	_ =	shalt  }
0x77: {  	_ =	shalt  }
0x78: {  	_ =	shalt  }
0x79: {  	_ =	shalt  }
0x7a: {  	_ =	shalt  }
0x7b: {  	_ =	shalt  }
0x7c: {  	_ =	shalt  }
0x7d: {  	_ =	shalt  }
0x7e: {  	_ =	shalt  }
0x7f: {  	_ =	shalt  }
0x80: {  	_ =	shalt  }
0x81: {  	_ =	shalt  }
0x82: {  	_ =	shalt  }
0x83: {  	_ =	shalt  }
0x84: {  	_ =	shalt  }
0x85: {  	_ =	shalt  }
0x86: {  	_ =	shalt  }
0x87: {  	_ =	shalt  }
.Lfunc_end0:
.L_simem_size_0:
called_computation.1_lowered:
.L_overlay_start_0:
0x88: {  	s2 =	sld [smem:$0x3FD9]  }
0x89: {  	s3 =	sld [smem:$0x3FFE];
	_ =	sdelay $0x1  }
0x8a: {  	s1 =	srdreg.scid  }
0x8b: {  	s0 =	sand.u32 $0x1, s1  }
0x8c: {  	s16 =	sshll.u32 s0, $0xA;
	s2 =	sadd.s32 s3, s2  }
0x8d: {  	s2 =	sadd.s32 s2, s16  }
0x8e: {  	[smem:$0x3FBF] =	sst s2  }
0x8f: {  	_ = 	snop  }
0x90: {  	(tm) =	ssettm $0x1  }
0x91: {  	s17 =	sld [smem:$0x3FFB];
	_ =	sdelay $0x3  }
0x92: {  	_ =	strace s17  }
0x93: {  	s2 =	sld [smem:$0x3FFC];
	_ =	sdelay $0x3  }
0x94: {  	_ =	strace s2  }
0x95: {  	s2 =	sld [smem:$0x3FFD];
	_ =	sdelay $0x3  }
0x96: {  	_ =	strace s2  }
0x97: {  	_ =	strace $0x8FFFFFFF  }
0x98: {  	s18 =	sld [smem:$0x3FDB];
	_ =	sdelay $0x1  }
0x99: {  	s19 =	simm.s32 $_scs_section_size  }
0x9a: {  	s4 =	simm.s32 $_size__tile_overlayer_lowered;
	s5 =	simm.s32 $_tile_overlayer_lowered  }
0x9b: {  	s22 =	simm.s32 $0x1BFF;
	s21 =	sshll.u32 s5, $0x1;
	s2 =	sadd.s32 s19, s18  }
0x9c: {  	s6 =	simm.s32 $0x0;
	s20 =	sshll.u32 s4, $0x1;
	s4 =	sadd.s32 s21, s2  }
0x9d: {  	[timem:s6], [sflag:s22] =	dma.local [hbm:s4], s20  }
0x9e: {  	_ =	swait.ge [sflag:s22], s20  }
0x9f: {  	s3 =	ssub.s32 $0x0, s20;
	[sflag:s22] =	ssyncset.done $0x0  }
0xa0: {  	[sflag:s22] =	ssyncadd.s32 s3;
	_ =	sdelay $0x1  }
0xa1: {  	s23 =	simm.s32 $0x1B8B  }
0xa2: {  	_ =	swait.ge [sflag:s23], $0x1  }
0xa3: {  	[sflag:s23] =	ssyncset.done $0x0  }
0xa4: {  	s25 =	simm.s32 $0x1B8E;
	s24 =	sld [smem:$0x3FFE];
	[sflag:s23] =	ssyncadd.s32 $0xFFFFFFFF  }
0xa5: {  	s26 =	simm.s32 $execute0_lowered;
	[smem:$0x3FD2] =	sst s25  }
0xa6: {  	s4 =	sshll.u32 s26, $0x1;
	_ =	strace $0x80000049;
	[dreg:$0x1] =	wrdreg $0xFFFFFFFF  }
0xa7: {  	s28 =	simm.s32 $_size_execute0_lowered;
	s2 =	sadd.s32 s2, s4;
	[dreg:$0x0] =	wrdreg $0x0  }
0xa8: {  	s4 =	sshll.u32 s28, $0x1;
	[dreg:$0x2] =	wrdreg s2  }
0xa9: {  	[dreg:$0x3] =	wrdreg s4  }
0xaa: {  	[dreg:$0x4] =	wrdreg $0xC0  }
0xab: {  	_ =	task [dreg:s6], $0x5FFFF  }
0xac: {  	[dreg:$0x1] =	wrdreg $0xFFFFFFFF  }
0xad: {  	[dreg:$0x0] =	wrdreg $0x60  }
0xae: {  	[dreg:$0x2] =	wrdreg s24  }
0xaf: {  	[dreg:$0x3] =	wrdreg $0xC0000  }
0xb0: {  	[dreg:$0x4] =	wrdreg $0x9  }
0xb1: {  	_ =	task.clear_ibuf [dreg:s6], $0x5FFFF;
	_ =	strace $0x90000049  }
0xb2: {  	s29 =	simm.s32 $0x9;
	_ =	strace $0x8000004B  }
0xb3: {  	_ =	swait.ge [sflag:s29], $0x1  }
0xb4: {  	[sflag:s29] =	ssyncadd.s32 $0xFFFFFFFF  }
0xb5: {  	_ =	strace $0x9000004B  }
0xb6: {  	_ =	sfence  }
0xb7: {  	s30 =	sld [smem:$0x0];
	_ =	sdelay $0x2  }
0xb8: {  	s31 =	sshll.u32 s1, $0xD;
	s1 =	sshrl.u32 s1, $0x2  }
0xb9: {  	s3 =	sand.u32 $0x4000, s31;
	s1 =	sadd.s32 s1, s30  }
0xba: {  	s0 =	sor.u32 s3, s0;
	s1 =	sshll.u32 s1, $0x11  }
0xbb: {  	s0 =	sor.u32 s1, s0  }
0xbc: {  	s0 =	sadd.s32 $0x8F2B, s0  }
0xbd: {  	[sflag:s0] =	ssyncadd.remote.s32 $0x1  }
0xbe: {  	_ =	sfence.sel $0xFFFF  }
0xbf: {  	[dreg:$0x0] =	wrdreg $0xFFFFFFFF;
	(pc) =	sbr.abs _section_cstart, $3  }
0xc0: {  	[dreg:$0x1] =	wrdreg $0xFFFFFFFF  }
0xc1: {  	_ =	task.clear_ibuf [dreg:s6], $0x2FFFF;
	_ =	strace $0x9FFFFFFF  }
0xc2: {  	(tm) =	ssettm $0x7FFFFFFF  }
0xc3: {  	_ =	shalt  }
tec
execute0_lowered:
.L_overlay_start_1:
0x0: {  	(tag) =	ssettag $0x1  }
0x1: {  	s0 =	srdreg.scid  }
0x2: {  	s9 =	stileid.u32;
	s5 =	rddreg [dreg:$0x0]  }
0x3: {  	s2 =	rddreg [dreg:$0x1];
	s0 =	sand.u32 $0x1, s0;
	s1 =	smul.u32 $0x7800, s9  }
0x4: {  	s25 =	simm.s32 $0x80;
	s26 =	simm.s32 $0x100;
	s3 =	smul.u32 $0x3C00, s0  }
0x5: {  	s10 =	simm.s32 $0x200;
	s12 =	simm.s32 $0xD00;
	s13 =	simm.s32 $0x280  }
0x6: {  	s7 =	smul.u32 $0x14000, s9;
	s1 =	sadd.s32 s3, s1;
	s3 =	simm.s32 $0x0  }
0x7: {  	s15 =	simm.s32 $0xD80;
	s6 =	smul.u32 $0x140000, s0;
	[smem:$0x7FF] =	sst s3  }
0x8: {  	s16 =	simm.s32 $0x300;
	_ =	strace $0x8000004A;
	[dreg:$0x5] =	wrdreg s25  }
0x9: {  	s6 =	sadd.s32 s7, s6;
	s7 =	simm.s32 $0xC80;
	[dreg:$0x6] =	wrdreg s26  }
0xa: {  	s17 =	simm.s32 $0xE00;
	s18 =	simm.s32 $0x380;
	[dreg:$0x8] =	wrdreg s7  }
0xb: {  	s19 =	simm.s32 $0xE80;
	s20 =	simm.s32 $0x400;
	[dreg:$0x9] =	wrdreg s10  }
0xc: {  	s21 =	simm.s32 $0xF00;
	s22 =	simm.s32 $0x480;
	[dreg:$0xa] =	wrdreg s12  }
0xd: {  	s23 =	simm.s32 $0xF80;
	s24 =	simm.s32 $0x500;
	[dreg:$0xb] =	wrdreg s13  }
0xe: {  	s28 =	simm.s32 $0x1300;
	s29 =	simm.s32 $0x880;
	[dreg:$0xc] =	wrdreg s15  }
0xf: {  	s30 =	simm.s32 $0x1380;
	s31 =	simm.s32 $0x1400;
	[dreg:$0xd] =	wrdreg s16  }
0x10: {  	s4 =	sadd.s32 $0x72C00, s5;
	s11 =	smul.u32 $0x50000, s9;
	[dreg:$0xe] =	wrdreg s17  }
0x11: {  	s9 =	simm.s32 $0x4;
	s0 =	ssub.s32 $0x2, s0;
	[dreg:$0xf] =	wrdreg s18  }
0x12: {  	s14 =	sshrl.u32 s11, $0x2;
	s11 =	simm.s32 $0x70;
	[dreg:$0x10] =	wrdreg s19  }
0x13: {  	s1 =	sshrl.u32 s1, $0x3;
	s6 =	sshrl.u32 s6, $0x3;
	[dreg:$0x11] =	wrdreg s20  }
0x14: {  	s1 =	sadd.s32 s1, s5;
	s6 =	sadd.s32 s6, s5;
	[dreg:$0x12] =	wrdreg s21  }
0x15: {  	s5 =	simm.s32 $0x180;
	s10 =	simm.s32 $0xC00;
	[dreg:$0x13] =	wrdreg s22  }
0x16: {  	s12 =	simm.s32 $0x5000;
	s13 =	simm.s32 $0x1;
	[dreg:$0x14] =	wrdreg s23  }
0x17: {  	[dreg:$0x15] =	wrdreg s24;
	s25 =	simm.s32 $0x1000;
	s15 =	simm.s32 $0x2  }
0x18: {  	s26 =	simm.s32 $0x580;
	s16 =	simm.s32 $0x3;
	s17 =	simm.s32 $0x1080  }
0x19: {  	s18 =	simm.s32 $0x600;
	s19 =	simm.s32 $0x1100;
	s20 =	simm.s32 $0x680  }
0x1a: {  	s21 =	simm.s32 $0x1180;
	s22 =	simm.s32 $0x700;
	s23 =	simm.s32 $0x1200  }
0x1b: {  	s24 =	simm.s32 $0x780;
	s8 =	sadd.s32 $0x63C00, s1;
	[dreg:$0x7] =	wrdreg s5  }
0x1c: {  	s1 =	sadd.s32 $0x54C00, s1;
	s5 =	sadd.s32 s14, s2;
	[dreg:$0x16] =	wrdreg s25  }
0x1d: {  	s6 =	sadd.s32 $0x99E00, s6;
	s14 =	simm.s32 $0x8800;
	[dreg:$0x17] =	wrdreg s26  }
0x1e: {  	s25 =	simm.s32 $0x1280;
	[dreg:$0x3] =	wrdreg s8;
	s8 =	sshrl.u32 s0, $0x1  }
0x1f: {  	s26 =	simm.s32 $0x800;
	[dreg:$0x4] =	wrdreg s1;
	s0 =	ssub.s32 s0, s8  }
0x20: {  	[dreg:$0x18] =	wrdreg s6;
	s1 =	simm.s32 $0x1480;
	s0 =	smax.u32 s0, $0x1  }
0x21: {  	v0 =	vimm.f32 $0.0e+00;
	s6 =	simm.s32 $0x0;
	s8 =	simm.s32 $0x1800;
	[dreg:$0x19] =	wrdreg s0  }
.LBB2_1:
0x22: {  	[dreg:$0x1a] =	wrdreg s6;
	s6 =	simm.s32 $0x0;
	s7 =	simm.s32 $0x200  }
.LBB2_2:
0x23: {  	p0 =	sne.s32 s7, $0x1E00;
	[tilespmem:s6+$0x1870] =	vst v0  }
0x24: {  	[tilespmem:s6+$0x1800] =	vst v0  }
0x25: {  	[tilespmem:s6+$0x1810] =	vst v0  }
.Ltmp0:
0x26: {  	[tilespmem:s6+$0x1820] =	vst v0;
	(pc) =	sbr.rel @p0 .LBB2_2-.Ltmp0, $4  }
0x27: {  	[tilespmem:s6+$0x1830] =	vst v0  }
0x28: {  	[tilespmem:s6+$0x1840] =	vst v0  }
0x29: {  	[tilespmem:s6+$0x1850] =	vst v0  }
0x2a: {  	[tilespmem:s6+$0x1860] =	vst v0;
	s6 =	sshra.s32 s7, $0x2;
	s7 =	sadd.s32 $0x200, s7  }
0x2b: {  	[tilespmem:s6+$0x1870] =	vst v0  }
0x2c: {  	[tilespmem:s6+$0x1800] =	vst v0  }
0x2d: {  	[tilespmem:s6+$0x1810] =	vst v0  }
0x2e: {  	[tilespmem:s6+$0x1820] =	vst v0  }
0x2f: {  	[tilespmem:s6+$0x1830] =	vst v0  }
0x30: {  	[tilespmem:s6+$0x1840] =	vst v0  }
0x31: {  	[tilespmem:s6+$0x1850] =	vst v0  }
0x32: {  	[tilespmem:s6+$0x1860] =	vst v0;
	s0 =	sadd.s32 $0x0, s5  }
0x33: {  	[spmem:s0] =	stream.linear.scatter [tilespmem:s8], [sflag:$0x4], $0x800, $0x38;
	v63 =	vld [tilespmem:$0x0]  }
0x34: {  	s6 =	simm.s32 $0x2000;
	_ =	swait.ge [sflag:s9], $0x800  }
.LBB2_4:
0x35: {  	s0 =	sshra.s32 s6, $0x2;
	[sflag:s9] =	ssyncset.done $0x0;
	p0 =	sne.s32 s6, $0x4E000  }
.Ltmp1:
0x36: {  	s0 =	sadd.s32 s0, s5;
	[sflag:s9] =	ssyncadd.s32 $0xFFFFF800;
	(pc) =	sbr.rel @p0 .LBB2_4-.Ltmp1, $3  }
0x37: {  	[spmem:s0] =	stream.linear.scatter [tilespmem:s8], [sflag:$0x4], $0x800, $0x38;
	v63 =	vld [tilespmem:$0x0]  }
0x38: {  	s6 =	sadd.s32 $0x2000, s6;
	_ =	sdelay $0x1  }
0x39: {  	_ =	swait.ge [sflag:s9], $0x800  }
0x3a: {  	[sflag:s9] =	ssyncset.done $0x0  }
0x3b: {  	[sflag:s9] =	ssyncadd.s32 $0xFFFFF800  }
0x3c: {  	[bflag:$0x0] =	sbarrier.arrive $0xFFFF  }
0x3d: {  	s0 =	rddreg [dreg:$0x4]  }
0x3e: {  	s0 =	sadd.s32 $0x0, s0  }
0x3f: {  	[tilespmem:s3], [sflag:$0x4] =	stream.linear.gather [hbm4b:s0+s3], $0x900, $0x38;
	v63 =	vld [tilespmem:$0x0]  }
0x40: {  	_ =	swait.ge [sflag:s9], $0x900  }
0x41: {  	s6 =	rddreg [dreg:$0x3];
	[sflag:s9] =	ssyncset.done $0x0  }
0x42: {  	[sflag:s9] =	ssyncadd.s32 $0xFFFFF700;
	s0 =	sadd.s32 $0x0, s6  }
0x43: {  	[tilespmem:s10], [sflag:$0x4] =	stream.linear.gather [hbm4b:s0+s3], $0x900, $0x38;
	v63 =	vld [tilespmem:$0x0]  }
0x44: {  	_ =	swait.ge [sflag:s9], $0x900  }
0x45: {  	[sflag:s9] =	ssyncset.done $0x0  }
0x46: {  	[sflag:s9] =	ssyncadd.s32 $0xFFFFF700  }
0x47: {  	[tilespmem:s8], [sflag:$0x1] =	stream.indirect.gather [hbm4b:s4+s11], $0x80, s3, s11, $0xb8;
	v63 =	vld [tilespmem:$0x0]  }
0x48: {  	s7 =	rddreg [dreg:$0x5]  }
0x49: {  	[tilespmem:s12], [sflag:$0x2] =	stream.indirect.gather [hbm4b:s4+s11], $0x80, s7, s11, $0xb8;
	v63 =	vld [tilespmem:$0x0]  }
0x4a: {  	_ =	swait.ge [sflag:s13], $0x3800  }
0x4b: {  	[sflag:s13] =	ssyncset.done $0x0  }
0x4c: {  	s6 =	rddreg [dreg:$0x6];
	[sflag:s13] =	ssyncadd.s32 $0xFFFFC800  }
0x4d: {  	[tilespmem:s14], [sflag:$0x3] =	stream.indirect.gather [hbm4b:s4+s11], $0x80, s6, s11, $0xb8;
	v63 =	vld [tilespmem:$0x0]  }
0x4e: {  	_ = 	snop  }
0x4f: {  	[spmem:s2] =	stream.indirect.scatter.add.f32 [tilespmem:s8], [sflag:$0x4], $0x80, s10, s11, $0xb8;
	v63 =	vld [tilespmem:$0x0]  }
0x50: {  	_ =	swait.ge [sflag:s9], $0x3800  }
0x51: {  	[sflag:s9] =	ssyncset.done $0x0  }
0x52: {  	[sflag:s9] =	ssyncadd.s32 $0xFFFFC800  }
0x53: {  	_ =	swait.ge [sflag:s15], $0x3800  }
0x54: {  	[sflag:s15] =	ssyncset.done $0x0  }
0x55: {  	s7 =	rddreg [dreg:$0x7];
	[sflag:s15] =	ssyncadd.s32 $0xFFFFC800  }
0x56: {  	[tilespmem:s8], [sflag:$0x1] =	stream.indirect.gather [hbm4b:s4+s11], $0x80, s7, s11, $0xb8;
	v63 =	vld [tilespmem:$0x0]  }
0x57: {  	s6 =	rddreg [dreg:$0x8]  }
0x58: {  	[spmem:s2] =	stream.indirect.scatter.add.f32 [tilespmem:s12], [sflag:$0x4], $0x80, s6, s11, $0xb8;
	v63 =	vld [tilespmem:$0x0]  }
0x59: {  	_ =	swait.ge [sflag:s9], $0x3800  }
0x5a: {  	[sflag:s9] =	ssyncset.done $0x0  }
0x5b: {  	[sflag:s9] =	ssyncadd.s32 $0xFFFFC800  }
0x5c: {  	_ =	swait.ge [sflag:s16], $0x3800  }
0x5d: {  	[sflag:s16] =	ssyncset.done $0x0  }
0x5e: {  	s6 =	rddreg [dreg:$0x9];
	[sflag:s16] =	ssyncadd.s32 $0xFFFFC800  }
0x5f: {  	[tilespmem:s12], [sflag:$0x2] =	stream.indirect.gather [hbm4b:s4+s11], $0x80, s6, s11, $0xb8;
	v63 =	vld [tilespmem:$0x0]  }
0x60: {  	s7 =	rddreg [dreg:$0xa]  }
0x61: {  	[spmem:s2] =	stream.indirect.scatter.add.f32 [tilespmem:s14], [sflag:$0x4], $0x80, s7, s11, $0xb8;
	v63 =	vld [tilespmem:$0x0]  }
0x62: {  	_ =	swait.ge [sflag:s9], $0x3800  }
0x63: {  	[sflag:s9] =	ssyncset.done $0x0  }
0x64: {  	[sflag:s9] =	ssyncadd.s32 $0xFFFFC800  }
0x65: {  	_ =	swait.ge [sflag:s13], $0x3800  }
0x66: {  	[sflag:s13] =	ssyncset.done $0x0  }
0x67: {  	s6 =	rddreg [dreg:$0xb];
	[sflag:s13] =	ssyncadd.s32 $0xFFFFC800  }
0x68: {  	[tilespmem:s14], [sflag:$0x3] =	stream.indirect.gather [hbm4b:s4+s11], $0x80, s6, s11, $0xb8;
	v63 =	vld [tilespmem:$0x0]  }
0x69: {  	s7 =	rddreg [dreg:$0xc]  }
0x6a: {  	[spmem:s2] =	stream.indirect.scatter.add.f32 [tilespmem:s8], [sflag:$0x4], $0x80, s7, s11, $0xb8;
	v63 =	vld [tilespmem:$0x0]  }
0x6b: {  	_ =	swait.ge [sflag:s9], $0x3800  }
0x6c: {  	[sflag:s9] =	ssyncset.done $0x0  }
0x6d: {  	[sflag:s9] =	ssyncadd.s32 $0xFFFFC800  }
0x6e: {  	_ =	swait.ge [sflag:s15], $0x3800  }
0x6f: {  	[sflag:s15] =	ssyncset.done $0x0  }
0x70: {  	s6 =	rddreg [dreg:$0xd];
	[sflag:s15] =	ssyncadd.s32 $0xFFFFC800  }
0x71: {  	[tilespmem:s8], [sflag:$0x1] =	stream.indirect.gather [hbm4b:s4+s11], $0x80, s6, s11, $0xb8;
	v63 =	vld [tilespmem:$0x0]  }
0x72: {  	s7 =	rddreg [dreg:$0xe]  }
0x73: {  	[spmem:s2] =	stream.indirect.scatter.add.f32 [tilespmem:s12], [sflag:$0x4], $0x80, s7, s11, $0xb8;
	v63 =	vld [tilespmem:$0x0]  }
0x74: {  	_ =	swait.ge [sflag:s9], $0x3800  }
0x75: {  	[sflag:s9] =	ssyncset.done $0x0  }
0x76: {  	[sflag:s9] =	ssyncadd.s32 $0xFFFFC800  }
0x77: {  	_ =	swait.ge [sflag:s16], $0x3800  }
0x78: {  	[sflag:s16] =	ssyncset.done $0x0  }
0x79: {  	s6 =	rddreg [dreg:$0xf];
	[sflag:s16] =	ssyncadd.s32 $0xFFFFC800  }
0x7a: {  	[tilespmem:s12], [sflag:$0x2] =	stream.indirect.gather [hbm4b:s4+s11], $0x80, s6, s11, $0xb8;
	v63 =	vld [tilespmem:$0x0]  }
0x7b: {  	s7 =	rddreg [dreg:$0x10]  }
0x7c: {  	[spmem:s2] =	stream.indirect.scatter.add.f32 [tilespmem:s14], [sflag:$0x4], $0x80, s7, s11, $0xb8;
	v63 =	vld [tilespmem:$0x0]  }
0x7d: {  	_ =	swait.ge [sflag:s9], $0x3800  }
0x7e: {  	[sflag:s9] =	ssyncset.done $0x0  }
0x7f: {  	[sflag:s9] =	ssyncadd.s32 $0xFFFFC800  }
0x80: {  	_ =	swait.ge [sflag:s13], $0x3800  }
0x81: {  	[sflag:s13] =	ssyncset.done $0x0  }
0x82: {  	s6 =	rddreg [dreg:$0x11];
	[sflag:s13] =	ssyncadd.s32 $0xFFFFC800  }
0x83: {  	[tilespmem:s14], [sflag:$0x3] =	stream.indirect.gather [hbm4b:s4+s11], $0x80, s6, s11, $0xb8;
	v63 =	vld [tilespmem:$0x0]  }
0x84: {  	s7 =	rddreg [dreg:$0x12]  }
0x85: {  	[spmem:s2] =	stream.indirect.scatter.add.f32 [tilespmem:s8], [sflag:$0x4], $0x80, s7, s11, $0xb8;
	v63 =	vld [tilespmem:$0x0]  }
0x86: {  	_ =	swait.ge [sflag:s9], $0x3800  }
0x87: {  	[sflag:s9] =	ssyncset.done $0x0  }
0x88: {  	[sflag:s9] =	ssyncadd.s32 $0xFFFFC800  }
0x89: {  	_ =	swait.ge [sflag:s15], $0x3800  }
0x8a: {  	[sflag:s15] =	ssyncset.done $0x0  }
0x8b: {  	s6 =	rddreg [dreg:$0x13];
	[sflag:s15] =	ssyncadd.s32 $0xFFFFC800  }
0x8c: {  	[tilespmem:s8], [sflag:$0x1] =	stream.indirect.gather [hbm4b:s4+s11], $0x80, s6, s11, $0xb8;
	v63 =	vld [tilespmem:$0x0]  }
0x8d: {  	s7 =	rddreg [dreg:$0x14]  }
0x8e: {  	[spmem:s2] =	stream.indirect.scatter.add.f32 [tilespmem:s12], [sflag:$0x4], $0x80, s7, s11, $0xb8;
	v63 =	vld [tilespmem:$0x0]  }
0x8f: {  	_ =	swait.ge [sflag:s9], $0x3800  }
0x90: {  	[sflag:s9] =	ssyncset.done $0x0  }
0x91: {  	[sflag:s9] =	ssyncadd.s32 $0xFFFFC800  }
0x92: {  	_ =	swait.ge [sflag:s16], $0x3800  }
0x93: {  	[sflag:s16] =	ssyncset.done $0x0  }
0x94: {  	s6 =	rddreg [dreg:$0x15];
	[sflag:s16] =	ssyncadd.s32 $0xFFFFC800  }
0x95: {  	[tilespmem:s12], [sflag:$0x2] =	stream.indirect.gather [hbm4b:s4+s11], $0x80, s6, s11, $0xb8;
	v63 =	vld [tilespmem:$0x0]  }
0x96: {  	s7 =	rddreg [dreg:$0x16]  }
0x97: {  	[spmem:s2] =	stream.indirect.scatter.add.f32 [tilespmem:s14], [sflag:$0x4], $0x80, s7, s11, $0xb8;
	v63 =	vld [tilespmem:$0x0]  }
0x98: {  	_ =	swait.ge [sflag:s9], $0x3800  }
0x99: {  	[sflag:s9] =	ssyncset.done $0x0  }
0x9a: {  	[sflag:s9] =	ssyncadd.s32 $0xFFFFC800  }
0x9b: {  	_ =	swait.ge [sflag:s13], $0x3800  }
0x9c: {  	[sflag:s13] =	ssyncset.done $0x0  }
0x9d: {  	s7 =	rddreg [dreg:$0x17];
	[sflag:s13] =	ssyncadd.s32 $0xFFFFC800  }
0x9e: {  	[tilespmem:s14], [sflag:$0x3] =	stream.indirect.gather [hbm4b:s4+s11], $0x80, s7, s11, $0xb8;
	v63 =	vld [tilespmem:$0x0]  }
0x9f: {  	_ = 	snop  }
0xa0: {  	[spmem:s2] =	stream.indirect.scatter.add.f32 [tilespmem:s8], [sflag:$0x4], $0x80, s17, s11, $0xb8;
	v63 =	vld [tilespmem:$0x0]  }
0xa1: {  	_ =	swait.ge [sflag:s9], $0x3800  }
0xa2: {  	[sflag:s9] =	ssyncset.done $0x0  }
0xa3: {  	[sflag:s9] =	ssyncadd.s32 $0xFFFFC800  }
0xa4: {  	_ =	swait.ge [sflag:s15], $0x3800  }
0xa5: {  	[sflag:s15] =	ssyncset.done $0x0  }
0xa6: {  	[sflag:s15] =	ssyncadd.s32 $0xFFFFC800  }
0xa7: {  	[tilespmem:s8], [sflag:$0x1] =	stream.indirect.gather [hbm4b:s4+s11], $0x80, s18, s11, $0xb8;
	v63 =	vld [tilespmem:$0x0]  }
0xa8: {  	_ = 	snop  }
0xa9: {  	[spmem:s2] =	stream.indirect.scatter.add.f32 [tilespmem:s12], [sflag:$0x4], $0x80, s19, s11, $0xb8;
	v63 =	vld [tilespmem:$0x0]  }
0xaa: {  	_ =	swait.ge [sflag:s9], $0x3800  }
0xab: {  	[sflag:s9] =	ssyncset.done $0x0  }
0xac: {  	[sflag:s9] =	ssyncadd.s32 $0xFFFFC800  }
0xad: {  	_ =	swait.ge [sflag:s16], $0x3800  }
0xae: {  	[sflag:s16] =	ssyncset.done $0x0  }
0xaf: {  	[sflag:s16] =	ssyncadd.s32 $0xFFFFC800  }
0xb0: {  	[tilespmem:s12], [sflag:$0x2] =	stream.indirect.gather [hbm4b:s4+s11], $0x80, s20, s11, $0xb8;
	v63 =	vld [tilespmem:$0x0]  }
0xb1: {  	_ = 	snop  }
0xb2: {  	[spmem:s2] =	stream.indirect.scatter.add.f32 [tilespmem:s14], [sflag:$0x4], $0x80, s21, s11, $0xb8;
	v63 =	vld [tilespmem:$0x0]  }
0xb3: {  	_ =	swait.ge [sflag:s9], $0x3800  }
0xb4: {  	[sflag:s9] =	ssyncset.done $0x0  }
0xb5: {  	[sflag:s9] =	ssyncadd.s32 $0xFFFFC800  }
0xb6: {  	_ =	swait.ge [sflag:s13], $0x3800  }
0xb7: {  	[sflag:s13] =	ssyncset.done $0x0  }
0xb8: {  	[sflag:s13] =	ssyncadd.s32 $0xFFFFC800  }
0xb9: {  	[tilespmem:s14], [sflag:$0x3] =	stream.indirect.gather [hbm4b:s4+s11], $0x80, s22, s11, $0xb8;
	v63 =	vld [tilespmem:$0x0]  }
0xba: {  	_ = 	snop  }
0xbb: {  	[spmem:s2] =	stream.indirect.scatter.add.f32 [tilespmem:s8], [sflag:$0x4], $0x80, s23, s11, $0xb8;
	v63 =	vld [tilespmem:$0x0]  }
0xbc: {  	_ =	swait.ge [sflag:s9], $0x3800  }
0xbd: {  	[sflag:s9] =	ssyncset.done $0x0  }
0xbe: {  	[sflag:s9] =	ssyncadd.s32 $0xFFFFC800  }
0xbf: {  	_ =	swait.ge [sflag:s15], $0x3800  }
0xc0: {  	[sflag:s15] =	ssyncset.done $0x0  }
0xc1: {  	[sflag:s15] =	ssyncadd.s32 $0xFFFFC800  }
0xc2: {  	[tilespmem:s8], [sflag:$0x1] =	stream.indirect.gather [hbm4b:s4+s11], $0x80, s24, s11, $0xb8;
	v63 =	vld [tilespmem:$0x0]  }
0xc3: {  	_ = 	snop  }
0xc4: {  	[spmem:s2] =	stream.indirect.scatter.add.f32 [tilespmem:s12], [sflag:$0x4], $0x80, s25, s11, $0xb8;
	v63 =	vld [tilespmem:$0x0]  }
0xc5: {  	_ =	swait.ge [sflag:s9], $0x3800  }
0xc6: {  	[sflag:s9] =	ssyncset.done $0x0  }
0xc7: {  	[sflag:s9] =	ssyncadd.s32 $0xFFFFC800  }
0xc8: {  	_ =	swait.ge [sflag:s16], $0x3800  }
0xc9: {  	[sflag:s16] =	ssyncset.done $0x0  }
0xca: {  	[sflag:s16] =	ssyncadd.s32 $0xFFFFC800  }
0xcb: {  	[tilespmem:s12], [sflag:$0x2] =	stream.indirect.gather [hbm4b:s4+s11], $0x80, s26, s11, $0xb8;
	v63 =	vld [tilespmem:$0x0]  }
0xcc: {  	_ = 	snop  }
0xcd: {  	[spmem:s2] =	stream.indirect.scatter.add.f32 [tilespmem:s14], [sflag:$0x4], $0x80, s28, s11, $0xb8;
	v63 =	vld [tilespmem:$0x0]  }
0xce: {  	_ =	swait.ge [sflag:s9], $0x3800  }
0xcf: {  	[sflag:s9] =	ssyncset.done $0x0  }
0xd0: {  	[sflag:s9] =	ssyncadd.s32 $0xFFFFC800  }
0xd1: {  	_ =	swait.ge [sflag:s13], $0x3800  }
0xd2: {  	[sflag:s13] =	ssyncset.done $0x0  }
0xd3: {  	[sflag:s13] =	ssyncadd.s32 $0xFFFFC800  }
0xd4: {  	[tilespmem:s14], [sflag:$0x3] =	stream.indirect.gather [hbm4b:s4+s11], $0x80, s29, s11, $0xb8;
	v63 =	vld [tilespmem:$0x0]  }
0xd5: {  	_ = 	snop  }
0xd6: {  	[spmem:s2] =	stream.indirect.scatter.add.f32 [tilespmem:s8], [sflag:$0x4], $0x80, s30, s11, $0xb8;
	v63 =	vld [tilespmem:$0x0]  }
0xd7: {  	_ =	swait.ge [sflag:s9], $0x3800  }
0xd8: {  	[sflag:s9] =	ssyncset.done $0x0  }
0xd9: {  	[sflag:s9] =	ssyncadd.s32 $0xFFFFC800  }
0xda: {  	_ =	swait.ge [sflag:s15], $0x3800  }
0xdb: {  	[sflag:s15] =	ssyncset.done $0x0  }
0xdc: {  	[sflag:s15] =	ssyncadd.s32 $0xFFFFC800  }
0xdd: {  	[spmem:s2] =	stream.indirect.scatter.add.f32 [tilespmem:s12], [sflag:$0x4], $0x80, s31, s11, $0xb8;
	v63 =	vld [tilespmem:$0x0]  }
0xde: {  	_ =	swait.ge [sflag:s9], $0x3800  }
0xdf: {  	[sflag:s9] =	ssyncset.done $0x0  }
0xe0: {  	[sflag:s9] =	ssyncadd.s32 $0xFFFFC800  }
0xe1: {  	_ =	swait.ge [sflag:s16], $0x3800  }
0xe2: {  	[sflag:s16] =	ssyncset.done $0x0  }
0xe3: {  	[sflag:s16] =	ssyncadd.s32 $0xFFFFC800  }
0xe4: {  	[spmem:s2] =	stream.indirect.scatter.add.f32 [tilespmem:s14], [sflag:$0x4], $0x80, s1, s11, $0xb8;
	v63 =	vld [tilespmem:$0x0]  }
0xe5: {  	s6 =	simm.s32 $0x180;
	_ =	swait.ge [sflag:s9], $0x3800  }
0xe6: {  	s7 =	simm.s32 $0x300;
	s0 =	rddreg [dreg:$0x4];
	[sflag:s9] =	ssyncset.done $0x0  }
.LBB2_6:
0xe7: {  	[sflag:s9] =	ssyncadd.s32 $0xFFFFC800;
	s0 =	sadd.s32 s6, s0  }
0xe8: {  	[tilespmem:s3], [sflag:$0x4] =	stream.linear.gather [hbm4b:s0+s3], $0x900, $0x38;
	v63 =	vld [tilespmem:$0x0]  }
0xe9: {  	_ =	swait.ge [sflag:s9], $0x900  }
0xea: {  	s0 =	rddreg [dreg:$0x3];
	[sflag:s9] =	ssyncset.done $0x0  }
0xeb: {  	[sflag:s9] =	ssyncadd.s32 $0xFFFFF700;
	s0 =	sadd.s32 s6, s0  }
0xec: {  	[tilespmem:s10], [sflag:$0x4] =	stream.linear.gather [hbm4b:s0+s3], $0x900, $0x38;
	v63 =	vld [tilespmem:$0x0]  }
0xed: {  	_ =	swait.ge [sflag:s9], $0x900  }
0xee: {  	[sflag:s9] =	ssyncset.done $0x0  }
0xef: {  	s17 =	smov.u32 s7;
	[sflag:s9] =	ssyncadd.s32 $0xFFFFF700  }
0xf0: {  	[tilespmem:s8], [sflag:$0x1] =	stream.indirect.gather [hbm4b:s4+s11], $0x80, s3, s11, $0xb8;
	v63 =	vld [tilespmem:$0x0]  }
0xf1: {  	s6 =	smov.u32 s17;
	s17 =	rddreg [dreg:$0x5]  }
0xf2: {  	[tilespmem:s12], [sflag:$0x2] =	stream.indirect.gather [hbm4b:s4+s11], $0x80, s17, s11, $0xb8;
	v63 =	vld [tilespmem:$0x0]  }
0xf3: {  	_ =	swait.ge [sflag:s13], $0x3800  }
0xf4: {  	[sflag:s13] =	ssyncset.done $0x0  }
0xf5: {  	s17 =	rddreg [dreg:$0x6];
	[sflag:s13] =	ssyncadd.s32 $0xFFFFC800  }
0xf6: {  	[tilespmem:s14], [sflag:$0x3] =	stream.indirect.gather [hbm4b:s4+s11], $0x80, s17, s11, $0xb8;
	v63 =	vld [tilespmem:$0x0]  }
0xf7: {  	_ = 	snop  }
0xf8: {  	[spmem:s2] =	stream.indirect.scatter.add.f32 [tilespmem:s8], [sflag:$0x4], $0x80, s10, s11, $0xb8;
	v63 =	vld [tilespmem:$0x0]  }
0xf9: {  	_ =	swait.ge [sflag:s9], $0x3800  }
0xfa: {  	[sflag:s9] =	ssyncset.done $0x0  }
0xfb: {  	[sflag:s9] =	ssyncadd.s32 $0xFFFFC800  }
0xfc: {  	_ =	swait.ge [sflag:s15], $0x3800  }
0xfd: {  	[sflag:s15] =	ssyncset.done $0x0  }
0xfe: {  	s0 =	rddreg [dreg:$0x7];
	[sflag:s15] =	ssyncadd.s32 $0xFFFFC800  }
0xff: {  	[tilespmem:s8], [sflag:$0x1] =	stream.indirect.gather [hbm4b:s4+s11], $0x80, s0, s11, $0xb8;
	v63 =	vld [tilespmem:$0x0]  }
0x100: {  	s17 =	rddreg [dreg:$0x8]  }
0x101: {  	[spmem:s2] =	stream.indirect.scatter.add.f32 [tilespmem:s12], [sflag:$0x4], $0x80, s17, s11, $0xb8;
	v63 =	vld [tilespmem:$0x0]  }
0x102: {  	_ =	swait.ge [sflag:s9], $0x3800  }
0x103: {  	[sflag:s9] =	ssyncset.done $0x0  }
0x104: {  	[sflag:s9] =	ssyncadd.s32 $0xFFFFC800  }
0x105: {  	_ =	swait.ge [sflag:s16], $0x3800  }
0x106: {  	[sflag:s16] =	ssyncset.done $0x0  }
0x107: {  	s0 =	rddreg [dreg:$0x9];
	[sflag:s16] =	ssyncadd.s32 $0xFFFFC800  }
0x108: {  	[tilespmem:s12], [sflag:$0x2] =	stream.indirect.gather [hbm4b:s4+s11], $0x80, s0, s11, $0xb8;
	v63 =	vld [tilespmem:$0x0]  }
0x109: {  	s17 =	rddreg [dreg:$0xa]  }
0x10a: {  	[spmem:s2] =	stream.indirect.scatter.add.f32 [tilespmem:s14], [sflag:$0x4], $0x80, s17, s11, $0xb8;
	v63 =	vld [tilespmem:$0x0]  }
0x10b: {  	_ =	swait.ge [sflag:s9], $0x3800  }
0x10c: {  	[sflag:s9] =	ssyncset.done $0x0  }
0x10d: {  	[sflag:s9] =	ssyncadd.s32 $0xFFFFC800  }
0x10e: {  	_ =	swait.ge [sflag:s13], $0x3800  }
0x10f: {  	[sflag:s13] =	ssyncset.done $0x0  }
0x110: {  	s0 =	rddreg [dreg:$0xb];
	[sflag:s13] =	ssyncadd.s32 $0xFFFFC800  }
0x111: {  	[tilespmem:s14], [sflag:$0x3] =	stream.indirect.gather [hbm4b:s4+s11], $0x80, s0, s11, $0xb8;
	v63 =	vld [tilespmem:$0x0]  }
0x112: {  	s17 =	rddreg [dreg:$0xc]  }
0x113: {  	[spmem:s2] =	stream.indirect.scatter.add.f32 [tilespmem:s8], [sflag:$0x4], $0x80, s17, s11, $0xb8;
	v63 =	vld [tilespmem:$0x0]  }
0x114: {  	_ =	swait.ge [sflag:s9], $0x3800  }
0x115: {  	[sflag:s9] =	ssyncset.done $0x0  }
0x116: {  	[sflag:s9] =	ssyncadd.s32 $0xFFFFC800  }
0x117: {  	_ =	swait.ge [sflag:s15], $0x3800  }
0x118: {  	[sflag:s15] =	ssyncset.done $0x0  }
0x119: {  	s0 =	rddreg [dreg:$0xd];
	[sflag:s15] =	ssyncadd.s32 $0xFFFFC800  }
0x11a: {  	[tilespmem:s8], [sflag:$0x1] =	stream.indirect.gather [hbm4b:s4+s11], $0x80, s0, s11, $0xb8;
	v63 =	vld [tilespmem:$0x0]  }
0x11b: {  	s17 =	rddreg [dreg:$0xe]  }
0x11c: {  	[spmem:s2] =	stream.indirect.scatter.add.f32 [tilespmem:s12], [sflag:$0x4], $0x80, s17, s11, $0xb8;
	v63 =	vld [tilespmem:$0x0]  }
0x11d: {  	_ =	swait.ge [sflag:s9], $0x3800  }
0x11e: {  	[sflag:s9] =	ssyncset.done $0x0  }
0x11f: {  	[sflag:s9] =	ssyncadd.s32 $0xFFFFC800  }
0x120: {  	_ =	swait.ge [sflag:s16], $0x3800  }
0x121: {  	[sflag:s16] =	ssyncset.done $0x0  }
0x122: {  	s0 =	rddreg [dreg:$0xf];
	[sflag:s16] =	ssyncadd.s32 $0xFFFFC800  }
0x123: {  	[tilespmem:s12], [sflag:$0x2] =	stream.indirect.gather [hbm4b:s4+s11], $0x80, s0, s11, $0xb8;
	v63 =	vld [tilespmem:$0x0]  }
0x124: {  	s17 =	rddreg [dreg:$0x10]  }
0x125: {  	[spmem:s2] =	stream.indirect.scatter.add.f32 [tilespmem:s14], [sflag:$0x4], $0x80, s17, s11, $0xb8;
	v63 =	vld [tilespmem:$0x0]  }
0x126: {  	_ =	swait.ge [sflag:s9], $0x3800  }
0x127: {  	[sflag:s9] =	ssyncset.done $0x0  }
0x128: {  	[sflag:s9] =	ssyncadd.s32 $0xFFFFC800  }
0x129: {  	_ =	swait.ge [sflag:s13], $0x3800  }
0x12a: {  	[sflag:s13] =	ssyncset.done $0x0  }
0x12b: {  	s0 =	rddreg [dreg:$0x11];
	[sflag:s13] =	ssyncadd.s32 $0xFFFFC800  }
0x12c: {  	[tilespmem:s14], [sflag:$0x3] =	stream.indirect.gather [hbm4b:s4+s11], $0x80, s0, s11, $0xb8;
	v63 =	vld [tilespmem:$0x0]  }
0x12d: {  	s17 =	rddreg [dreg:$0x12]  }
0x12e: {  	[spmem:s2] =	stream.indirect.scatter.add.f32 [tilespmem:s8], [sflag:$0x4], $0x80, s17, s11, $0xb8;
	v63 =	vld [tilespmem:$0x0]  }
0x12f: {  	_ =	swait.ge [sflag:s9], $0x3800  }
0x130: {  	[sflag:s9] =	ssyncset.done $0x0  }
0x131: {  	[sflag:s9] =	ssyncadd.s32 $0xFFFFC800  }
0x132: {  	_ =	swait.ge [sflag:s15], $0x3800  }
0x133: {  	[sflag:s15] =	ssyncset.done $0x0  }
0x134: {  	s0 =	rddreg [dreg:$0x13];
	[sflag:s15] =	ssyncadd.s32 $0xFFFFC800  }
0x135: {  	[tilespmem:s8], [sflag:$0x1] =	stream.indirect.gather [hbm4b:s4+s11], $0x80, s0, s11, $0xb8;
	v63 =	vld [tilespmem:$0x0]  }
0x136: {  	s17 =	rddreg [dreg:$0x14]  }
0x137: {  	[spmem:s2] =	stream.indirect.scatter.add.f32 [tilespmem:s12], [sflag:$0x4], $0x80, s17, s11, $0xb8;
	v63 =	vld [tilespmem:$0x0]  }
0x138: {  	_ =	swait.ge [sflag:s9], $0x3800  }
0x139: {  	[sflag:s9] =	ssyncset.done $0x0  }
0x13a: {  	[sflag:s9] =	ssyncadd.s32 $0xFFFFC800  }
0x13b: {  	_ =	swait.ge [sflag:s16], $0x3800  }
0x13c: {  	[sflag:s16] =	ssyncset.done $0x0  }
0x13d: {  	s0 =	rddreg [dreg:$0x15];
	[sflag:s16] =	ssyncadd.s32 $0xFFFFC800  }
0x13e: {  	[tilespmem:s12], [sflag:$0x2] =	stream.indirect.gather [hbm4b:s4+s11], $0x80, s0, s11, $0xb8;
	v63 =	vld [tilespmem:$0x0]  }
0x13f: {  	s17 =	rddreg [dreg:$0x16]  }
0x140: {  	[spmem:s2] =	stream.indirect.scatter.add.f32 [tilespmem:s14], [sflag:$0x4], $0x80, s17, s11, $0xb8;
	v63 =	vld [tilespmem:$0x0]  }
0x141: {  	_ =	swait.ge [sflag:s9], $0x3800  }
0x142: {  	[sflag:s9] =	ssyncset.done $0x0  }
0x143: {  	[sflag:s9] =	ssyncadd.s32 $0xFFFFC800  }
0x144: {  	_ =	swait.ge [sflag:s13], $0x3800  }
0x145: {  	[sflag:s13] =	ssyncset.done $0x0  }
0x146: {  	s0 =	rddreg [dreg:$0x17];
	[sflag:s13] =	ssyncadd.s32 $0xFFFFC800  }
0x147: {  	[tilespmem:s14], [sflag:$0x3] =	stream.indirect.gather [hbm4b:s4+s11], $0x80, s0, s11, $0xb8;
	v63 =	vld [tilespmem:$0x0]  }
0x148: {  	s17 =	simm.s32 $0x1080  }
0x149: {  	[spmem:s2] =	stream.indirect.scatter.add.f32 [tilespmem:s8], [sflag:$0x4], $0x80, s17, s11, $0xb8;
	v63 =	vld [tilespmem:$0x0]  }
0x14a: {  	_ =	swait.ge [sflag:s9], $0x3800  }
0x14b: {  	[sflag:s9] =	ssyncset.done $0x0  }
0x14c: {  	[sflag:s9] =	ssyncadd.s32 $0xFFFFC800  }
0x14d: {  	_ =	swait.ge [sflag:s15], $0x3800  }
0x14e: {  	[sflag:s15] =	ssyncset.done $0x0  }
0x14f: {  	[sflag:s15] =	ssyncadd.s32 $0xFFFFC800  }
0x150: {  	[tilespmem:s8], [sflag:$0x1] =	stream.indirect.gather [hbm4b:s4+s11], $0x80, s18, s11, $0xb8;
	v63 =	vld [tilespmem:$0x0]  }
0x151: {  	_ = 	snop  }
0x152: {  	[spmem:s2] =	stream.indirect.scatter.add.f32 [tilespmem:s12], [sflag:$0x4], $0x80, s19, s11, $0xb8;
	v63 =	vld [tilespmem:$0x0]  }
0x153: {  	_ =	swait.ge [sflag:s9], $0x3800  }
0x154: {  	[sflag:s9] =	ssyncset.done $0x0  }
0x155: {  	[sflag:s9] =	ssyncadd.s32 $0xFFFFC800  }
0x156: {  	_ =	swait.ge [sflag:s16], $0x3800  }
0x157: {  	[sflag:s16] =	ssyncset.done $0x0  }
0x158: {  	[sflag:s16] =	ssyncadd.s32 $0xFFFFC800  }
0x159: {  	[tilespmem:s12], [sflag:$0x2] =	stream.indirect.gather [hbm4b:s4+s11], $0x80, s20, s11, $0xb8;
	v63 =	vld [tilespmem:$0x0]  }
0x15a: {  	_ = 	snop  }
0x15b: {  	[spmem:s2] =	stream.indirect.scatter.add.f32 [tilespmem:s14], [sflag:$0x4], $0x80, s21, s11, $0xb8;
	v63 =	vld [tilespmem:$0x0]  }
0x15c: {  	_ =	swait.ge [sflag:s9], $0x3800  }
0x15d: {  	[sflag:s9] =	ssyncset.done $0x0  }
0x15e: {  	[sflag:s9] =	ssyncadd.s32 $0xFFFFC800  }
0x15f: {  	_ =	swait.ge [sflag:s13], $0x3800  }
0x160: {  	[sflag:s13] =	ssyncset.done $0x0  }
0x161: {  	[sflag:s13] =	ssyncadd.s32 $0xFFFFC800  }
0x162: {  	[tilespmem:s14], [sflag:$0x3] =	stream.indirect.gather [hbm4b:s4+s11], $0x80, s22, s11, $0xb8;
	v63 =	vld [tilespmem:$0x0]  }
0x163: {  	_ = 	snop  }
0x164: {  	[spmem:s2] =	stream.indirect.scatter.add.f32 [tilespmem:s8], [sflag:$0x4], $0x80, s23, s11, $0xb8;
	v63 =	vld [tilespmem:$0x0]  }
0x165: {  	_ =	swait.ge [sflag:s9], $0x3800  }
0x166: {  	[sflag:s9] =	ssyncset.done $0x0  }
0x167: {  	[sflag:s9] =	ssyncadd.s32 $0xFFFFC800  }
0x168: {  	_ =	swait.ge [sflag:s15], $0x3800  }
0x169: {  	[sflag:s15] =	ssyncset.done $0x0  }
0x16a: {  	[sflag:s15] =	ssyncadd.s32 $0xFFFFC800  }
0x16b: {  	[tilespmem:s8], [sflag:$0x1] =	stream.indirect.gather [hbm4b:s4+s11], $0x80, s24, s11, $0xb8;
	v63 =	vld [tilespmem:$0x0]  }
0x16c: {  	_ = 	snop  }
0x16d: {  	[spmem:s2] =	stream.indirect.scatter.add.f32 [tilespmem:s12], [sflag:$0x4], $0x80, s25, s11, $0xb8;
	v63 =	vld [tilespmem:$0x0]  }
0x16e: {  	_ =	swait.ge [sflag:s9], $0x3800  }
0x16f: {  	[sflag:s9] =	ssyncset.done $0x0  }
0x170: {  	[sflag:s9] =	ssyncadd.s32 $0xFFFFC800  }
0x171: {  	_ =	swait.ge [sflag:s16], $0x3800  }
0x172: {  	[sflag:s16] =	ssyncset.done $0x0  }
0x173: {  	[sflag:s16] =	ssyncadd.s32 $0xFFFFC800  }
0x174: {  	[tilespmem:s12], [sflag:$0x2] =	stream.indirect.gather [hbm4b:s4+s11], $0x80, s26, s11, $0xb8;
	v63 =	vld [tilespmem:$0x0]  }
0x175: {  	_ = 	snop  }
0x176: {  	[spmem:s2] =	stream.indirect.scatter.add.f32 [tilespmem:s14], [sflag:$0x4], $0x80, s28, s11, $0xb8;
	v63 =	vld [tilespmem:$0x0]  }
0x177: {  	_ =	swait.ge [sflag:s9], $0x3800  }
0x178: {  	[sflag:s9] =	ssyncset.done $0x0  }
0x179: {  	[sflag:s9] =	ssyncadd.s32 $0xFFFFC800  }
0x17a: {  	_ =	swait.ge [sflag:s13], $0x3800  }
0x17b: {  	[sflag:s13] =	ssyncset.done $0x0  }
0x17c: {  	[sflag:s13] =	ssyncadd.s32 $0xFFFFC800  }
0x17d: {  	[tilespmem:s14], [sflag:$0x3] =	stream.indirect.gather [hbm4b:s4+s11], $0x80, s29, s11, $0xb8;
	v63 =	vld [tilespmem:$0x0]  }
0x17e: {  	_ = 	snop  }
0x17f: {  	[spmem:s2] =	stream.indirect.scatter.add.f32 [tilespmem:s8], [sflag:$0x4], $0x80, s30, s11, $0xb8;
	v63 =	vld [tilespmem:$0x0]  }
0x180: {  	_ =	swait.ge [sflag:s9], $0x3800  }
0x181: {  	[sflag:s9] =	ssyncset.done $0x0  }
0x182: {  	[sflag:s9] =	ssyncadd.s32 $0xFFFFC800  }
0x183: {  	_ =	swait.ge [sflag:s15], $0x3800  }
0x184: {  	[sflag:s15] =	ssyncset.done $0x0  }
0x185: {  	[sflag:s15] =	ssyncadd.s32 $0xFFFFC800  }
0x186: {  	[spmem:s2] =	stream.indirect.scatter.add.f32 [tilespmem:s12], [sflag:$0x4], $0x80, s31, s11, $0xb8;
	v63 =	vld [tilespmem:$0x0]  }
0x187: {  	_ =	swait.ge [sflag:s9], $0x3800  }
0x188: {  	[sflag:s9] =	ssyncset.done $0x0  }
0x189: {  	[sflag:s9] =	ssyncadd.s32 $0xFFFFC800  }
0x18a: {  	p0 =	sne.s32 s7, $0x600;
	_ =	swait.ge [sflag:s16], $0x3800  }
.Ltmp2:
0x18b: {  	[sflag:s16] =	ssyncset.done $0x0;
	(pc) =	sbr.rel @p0 .LBB2_6-.Ltmp2, $4  }
0x18c: {  	[sflag:s16] =	ssyncadd.s32 $0xFFFFC800  }
0x18d: {  	[spmem:s2] =	stream.indirect.scatter.add.f32 [tilespmem:s14], [sflag:$0x4], $0x80, s1, s11, $0xb8;
	v63 =	vld [tilespmem:$0x0]  }
0x18e: {  	_ =	swait.ge [sflag:s9], $0x3800  }
0x18f: {  	s7 =	sadd.s32 $0x180, s7;
	s0 =	rddreg [dreg:$0x4];
	[sflag:s9] =	ssyncset.done $0x0  }
0x190: {  	[sflag:s9] =	ssyncadd.s32 $0xFFFFC800;
	s0 =	sadd.s32 s6, s0  }
0x191: {  	[tilespmem:s3], [sflag:$0x4] =	stream.linear.gather [hbm4b:s0+s3], $0x900, $0x38;
	v63 =	vld [tilespmem:$0x0]  }
0x192: {  	_ =	swait.ge [sflag:s9], $0x900  }
0x193: {  	s7 =	rddreg [dreg:$0x3];
	[sflag:s9] =	ssyncset.done $0x0  }
0x194: {  	[sflag:s9] =	ssyncadd.s32 $0xFFFFF700;
	s0 =	sadd.s32 s6, s7  }
0x195: {  	[tilespmem:s10], [sflag:$0x4] =	stream.linear.gather [hbm4b:s0+s3], $0x900, $0x38;
	v63 =	vld [tilespmem:$0x0]  }
0x196: {  	_ =	swait.ge [sflag:s9], $0x900  }
0x197: {  	[sflag:s9] =	ssyncset.done $0x0  }
0x198: {  	[sflag:s9] =	ssyncadd.s32 $0xFFFFF700  }
0x199: {  	[tilespmem:s8], [sflag:$0x1] =	stream.indirect.gather [hbm4b:s4+s11], $0x80, s3, s11, $0xb8;
	v63 =	vld [tilespmem:$0x0]  }
0x19a: {  	s6 =	rddreg [dreg:$0x5]  }
0x19b: {  	[tilespmem:s12], [sflag:$0x2] =	stream.indirect.gather [hbm4b:s4+s11], $0x80, s6, s11, $0xb8;
	v63 =	vld [tilespmem:$0x0]  }
0x19c: {  	_ =	swait.ge [sflag:s13], $0x3800  }
0x19d: {  	[sflag:s13] =	ssyncset.done $0x0  }
0x19e: {  	s7 =	rddreg [dreg:$0x6];
	[sflag:s13] =	ssyncadd.s32 $0xFFFFC800  }
0x19f: {  	[tilespmem:s14], [sflag:$0x3] =	stream.indirect.gather [hbm4b:s4+s11], $0x80, s7, s11, $0xb8;
	v63 =	vld [tilespmem:$0x0]  }
0x1a0: {  	_ = 	snop  }
0x1a1: {  	[spmem:s2] =	stream.indirect.scatter.add.f32 [tilespmem:s8], [sflag:$0x4], $0x80, s10, s11, $0xb8;
	v63 =	vld [tilespmem:$0x0]  }
0x1a2: {  	_ =	swait.ge [sflag:s9], $0x3800  }
0x1a3: {  	[sflag:s9] =	ssyncset.done $0x0  }
0x1a4: {  	[sflag:s9] =	ssyncadd.s32 $0xFFFFC800  }
0x1a5: {  	_ =	swait.ge [sflag:s15], $0x3800  }
0x1a6: {  	[sflag:s15] =	ssyncset.done $0x0  }
0x1a7: {  	s6 =	rddreg [dreg:$0x7];
	[sflag:s15] =	ssyncadd.s32 $0xFFFFC800  }
0x1a8: {  	[tilespmem:s8], [sflag:$0x1] =	stream.indirect.gather [hbm4b:s4+s11], $0x80, s6, s11, $0xb8;
	v63 =	vld [tilespmem:$0x0]  }
0x1a9: {  	s7 =	rddreg [dreg:$0x8]  }
0x1aa: {  	[spmem:s2] =	stream.indirect.scatter.add.f32 [tilespmem:s12], [sflag:$0x4], $0x80, s7, s11, $0xb8;
	v63 =	vld [tilespmem:$0x0]  }
0x1ab: {  	_ =	swait.ge [sflag:s9], $0x3800  }
0x1ac: {  	[sflag:s9] =	ssyncset.done $0x0  }
0x1ad: {  	[sflag:s9] =	ssyncadd.s32 $0xFFFFC800  }
0x1ae: {  	_ =	swait.ge [sflag:s16], $0x3800  }
0x1af: {  	[sflag:s16] =	ssyncset.done $0x0  }
0x1b0: {  	s6 =	rddreg [dreg:$0x9];
	[sflag:s16] =	ssyncadd.s32 $0xFFFFC800  }
0x1b1: {  	[tilespmem:s12], [sflag:$0x2] =	stream.indirect.gather [hbm4b:s4+s11], $0x80, s6, s11, $0xb8;
	v63 =	vld [tilespmem:$0x0]  }
0x1b2: {  	s7 =	rddreg [dreg:$0xa]  }
0x1b3: {  	[spmem:s2] =	stream.indirect.scatter.add.f32 [tilespmem:s14], [sflag:$0x4], $0x80, s7, s11, $0xb8;
	v63 =	vld [tilespmem:$0x0]  }
0x1b4: {  	_ =	swait.ge [sflag:s9], $0x3800  }
0x1b5: {  	[sflag:s9] =	ssyncset.done $0x0  }
0x1b6: {  	[sflag:s9] =	ssyncadd.s32 $0xFFFFC800  }
0x1b7: {  	_ =	swait.ge [sflag:s13], $0x3800  }
0x1b8: {  	[sflag:s13] =	ssyncset.done $0x0  }
0x1b9: {  	s6 =	rddreg [dreg:$0xb];
	[sflag:s13] =	ssyncadd.s32 $0xFFFFC800  }
0x1ba: {  	[tilespmem:s14], [sflag:$0x3] =	stream.indirect.gather [hbm4b:s4+s11], $0x80, s6, s11, $0xb8;
	v63 =	vld [tilespmem:$0x0]  }
0x1bb: {  	s7 =	rddreg [dreg:$0xc]  }
0x1bc: {  	[spmem:s2] =	stream.indirect.scatter.add.f32 [tilespmem:s8], [sflag:$0x4], $0x80, s7, s11, $0xb8;
	v63 =	vld [tilespmem:$0x0]  }
0x1bd: {  	_ =	swait.ge [sflag:s9], $0x3800  }
0x1be: {  	[sflag:s9] =	ssyncset.done $0x0  }
0x1bf: {  	[sflag:s9] =	ssyncadd.s32 $0xFFFFC800  }
0x1c0: {  	_ =	swait.ge [sflag:s15], $0x3800  }
0x1c1: {  	[sflag:s15] =	ssyncset.done $0x0  }
0x1c2: {  	s6 =	rddreg [dreg:$0xd];
	[sflag:s15] =	ssyncadd.s32 $0xFFFFC800  }
0x1c3: {  	[tilespmem:s8], [sflag:$0x1] =	stream.indirect.gather [hbm4b:s4+s11], $0x80, s6, s11, $0xb8;
	v63 =	vld [tilespmem:$0x0]  }
0x1c4: {  	s7 =	rddreg [dreg:$0xe]  }
0x1c5: {  	[spmem:s2] =	stream.indirect.scatter.add.f32 [tilespmem:s12], [sflag:$0x4], $0x80, s7, s11, $0xb8;
	v63 =	vld [tilespmem:$0x0]  }
0x1c6: {  	_ =	swait.ge [sflag:s9], $0x3800  }
0x1c7: {  	[sflag:s9] =	ssyncset.done $0x0  }
0x1c8: {  	[sflag:s9] =	ssyncadd.s32 $0xFFFFC800  }
0x1c9: {  	_ =	swait.ge [sflag:s16], $0x3800  }
0x1ca: {  	[sflag:s16] =	ssyncset.done $0x0  }
0x1cb: {  	s6 =	rddreg [dreg:$0xf];
	[sflag:s16] =	ssyncadd.s32 $0xFFFFC800  }
0x1cc: {  	[tilespmem:s12], [sflag:$0x2] =	stream.indirect.gather [hbm4b:s4+s11], $0x80, s6, s11, $0xb8;
	v63 =	vld [tilespmem:$0x0]  }
0x1cd: {  	s7 =	rddreg [dreg:$0x10]  }
0x1ce: {  	[spmem:s2] =	stream.indirect.scatter.add.f32 [tilespmem:s14], [sflag:$0x4], $0x80, s7, s11, $0xb8;
	v63 =	vld [tilespmem:$0x0]  }
0x1cf: {  	_ =	swait.ge [sflag:s9], $0x3800  }
0x1d0: {  	[sflag:s9] =	ssyncset.done $0x0  }
0x1d1: {  	[sflag:s9] =	ssyncadd.s32 $0xFFFFC800  }
0x1d2: {  	_ =	swait.ge [sflag:s13], $0x3800  }
0x1d3: {  	[sflag:s13] =	ssyncset.done $0x0  }
0x1d4: {  	s6 =	rddreg [dreg:$0x11];
	[sflag:s13] =	ssyncadd.s32 $0xFFFFC800  }
0x1d5: {  	[tilespmem:s14], [sflag:$0x3] =	stream.indirect.gather [hbm4b:s4+s11], $0x80, s6, s11, $0xb8;
	v63 =	vld [tilespmem:$0x0]  }
0x1d6: {  	s7 =	rddreg [dreg:$0x12]  }
0x1d7: {  	[spmem:s2] =	stream.indirect.scatter.add.f32 [tilespmem:s8], [sflag:$0x4], $0x80, s7, s11, $0xb8;
	v63 =	vld [tilespmem:$0x0]  }
0x1d8: {  	_ =	swait.ge [sflag:s9], $0x3800  }
0x1d9: {  	[sflag:s9] =	ssyncset.done $0x0  }
0x1da: {  	[sflag:s9] =	ssyncadd.s32 $0xFFFFC800  }
0x1db: {  	_ =	swait.ge [sflag:s15], $0x3800  }
0x1dc: {  	[sflag:s15] =	ssyncset.done $0x0  }
0x1dd: {  	s6 =	rddreg [dreg:$0x13];
	[sflag:s15] =	ssyncadd.s32 $0xFFFFC800  }
0x1de: {  	[tilespmem:s8], [sflag:$0x1] =	stream.indirect.gather [hbm4b:s4+s11], $0x80, s6, s11, $0xb8;
	v63 =	vld [tilespmem:$0x0]  }
0x1df: {  	s7 =	rddreg [dreg:$0x14]  }
0x1e0: {  	[spmem:s2] =	stream.indirect.scatter.add.f32 [tilespmem:s12], [sflag:$0x4], $0x80, s7, s11, $0xb8;
	v63 =	vld [tilespmem:$0x0]  }
0x1e1: {  	_ =	swait.ge [sflag:s9], $0x3800  }
0x1e2: {  	[sflag:s9] =	ssyncset.done $0x0  }
0x1e3: {  	[sflag:s9] =	ssyncadd.s32 $0xFFFFC800  }
0x1e4: {  	_ =	swait.ge [sflag:s16], $0x3800  }
0x1e5: {  	[sflag:s16] =	ssyncset.done $0x0  }
0x1e6: {  	s6 =	rddreg [dreg:$0x15];
	[sflag:s16] =	ssyncadd.s32 $0xFFFFC800  }
0x1e7: {  	[tilespmem:s12], [sflag:$0x2] =	stream.indirect.gather [hbm4b:s4+s11], $0x80, s6, s11, $0xb8;
	v63 =	vld [tilespmem:$0x0]  }
0x1e8: {  	s7 =	rddreg [dreg:$0x16]  }
0x1e9: {  	[spmem:s2] =	stream.indirect.scatter.add.f32 [tilespmem:s14], [sflag:$0x4], $0x80, s7, s11, $0xb8;
	v63 =	vld [tilespmem:$0x0]  }
0x1ea: {  	_ =	swait.ge [sflag:s9], $0x3800  }
0x1eb: {  	[sflag:s9] =	ssyncset.done $0x0  }
0x1ec: {  	[sflag:s9] =	ssyncadd.s32 $0xFFFFC800  }
0x1ed: {  	_ =	swait.ge [sflag:s13], $0x3800  }
0x1ee: {  	[sflag:s13] =	ssyncset.done $0x0  }
0x1ef: {  	s6 =	rddreg [dreg:$0x17];
	[sflag:s13] =	ssyncadd.s32 $0xFFFFC800  }
0x1f0: {  	[tilespmem:s14], [sflag:$0x3] =	stream.indirect.gather [hbm4b:s4+s11], $0x80, s6, s11, $0xb8;
	v63 =	vld [tilespmem:$0x0]  }
0x1f1: {  	_ = 	snop  }
0x1f2: {  	[spmem:s2] =	stream.indirect.scatter.add.f32 [tilespmem:s8], [sflag:$0x4], $0x80, s17, s11, $0xb8;
	v63 =	vld [tilespmem:$0x0]  }
0x1f3: {  	_ =	swait.ge [sflag:s9], $0x3800  }
0x1f4: {  	[sflag:s9] =	ssyncset.done $0x0  }
0x1f5: {  	[sflag:s9] =	ssyncadd.s32 $0xFFFFC800  }
0x1f6: {  	_ =	swait.ge [sflag:s15], $0x3800  }
0x1f7: {  	[sflag:s15] =	ssyncset.done $0x0  }
0x1f8: {  	[sflag:s15] =	ssyncadd.s32 $0xFFFFC800  }
0x1f9: {  	[tilespmem:s8], [sflag:$0x1] =	stream.indirect.gather [hbm4b:s4+s11], $0x80, s18, s11, $0xb8;
	v63 =	vld [tilespmem:$0x0]  }
0x1fa: {  	_ = 	snop  }
0x1fb: {  	[spmem:s2] =	stream.indirect.scatter.add.f32 [tilespmem:s12], [sflag:$0x4], $0x80, s19, s11, $0xb8;
	v63 =	vld [tilespmem:$0x0]  }
0x1fc: {  	_ =	swait.ge [sflag:s9], $0x3800  }
0x1fd: {  	[sflag:s9] =	ssyncset.done $0x0  }
0x1fe: {  	[sflag:s9] =	ssyncadd.s32 $0xFFFFC800  }
0x1ff: {  	_ =	swait.ge [sflag:s16], $0x3800  }
0x200: {  	[sflag:s16] =	ssyncset.done $0x0  }
0x201: {  	[sflag:s16] =	ssyncadd.s32 $0xFFFFC800  }
0x202: {  	[tilespmem:s12], [sflag:$0x2] =	stream.indirect.gather [hbm4b:s4+s11], $0x80, s20, s11, $0xb8;
	v63 =	vld [tilespmem:$0x0]  }
0x203: {  	_ = 	snop  }
0x204: {  	[spmem:s2] =	stream.indirect.scatter.add.f32 [tilespmem:s14], [sflag:$0x4], $0x80, s21, s11, $0xb8;
	v63 =	vld [tilespmem:$0x0]  }
0x205: {  	_ =	swait.ge [sflag:s9], $0x3800  }
0x206: {  	[sflag:s9] =	ssyncset.done $0x0  }
0x207: {  	[sflag:s9] =	ssyncadd.s32 $0xFFFFC800  }
0x208: {  	_ =	swait.ge [sflag:s13], $0x3800  }
0x209: {  	[sflag:s13] =	ssyncset.done $0x0  }
0x20a: {  	[sflag:s13] =	ssyncadd.s32 $0xFFFFC800  }
0x20b: {  	[tilespmem:s14], [sflag:$0x3] =	stream.indirect.gather [hbm4b:s4+s11], $0x80, s22, s11, $0xb8;
	v63 =	vld [tilespmem:$0x0]  }
0x20c: {  	_ = 	snop  }
0x20d: {  	[spmem:s2] =	stream.indirect.scatter.add.f32 [tilespmem:s8], [sflag:$0x4], $0x80, s23, s11, $0xb8;
	v63 =	vld [tilespmem:$0x0]  }
0x20e: {  	_ =	swait.ge [sflag:s9], $0x3800  }
0x20f: {  	[sflag:s9] =	ssyncset.done $0x0  }
0x210: {  	[sflag:s9] =	ssyncadd.s32 $0xFFFFC800  }
0x211: {  	_ =	swait.ge [sflag:s15], $0x3800  }
0x212: {  	[sflag:s15] =	ssyncset.done $0x0  }
0x213: {  	[sflag:s15] =	ssyncadd.s32 $0xFFFFC800  }
0x214: {  	[tilespmem:s8], [sflag:$0x1] =	stream.indirect.gather [hbm4b:s4+s11], $0x80, s24, s11, $0xb8;
	v63 =	vld [tilespmem:$0x0]  }
0x215: {  	_ = 	snop  }
0x216: {  	[spmem:s2] =	stream.indirect.scatter.add.f32 [tilespmem:s12], [sflag:$0x4], $0x80, s25, s11, $0xb8;
	v63 =	vld [tilespmem:$0x0]  }
0x217: {  	_ =	swait.ge [sflag:s9], $0x3800  }
0x218: {  	[sflag:s9] =	ssyncset.done $0x0  }
0x219: {  	[sflag:s9] =	ssyncadd.s32 $0xFFFFC800  }
0x21a: {  	_ =	swait.ge [sflag:s16], $0x3800  }
0x21b: {  	[sflag:s16] =	ssyncset.done $0x0  }
0x21c: {  	[sflag:s16] =	ssyncadd.s32 $0xFFFFC800  }
0x21d: {  	[tilespmem:s12], [sflag:$0x2] =	stream.indirect.gather [hbm4b:s4+s11], $0x80, s26, s11, $0xb8;
	v63 =	vld [tilespmem:$0x0]  }
0x21e: {  	_ = 	snop  }
0x21f: {  	[spmem:s2] =	stream.indirect.scatter.add.f32 [tilespmem:s14], [sflag:$0x4], $0x80, s28, s11, $0xb8;
	v63 =	vld [tilespmem:$0x0]  }
0x220: {  	_ =	swait.ge [sflag:s9], $0x3800  }
0x221: {  	[sflag:s9] =	ssyncset.done $0x0  }
0x222: {  	[sflag:s9] =	ssyncadd.s32 $0xFFFFC800  }
0x223: {  	_ =	swait.ge [sflag:s13], $0x3800  }
0x224: {  	[sflag:s13] =	ssyncset.done $0x0  }
0x225: {  	[sflag:s13] =	ssyncadd.s32 $0xFFFFC800  }
0x226: {  	[tilespmem:s14], [sflag:$0x3] =	stream.indirect.gather [hbm4b:s4+s11], $0x80, s29, s11, $0xb8;
	v63 =	vld [tilespmem:$0x0]  }
0x227: {  	_ = 	snop  }
0x228: {  	[spmem:s2] =	stream.indirect.scatter.add.f32 [tilespmem:s8], [sflag:$0x4], $0x80, s30, s11, $0xb8;
	v63 =	vld [tilespmem:$0x0]  }
0x229: {  	_ =	swait.ge [sflag:s9], $0x3800  }
0x22a: {  	[sflag:s9] =	ssyncset.done $0x0  }
0x22b: {  	[sflag:s9] =	ssyncadd.s32 $0xFFFFC800  }
0x22c: {  	_ =	swait.ge [sflag:s15], $0x3800  }
0x22d: {  	[sflag:s15] =	ssyncset.done $0x0  }
0x22e: {  	[sflag:s15] =	ssyncadd.s32 $0xFFFFC800  }
0x22f: {  	[spmem:s2] =	stream.indirect.scatter.add.f32 [tilespmem:s12], [sflag:$0x4], $0x80, s31, s11, $0xb8;
	v63 =	vld [tilespmem:$0x0]  }
0x230: {  	_ =	swait.ge [sflag:s9], $0x3800  }
0x231: {  	[sflag:s9] =	ssyncset.done $0x0  }
0x232: {  	[sflag:s9] =	ssyncadd.s32 $0xFFFFC800  }
0x233: {  	_ =	swait.ge [sflag:s16], $0x3800  }
0x234: {  	[sflag:s16] =	ssyncset.done $0x0  }
0x235: {  	[sflag:s16] =	ssyncadd.s32 $0xFFFFC800  }
0x236: {  	[spmem:s2] =	stream.indirect.scatter.add.f32 [tilespmem:s14], [sflag:$0x4], $0x80, s1, s11, $0xb8;
	v63 =	vld [tilespmem:$0x0]  }
0x237: {  	_ =	swait.ge [sflag:s9], $0x3800  }
0x238: {  	[sflag:s9] =	ssyncset.done $0x0  }
0x239: {  	s7 =	stileid.u32;
	[sflag:s9] =	ssyncadd.s32 $0xFFFFC800  }
0x23a: {  	s0 =	sshll.u32 s7, $0x6;
	[bflag:$0x0] =	sbarrier.arrive $0xFFFF  }
0x23b: {  	s0 =	sor.u32 $0x1C04, s0;
	s6 =	sshrl.u32 s5, $0x3;
	s7 =	rddreg [dreg:$0x18]  }
0x23c: {  	[hbm:s7], [sflag:s0] =	dma.local [spmem:s6], $0x2800  }
0x23d: {  	_ =	swait.ge [sflag:s9], $0x2800  }
0x23e: {  	s0 =	rddreg [dreg:$0x1a]  }
0x23f: {  	s7 =	rddreg [dreg:$0x19];
	s6 =	sadd.s32 $0x1, s0  }
0x240: {  	p0 =	sne.s32 s6, s7  }
.Ltmp3:
0x241: {  	_ = 	snop;
	(pc) =	sbr.rel @p0 .LBB2_1-.Ltmp3, $3  }
0x242: {  	_ =	sdelay $0x1  }
0x243: {  	[sflag:s9] =	ssyncset.done $0x0  }
0x244: {  	[sflag:s9] =	ssyncadd.s32 $0xFFFFD800  }
0x245: {  	_ =	sfence.sel $0x180000  }
0x246: {  	[bflag:$0x0] =	sbarrier.arrive $0xFFFF  }
0x247: {  	_ =	strace $0x9000004A  }
0x248: {  	s0 =	stileid.u32;
	[bflag:$0x2] =	sbarrier.arrive $0xFFFF  }
0x249: {  	p0 =	sne.s32 s0, $0x0;
	s0 =	rddreg [dreg:$0x2]  }
0x24a: {  	s0 =	sadd.s32 @!p0 $0x100000, s0  }
0x24b: {  	[sflag:s0] =	ssyncadd.tile.s32 @!p0 $0x1;
	_ =	shalt  }
.Lfunc_end2:
_tile_overlayer_lowered:
.L_overlay_start_2:
0x24c: {  	(tag) =	ssettag $0x2  }
0x24d: {  	s0 =	rddreg [dreg:$0x0];
	s2 =	stileid.u32  }
0x24e: {  	s1 =	rddreg [dreg:$0x1];
	p0 =	sne.s32 s2, $0x0  }
0x24f: {  	s3 =	rddreg [dreg:$0x2];
	[bflag:$0x3] =	sbarrier.arrive $0xFFFF;
	s2 =	simm.s32 @!p0 $0x1C04  }
0x250: {  	[timem:s3], [sflag:s2] =	dma.local @!p0 [hbm:s0], s1  }
0x251: {  	s0 =	simm.s32 @!p0 $0x4  }
0x252: {  	_ =	swait.ge @!p0 [sflag:s0], s1  }
0x253: {  	s1 =	ssub.s32 @!p0 $0x0, s1;
	[sflag:s0] =	ssyncset.done @!p0 $0x0  }
0x254: {  	[sflag:s0] =	ssyncadd.s32 @!p0 s1  }
0x255: {  	[bflag:$0x3] =	sbarrier.arrive $0xFFFF  }
0x256: {  	_ =	shalt  }

// kernel: kernel.16.cloned.1.call-start
scs
__scs_entry_jumppad:
0x0: {  	(pc) =	sbr.rel $0x88, $3  }
0x1: {  	(tag) =	ssettag $0x0;
	lr =	simm.s32 $0x1  }
0x2: {  	[smem:$0x3F98] =	sst lr;
	_ =	strace $0xD0000000  }
0x3: {  	_ = 	snop  }
0x4: {  	_ = 	snop  }
0x5: {  	_ = 	snop  }
0x6: {  	_ = 	snop  }
0x7: {  	_ = 	snop  }
__scs_overlays_trampoline_lowered:
0x8: {  	[smem:$0x3FA7] =	sst s0  }
0x9: {  	[smem:$0x3FA8] =	sst s1  }
0xa: {  	[smem:$0x3FA9] =	sst s2  }
0xb: {  	[smem:$0x3FAA] =	sst s3  }
0xc: {  	[smem:$0x3FAB] =	sst s4  }
0xd: {  	[smem:$0x3FAC] =	sst s5  }
0xe: {  	[smem:$0x3FAD] =	sst s6  }
0xf: {  	[smem:$0x3FAE] =	sst s7  }
0x10: {  	[smem:$0x3FAF] =	sst s8  }
0x11: {  	[smem:$0x3FB0] =	sst s9;
	s0 =	simm.s32 @!p0 $0x0  }
0x12: {  	s1 =	sld [smem:$0x3F96];
	s0 =	simm.s32 @p0 $0x1  }
0x13: {  	[smem:$0x3FB1] =	sst s0;
	s0 =	simm.s32 @!p1 $0x0  }
0x14: {  	s2 =	sld [smem:$0x3F95];
	s0 =	simm.s32 @p1 $0x1  }
0x15: {  	[smem:$0x3FB2] =	sst s0;
	s0 =	simm.s32 @!p2 $0x0  }
0x16: {  	s3 =	sld [smem:$0x3FDB];
	s0 =	simm.s32 @p2 $0x1  }
0x17: {  	s4 =	simm.s32 $0x1BF5;
	[smem:$0x3FB4] =	sst s0  }
0x18: {  	s0 =	sld [smem:$0x3F97];
	_ =	swait.ge [sflag:s4], $0x0  }
0x19: {  	s7 =	sld [smem:$0x3F98]  }
0x1a: {  	s8 =	sadd.s32 $0xFFFFE003, lr  }
0x1b: {  	s9 =	sadd.s32 $0xFFFFFEF7, lr;
	s5 =	simm.s32 $0xFFFFFFFF;
	p2 =	slt.u32 s8, $0xFFFFF086  }
0x1c: {  	p1 =	slt.u32 s9, $0xF7A;
	s5 =	simm.s32 @!p2 $0x0  }
0x1d: {  	s5 =	simm.s32 @p1 $0x1;
	p0 =	seq.s32 s7, s2  }
0x1e: {  	s7 =	smul.u32 @!p0 $0xF7A, s2;
	p2 =	seq.s32 @!p0 s5, $0x0  }
0x1f: {  	s9 =	smul.u32 $0xF7A, s1;
	s8 =	simm.s32 @!p0 $0x1BF5;
	p2 =	por !p2, p0  }
0x20: {  	[sflag:s8] =	ssyncset.s32 @!p0 $0xFFFFF086;
	s6 =	sadd.s32 @!p0 s3, s7;
	s7 =	simm.s32 @!p0 $0x108  }
0x21: {  	s3 =	sadd.s32 s3, s9;
	s6 =	sadd.s32 @!p0 $0x88, s6;
	s7 =	simm.s32 @p2 $0x1082  }
0x22: {  	[simem:s7], [sflag:s8] =	dma.local @!p0 [hbm:s6], $0xF7A  }
0x23: {  	s9 =	sor.u32 $0xD0000000, s2;
	s6 =	simm.s32 $0x108;
	_ =	swait.ge @!p0 [sflag:s8], $0x0  }
0x24: {  	s3 =	sadd.s32 $0x88, s3;
	s6 =	simm.s32 @!p1 $0x1082;
	[sflag:s4] =	ssyncset.s32 $0xFFFFF086  }
0x25: {  	[simem:s6], [sflag:s4] =	dma.local [hbm:s3], $0xF7A  }
0x26: {  	[smem:$0x3F98] =	sst s1;
	(tag) =	ssettag s2;
	_ =	strace s9  }
0x27: {  	s1 =	sld [smem:$0x3FA8]  }
0x28: {  	s2 =	sld [smem:$0x3FA9]  }
0x29: {  	s4 =	sld [smem:$0x3FAB]  }
0x2a: {  	p0 =	seq.s32 s5, $0x0;
	s5 =	sld [smem:$0x3FAC]  }
0x2b: {  	s6 =	sld [smem:$0x3FAD]  }
0x2c: {  	s7 =	sld [smem:$0x3FAE]  }
0x2d: {  	s3 =	simm.s32 $0x108;
	s8 =	sld [smem:$0x3FAF]  }
0x2e: {  	s3 =	simm.s32 @!p0 $0x1082;
	s9 =	sld [smem:$0x3FB0]  }
0x2f: {  	lr =	sadd.s32 s0, s3;
	s0 =	sld [smem:$0x3FA7]  }
0x30: {  	s3 =	sld [smem:$0x3FAA]  }
0x31: {  	[smem:$0x3FB3] =	sst s10  }
0x32: {  	s10 =	sld [smem:$0x3FB1];
	_ =	sdelay $0x3  }
0x33: {  	p0 =	seq.s32 s10, $0x1;
	s10 =	sld [smem:$0x3FB3];
	_ =	sdelay $0x3  }
0x34: {  	[smem:$0x3FB3] =	sst s10  }
0x35: {  	s10 =	sld [smem:$0x3FB2];
	_ =	sdelay $0x3  }
0x36: {  	p1 =	seq.s32 s10, $0x1;
	s10 =	sld [smem:$0x3FB3];
	_ =	sdelay $0x3  }
0x37: {  	[smem:$0x3FB3] =	sst s10  }
0x38: {  	s10 =	sld [smem:$0x3FB4]  }
0x39: {  	_ = 	snop;
	(pc) =	sbr.ind lr, $3  }
0x3a: {  	_ = 	snop  }
0x3b: {  	_ = 	snop  }
0x3c: {  	p2 =	seq.s32 s10, $0x1;
	s10 =	sld [smem:$0x3FB3]  }
0x3d: {  	_ =	shalt  }
0x3e: {  	_ =	shalt  }
0x3f: {  	_ =	shalt  }
0x40: {  	_ =	shalt  }
0x41: {  	_ =	shalt  }
0x42: {  	_ =	shalt  }
0x43: {  	_ =	shalt  }
0x44: {  	_ =	shalt  }
0x45: {  	_ =	shalt  }
0x46: {  	_ =	shalt  }
0x47: {  	_ =	shalt  }
0x48: {  	_ =	shalt  }
0x49: {  	_ =	shalt  }
0x4a: {  	_ =	shalt  }
0x4b: {  	_ =	shalt  }
0x4c: {  	_ =	shalt  }
0x4d: {  	_ =	shalt  }
0x4e: {  	_ =	shalt  }
0x4f: {  	_ =	shalt  }
0x50: {  	_ =	shalt  }
0x51: {  	_ =	shalt  }
0x52: {  	_ =	shalt  }
0x53: {  	_ =	shalt  }
0x54: {  	_ =	shalt  }
0x55: {  	_ =	shalt  }
0x56: {  	_ =	shalt  }
0x57: {  	_ =	shalt  }
0x58: {  	_ =	shalt  }
0x59: {  	_ =	shalt  }
0x5a: {  	_ =	shalt  }
0x5b: {  	_ =	shalt  }
0x5c: {  	_ =	shalt  }
0x5d: {  	_ =	shalt  }
0x5e: {  	_ =	shalt  }
0x5f: {  	_ =	shalt  }
0x60: {  	_ =	shalt  }
0x61: {  	_ =	shalt  }
0x62: {  	_ =	shalt  }
0x63: {  	_ =	shalt  }
0x64: {  	_ =	shalt  }
0x65: {  	_ =	shalt  }
0x66: {  	_ =	shalt  }
0x67: {  	_ =	shalt  }
0x68: {  	_ =	shalt  }
0x69: {  	_ =	shalt  }
0x6a: {  	_ =	shalt  }
0x6b: {  	_ =	shalt  }
0x6c: {  	_ =	shalt  }
0x6d: {  	_ =	shalt  }
0x6e: {  	_ =	shalt  }
0x6f: {  	_ =	shalt  }
0x70: {  	_ =	shalt  }
0x71: {  	_ =	shalt  }
0x72: {  	_ =	shalt  }
0x73: {  	_ =	shalt  }
0x74: {  	_ =	shalt  }
0x75: {  	_ =	shalt  }
0x76: {  	_ =	shalt  }
0x77: {  	_ =	shalt  }
0x78: {  	_ =	shalt  }
0x79: {  	_ =	shalt  }
0x7a: {  	_ =	shalt  }
0x7b: {  	_ =	shalt  }
0x7c: {  	_ =	shalt  }
0x7d: {  	_ =	shalt  }
0x7e: {  	_ =	shalt  }
0x7f: {  	_ =	shalt  }
0x80: {  	_ =	shalt  }
0x81: {  	_ =	shalt  }
0x82: {  	_ =	shalt  }
0x83: {  	_ =	shalt  }
0x84: {  	_ =	shalt  }
0x85: {  	_ =	shalt  }
0x86: {  	_ =	shalt  }
0x87: {  	_ =	shalt  }
.Lfunc_end0:
.L_simem_size_0:
called_computation.2_lowered:
.L_overlay_start_0:
0x88: {  	s2 =	sld [smem:$0x3FD9]  }
0x89: {  	s3 =	sld [smem:$0x3FFE];
	_ =	sdelay $0x1  }
0x8a: {  	s1 =	srdreg.scid  }
0x8b: {  	s0 =	sand.u32 $0x1, s1  }
0x8c: {  	s16 =	sshll.u32 s0, $0xA;
	s2 =	sadd.s32 s3, s2  }
0x8d: {  	s2 =	sadd.s32 s2, s16  }
0x8e: {  	[smem:$0x3FBF] =	sst s2  }
0x8f: {  	_ = 	snop  }
0x90: {  	(tm) =	ssettm $0x1  }
0x91: {  	s17 =	sld [smem:$0x3FFB];
	_ =	sdelay $0x3  }
0x92: {  	_ =	strace s17  }
0x93: {  	s2 =	sld [smem:$0x3FFC];
	_ =	sdelay $0x3  }
0x94: {  	_ =	strace s2  }
0x95: {  	s2 =	sld [smem:$0x3FFD];
	_ =	sdelay $0x3  }
0x96: {  	_ =	strace s2  }
0x97: {  	_ =	strace $0x8FFFFFFF  }
0x98: {  	s18 =	sld [smem:$0x3FDB];
	_ =	sdelay $0x1  }
0x99: {  	s19 =	simm.s32 $_scs_section_size  }
0x9a: {  	s4 =	simm.s32 $_size__tile_overlayer_lowered;
	s5 =	simm.s32 $_tile_overlayer_lowered  }
0x9b: {  	s22 =	simm.s32 $0x1BFF;
	s21 =	sshll.u32 s5, $0x1;
	s2 =	sadd.s32 s19, s18  }
0x9c: {  	s6 =	simm.s32 $0x0;
	s20 =	sshll.u32 s4, $0x1;
	s4 =	sadd.s32 s21, s2  }
0x9d: {  	[timem:s6], [sflag:s22] =	dma.local [hbm:s4], s20  }
0x9e: {  	_ =	swait.ge [sflag:s22], s20  }
0x9f: {  	s3 =	ssub.s32 $0x0, s20;
	[sflag:s22] =	ssyncset.done $0x0  }
0xa0: {  	[sflag:s22] =	ssyncadd.s32 s3;
	_ =	sdelay $0x1  }
0xa1: {  	s23 =	simm.s32 $0x1B8B  }
0xa2: {  	_ =	swait.ge [sflag:s23], $0x1  }
0xa3: {  	[sflag:s23] =	ssyncset.done $0x0  }
0xa4: {  	s25 =	simm.s32 $0x1B8E;
	s24 =	sld [smem:$0x3FFE];
	[sflag:s23] =	ssyncadd.s32 $0xFFFFFFFF  }
0xa5: {  	s26 =	simm.s32 $execute0_lowered;
	[smem:$0x3FD2] =	sst s25  }
0xa6: {  	s4 =	sshll.u32 s26, $0x1;
	_ =	strace $0x8000004C;
	[dreg:$0x1] =	wrdreg $0xFFFFFFFF  }
0xa7: {  	s28 =	simm.s32 $_size_execute0_lowered;
	s2 =	sadd.s32 s2, s4;
	[dreg:$0x0] =	wrdreg $0x0  }
0xa8: {  	s4 =	sshll.u32 s28, $0x1;
	[dreg:$0x2] =	wrdreg s2  }
0xa9: {  	[dreg:$0x3] =	wrdreg s4  }
0xaa: {  	[dreg:$0x4] =	wrdreg $0xC0  }
0xab: {  	_ =	task [dreg:s6], $0x5FFFF  }
0xac: {  	[dreg:$0x1] =	wrdreg $0xFFFFFFFF  }
0xad: {  	[dreg:$0x0] =	wrdreg $0x60  }
0xae: {  	[dreg:$0x2] =	wrdreg s24  }
0xaf: {  	[dreg:$0x3] =	wrdreg $0xC0000  }
0xb0: {  	[dreg:$0x4] =	wrdreg $0x9  }
0xb1: {  	_ =	task.clear_ibuf [dreg:s6], $0x5FFFF;
	_ =	strace $0x9000004C  }
0xb2: {  	s29 =	simm.s32 $0x9;
	_ =	strace $0x8000004E  }
0xb3: {  	_ =	swait.ge [sflag:s29], $0x1  }
0xb4: {  	[sflag:s29] =	ssyncadd.s32 $0xFFFFFFFF  }
0xb5: {  	_ =	strace $0x9000004E  }
0xb6: {  	_ =	sfence  }
0xb7: {  	s30 =	sld [smem:$0x0];
	_ =	sdelay $0x2  }
0xb8: {  	s31 =	sshll.u32 s1, $0xD;
	s1 =	sshrl.u32 s1, $0x2  }
0xb9: {  	s3 =	sand.u32 $0x4000, s31;
	s1 =	sadd.s32 s1, s30  }
0xba: {  	s0 =	sor.u32 s3, s0;
	s1 =	sshll.u32 s1, $0x11  }
0xbb: {  	s0 =	sor.u32 s1, s0  }
0xbc: {  	s0 =	sadd.s32 $0x8F2B, s0  }
0xbd: {  	[sflag:s0] =	ssyncadd.remote.s32 $0x1  }
0xbe: {  	_ =	sfence.sel $0xFFFF  }
0xbf: {  	[dreg:$0x0] =	wrdreg $0xFFFFFFFF;
	(pc) =	sbr.abs _section_cstart, $3  }
0xc0: {  	[dreg:$0x1] =	wrdreg $0xFFFFFFFF  }
0xc1: {  	_ =	task.clear_ibuf [dreg:s6], $0x2FFFF;
	_ =	strace $0x9FFFFFFF  }
0xc2: {  	(tm) =	ssettm $0x7FFFFFFF  }
0xc3: {  	_ =	shalt  }
tec
execute0_lowered:
.L_overlay_start_1:
0x0: {  	(tag) =	ssettag $0x1  }
0x1: {  	s0 =	srdreg.scid  }
0x2: {  	s9 =	stileid.u32;
	s5 =	rddreg [dreg:$0x0]  }
0x3: {  	s2 =	rddreg [dreg:$0x1];
	s0 =	sand.u32 $0x1, s0;
	s1 =	smul.u32 $0x7800, s9  }
0x4: {  	s25 =	simm.s32 $0x80;
	s26 =	simm.s32 $0x100;
	s3 =	smul.u32 $0x3C00, s0  }
0x5: {  	s10 =	simm.s32 $0x200;
	s12 =	simm.s32 $0xD00;
	s13 =	simm.s32 $0x280  }
0x6: {  	s7 =	smul.u32 $0x14000, s9;
	s1 =	sadd.s32 s3, s1;
	s3 =	simm.s32 $0x0  }
0x7: {  	s15 =	simm.s32 $0xD80;
	s6 =	smul.u32 $0x140000, s0;
	[smem:$0x7FF] =	sst s3  }
0x8: {  	s16 =	simm.s32 $0x300;
	_ =	strace $0x8000004D;
	[dreg:$0x5] =	wrdreg s25  }
0x9: {  	s6 =	sadd.s32 s7, s6;
	s7 =	simm.s32 $0xC80;
	[dreg:$0x6] =	wrdreg s26  }
0xa: {  	s17 =	simm.s32 $0xE00;
	s18 =	simm.s32 $0x380;
	[dreg:$0x8] =	wrdreg s7  }
0xb: {  	s19 =	simm.s32 $0xE80;
	s20 =	simm.s32 $0x400;
	[dreg:$0x9] =	wrdreg s10  }
0xc: {  	s21 =	simm.s32 $0xF00;
	s22 =	simm.s32 $0x480;
	[dreg:$0xa] =	wrdreg s12  }
0xd: {  	s23 =	simm.s32 $0xF80;
	s24 =	simm.s32 $0x500;
	[dreg:$0xb] =	wrdreg s13  }
0xe: {  	s28 =	simm.s32 $0x1300;
	s29 =	simm.s32 $0x880;
	[dreg:$0xc] =	wrdreg s15  }
0xf: {  	s30 =	simm.s32 $0x1380;
	s31 =	simm.s32 $0x1400;
	[dreg:$0xd] =	wrdreg s16  }
0x10: {  	s4 =	sadd.s32 $0x72C00, s5;
	s11 =	smul.u32 $0x50000, s9;
	[dreg:$0xe] =	wrdreg s17  }
0x11: {  	s9 =	simm.s32 $0x4;
	s0 =	ssub.s32 $0x2, s0;
	[dreg:$0xf] =	wrdreg s18  }
0x12: {  	s14 =	sshrl.u32 s11, $0x2;
	s11 =	simm.s32 $0x70;
	[dreg:$0x10] =	wrdreg s19  }
0x13: {  	s1 =	sshrl.u32 s1, $0x3;
	s6 =	sshrl.u32 s6, $0x3;
	[dreg:$0x11] =	wrdreg s20  }
0x14: {  	s1 =	sadd.s32 s1, s5;
	s6 =	sadd.s32 s6, s5;
	[dreg:$0x12] =	wrdreg s21  }
0x15: {  	s5 =	simm.s32 $0x180;
	s10 =	simm.s32 $0xC00;
	[dreg:$0x13] =	wrdreg s22  }
0x16: {  	s12 =	simm.s32 $0x5000;
	s13 =	simm.s32 $0x1;
	[dreg:$0x14] =	wrdreg s23  }
0x17: {  	[dreg:$0x15] =	wrdreg s24;
	s25 =	simm.s32 $0x1000;
	s15 =	simm.s32 $0x2  }
0x18: {  	s26 =	simm.s32 $0x580;
	s16 =	simm.s32 $0x3;
	s17 =	simm.s32 $0x1080  }
0x19: {  	s18 =	simm.s32 $0x600;
	s19 =	simm.s32 $0x1100;
	s20 =	simm.s32 $0x680  }
0x1a: {  	s21 =	simm.s32 $0x1180;
	s22 =	simm.s32 $0x700;
	s23 =	simm.s32 $0x1200  }
0x1b: {  	s24 =	simm.s32 $0x780;
	s8 =	sadd.s32 $0x63C00, s1;
	[dreg:$0x7] =	wrdreg s5  }
0x1c: {  	s1 =	sadd.s32 $0x54C00, s1;
	s5 =	sadd.s32 s14, s2;
	[dreg:$0x16] =	wrdreg s25  }
0x1d: {  	s6 =	sadd.s32 $0x99E00, s6;
	s14 =	simm.s32 $0x8800;
	[dreg:$0x17] =	wrdreg s26  }
0x1e: {  	s25 =	simm.s32 $0x1280;
	[dreg:$0x3] =	wrdreg s8;
	s8 =	sshrl.u32 s0, $0x1  }
0x1f: {  	s26 =	simm.s32 $0x800;
	[dreg:$0x4] =	wrdreg s1;
	s0 =	ssub.s32 s0, s8  }
0x20: {  	[dreg:$0x18] =	wrdreg s6;
	s1 =	simm.s32 $0x1480;
	s0 =	smax.u32 s0, $0x1  }
0x21: {  	v0 =	vimm.f32 $0.0e+00;
	s6 =	simm.s32 $0x0;
	s8 =	simm.s32 $0x1800;
	[dreg:$0x19] =	wrdreg s0  }
.LBB2_1:
0x22: {  	[dreg:$0x1a] =	wrdreg s6;
	s6 =	simm.s32 $0x0;
	s7 =	simm.s32 $0x200  }
.LBB2_2:
0x23: {  	p0 =	sne.s32 s7, $0x1E00;
	[tilespmem:s6+$0x1870] =	vst v0  }
0x24: {  	[tilespmem:s6+$0x1800] =	vst v0  }
0x25: {  	[tilespmem:s6+$0x1810] =	vst v0  }
.Ltmp0:
0x26: {  	[tilespmem:s6+$0x1820] =	vst v0;
	(pc) =	sbr.rel @p0 .LBB2_2-.Ltmp0, $4  }
0x27: {  	[tilespmem:s6+$0x1830] =	vst v0  }
0x28: {  	[tilespmem:s6+$0x1840] =	vst v0  }
0x29: {  	[tilespmem:s6+$0x1850] =	vst v0  }
0x2a: {  	[tilespmem:s6+$0x1860] =	vst v0;
	s6 =	sshra.s32 s7, $0x2;
	s7 =	sadd.s32 $0x200, s7  }
0x2b: {  	[tilespmem:s6+$0x1870] =	vst v0  }
0x2c: {  	[tilespmem:s6+$0x1800] =	vst v0  }
0x2d: {  	[tilespmem:s6+$0x1810] =	vst v0  }
0x2e: {  	[tilespmem:s6+$0x1820] =	vst v0  }
0x2f: {  	[tilespmem:s6+$0x1830] =	vst v0  }
0x30: {  	[tilespmem:s6+$0x1840] =	vst v0  }
0x31: {  	[tilespmem:s6+$0x1850] =	vst v0  }
0x32: {  	[tilespmem:s6+$0x1860] =	vst v0;
	s0 =	sadd.s32 $0x0, s5  }
0x33: {  	[spmem:s0] =	stream.linear.scatter [tilespmem:s8], [sflag:$0x4], $0x800, $0x38;
	v63 =	vld [tilespmem:$0x0]  }
0x34: {  	s6 =	simm.s32 $0x2000;
	_ =	swait.ge [sflag:s9], $0x800  }
.LBB2_4:
0x35: {  	s0 =	sshra.s32 s6, $0x2;
	[sflag:s9] =	ssyncset.done $0x0;
	p0 =	sne.s32 s6, $0x4E000  }
.Ltmp1:
0x36: {  	s0 =	sadd.s32 s0, s5;
	[sflag:s9] =	ssyncadd.s32 $0xFFFFF800;
	(pc) =	sbr.rel @p0 .LBB2_4-.Ltmp1, $3  }
0x37: {  	[spmem:s0] =	stream.linear.scatter [tilespmem:s8], [sflag:$0x4], $0x800, $0x38;
	v63 =	vld [tilespmem:$0x0]  }
0x38: {  	s6 =	sadd.s32 $0x2000, s6;
	_ =	sdelay $0x1  }
0x39: {  	_ =	swait.ge [sflag:s9], $0x800  }
0x3a: {  	[sflag:s9] =	ssyncset.done $0x0  }
0x3b: {  	[sflag:s9] =	ssyncadd.s32 $0xFFFFF800  }
0x3c: {  	[bflag:$0x0] =	sbarrier.arrive $0xFFFF  }
0x3d: {  	s0 =	rddreg [dreg:$0x4]  }
0x3e: {  	s0 =	sadd.s32 $0x0, s0  }
0x3f: {  	[tilespmem:s3], [sflag:$0x4] =	stream.linear.gather [hbm4b:s0+s3], $0x900, $0x38;
	v63 =	vld [tilespmem:$0x0]  }
0x40: {  	_ =	swait.ge [sflag:s9], $0x900  }
0x41: {  	s6 =	rddreg [dreg:$0x3];
	[sflag:s9] =	ssyncset.done $0x0  }
0x42: {  	[sflag:s9] =	ssyncadd.s32 $0xFFFFF700;
	s0 =	sadd.s32 $0x0, s6  }
0x43: {  	[tilespmem:s10], [sflag:$0x4] =	stream.linear.gather [hbm4b:s0+s3], $0x900, $0x38;
	v63 =	vld [tilespmem:$0x0]  }
0x44: {  	_ =	swait.ge [sflag:s9], $0x900  }
0x45: {  	[sflag:s9] =	ssyncset.done $0x0  }
0x46: {  	[sflag:s9] =	ssyncadd.s32 $0xFFFFF700  }
0x47: {  	[tilespmem:s8], [sflag:$0x1] =	stream.indirect.gather [hbm4b:s4+s11], $0x80, s3, s11, $0xb8;
	v63 =	vld [tilespmem:$0x0]  }
0x48: {  	s7 =	rddreg [dreg:$0x5]  }
0x49: {  	[tilespmem:s12], [sflag:$0x2] =	stream.indirect.gather [hbm4b:s4+s11], $0x80, s7, s11, $0xb8;
	v63 =	vld [tilespmem:$0x0]  }
0x4a: {  	_ =	swait.ge [sflag:s13], $0x3800  }
0x4b: {  	[sflag:s13] =	ssyncset.done $0x0  }
0x4c: {  	s6 =	rddreg [dreg:$0x6];
	[sflag:s13] =	ssyncadd.s32 $0xFFFFC800  }
0x4d: {  	[tilespmem:s14], [sflag:$0x3] =	stream.indirect.gather [hbm4b:s4+s11], $0x80, s6, s11, $0xb8;
	v63 =	vld [tilespmem:$0x0]  }
0x4e: {  	_ = 	snop  }
0x4f: {  	[spmem:s2] =	stream.indirect.scatter.add.f32 [tilespmem:s8], [sflag:$0x4], $0x80, s10, s11, $0xb8;
	v63 =	vld [tilespmem:$0x0]  }
0x50: {  	_ =	swait.ge [sflag:s9], $0x3800  }
0x51: {  	[sflag:s9] =	ssyncset.done $0x0  }
0x52: {  	[sflag:s9] =	ssyncadd.s32 $0xFFFFC800  }
0x53: {  	_ =	swait.ge [sflag:s15], $0x3800  }
0x54: {  	[sflag:s15] =	ssyncset.done $0x0  }
0x55: {  	s7 =	rddreg [dreg:$0x7];
	[sflag:s15] =	ssyncadd.s32 $0xFFFFC800  }
0x56: {  	[tilespmem:s8], [sflag:$0x1] =	stream.indirect.gather [hbm4b:s4+s11], $0x80, s7, s11, $0xb8;
	v63 =	vld [tilespmem:$0x0]  }
0x57: {  	s6 =	rddreg [dreg:$0x8]  }
0x58: {  	[spmem:s2] =	stream.indirect.scatter.add.f32 [tilespmem:s12], [sflag:$0x4], $0x80, s6, s11, $0xb8;
	v63 =	vld [tilespmem:$0x0]  }
0x59: {  	_ =	swait.ge [sflag:s9], $0x3800  }
0x5a: {  	[sflag:s9] =	ssyncset.done $0x0  }
0x5b: {  	[sflag:s9] =	ssyncadd.s32 $0xFFFFC800  }
0x5c: {  	_ =	swait.ge [sflag:s16], $0x3800  }
0x5d: {  	[sflag:s16] =	ssyncset.done $0x0  }
0x5e: {  	s6 =	rddreg [dreg:$0x9];
	[sflag:s16] =	ssyncadd.s32 $0xFFFFC800  }
0x5f: {  	[tilespmem:s12], [sflag:$0x2] =	stream.indirect.gather [hbm4b:s4+s11], $0x80, s6, s11, $0xb8;
	v63 =	vld [tilespmem:$0x0]  }
0x60: {  	s7 =	rddreg [dreg:$0xa]  }
0x61: {  	[spmem:s2] =	stream.indirect.scatter.add.f32 [tilespmem:s14], [sflag:$0x4], $0x80, s7, s11, $0xb8;
	v63 =	vld [tilespmem:$0x0]  }
0x62: {  	_ =	swait.ge [sflag:s9], $0x3800  }
0x63: {  	[sflag:s9] =	ssyncset.done $0x0  }
0x64: {  	[sflag:s9] =	ssyncadd.s32 $0xFFFFC800  }
0x65: {  	_ =	swait.ge [sflag:s13], $0x3800  }
0x66: {  	[sflag:s13] =	ssyncset.done $0x0  }
0x67: {  	s6 =	rddreg [dreg:$0xb];
	[sflag:s13] =	ssyncadd.s32 $0xFFFFC800  }
0x68: {  	[tilespmem:s14], [sflag:$0x3] =	stream.indirect.gather [hbm4b:s4+s11], $0x80, s6, s11, $0xb8;
	v63 =	vld [tilespmem:$0x0]  }
0x69: {  	s7 =	rddreg [dreg:$0xc]  }
0x6a: {  	[spmem:s2] =	stream.indirect.scatter.add.f32 [tilespmem:s8], [sflag:$0x4], $0x80, s7, s11, $0xb8;
	v63 =	vld [tilespmem:$0x0]  }
0x6b: {  	_ =	swait.ge [sflag:s9], $0x3800  }
0x6c: {  	[sflag:s9] =	ssyncset.done $0x0  }
0x6d: {  	[sflag:s9] =	ssyncadd.s32 $0xFFFFC800  }
0x6e: {  	_ =	swait.ge [sflag:s15], $0x3800  }
0x6f: {  	[sflag:s15] =	ssyncset.done $0x0  }
0x70: {  	s6 =	rddreg [dreg:$0xd];
	[sflag:s15] =	ssyncadd.s32 $0xFFFFC800  }
0x71: {  	[tilespmem:s8], [sflag:$0x1] =	stream.indirect.gather [hbm4b:s4+s11], $0x80, s6, s11, $0xb8;
	v63 =	vld [tilespmem:$0x0]  }
0x72: {  	s7 =	rddreg [dreg:$0xe]  }
0x73: {  	[spmem:s2] =	stream.indirect.scatter.add.f32 [tilespmem:s12], [sflag:$0x4], $0x80, s7, s11, $0xb8;
	v63 =	vld [tilespmem:$0x0]  }
0x74: {  	_ =	swait.ge [sflag:s9], $0x3800  }
0x75: {  	[sflag:s9] =	ssyncset.done $0x0  }
0x76: {  	[sflag:s9] =	ssyncadd.s32 $0xFFFFC800  }
0x77: {  	_ =	swait.ge [sflag:s16], $0x3800  }
0x78: {  	[sflag:s16] =	ssyncset.done $0x0  }
0x79: {  	s6 =	rddreg [dreg:$0xf];
	[sflag:s16] =	ssyncadd.s32 $0xFFFFC800  }
0x7a: {  	[tilespmem:s12], [sflag:$0x2] =	stream.indirect.gather [hbm4b:s4+s11], $0x80, s6, s11, $0xb8;
	v63 =	vld [tilespmem:$0x0]  }
0x7b: {  	s7 =	rddreg [dreg:$0x10]  }
0x7c: {  	[spmem:s2] =	stream.indirect.scatter.add.f32 [tilespmem:s14], [sflag:$0x4], $0x80, s7, s11, $0xb8;
	v63 =	vld [tilespmem:$0x0]  }
0x7d: {  	_ =	swait.ge [sflag:s9], $0x3800  }
0x7e: {  	[sflag:s9] =	ssyncset.done $0x0  }
0x7f: {  	[sflag:s9] =	ssyncadd.s32 $0xFFFFC800  }
0x80: {  	_ =	swait.ge [sflag:s13], $0x3800  }
0x81: {  	[sflag:s13] =	ssyncset.done $0x0  }
0x82: {  	s6 =	rddreg [dreg:$0x11];
	[sflag:s13] =	ssyncadd.s32 $0xFFFFC800  }
0x83: {  	[tilespmem:s14], [sflag:$0x3] =	stream.indirect.gather [hbm4b:s4+s11], $0x80, s6, s11, $0xb8;
	v63 =	vld [tilespmem:$0x0]  }
0x84: {  	s7 =	rddreg [dreg:$0x12]  }
0x85: {  	[spmem:s2] =	stream.indirect.scatter.add.f32 [tilespmem:s8], [sflag:$0x4], $0x80, s7, s11, $0xb8;
	v63 =	vld [tilespmem:$0x0]  }
0x86: {  	_ =	swait.ge [sflag:s9], $0x3800  }
0x87: {  	[sflag:s9] =	ssyncset.done $0x0  }
0x88: {  	[sflag:s9] =	ssyncadd.s32 $0xFFFFC800  }
0x89: {  	_ =	swait.ge [sflag:s15], $0x3800  }
0x8a: {  	[sflag:s15] =	ssyncset.done $0x0  }
0x8b: {  	s6 =	rddreg [dreg:$0x13];
	[sflag:s15] =	ssyncadd.s32 $0xFFFFC800  }
0x8c: {  	[tilespmem:s8], [sflag:$0x1] =	stream.indirect.gather [hbm4b:s4+s11], $0x80, s6, s11, $0xb8;
	v63 =	vld [tilespmem:$0x0]  }
0x8d: {  	s7 =	rddreg [dreg:$0x14]  }
0x8e: {  	[spmem:s2] =	stream.indirect.scatter.add.f32 [tilespmem:s12], [sflag:$0x4], $0x80, s7, s11, $0xb8;
	v63 =	vld [tilespmem:$0x0]  }
0x8f: {  	_ =	swait.ge [sflag:s9], $0x3800  }
0x90: {  	[sflag:s9] =	ssyncset.done $0x0  }
0x91: {  	[sflag:s9] =	ssyncadd.s32 $0xFFFFC800  }
0x92: {  	_ =	swait.ge [sflag:s16], $0x3800  }
0x93: {  	[sflag:s16] =	ssyncset.done $0x0  }
0x94: {  	s6 =	rddreg [dreg:$0x15];
	[sflag:s16] =	ssyncadd.s32 $0xFFFFC800  }
0x95: {  	[tilespmem:s12], [sflag:$0x2] =	stream.indirect.gather [hbm4b:s4+s11], $0x80, s6, s11, $0xb8;
	v63 =	vld [tilespmem:$0x0]  }
0x96: {  	s7 =	rddreg [dreg:$0x16]  }
0x97: {  	[spmem:s2] =	stream.indirect.scatter.add.f32 [tilespmem:s14], [sflag:$0x4], $0x80, s7, s11, $0xb8;
	v63 =	vld [tilespmem:$0x0]  }
0x98: {  	_ =	swait.ge [sflag:s9], $0x3800  }
0x99: {  	[sflag:s9] =	ssyncset.done $0x0  }
0x9a: {  	[sflag:s9] =	ssyncadd.s32 $0xFFFFC800  }
0x9b: {  	_ =	swait.ge [sflag:s13], $0x3800  }
0x9c: {  	[sflag:s13] =	ssyncset.done $0x0  }
0x9d: {  	s7 =	rddreg [dreg:$0x17];
	[sflag:s13] =	ssyncadd.s32 $0xFFFFC800  }
0x9e: {  	[tilespmem:s14], [sflag:$0x3] =	stream.indirect.gather [hbm4b:s4+s11], $0x80, s7, s11, $0xb8;
	v63 =	vld [tilespmem:$0x0]  }
0x9f: {  	_ = 	snop  }
0xa0: {  	[spmem:s2] =	stream.indirect.scatter.add.f32 [tilespmem:s8], [sflag:$0x4], $0x80, s17, s11, $0xb8;
	v63 =	vld [tilespmem:$0x0]  }
0xa1: {  	_ =	swait.ge [sflag:s9], $0x3800  }
0xa2: {  	[sflag:s9] =	ssyncset.done $0x0  }
0xa3: {  	[sflag:s9] =	ssyncadd.s32 $0xFFFFC800  }
0xa4: {  	_ =	swait.ge [sflag:s15], $0x3800  }
0xa5: {  	[sflag:s15] =	ssyncset.done $0x0  }
0xa6: {  	[sflag:s15] =	ssyncadd.s32 $0xFFFFC800  }
0xa7: {  	[tilespmem:s8], [sflag:$0x1] =	stream.indirect.gather [hbm4b:s4+s11], $0x80, s18, s11, $0xb8;
	v63 =	vld [tilespmem:$0x0]  }
0xa8: {  	_ = 	snop  }
0xa9: {  	[spmem:s2] =	stream.indirect.scatter.add.f32 [tilespmem:s12], [sflag:$0x4], $0x80, s19, s11, $0xb8;
	v63 =	vld [tilespmem:$0x0]  }
0xaa: {  	_ =	swait.ge [sflag:s9], $0x3800  }
0xab: {  	[sflag:s9] =	ssyncset.done $0x0  }
0xac: {  	[sflag:s9] =	ssyncadd.s32 $0xFFFFC800  }
0xad: {  	_ =	swait.ge [sflag:s16], $0x3800  }
0xae: {  	[sflag:s16] =	ssyncset.done $0x0  }
0xaf: {  	[sflag:s16] =	ssyncadd.s32 $0xFFFFC800  }
0xb0: {  	[tilespmem:s12], [sflag:$0x2] =	stream.indirect.gather [hbm4b:s4+s11], $0x80, s20, s11, $0xb8;
	v63 =	vld [tilespmem:$0x0]  }
0xb1: {  	_ = 	snop  }
0xb2: {  	[spmem:s2] =	stream.indirect.scatter.add.f32 [tilespmem:s14], [sflag:$0x4], $0x80, s21, s11, $0xb8;
	v63 =	vld [tilespmem:$0x0]  }
0xb3: {  	_ =	swait.ge [sflag:s9], $0x3800  }
0xb4: {  	[sflag:s9] =	ssyncset.done $0x0  }
0xb5: {  	[sflag:s9] =	ssyncadd.s32 $0xFFFFC800  }
0xb6: {  	_ =	swait.ge [sflag:s13], $0x3800  }
0xb7: {  	[sflag:s13] =	ssyncset.done $0x0  }
0xb8: {  	[sflag:s13] =	ssyncadd.s32 $0xFFFFC800  }
0xb9: {  	[tilespmem:s14], [sflag:$0x3] =	stream.indirect.gather [hbm4b:s4+s11], $0x80, s22, s11, $0xb8;
	v63 =	vld [tilespmem:$0x0]  }
0xba: {  	_ = 	snop  }
0xbb: {  	[spmem:s2] =	stream.indirect.scatter.add.f32 [tilespmem:s8], [sflag:$0x4], $0x80, s23, s11, $0xb8;
	v63 =	vld [tilespmem:$0x0]  }
0xbc: {  	_ =	swait.ge [sflag:s9], $0x3800  }
0xbd: {  	[sflag:s9] =	ssyncset.done $0x0  }
0xbe: {  	[sflag:s9] =	ssyncadd.s32 $0xFFFFC800  }
0xbf: {  	_ =	swait.ge [sflag:s15], $0x3800  }
0xc0: {  	[sflag:s15] =	ssyncset.done $0x0  }
0xc1: {  	[sflag:s15] =	ssyncadd.s32 $0xFFFFC800  }
0xc2: {  	[tilespmem:s8], [sflag:$0x1] =	stream.indirect.gather [hbm4b:s4+s11], $0x80, s24, s11, $0xb8;
	v63 =	vld [tilespmem:$0x0]  }
0xc3: {  	_ = 	snop  }
0xc4: {  	[spmem:s2] =	stream.indirect.scatter.add.f32 [tilespmem:s12], [sflag:$0x4], $0x80, s25, s11, $0xb8;
	v63 =	vld [tilespmem:$0x0]  }
0xc5: {  	_ =	swait.ge [sflag:s9], $0x3800  }
0xc6: {  	[sflag:s9] =	ssyncset.done $0x0  }
0xc7: {  	[sflag:s9] =	ssyncadd.s32 $0xFFFFC800  }
0xc8: {  	_ =	swait.ge [sflag:s16], $0x3800  }
0xc9: {  	[sflag:s16] =	ssyncset.done $0x0  }
0xca: {  	[sflag:s16] =	ssyncadd.s32 $0xFFFFC800  }
0xcb: {  	[tilespmem:s12], [sflag:$0x2] =	stream.indirect.gather [hbm4b:s4+s11], $0x80, s26, s11, $0xb8;
	v63 =	vld [tilespmem:$0x0]  }
0xcc: {  	_ = 	snop  }
0xcd: {  	[spmem:s2] =	stream.indirect.scatter.add.f32 [tilespmem:s14], [sflag:$0x4], $0x80, s28, s11, $0xb8;
	v63 =	vld [tilespmem:$0x0]  }
0xce: {  	_ =	swait.ge [sflag:s9], $0x3800  }
0xcf: {  	[sflag:s9] =	ssyncset.done $0x0  }
0xd0: {  	[sflag:s9] =	ssyncadd.s32 $0xFFFFC800  }
0xd1: {  	_ =	swait.ge [sflag:s13], $0x3800  }
0xd2: {  	[sflag:s13] =	ssyncset.done $0x0  }
0xd3: {  	[sflag:s13] =	ssyncadd.s32 $0xFFFFC800  }
0xd4: {  	[tilespmem:s14], [sflag:$0x3] =	stream.indirect.gather [hbm4b:s4+s11], $0x80, s29, s11, $0xb8;
	v63 =	vld [tilespmem:$0x0]  }
0xd5: {  	_ = 	snop  }
0xd6: {  	[spmem:s2] =	stream.indirect.scatter.add.f32 [tilespmem:s8], [sflag:$0x4], $0x80, s30, s11, $0xb8;
	v63 =	vld [tilespmem:$0x0]  }
0xd7: {  	_ =	swait.ge [sflag:s9], $0x3800  }
0xd8: {  	[sflag:s9] =	ssyncset.done $0x0  }
0xd9: {  	[sflag:s9] =	ssyncadd.s32 $0xFFFFC800  }
0xda: {  	_ =	swait.ge [sflag:s15], $0x3800  }
0xdb: {  	[sflag:s15] =	ssyncset.done $0x0  }
0xdc: {  	[sflag:s15] =	ssyncadd.s32 $0xFFFFC800  }
0xdd: {  	[spmem:s2] =	stream.indirect.scatter.add.f32 [tilespmem:s12], [sflag:$0x4], $0x80, s31, s11, $0xb8;
	v63 =	vld [tilespmem:$0x0]  }
0xde: {  	_ =	swait.ge [sflag:s9], $0x3800  }
0xdf: {  	[sflag:s9] =	ssyncset.done $0x0  }
0xe0: {  	[sflag:s9] =	ssyncadd.s32 $0xFFFFC800  }
0xe1: {  	_ =	swait.ge [sflag:s16], $0x3800  }
0xe2: {  	[sflag:s16] =	ssyncset.done $0x0  }
0xe3: {  	[sflag:s16] =	ssyncadd.s32 $0xFFFFC800  }
0xe4: {  	[spmem:s2] =	stream.indirect.scatter.add.f32 [tilespmem:s14], [sflag:$0x4], $0x80, s1, s11, $0xb8;
	v63 =	vld [tilespmem:$0x0]  }
0xe5: {  	s6 =	simm.s32 $0x180;
	_ =	swait.ge [sflag:s9], $0x3800  }
0xe6: {  	s7 =	simm.s32 $0x300;
	s0 =	rddreg [dreg:$0x4];
	[sflag:s9] =	ssyncset.done $0x0  }
.LBB2_6:
0xe7: {  	[sflag:s9] =	ssyncadd.s32 $0xFFFFC800;
	s0 =	sadd.s32 s6, s0  }
0xe8: {  	[tilespmem:s3], [sflag:$0x4] =	stream.linear.gather [hbm4b:s0+s3], $0x900, $0x38;
	v63 =	vld [tilespmem:$0x0]  }
0xe9: {  	_ =	swait.ge [sflag:s9], $0x900  }
0xea: {  	s0 =	rddreg [dreg:$0x3];
	[sflag:s9] =	ssyncset.done $0x0  }
0xeb: {  	[sflag:s9] =	ssyncadd.s32 $0xFFFFF700;
	s0 =	sadd.s32 s6, s0  }
0xec: {  	[tilespmem:s10], [sflag:$0x4] =	stream.linear.gather [hbm4b:s0+s3], $0x900, $0x38;
	v63 =	vld [tilespmem:$0x0]  }
0xed: {  	_ =	swait.ge [sflag:s9], $0x900  }
0xee: {  	[sflag:s9] =	ssyncset.done $0x0  }
0xef: {  	s17 =	smov.u32 s7;
	[sflag:s9] =	ssyncadd.s32 $0xFFFFF700  }
0xf0: {  	[tilespmem:s8], [sflag:$0x1] =	stream.indirect.gather [hbm4b:s4+s11], $0x80, s3, s11, $0xb8;
	v63 =	vld [tilespmem:$0x0]  }
0xf1: {  	s6 =	smov.u32 s17;
	s17 =	rddreg [dreg:$0x5]  }
0xf2: {  	[tilespmem:s12], [sflag:$0x2] =	stream.indirect.gather [hbm4b:s4+s11], $0x80, s17, s11, $0xb8;
	v63 =	vld [tilespmem:$0x0]  }
0xf3: {  	_ =	swait.ge [sflag:s13], $0x3800  }
0xf4: {  	[sflag:s13] =	ssyncset.done $0x0  }
0xf5: {  	s17 =	rddreg [dreg:$0x6];
	[sflag:s13] =	ssyncadd.s32 $0xFFFFC800  }
0xf6: {  	[tilespmem:s14], [sflag:$0x3] =	stream.indirect.gather [hbm4b:s4+s11], $0x80, s17, s11, $0xb8;
	v63 =	vld [tilespmem:$0x0]  }
0xf7: {  	_ = 	snop  }
0xf8: {  	[spmem:s2] =	stream.indirect.scatter.add.f32 [tilespmem:s8], [sflag:$0x4], $0x80, s10, s11, $0xb8;
	v63 =	vld [tilespmem:$0x0]  }
0xf9: {  	_ =	swait.ge [sflag:s9], $0x3800  }
0xfa: {  	[sflag:s9] =	ssyncset.done $0x0  }
0xfb: {  	[sflag:s9] =	ssyncadd.s32 $0xFFFFC800  }
0xfc: {  	_ =	swait.ge [sflag:s15], $0x3800  }
0xfd: {  	[sflag:s15] =	ssyncset.done $0x0  }
0xfe: {  	s0 =	rddreg [dreg:$0x7];
	[sflag:s15] =	ssyncadd.s32 $0xFFFFC800  }
0xff: {  	[tilespmem:s8], [sflag:$0x1] =	stream.indirect.gather [hbm4b:s4+s11], $0x80, s0, s11, $0xb8;
	v63 =	vld [tilespmem:$0x0]  }
0x100: {  	s17 =	rddreg [dreg:$0x8]  }
0x101: {  	[spmem:s2] =	stream.indirect.scatter.add.f32 [tilespmem:s12], [sflag:$0x4], $0x80, s17, s11, $0xb8;
	v63 =	vld [tilespmem:$0x0]  }
0x102: {  	_ =	swait.ge [sflag:s9], $0x3800  }
0x103: {  	[sflag:s9] =	ssyncset.done $0x0  }
0x104: {  	[sflag:s9] =	ssyncadd.s32 $0xFFFFC800  }
0x105: {  	_ =	swait.ge [sflag:s16], $0x3800  }
0x106: {  	[sflag:s16] =	ssyncset.done $0x0  }
0x107: {  	s0 =	rddreg [dreg:$0x9];
	[sflag:s16] =	ssyncadd.s32 $0xFFFFC800  }
0x108: {  	[tilespmem:s12], [sflag:$0x2] =	stream.indirect.gather [hbm4b:s4+s11], $0x80, s0, s11, $0xb8;
	v63 =	vld [tilespmem:$0x0]  }
0x109: {  	s17 =	rddreg [dreg:$0xa]  }
0x10a: {  	[spmem:s2] =	stream.indirect.scatter.add.f32 [tilespmem:s14], [sflag:$0x4], $0x80, s17, s11, $0xb8;
	v63 =	vld [tilespmem:$0x0]  }
0x10b: {  	_ =	swait.ge [sflag:s9], $0x3800  }
0x10c: {  	[sflag:s9] =	ssyncset.done $0x0  }
0x10d: {  	[sflag:s9] =	ssyncadd.s32 $0xFFFFC800  }
0x10e: {  	_ =	swait.ge [sflag:s13], $0x3800  }
0x10f: {  	[sflag:s13] =	ssyncset.done $0x0  }
0x110: {  	s0 =	rddreg [dreg:$0xb];
	[sflag:s13] =	ssyncadd.s32 $0xFFFFC800  }
0x111: {  	[tilespmem:s14], [sflag:$0x3] =	stream.indirect.gather [hbm4b:s4+s11], $0x80, s0, s11, $0xb8;
	v63 =	vld [tilespmem:$0x0]  }
0x112: {  	s17 =	rddreg [dreg:$0xc]  }
0x113: {  	[spmem:s2] =	stream.indirect.scatter.add.f32 [tilespmem:s8], [sflag:$0x4], $0x80, s17, s11, $0xb8;
	v63 =	vld [tilespmem:$0x0]  }
0x114: {  	_ =	swait.ge [sflag:s9], $0x3800  }
0x115: {  	[sflag:s9] =	ssyncset.done $0x0  }
0x116: {  	[sflag:s9] =	ssyncadd.s32 $0xFFFFC800  }
0x117: {  	_ =	swait.ge [sflag:s15], $0x3800  }
0x118: {  	[sflag:s15] =	ssyncset.done $0x0  }
0x119: {  	s0 =	rddreg [dreg:$0xd];
	[sflag:s15] =	ssyncadd.s32 $0xFFFFC800  }
0x11a: {  	[tilespmem:s8], [sflag:$0x1] =	stream.indirect.gather [hbm4b:s4+s11], $0x80, s0, s11, $0xb8;
	v63 =	vld [tilespmem:$0x0]  }
0x11b: {  	s17 =	rddreg [dreg:$0xe]  }
0x11c: {  	[spmem:s2] =	stream.indirect.scatter.add.f32 [tilespmem:s12], [sflag:$0x4], $0x80, s17, s11, $0xb8;
	v63 =	vld [tilespmem:$0x0]  }
0x11d: {  	_ =	swait.ge [sflag:s9], $0x3800  }
0x11e: {  	[sflag:s9] =	ssyncset.done $0x0  }
0x11f: {  	[sflag:s9] =	ssyncadd.s32 $0xFFFFC800  }
0x120: {  	_ =	swait.ge [sflag:s16], $0x3800  }
0x121: {  	[sflag:s16] =	ssyncset.done $0x0  }
0x122: {  	s0 =	rddreg [dreg:$0xf];
	[sflag:s16] =	ssyncadd.s32 $0xFFFFC800  }
0x123: {  	[tilespmem:s12], [sflag:$0x2] =	stream.indirect.gather [hbm4b:s4+s11], $0x80, s0, s11, $0xb8;
	v63 =	vld [tilespmem:$0x0]  }
0x124: {  	s17 =	rddreg [dreg:$0x10]  }
0x125: {  	[spmem:s2] =	stream.indirect.scatter.add.f32 [tilespmem:s14], [sflag:$0x4], $0x80, s17, s11, $0xb8;
	v63 =	vld [tilespmem:$0x0]  }
0x126: {  	_ =	swait.ge [sflag:s9], $0x3800  }
0x127: {  	[sflag:s9] =	ssyncset.done $0x0  }
0x128: {  	[sflag:s9] =	ssyncadd.s32 $0xFFFFC800  }
0x129: {  	_ =	swait.ge [sflag:s13], $0x3800  }
0x12a: {  	[sflag:s13] =	ssyncset.done $0x0  }
0x12b: {  	s0 =	rddreg [dreg:$0x11];
	[sflag:s13] =	ssyncadd.s32 $0xFFFFC800  }
0x12c: {  	[tilespmem:s14], [sflag:$0x3] =	stream.indirect.gather [hbm4b:s4+s11], $0x80, s0, s11, $0xb8;
	v63 =	vld [tilespmem:$0x0]  }
0x12d: {  	s17 =	rddreg [dreg:$0x12]  }
0x12e: {  	[spmem:s2] =	stream.indirect.scatter.add.f32 [tilespmem:s8], [sflag:$0x4], $0x80, s17, s11, $0xb8;
	v63 =	vld [tilespmem:$0x0]  }
0x12f: {  	_ =	swait.ge [sflag:s9], $0x3800  }
0x130: {  	[sflag:s9] =	ssyncset.done $0x0  }
0x131: {  	[sflag:s9] =	ssyncadd.s32 $0xFFFFC800  }
0x132: {  	_ =	swait.ge [sflag:s15], $0x3800  }
0x133: {  	[sflag:s15] =	ssyncset.done $0x0  }
0x134: {  	s0 =	rddreg [dreg:$0x13];
	[sflag:s15] =	ssyncadd.s32 $0xFFFFC800  }
0x135: {  	[tilespmem:s8], [sflag:$0x1] =	stream.indirect.gather [hbm4b:s4+s11], $0x80, s0, s11, $0xb8;
	v63 =	vld [tilespmem:$0x0]  }
0x136: {  	s17 =	rddreg [dreg:$0x14]  }
0x137: {  	[spmem:s2] =	stream.indirect.scatter.add.f32 [tilespmem:s12], [sflag:$0x4], $0x80, s17, s11, $0xb8;
	v63 =	vld [tilespmem:$0x0]  }
0x138: {  	_ =	swait.ge [sflag:s9], $0x3800  }
0x139: {  	[sflag:s9] =	ssyncset.done $0x0  }
0x13a: {  	[sflag:s9] =	ssyncadd.s32 $0xFFFFC800  }
0x13b: {  	_ =	swait.ge [sflag:s16], $0x3800  }
0x13c: {  	[sflag:s16] =	ssyncset.done $0x0  }
0x13d: {  	s0 =	rddreg [dreg:$0x15];
	[sflag:s16] =	ssyncadd.s32 $0xFFFFC800  }
0x13e: {  	[tilespmem:s12], [sflag:$0x2] =	stream.indirect.gather [hbm4b:s4+s11], $0x80, s0, s11, $0xb8;
	v63 =	vld [tilespmem:$0x0]  }
0x13f: {  	s17 =	rddreg [dreg:$0x16]  }
0x140: {  	[spmem:s2] =	stream.indirect.scatter.add.f32 [tilespmem:s14], [sflag:$0x4], $0x80, s17, s11, $0xb8;
	v63 =	vld [tilespmem:$0x0]  }
0x141: {  	_ =	swait.ge [sflag:s9], $0x3800  }
0x142: {  	[sflag:s9] =	ssyncset.done $0x0  }
0x143: {  	[sflag:s9] =	ssyncadd.s32 $0xFFFFC800  }
0x144: {  	_ =	swait.ge [sflag:s13], $0x3800  }
0x145: {  	[sflag:s13] =	ssyncset.done $0x0  }
0x146: {  	s0 =	rddreg [dreg:$0x17];
	[sflag:s13] =	ssyncadd.s32 $0xFFFFC800  }
0x147: {  	[tilespmem:s14], [sflag:$0x3] =	stream.indirect.gather [hbm4b:s4+s11], $0x80, s0, s11, $0xb8;
	v63 =	vld [tilespmem:$0x0]  }
0x148: {  	s17 =	simm.s32 $0x1080  }
0x149: {  	[spmem:s2] =	stream.indirect.scatter.add.f32 [tilespmem:s8], [sflag:$0x4], $0x80, s17, s11, $0xb8;
	v63 =	vld [tilespmem:$0x0]  }
0x14a: {  	_ =	swait.ge [sflag:s9], $0x3800  }
0x14b: {  	[sflag:s9] =	ssyncset.done $0x0  }
0x14c: {  	[sflag:s9] =	ssyncadd.s32 $0xFFFFC800  }
0x14d: {  	_ =	swait.ge [sflag:s15], $0x3800  }
0x14e: {  	[sflag:s15] =	ssyncset.done $0x0  }
0x14f: {  	[sflag:s15] =	ssyncadd.s32 $0xFFFFC800  }
0x150: {  	[tilespmem:s8], [sflag:$0x1] =	stream.indirect.gather [hbm4b:s4+s11], $0x80, s18, s11, $0xb8;
	v63 =	vld [tilespmem:$0x0]  }
0x151: {  	_ = 	snop  }
0x152: {  	[spmem:s2] =	stream.indirect.scatter.add.f32 [tilespmem:s12], [sflag:$0x4], $0x80, s19, s11, $0xb8;
	v63 =	vld [tilespmem:$0x0]  }
0x153: {  	_ =	swait.ge [sflag:s9], $0x3800  }
0x154: {  	[sflag:s9] =	ssyncset.done $0x0  }
0x155: {  	[sflag:s9] =	ssyncadd.s32 $0xFFFFC800  }
0x156: {  	_ =	swait.ge [sflag:s16], $0x3800  }
0x157: {  	[sflag:s16] =	ssyncset.done $0x0  }
0x158: {  	[sflag:s16] =	ssyncadd.s32 $0xFFFFC800  }
0x159: {  	[tilespmem:s12], [sflag:$0x2] =	stream.indirect.gather [hbm4b:s4+s11], $0x80, s20, s11, $0xb8;
	v63 =	vld [tilespmem:$0x0]  }
0x15a: {  	_ = 	snop  }
0x15b: {  	[spmem:s2] =	stream.indirect.scatter.add.f32 [tilespmem:s14], [sflag:$0x4], $0x80, s21, s11, $0xb8;
	v63 =	vld [tilespmem:$0x0]  }
0x15c: {  	_ =	swait.ge [sflag:s9], $0x3800  }
0x15d: {  	[sflag:s9] =	ssyncset.done $0x0  }
0x15e: {  	[sflag:s9] =	ssyncadd.s32 $0xFFFFC800  }
0x15f: {  	_ =	swait.ge [sflag:s13], $0x3800  }
0x160: {  	[sflag:s13] =	ssyncset.done $0x0  }
0x161: {  	[sflag:s13] =	ssyncadd.s32 $0xFFFFC800  }
0x162: {  	[tilespmem:s14], [sflag:$0x3] =	stream.indirect.gather [hbm4b:s4+s11], $0x80, s22, s11, $0xb8;
	v63 =	vld [tilespmem:$0x0]  }
0x163: {  	_ = 	snop  }
0x164: {  	[spmem:s2] =	stream.indirect.scatter.add.f32 [tilespmem:s8], [sflag:$0x4], $0x80, s23, s11, $0xb8;
	v63 =	vld [tilespmem:$0x0]  }
0x165: {  	_ =	swait.ge [sflag:s9], $0x3800  }
0x166: {  	[sflag:s9] =	ssyncset.done $0x0  }
0x167: {  	[sflag:s9] =	ssyncadd.s32 $0xFFFFC800  }
0x168: {  	_ =	swait.ge [sflag:s15], $0x3800  }
0x169: {  	[sflag:s15] =	ssyncset.done $0x0  }
0x16a: {  	[sflag:s15] =	ssyncadd.s32 $0xFFFFC800  }
0x16b: {  	[tilespmem:s8], [sflag:$0x1] =	stream.indirect.gather [hbm4b:s4+s11], $0x80, s24, s11, $0xb8;
	v63 =	vld [tilespmem:$0x0]  }
0x16c: {  	_ = 	snop  }
0x16d: {  	[spmem:s2] =	stream.indirect.scatter.add.f32 [tilespmem:s12], [sflag:$0x4], $0x80, s25, s11, $0xb8;
	v63 =	vld [tilespmem:$0x0]  }
0x16e: {  	_ =	swait.ge [sflag:s9], $0x3800  }
0x16f: {  	[sflag:s9] =	ssyncset.done $0x0  }
0x170: {  	[sflag:s9] =	ssyncadd.s32 $0xFFFFC800  }
0x171: {  	_ =	swait.ge [sflag:s16], $0x3800  }
0x172: {  	[sflag:s16] =	ssyncset.done $0x0  }
0x173: {  	[sflag:s16] =	ssyncadd.s32 $0xFFFFC800  }
0x174: {  	[tilespmem:s12], [sflag:$0x2] =	stream.indirect.gather [hbm4b:s4+s11], $0x80, s26, s11, $0xb8;
	v63 =	vld [tilespmem:$0x0]  }
0x175: {  	_ = 	snop  }
0x176: {  	[spmem:s2] =	stream.indirect.scatter.add.f32 [tilespmem:s14], [sflag:$0x4], $0x80, s28, s11, $0xb8;
	v63 =	vld [tilespmem:$0x0]  }
0x177: {  	_ =	swait.ge [sflag:s9], $0x3800  }
0x178: {  	[sflag:s9] =	ssyncset.done $0x0  }
0x179: {  	[sflag:s9] =	ssyncadd.s32 $0xFFFFC800  }
0x17a: {  	_ =	swait.ge [sflag:s13], $0x3800  }
0x17b: {  	[sflag:s13] =	ssyncset.done $0x0  }
0x17c: {  	[sflag:s13] =	ssyncadd.s32 $0xFFFFC800  }
0x17d: {  	[tilespmem:s14], [sflag:$0x3] =	stream.indirect.gather [hbm4b:s4+s11], $0x80, s29, s11, $0xb8;
	v63 =	vld [tilespmem:$0x0]  }
0x17e: {  	_ = 	snop  }
0x17f: {  	[spmem:s2] =	stream.indirect.scatter.add.f32 [tilespmem:s8], [sflag:$0x4], $0x80, s30, s11, $0xb8;
	v63 =	vld [tilespmem:$0x0]  }
0x180: {  	_ =	swait.ge [sflag:s9], $0x3800  }
0x181: {  	[sflag:s9] =	ssyncset.done $0x0  }
0x182: {  	[sflag:s9] =	ssyncadd.s32 $0xFFFFC800  }
0x183: {  	_ =	swait.ge [sflag:s15], $0x3800  }
0x184: {  	[sflag:s15] =	ssyncset.done $0x0  }
0x185: {  	[sflag:s15] =	ssyncadd.s32 $0xFFFFC800  }
0x186: {  	[spmem:s2] =	stream.indirect.scatter.add.f32 [tilespmem:s12], [sflag:$0x4], $0x80, s31, s11, $0xb8;
	v63 =	vld [tilespmem:$0x0]  }
0x187: {  	_ =	swait.ge [sflag:s9], $0x3800  }
0x188: {  	[sflag:s9] =	ssyncset.done $0x0  }
0x189: {  	[sflag:s9] =	ssyncadd.s32 $0xFFFFC800  }
0x18a: {  	p0 =	sne.s32 s7, $0x600;
	_ =	swait.ge [sflag:s16], $0x3800  }
.Ltmp2:
0x18b: {  	[sflag:s16] =	ssyncset.done $0x0;
	(pc) =	sbr.rel @p0 .LBB2_6-.Ltmp2, $4  }
0x18c: {  	[sflag:s16] =	ssyncadd.s32 $0xFFFFC800  }
0x18d: {  	[spmem:s2] =	stream.indirect.scatter.add.f32 [tilespmem:s14], [sflag:$0x4], $0x80, s1, s11, $0xb8;
	v63 =	vld [tilespmem:$0x0]  }
0x18e: {  	_ =	swait.ge [sflag:s9], $0x3800  }
0x18f: {  	s7 =	sadd.s32 $0x180, s7;
	s0 =	rddreg [dreg:$0x4];
	[sflag:s9] =	ssyncset.done $0x0  }
0x190: {  	[sflag:s9] =	ssyncadd.s32 $0xFFFFC800;
	s0 =	sadd.s32 s6, s0  }
0x191: {  	[tilespmem:s3], [sflag:$0x4] =	stream.linear.gather [hbm4b:s0+s3], $0x900, $0x38;
	v63 =	vld [tilespmem:$0x0]  }
0x192: {  	_ =	swait.ge [sflag:s9], $0x900  }
0x193: {  	s7 =	rddreg [dreg:$0x3];
	[sflag:s9] =	ssyncset.done $0x0  }
0x194: {  	[sflag:s9] =	ssyncadd.s32 $0xFFFFF700;
	s0 =	sadd.s32 s6, s7  }
0x195: {  	[tilespmem:s10], [sflag:$0x4] =	stream.linear.gather [hbm4b:s0+s3], $0x900, $0x38;
	v63 =	vld [tilespmem:$0x0]  }
0x196: {  	_ =	swait.ge [sflag:s9], $0x900  }
0x197: {  	[sflag:s9] =	ssyncset.done $0x0  }
0x198: {  	[sflag:s9] =	ssyncadd.s32 $0xFFFFF700  }
0x199: {  	[tilespmem:s8], [sflag:$0x1] =	stream.indirect.gather [hbm4b:s4+s11], $0x80, s3, s11, $0xb8;
	v63 =	vld [tilespmem:$0x0]  }
0x19a: {  	s6 =	rddreg [dreg:$0x5]  }
0x19b: {  	[tilespmem:s12], [sflag:$0x2] =	stream.indirect.gather [hbm4b:s4+s11], $0x80, s6, s11, $0xb8;
	v63 =	vld [tilespmem:$0x0]  }
0x19c: {  	_ =	swait.ge [sflag:s13], $0x3800  }
0x19d: {  	[sflag:s13] =	ssyncset.done $0x0  }
0x19e: {  	s7 =	rddreg [dreg:$0x6];
	[sflag:s13] =	ssyncadd.s32 $0xFFFFC800  }
0x19f: {  	[tilespmem:s14], [sflag:$0x3] =	stream.indirect.gather [hbm4b:s4+s11], $0x80, s7, s11, $0xb8;
	v63 =	vld [tilespmem:$0x0]  }
0x1a0: {  	_ = 	snop  }
0x1a1: {  	[spmem:s2] =	stream.indirect.scatter.add.f32 [tilespmem:s8], [sflag:$0x4], $0x80, s10, s11, $0xb8;
	v63 =	vld [tilespmem:$0x0]  }
0x1a2: {  	_ =	swait.ge [sflag:s9], $0x3800  }
0x1a3: {  	[sflag:s9] =	ssyncset.done $0x0  }
0x1a4: {  	[sflag:s9] =	ssyncadd.s32 $0xFFFFC800  }
0x1a5: {  	_ =	swait.ge [sflag:s15], $0x3800  }
0x1a6: {  	[sflag:s15] =	ssyncset.done $0x0  }
0x1a7: {  	s6 =	rddreg [dreg:$0x7];
	[sflag:s15] =	ssyncadd.s32 $0xFFFFC800  }
0x1a8: {  	[tilespmem:s8], [sflag:$0x1] =	stream.indirect.gather [hbm4b:s4+s11], $0x80, s6, s11, $0xb8;
	v63 =	vld [tilespmem:$0x0]  }
0x1a9: {  	s7 =	rddreg [dreg:$0x8]  }
0x1aa: {  	[spmem:s2] =	stream.indirect.scatter.add.f32 [tilespmem:s12], [sflag:$0x4], $0x80, s7, s11, $0xb8;
	v63 =	vld [tilespmem:$0x0]  }
0x1ab: {  	_ =	swait.ge [sflag:s9], $0x3800  }
0x1ac: {  	[sflag:s9] =	ssyncset.done $0x0  }
0x1ad: {  	[sflag:s9] =	ssyncadd.s32 $0xFFFFC800  }
0x1ae: {  	_ =	swait.ge [sflag:s16], $0x3800  }
0x1af: {  	[sflag:s16] =	ssyncset.done $0x0  }
0x1b0: {  	s6 =	rddreg [dreg:$0x9];
	[sflag:s16] =	ssyncadd.s32 $0xFFFFC800  }
0x1b1: {  	[tilespmem:s12], [sflag:$0x2] =	stream.indirect.gather [hbm4b:s4+s11], $0x80, s6, s11, $0xb8;
	v63 =	vld [tilespmem:$0x0]  }
0x1b2: {  	s7 =	rddreg [dreg:$0xa]  }
0x1b3: {  	[spmem:s2] =	stream.indirect.scatter.add.f32 [tilespmem:s14], [sflag:$0x4], $0x80, s7, s11, $0xb8;
	v63 =	vld [tilespmem:$0x0]  }
0x1b4: {  	_ =	swait.ge [sflag:s9], $0x3800  }
0x1b5: {  	[sflag:s9] =	ssyncset.done $0x0  }
0x1b6: {  	[sflag:s9] =	ssyncadd.s32 $0xFFFFC800  }
0x1b7: {  	_ =	swait.ge [sflag:s13], $0x3800  }
0x1b8: {  	[sflag:s13] =	ssyncset.done $0x0  }
0x1b9: {  	s6 =	rddreg [dreg:$0xb];
	[sflag:s13] =	ssyncadd.s32 $0xFFFFC800  }
0x1ba: {  	[tilespmem:s14], [sflag:$0x3] =	stream.indirect.gather [hbm4b:s4+s11], $0x80, s6, s11, $0xb8;
	v63 =	vld [tilespmem:$0x0]  }
0x1bb: {  	s7 =	rddreg [dreg:$0xc]  }
0x1bc: {  	[spmem:s2] =	stream.indirect.scatter.add.f32 [tilespmem:s8], [sflag:$0x4], $0x80, s7, s11, $0xb8;
	v63 =	vld [tilespmem:$0x0]  }
0x1bd: {  	_ =	swait.ge [sflag:s9], $0x3800  }
0x1be: {  	[sflag:s9] =	ssyncset.done $0x0  }
0x1bf: {  	[sflag:s9] =	ssyncadd.s32 $0xFFFFC800  }
0x1c0: {  	_ =	swait.ge [sflag:s15], $0x3800  }
0x1c1: {  	[sflag:s15] =	ssyncset.done $0x0  }
0x1c2: {  	s6 =	rddreg [dreg:$0xd];
	[sflag:s15] =	ssyncadd.s32 $0xFFFFC800  }
0x1c3: {  	[tilespmem:s8], [sflag:$0x1] =	stream.indirect.gather [hbm4b:s4+s11], $0x80, s6, s11, $0xb8;
	v63 =	vld [tilespmem:$0x0]  }
0x1c4: {  	s7 =	rddreg [dreg:$0xe]  }
0x1c5: {  	[spmem:s2] =	stream.indirect.scatter.add.f32 [tilespmem:s12], [sflag:$0x4], $0x80, s7, s11, $0xb8;
	v63 =	vld [tilespmem:$0x0]  }
0x1c6: {  	_ =	swait.ge [sflag:s9], $0x3800  }
0x1c7: {  	[sflag:s9] =	ssyncset.done $0x0  }
0x1c8: {  	[sflag:s9] =	ssyncadd.s32 $0xFFFFC800  }
0x1c9: {  	_ =	swait.ge [sflag:s16], $0x3800  }
0x1ca: {  	[sflag:s16] =	ssyncset.done $0x0  }
0x1cb: {  	s6 =	rddreg [dreg:$0xf];
	[sflag:s16] =	ssyncadd.s32 $0xFFFFC800  }
0x1cc: {  	[tilespmem:s12], [sflag:$0x2] =	stream.indirect.gather [hbm4b:s4+s11], $0x80, s6, s11, $0xb8;
	v63 =	vld [tilespmem:$0x0]  }
0x1cd: {  	s7 =	rddreg [dreg:$0x10]  }
0x1ce: {  	[spmem:s2] =	stream.indirect.scatter.add.f32 [tilespmem:s14], [sflag:$0x4], $0x80, s7, s11, $0xb8;
	v63 =	vld [tilespmem:$0x0]  }
0x1cf: {  	_ =	swait.ge [sflag:s9], $0x3800  }
0x1d0: {  	[sflag:s9] =	ssyncset.done $0x0  }
0x1d1: {  	[sflag:s9] =	ssyncadd.s32 $0xFFFFC800  }
0x1d2: {  	_ =	swait.ge [sflag:s13], $0x3800  }
0x1d3: {  	[sflag:s13] =	ssyncset.done $0x0  }
0x1d4: {  	s6 =	rddreg [dreg:$0x11];
	[sflag:s13] =	ssyncadd.s32 $0xFFFFC800  }
0x1d5: {  	[tilespmem:s14], [sflag:$0x3] =	stream.indirect.gather [hbm4b:s4+s11], $0x80, s6, s11, $0xb8;
	v63 =	vld [tilespmem:$0x0]  }
0x1d6: {  	s7 =	rddreg [dreg:$0x12]  }
0x1d7: {  	[spmem:s2] =	stream.indirect.scatter.add.f32 [tilespmem:s8], [sflag:$0x4], $0x80, s7, s11, $0xb8;
	v63 =	vld [tilespmem:$0x0]  }
0x1d8: {  	_ =	swait.ge [sflag:s9], $0x3800  }
0x1d9: {  	[sflag:s9] =	ssyncset.done $0x0  }
0x1da: {  	[sflag:s9] =	ssyncadd.s32 $0xFFFFC800  }
0x1db: {  	_ =	swait.ge [sflag:s15], $0x3800  }
0x1dc: {  	[sflag:s15] =	ssyncset.done $0x0  }
0x1dd: {  	s6 =	rddreg [dreg:$0x13];
	[sflag:s15] =	ssyncadd.s32 $0xFFFFC800  }
0x1de: {  	[tilespmem:s8], [sflag:$0x1] =	stream.indirect.gather [hbm4b:s4+s11], $0x80, s6, s11, $0xb8;
	v63 =	vld [tilespmem:$0x0]  }
0x1df: {  	s7 =	rddreg [dreg:$0x14]  }
0x1e0: {  	[spmem:s2] =	stream.indirect.scatter.add.f32 [tilespmem:s12], [sflag:$0x4], $0x80, s7, s11, $0xb8;
	v63 =	vld [tilespmem:$0x0]  }
0x1e1: {  	_ =	swait.ge [sflag:s9], $0x3800  }
0x1e2: {  	[sflag:s9] =	ssyncset.done $0x0  }
0x1e3: {  	[sflag:s9] =	ssyncadd.s32 $0xFFFFC800  }
0x1e4: {  	_ =	swait.ge [sflag:s16], $0x3800  }
0x1e5: {  	[sflag:s16] =	ssyncset.done $0x0  }
0x1e6: {  	s6 =	rddreg [dreg:$0x15];
	[sflag:s16] =	ssyncadd.s32 $0xFFFFC800  }
0x1e7: {  	[tilespmem:s12], [sflag:$0x2] =	stream.indirect.gather [hbm4b:s4+s11], $0x80, s6, s11, $0xb8;
	v63 =	vld [tilespmem:$0x0]  }
0x1e8: {  	s7 =	rddreg [dreg:$0x16]  }
0x1e9: {  	[spmem:s2] =	stream.indirect.scatter.add.f32 [tilespmem:s14], [sflag:$0x4], $0x80, s7, s11, $0xb8;
	v63 =	vld [tilespmem:$0x0]  }
0x1ea: {  	_ =	swait.ge [sflag:s9], $0x3800  }
0x1eb: {  	[sflag:s9] =	ssyncset.done $0x0  }
0x1ec: {  	[sflag:s9] =	ssyncadd.s32 $0xFFFFC800  }
0x1ed: {  	_ =	swait.ge [sflag:s13], $0x3800  }
0x1ee: {  	[sflag:s13] =	ssyncset.done $0x0  }
0x1ef: {  	s6 =	rddreg [dreg:$0x17];
	[sflag:s13] =	ssyncadd.s32 $0xFFFFC800  }
0x1f0: {  	[tilespmem:s14], [sflag:$0x3] =	stream.indirect.gather [hbm4b:s4+s11], $0x80, s6, s11, $0xb8;
	v63 =	vld [tilespmem:$0x0]  }
0x1f1: {  	_ = 	snop  }
0x1f2: {  	[spmem:s2] =	stream.indirect.scatter.add.f32 [tilespmem:s8], [sflag:$0x4], $0x80, s17, s11, $0xb8;
	v63 =	vld [tilespmem:$0x0]  }
0x1f3: {  	_ =	swait.ge [sflag:s9], $0x3800  }
0x1f4: {  	[sflag:s9] =	ssyncset.done $0x0  }
0x1f5: {  	[sflag:s9] =	ssyncadd.s32 $0xFFFFC800  }
0x1f6: {  	_ =	swait.ge [sflag:s15], $0x3800  }
0x1f7: {  	[sflag:s15] =	ssyncset.done $0x0  }
0x1f8: {  	[sflag:s15] =	ssyncadd.s32 $0xFFFFC800  }
0x1f9: {  	[tilespmem:s8], [sflag:$0x1] =	stream.indirect.gather [hbm4b:s4+s11], $0x80, s18, s11, $0xb8;
	v63 =	vld [tilespmem:$0x0]  }
0x1fa: {  	_ = 	snop  }
0x1fb: {  	[spmem:s2] =	stream.indirect.scatter.add.f32 [tilespmem:s12], [sflag:$0x4], $0x80, s19, s11, $0xb8;
	v63 =	vld [tilespmem:$0x0]  }
0x1fc: {  	_ =	swait.ge [sflag:s9], $0x3800  }
0x1fd: {  	[sflag:s9] =	ssyncset.done $0x0  }
0x1fe: {  	[sflag:s9] =	ssyncadd.s32 $0xFFFFC800  }
0x1ff: {  	_ =	swait.ge [sflag:s16], $0x3800  }
0x200: {  	[sflag:s16] =	ssyncset.done $0x0  }
0x201: {  	[sflag:s16] =	ssyncadd.s32 $0xFFFFC800  }
0x202: {  	[tilespmem:s12], [sflag:$0x2] =	stream.indirect.gather [hbm4b:s4+s11], $0x80, s20, s11, $0xb8;
	v63 =	vld [tilespmem:$0x0]  }
0x203: {  	_ = 	snop  }
0x204: {  	[spmem:s2] =	stream.indirect.scatter.add.f32 [tilespmem:s14], [sflag:$0x4], $0x80, s21, s11, $0xb8;
	v63 =	vld [tilespmem:$0x0]  }
0x205: {  	_ =	swait.ge [sflag:s9], $0x3800  }
0x206: {  	[sflag:s9] =	ssyncset.done $0x0  }
0x207: {  	[sflag:s9] =	ssyncadd.s32 $0xFFFFC800  }
0x208: {  	_ =	swait.ge [sflag:s13], $0x3800  }
0x209: {  	[sflag:s13] =	ssyncset.done $0x0  }
0x20a: {  	[sflag:s13] =	ssyncadd.s32 $0xFFFFC800  }
0x20b: {  	[tilespmem:s14], [sflag:$0x3] =	stream.indirect.gather [hbm4b:s4+s11], $0x80, s22, s11, $0xb8;
	v63 =	vld [tilespmem:$0x0]  }
0x20c: {  	_ = 	snop  }
0x20d: {  	[spmem:s2] =	stream.indirect.scatter.add.f32 [tilespmem:s8], [sflag:$0x4], $0x80, s23, s11, $0xb8;
	v63 =	vld [tilespmem:$0x0]  }
0x20e: {  	_ =	swait.ge [sflag:s9], $0x3800  }
0x20f: {  	[sflag:s9] =	ssyncset.done $0x0  }
0x210: {  	[sflag:s9] =	ssyncadd.s32 $0xFFFFC800  }
0x211: {  	_ =	swait.ge [sflag:s15], $0x3800  }
0x212: {  	[sflag:s15] =	ssyncset.done $0x0  }
0x213: {  	[sflag:s15] =	ssyncadd.s32 $0xFFFFC800  }
0x214: {  	[tilespmem:s8], [sflag:$0x1] =	stream.indirect.gather [hbm4b:s4+s11], $0x80, s24, s11, $0xb8;
	v63 =	vld [tilespmem:$0x0]  }
0x215: {  	_ = 	snop  }
0x216: {  	[spmem:s2] =	stream.indirect.scatter.add.f32 [tilespmem:s12], [sflag:$0x4], $0x80, s25, s11, $0xb8;
	v63 =	vld [tilespmem:$0x0]  }
0x217: {  	_ =	swait.ge [sflag:s9], $0x3800  }
0x218: {  	[sflag:s9] =	ssyncset.done $0x0  }
0x219: {  	[sflag:s9] =	ssyncadd.s32 $0xFFFFC800  }
0x21a: {  	_ =	swait.ge [sflag:s16], $0x3800  }
0x21b: {  	[sflag:s16] =	ssyncset.done $0x0  }
0x21c: {  	[sflag:s16] =	ssyncadd.s32 $0xFFFFC800  }
0x21d: {  	[tilespmem:s12], [sflag:$0x2] =	stream.indirect.gather [hbm4b:s4+s11], $0x80, s26, s11, $0xb8;
	v63 =	vld [tilespmem:$0x0]  }
0x21e: {  	_ = 	snop  }
0x21f: {  	[spmem:s2] =	stream.indirect.scatter.add.f32 [tilespmem:s14], [sflag:$0x4], $0x80, s28, s11, $0xb8;
	v63 =	vld [tilespmem:$0x0]  }
0x220: {  	_ =	swait.ge [sflag:s9], $0x3800  }
0x221: {  	[sflag:s9] =	ssyncset.done $0x0  }
0x222: {  	[sflag:s9] =	ssyncadd.s32 $0xFFFFC800  }
0x223: {  	_ =	swait.ge [sflag:s13], $0x3800  }
0x224: {  	[sflag:s13] =	ssyncset.done $0x0  }
0x225: {  	[sflag:s13] =	ssyncadd.s32 $0xFFFFC800  }
0x226: {  	[tilespmem:s14], [sflag:$0x3] =	stream.indirect.gather [hbm4b:s4+s11], $0x80, s29, s11, $0xb8;
	v63 =	vld [tilespmem:$0x0]  }
0x227: {  	_ = 	snop  }
0x228: {  	[spmem:s2] =	stream.indirect.scatter.add.f32 [tilespmem:s8], [sflag:$0x4], $0x80, s30, s11, $0xb8;
	v63 =	vld [tilespmem:$0x0]  }
0x229: {  	_ =	swait.ge [sflag:s9], $0x3800  }
0x22a: {  	[sflag:s9] =	ssyncset.done $0x0  }
0x22b: {  	[sflag:s9] =	ssyncadd.s32 $0xFFFFC800  }
0x22c: {  	_ =	swait.ge [sflag:s15], $0x3800  }
0x22d: {  	[sflag:s15] =	ssyncset.done $0x0  }
0x22e: {  	[sflag:s15] =	ssyncadd.s32 $0xFFFFC800  }
0x22f: {  	[spmem:s2] =	stream.indirect.scatter.add.f32 [tilespmem:s12], [sflag:$0x4], $0x80, s31, s11, $0xb8;
	v63 =	vld [tilespmem:$0x0]  }
0x230: {  	_ =	swait.ge [sflag:s9], $0x3800  }
0x231: {  	[sflag:s9] =	ssyncset.done $0x0  }
0x232: {  	[sflag:s9] =	ssyncadd.s32 $0xFFFFC800  }
0x233: {  	_ =	swait.ge [sflag:s16], $0x3800  }
0x234: {  	[sflag:s16] =	ssyncset.done $0x0  }
0x235: {  	[sflag:s16] =	ssyncadd.s32 $0xFFFFC800  }
0x236: {  	[spmem:s2] =	stream.indirect.scatter.add.f32 [tilespmem:s14], [sflag:$0x4], $0x80, s1, s11, $0xb8;
	v63 =	vld [tilespmem:$0x0]  }
0x237: {  	_ =	swait.ge [sflag:s9], $0x3800  }
0x238: {  	[sflag:s9] =	ssyncset.done $0x0  }
0x239: {  	s7 =	stileid.u32;
	[sflag:s9] =	ssyncadd.s32 $0xFFFFC800  }
0x23a: {  	s0 =	sshll.u32 s7, $0x6;
	[bflag:$0x0] =	sbarrier.arrive $0xFFFF  }
0x23b: {  	s0 =	sor.u32 $0x1C04, s0;
	s6 =	sshrl.u32 s5, $0x3;
	s7 =	rddreg [dreg:$0x18]  }
0x23c: {  	[hbm:s7], [sflag:s0] =	dma.local [spmem:s6], $0x2800  }
0x23d: {  	_ =	swait.ge [sflag:s9], $0x2800  }
0x23e: {  	s0 =	rddreg [dreg:$0x1a]  }
0x23f: {  	s7 =	rddreg [dreg:$0x19];
	s6 =	sadd.s32 $0x1, s0  }
0x240: {  	p0 =	sne.s32 s6, s7  }
.Ltmp3:
0x241: {  	_ = 	snop;
	(pc) =	sbr.rel @p0 .LBB2_1-.Ltmp3, $3  }
0x242: {  	_ =	sdelay $0x1  }
0x243: {  	[sflag:s9] =	ssyncset.done $0x0  }
0x244: {  	[sflag:s9] =	ssyncadd.s32 $0xFFFFD800  }
0x245: {  	_ =	sfence.sel $0x180000  }
0x246: {  	[bflag:$0x0] =	sbarrier.arrive $0xFFFF  }
0x247: {  	_ =	strace $0x9000004D  }
0x248: {  	s0 =	stileid.u32;
	[bflag:$0x2] =	sbarrier.arrive $0xFFFF  }
0x249: {  	p0 =	sne.s32 s0, $0x0;
	s0 =	rddreg [dreg:$0x2]  }
0x24a: {  	s0 =	sadd.s32 @!p0 $0x100000, s0  }
0x24b: {  	[sflag:s0] =	ssyncadd.tile.s32 @!p0 $0x1;
	_ =	shalt  }
.Lfunc_end2:
_tile_overlayer_lowered:
.L_overlay_start_2:
0x24c: {  	(tag) =	ssettag $0x2  }
0x24d: {  	s0 =	rddreg [dreg:$0x0];
	s2 =	stileid.u32  }
0x24e: {  	s1 =	rddreg [dreg:$0x1];
	p0 =	sne.s32 s2, $0x0  }
0x24f: {  	s3 =	rddreg [dreg:$0x2];
	[bflag:$0x3] =	sbarrier.arrive $0xFFFF;
	s2 =	simm.s32 @!p0 $0x1C04  }
0x250: {  	[timem:s3], [sflag:s2] =	dma.local @!p0 [hbm:s0], s1  }
0x251: {  	s0 =	simm.s32 @!p0 $0x4  }
0x252: {  	_ =	swait.ge @!p0 [sflag:s0], s1  }
0x253: {  	s1 =	ssub.s32 @!p0 $0x0, s1;
	[sflag:s0] =	ssyncset.done @!p0 $0x0  }
0x254: {  	[sflag:s0] =	ssyncadd.s32 @!p0 s1  }
0x255: {  	[bflag:$0x3] =	sbarrier.arrive $0xFFFF  }
0x256: {  	_ =	shalt  }

// kernel: kernel.19.cloned.1.call-start
scs
__scs_entry_jumppad:
0x0: {  	(pc) =	sbr.rel $0x88, $3  }
0x1: {  	(tag) =	ssettag $0x0;
	lr =	simm.s32 $0x1  }
0x2: {  	[smem:$0x3F98] =	sst lr;
	_ =	strace $0xD0000000  }
0x3: {  	_ = 	snop  }
0x4: {  	_ = 	snop  }
0x5: {  	_ = 	snop  }
0x6: {  	_ = 	snop  }
0x7: {  	_ = 	snop  }
__scs_overlays_trampoline_lowered:
0x8: {  	[smem:$0x3FA7] =	sst s0  }
0x9: {  	[smem:$0x3FA8] =	sst s1  }
0xa: {  	[smem:$0x3FA9] =	sst s2  }
0xb: {  	[smem:$0x3FAA] =	sst s3  }
0xc: {  	[smem:$0x3FAB] =	sst s4  }
0xd: {  	[smem:$0x3FAC] =	sst s5  }
0xe: {  	[smem:$0x3FAD] =	sst s6  }
0xf: {  	[smem:$0x3FAE] =	sst s7  }
0x10: {  	[smem:$0x3FAF] =	sst s8  }
0x11: {  	[smem:$0x3FB0] =	sst s9;
	s0 =	simm.s32 @!p0 $0x0  }
0x12: {  	s1 =	sld [smem:$0x3F96];
	s0 =	simm.s32 @p0 $0x1  }
0x13: {  	[smem:$0x3FB1] =	sst s0;
	s0 =	simm.s32 @!p1 $0x0  }
0x14: {  	s2 =	sld [smem:$0x3F95];
	s0 =	simm.s32 @p1 $0x1  }
0x15: {  	[smem:$0x3FB2] =	sst s0;
	s0 =	simm.s32 @!p2 $0x0  }
0x16: {  	s3 =	sld [smem:$0x3FDB];
	s0 =	simm.s32 @p2 $0x1  }
0x17: {  	s4 =	simm.s32 $0x1BF5;
	[smem:$0x3FB4] =	sst s0  }
0x18: {  	s0 =	sld [smem:$0x3F97];
	_ =	swait.ge [sflag:s4], $0x0  }
0x19: {  	s7 =	sld [smem:$0x3F98]  }
0x1a: {  	s8 =	sadd.s32 $0xFFFFE003, lr  }
0x1b: {  	s9 =	sadd.s32 $0xFFFFFEF7, lr;
	s5 =	simm.s32 $0xFFFFFFFF;
	p2 =	slt.u32 s8, $0xFFFFF086  }
0x1c: {  	p1 =	slt.u32 s9, $0xF7A;
	s5 =	simm.s32 @!p2 $0x0  }
0x1d: {  	s5 =	simm.s32 @p1 $0x1;
	p0 =	seq.s32 s7, s2  }
0x1e: {  	s7 =	smul.u32 @!p0 $0xF7A, s2;
	p2 =	seq.s32 @!p0 s5, $0x0  }
0x1f: {  	s9 =	smul.u32 $0xF7A, s1;
	s8 =	simm.s32 @!p0 $0x1BF5;
	p2 =	por !p2, p0  }
0x20: {  	[sflag:s8] =	ssyncset.s32 @!p0 $0xFFFFF086;
	s6 =	sadd.s32 @!p0 s3, s7;
	s7 =	simm.s32 @!p0 $0x108  }
0x21: {  	s3 =	sadd.s32 s3, s9;
	s6 =	sadd.s32 @!p0 $0x88, s6;
	s7 =	simm.s32 @p2 $0x1082  }
0x22: {  	[simem:s7], [sflag:s8] =	dma.local @!p0 [hbm:s6], $0xF7A  }
0x23: {  	s9 =	sor.u32 $0xD0000000, s2;
	s6 =	simm.s32 $0x108;
	_ =	swait.ge @!p0 [sflag:s8], $0x0  }
0x24: {  	s3 =	sadd.s32 $0x88, s3;
	s6 =	simm.s32 @!p1 $0x1082;
	[sflag:s4] =	ssyncset.s32 $0xFFFFF086  }
0x25: {  	[simem:s6], [sflag:s4] =	dma.local [hbm:s3], $0xF7A  }
0x26: {  	[smem:$0x3F98] =	sst s1;
	(tag) =	ssettag s2;
	_ =	strace s9  }
0x27: {  	s1 =	sld [smem:$0x3FA8]  }
0x28: {  	s2 =	sld [smem:$0x3FA9]  }
0x29: {  	s4 =	sld [smem:$0x3FAB]  }
0x2a: {  	p0 =	seq.s32 s5, $0x0;
	s5 =	sld [smem:$0x3FAC]  }
0x2b: {  	s6 =	sld [smem:$0x3FAD]  }
0x2c: {  	s7 =	sld [smem:$0x3FAE]  }
0x2d: {  	s3 =	simm.s32 $0x108;
	s8 =	sld [smem:$0x3FAF]  }
0x2e: {  	s3 =	simm.s32 @!p0 $0x1082;
	s9 =	sld [smem:$0x3FB0]  }
0x2f: {  	lr =	sadd.s32 s0, s3;
	s0 =	sld [smem:$0x3FA7]  }
0x30: {  	s3 =	sld [smem:$0x3FAA]  }
0x31: {  	[smem:$0x3FB3] =	sst s10  }
0x32: {  	s10 =	sld [smem:$0x3FB1];
	_ =	sdelay $0x3  }
0x33: {  	p0 =	seq.s32 s10, $0x1;
	s10 =	sld [smem:$0x3FB3];
	_ =	sdelay $0x3  }
0x34: {  	[smem:$0x3FB3] =	sst s10  }
0x35: {  	s10 =	sld [smem:$0x3FB2];
	_ =	sdelay $0x3  }
0x36: {  	p1 =	seq.s32 s10, $0x1;
	s10 =	sld [smem:$0x3FB3];
	_ =	sdelay $0x3  }
0x37: {  	[smem:$0x3FB3] =	sst s10  }
0x38: {  	s10 =	sld [smem:$0x3FB4]  }
0x39: {  	_ = 	snop;
	(pc) =	sbr.ind lr, $3  }
0x3a: {  	_ = 	snop  }
0x3b: {  	_ = 	snop  }
0x3c: {  	p2 =	seq.s32 s10, $0x1;
	s10 =	sld [smem:$0x3FB3]  }
0x3d: {  	_ =	shalt  }
0x3e: {  	_ =	shalt  }
0x3f: {  	_ =	shalt  }
0x40: {  	_ =	shalt  }
0x41: {  	_ =	shalt  }
0x42: {  	_ =	shalt  }
0x43: {  	_ =	shalt  }
0x44: {  	_ =	shalt  }
0x45: {  	_ =	shalt  }
0x46: {  	_ =	shalt  }
0x47: {  	_ =	shalt  }
0x48: {  	_ =	shalt  }
0x49: {  	_ =	shalt  }
0x4a: {  	_ =	shalt  }
0x4b: {  	_ =	shalt  }
0x4c: {  	_ =	shalt  }
0x4d: {  	_ =	shalt  }
0x4e: {  	_ =	shalt  }
0x4f: {  	_ =	shalt  }
0x50: {  	_ =	shalt  }
0x51: {  	_ =	shalt  }
0x52: {  	_ =	shalt  }
0x53: {  	_ =	shalt  }
0x54: {  	_ =	shalt  }
0x55: {  	_ =	shalt  }
0x56: {  	_ =	shalt  }
0x57: {  	_ =	shalt  }
0x58: {  	_ =	shalt  }
0x59: {  	_ =	shalt  }
0x5a: {  	_ =	shalt  }
0x5b: {  	_ =	shalt  }
0x5c: {  	_ =	shalt  }
0x5d: {  	_ =	shalt  }
0x5e: {  	_ =	shalt  }
0x5f: {  	_ =	shalt  }
0x60: {  	_ =	shalt  }
0x61: {  	_ =	shalt  }
0x62: {  	_ =	shalt  }
0x63: {  	_ =	shalt  }
0x64: {  	_ =	shalt  }
0x65: {  	_ =	shalt  }
0x66: {  	_ =	shalt  }
0x67: {  	_ =	shalt  }
0x68: {  	_ =	shalt  }
0x69: {  	_ =	shalt  }
0x6a: {  	_ =	shalt  }
0x6b: {  	_ =	shalt  }
0x6c: {  	_ =	shalt  }
0x6d: {  	_ =	shalt  }
0x6e: {  	_ =	shalt  }
0x6f: {  	_ =	shalt  }
0x70: {  	_ =	shalt  }
0x71: {  	_ =	shalt  }
0x72: {  	_ =	shalt  }
0x73: {  	_ =	shalt  }
0x74: {  	_ =	shalt  }
0x75: {  	_ =	shalt  }
0x76: {  	_ =	shalt  }
0x77: {  	_ =	shalt  }
0x78: {  	_ =	shalt  }
0x79: {  	_ =	shalt  }
0x7a: {  	_ =	shalt  }
0x7b: {  	_ =	shalt  }
0x7c: {  	_ =	shalt  }
0x7d: {  	_ =	shalt  }
0x7e: {  	_ =	shalt  }
0x7f: {  	_ =	shalt  }
0x80: {  	_ =	shalt  }
0x81: {  	_ =	shalt  }
0x82: {  	_ =	shalt  }
0x83: {  	_ =	shalt  }
0x84: {  	_ =	shalt  }
0x85: {  	_ =	shalt  }
0x86: {  	_ =	shalt  }
0x87: {  	_ =	shalt  }
.Lfunc_end0:
.L_simem_size_0:
called_computation.3_lowered:
.L_overlay_start_0:
0x88: {  	s2 =	sld [smem:$0x3FD9]  }
0x89: {  	s3 =	sld [smem:$0x3FFE];
	_ =	sdelay $0x1  }
0x8a: {  	s1 =	srdreg.scid  }
0x8b: {  	s0 =	sand.u32 $0x1, s1  }
0x8c: {  	s16 =	sshll.u32 s0, $0xA;
	s2 =	sadd.s32 s3, s2  }
0x8d: {  	s2 =	sadd.s32 s2, s16  }
0x8e: {  	[smem:$0x3FBF] =	sst s2  }
0x8f: {  	_ = 	snop  }
0x90: {  	(tm) =	ssettm $0x1  }
0x91: {  	s17 =	sld [smem:$0x3FFB];
	_ =	sdelay $0x3  }
0x92: {  	_ =	strace s17  }
0x93: {  	s2 =	sld [smem:$0x3FFC];
	_ =	sdelay $0x3  }
0x94: {  	_ =	strace s2  }
0x95: {  	s2 =	sld [smem:$0x3FFD];
	_ =	sdelay $0x3  }
0x96: {  	_ =	strace s2  }
0x97: {  	_ =	strace $0x8FFFFFFF  }
0x98: {  	s18 =	sld [smem:$0x3FDB];
	_ =	sdelay $0x1  }
0x99: {  	s19 =	simm.s32 $_scs_section_size  }
0x9a: {  	s4 =	simm.s32 $_size__tile_overlayer_lowered;
	s5 =	simm.s32 $_tile_overlayer_lowered  }
0x9b: {  	s22 =	simm.s32 $0x1BFF;
	s21 =	sshll.u32 s5, $0x1;
	s2 =	sadd.s32 s19, s18  }
0x9c: {  	s6 =	simm.s32 $0x0;
	s20 =	sshll.u32 s4, $0x1;
	s4 =	sadd.s32 s21, s2  }
0x9d: {  	[timem:s6], [sflag:s22] =	dma.local [hbm:s4], s20  }
0x9e: {  	_ =	swait.ge [sflag:s22], s20  }
0x9f: {  	s3 =	ssub.s32 $0x0, s20;
	[sflag:s22] =	ssyncset.done $0x0  }
0xa0: {  	[sflag:s22] =	ssyncadd.s32 s3;
	_ =	sdelay $0x1  }
0xa1: {  	s23 =	simm.s32 $0x1B8B  }
0xa2: {  	_ =	swait.ge [sflag:s23], $0x1  }
0xa3: {  	[sflag:s23] =	ssyncset.done $0x0  }
0xa4: {  	s25 =	simm.s32 $0x1B8E;
	s24 =	sld [smem:$0x3FFE];
	[sflag:s23] =	ssyncadd.s32 $0xFFFFFFFF  }
0xa5: {  	s26 =	simm.s32 $execute0_lowered;
	[smem:$0x3FD2] =	sst s25  }
0xa6: {  	s4 =	sshll.u32 s26, $0x1;
	_ =	strace $0x8000004F;
	[dreg:$0x1] =	wrdreg $0xFFFFFFFF  }
0xa7: {  	s28 =	simm.s32 $_size_execute0_lowered;
	s2 =	sadd.s32 s2, s4;
	[dreg:$0x0] =	wrdreg $0x0  }
0xa8: {  	s4 =	sshll.u32 s28, $0x1;
	[dreg:$0x2] =	wrdreg s2  }
0xa9: {  	[dreg:$0x3] =	wrdreg s4  }
0xaa: {  	[dreg:$0x4] =	wrdreg $0xC0  }
0xab: {  	_ =	task [dreg:s6], $0x5FFFF  }
0xac: {  	[dreg:$0x1] =	wrdreg $0xFFFFFFFF  }
0xad: {  	[dreg:$0x0] =	wrdreg $0x60  }
0xae: {  	[dreg:$0x2] =	wrdreg s24  }
0xaf: {  	[dreg:$0x3] =	wrdreg $0xC0000  }
0xb0: {  	[dreg:$0x4] =	wrdreg $0x9  }
0xb1: {  	_ =	task.clear_ibuf [dreg:s6], $0x5FFFF;
	_ =	strace $0x9000004F  }
0xb2: {  	s29 =	simm.s32 $0x9;
	_ =	strace $0x80000051  }
0xb3: {  	_ =	swait.ge [sflag:s29], $0x1  }
0xb4: {  	[sflag:s29] =	ssyncadd.s32 $0xFFFFFFFF  }
0xb5: {  	_ =	strace $0x90000051  }
0xb6: {  	_ =	sfence  }
0xb7: {  	s30 =	sld [smem:$0x0];
	_ =	sdelay $0x2  }
0xb8: {  	s31 =	sshll.u32 s1, $0xD;
	s1 =	sshrl.u32 s1, $0x2  }
0xb9: {  	s3 =	sand.u32 $0x4000, s31;
	s1 =	sadd.s32 s1, s30  }
0xba: {  	s0 =	sor.u32 s3, s0;
	s1 =	sshll.u32 s1, $0x11  }
0xbb: {  	s0 =	sor.u32 s1, s0  }
0xbc: {  	s0 =	sadd.s32 $0x8F2B, s0  }
0xbd: {  	[sflag:s0] =	ssyncadd.remote.s32 $0x1  }
0xbe: {  	_ =	sfence.sel $0xFFFF  }
0xbf: {  	[dreg:$0x0] =	wrdreg $0xFFFFFFFF;
	(pc) =	sbr.abs _section_cstart, $3  }
0xc0: {  	[dreg:$0x1] =	wrdreg $0xFFFFFFFF  }
0xc1: {  	_ =	task.clear_ibuf [dreg:s6], $0x2FFFF;
	_ =	strace $0x9FFFFFFF  }
0xc2: {  	(tm) =	ssettm $0x7FFFFFFF  }
0xc3: {  	_ =	shalt  }
tec
execute0_lowered:
.L_overlay_start_1:
0x0: {  	(tag) =	ssettag $0x1  }
0x1: {  	s0 =	srdreg.scid  }
0x2: {  	s9 =	stileid.u32;
	s5 =	rddreg [dreg:$0x0]  }
0x3: {  	s2 =	rddreg [dreg:$0x1];
	s0 =	sand.u32 $0x1, s0;
	s1 =	smul.u32 $0x7800, s9  }
0x4: {  	s25 =	simm.s32 $0x80;
	s26 =	simm.s32 $0x100;
	s3 =	smul.u32 $0x3C00, s0  }
0x5: {  	s10 =	simm.s32 $0x200;
	s12 =	simm.s32 $0xD00;
	s13 =	simm.s32 $0x280  }
0x6: {  	s7 =	smul.u32 $0x14000, s9;
	s1 =	sadd.s32 s3, s1;
	s3 =	simm.s32 $0x0  }
0x7: {  	s15 =	simm.s32 $0xD80;
	s6 =	smul.u32 $0x140000, s0;
	[smem:$0x7FF] =	sst s3  }
0x8: {  	s16 =	simm.s32 $0x300;
	_ =	strace $0x80000050;
	[dreg:$0x5] =	wrdreg s25  }
0x9: {  	s6 =	sadd.s32 s7, s6;
	s7 =	simm.s32 $0xC80;
	[dreg:$0x6] =	wrdreg s26  }
0xa: {  	s17 =	simm.s32 $0xE00;
	s18 =	simm.s32 $0x380;
	[dreg:$0x8] =	wrdreg s7  }
0xb: {  	s19 =	simm.s32 $0xE80;
	s20 =	simm.s32 $0x400;
	[dreg:$0x9] =	wrdreg s10  }
0xc: {  	s21 =	simm.s32 $0xF00;
	s22 =	simm.s32 $0x480;
	[dreg:$0xa] =	wrdreg s12  }
0xd: {  	s23 =	simm.s32 $0xF80;
	s24 =	simm.s32 $0x500;
	[dreg:$0xb] =	wrdreg s13  }
0xe: {  	s28 =	simm.s32 $0x1300;
	s29 =	simm.s32 $0x880;
	[dreg:$0xc] =	wrdreg s15  }
0xf: {  	s30 =	simm.s32 $0x1380;
	s31 =	simm.s32 $0x1400;
	[dreg:$0xd] =	wrdreg s16  }
0x10: {  	s4 =	sadd.s32 $0x72C00, s5;
	s11 =	smul.u32 $0x50000, s9;
	[dreg:$0xe] =	wrdreg s17  }
0x11: {  	s9 =	simm.s32 $0x4;
	s0 =	ssub.s32 $0x2, s0;
	[dreg:$0xf] =	wrdreg s18  }
0x12: {  	s14 =	sshrl.u32 s11, $0x2;
	s11 =	simm.s32 $0x70;
	[dreg:$0x10] =	wrdreg s19  }
0x13: {  	s1 =	sshrl.u32 s1, $0x3;
	s6 =	sshrl.u32 s6, $0x3;
	[dreg:$0x11] =	wrdreg s20  }
0x14: {  	s1 =	sadd.s32 s1, s5;
	s6 =	sadd.s32 s6, s5;
	[dreg:$0x12] =	wrdreg s21  }
0x15: {  	s5 =	simm.s32 $0x180;
	s10 =	simm.s32 $0xC00;
	[dreg:$0x13] =	wrdreg s22  }
0x16: {  	s12 =	simm.s32 $0x5000;
	s13 =	simm.s32 $0x1;
	[dreg:$0x14] =	wrdreg s23  }
0x17: {  	[dreg:$0x15] =	wrdreg s24;
	s25 =	simm.s32 $0x1000;
	s15 =	simm.s32 $0x2  }
0x18: {  	s26 =	simm.s32 $0x580;
	s16 =	simm.s32 $0x3;
	s17 =	simm.s32 $0x1080  }
0x19: {  	s18 =	simm.s32 $0x600;
	s19 =	simm.s32 $0x1100;
	s20 =	simm.s32 $0x680  }
0x1a: {  	s21 =	simm.s32 $0x1180;
	s22 =	simm.s32 $0x700;
	s23 =	simm.s32 $0x1200  }
0x1b: {  	s24 =	simm.s32 $0x780;
	s8 =	sadd.s32 $0x63C00, s1;
	[dreg:$0x7] =	wrdreg s5  }
0x1c: {  	s1 =	sadd.s32 $0x54C00, s1;
	s5 =	sadd.s32 s14, s2;
	[dreg:$0x16] =	wrdreg s25  }
0x1d: {  	s6 =	sadd.s32 $0x99E00, s6;
	s14 =	simm.s32 $0x8800;
	[dreg:$0x17] =	wrdreg s26  }
0x1e: {  	s25 =	simm.s32 $0x1280;
	[dreg:$0x3] =	wrdreg s8;
	s8 =	sshrl.u32 s0, $0x1  }
0x1f: {  	s26 =	simm.s32 $0x800;
	[dreg:$0x4] =	wrdreg s1;
	s0 =	ssub.s32 s0, s8  }
0x20: {  	[dreg:$0x18] =	wrdreg s6;
	s1 =	simm.s32 $0x1480;
	s0 =	smax.u32 s0, $0x1  }
0x21: {  	v0 =	vimm.f32 $0.0e+00;
	s6 =	simm.s32 $0x0;
	s8 =	simm.s32 $0x1800;
	[dreg:$0x19] =	wrdreg s0  }
.LBB2_1:
0x22: {  	[dreg:$0x1a] =	wrdreg s6;
	s6 =	simm.s32 $0x0;
	s7 =	simm.s32 $0x200  }
.LBB2_2:
0x23: {  	p0 =	sne.s32 s7, $0x1E00;
	[tilespmem:s6+$0x1870] =	vst v0  }
0x24: {  	[tilespmem:s6+$0x1800] =	vst v0  }
0x25: {  	[tilespmem:s6+$0x1810] =	vst v0  }
.Ltmp0:
0x26: {  	[tilespmem:s6+$0x1820] =	vst v0;
	(pc) =	sbr.rel @p0 .LBB2_2-.Ltmp0, $4  }
0x27: {  	[tilespmem:s6+$0x1830] =	vst v0  }
0x28: {  	[tilespmem:s6+$0x1840] =	vst v0  }
0x29: {  	[tilespmem:s6+$0x1850] =	vst v0  }
0x2a: {  	[tilespmem:s6+$0x1860] =	vst v0;
	s6 =	sshra.s32 s7, $0x2;
	s7 =	sadd.s32 $0x200, s7  }
0x2b: {  	[tilespmem:s6+$0x1870] =	vst v0  }
0x2c: {  	[tilespmem:s6+$0x1800] =	vst v0  }
0x2d: {  	[tilespmem:s6+$0x1810] =	vst v0  }
0x2e: {  	[tilespmem:s6+$0x1820] =	vst v0  }
0x2f: {  	[tilespmem:s6+$0x1830] =	vst v0  }
0x30: {  	[tilespmem:s6+$0x1840] =	vst v0  }
0x31: {  	[tilespmem:s6+$0x1850] =	vst v0  }
0x32: {  	[tilespmem:s6+$0x1860] =	vst v0;
	s0 =	sadd.s32 $0x0, s5  }
0x33: {  	[spmem:s0] =	stream.linear.scatter [tilespmem:s8], [sflag:$0x4], $0x800, $0x38;
	v63 =	vld [tilespmem:$0x0]  }
0x34: {  	s6 =	simm.s32 $0x2000;
	_ =	swait.ge [sflag:s9], $0x800  }
.LBB2_4:
0x35: {  	s0 =	sshra.s32 s6, $0x2;
	[sflag:s9] =	ssyncset.done $0x0;
	p0 =	sne.s32 s6, $0x4E000  }
.Ltmp1:
0x36: {  	s0 =	sadd.s32 s0, s5;
	[sflag:s9] =	ssyncadd.s32 $0xFFFFF800;
	(pc) =	sbr.rel @p0 .LBB2_4-.Ltmp1, $3  }
0x37: {  	[spmem:s0] =	stream.linear.scatter [tilespmem:s8], [sflag:$0x4], $0x800, $0x38;
	v63 =	vld [tilespmem:$0x0]  }
0x38: {  	s6 =	sadd.s32 $0x2000, s6;
	_ =	sdelay $0x1  }
0x39: {  	_ =	swait.ge [sflag:s9], $0x800  }
0x3a: {  	[sflag:s9] =	ssyncset.done $0x0  }
0x3b: {  	[sflag:s9] =	ssyncadd.s32 $0xFFFFF800  }
0x3c: {  	[bflag:$0x0] =	sbarrier.arrive $0xFFFF  }
0x3d: {  	s0 =	rddreg [dreg:$0x4]  }
0x3e: {  	s0 =	sadd.s32 $0x0, s0  }
0x3f: {  	[tilespmem:s3], [sflag:$0x4] =	stream.linear.gather [hbm4b:s0+s3], $0x900, $0x38;
	v63 =	vld [tilespmem:$0x0]  }
0x40: {  	_ =	swait.ge [sflag:s9], $0x900  }
0x41: {  	s6 =	rddreg [dreg:$0x3];
	[sflag:s9] =	ssyncset.done $0x0  }
0x42: {  	[sflag:s9] =	ssyncadd.s32 $0xFFFFF700;
	s0 =	sadd.s32 $0x0, s6  }
0x43: {  	[tilespmem:s10], [sflag:$0x4] =	stream.linear.gather [hbm4b:s0+s3], $0x900, $0x38;
	v63 =	vld [tilespmem:$0x0]  }
0x44: {  	_ =	swait.ge [sflag:s9], $0x900  }
0x45: {  	[sflag:s9] =	ssyncset.done $0x0  }
0x46: {  	[sflag:s9] =	ssyncadd.s32 $0xFFFFF700  }
0x47: {  	[tilespmem:s8], [sflag:$0x1] =	stream.indirect.gather [hbm4b:s4+s11], $0x80, s3, s11, $0xb8;
	v63 =	vld [tilespmem:$0x0]  }
0x48: {  	s7 =	rddreg [dreg:$0x5]  }
0x49: {  	[tilespmem:s12], [sflag:$0x2] =	stream.indirect.gather [hbm4b:s4+s11], $0x80, s7, s11, $0xb8;
	v63 =	vld [tilespmem:$0x0]  }
0x4a: {  	_ =	swait.ge [sflag:s13], $0x3800  }
0x4b: {  	[sflag:s13] =	ssyncset.done $0x0  }
0x4c: {  	s6 =	rddreg [dreg:$0x6];
	[sflag:s13] =	ssyncadd.s32 $0xFFFFC800  }
0x4d: {  	[tilespmem:s14], [sflag:$0x3] =	stream.indirect.gather [hbm4b:s4+s11], $0x80, s6, s11, $0xb8;
	v63 =	vld [tilespmem:$0x0]  }
0x4e: {  	_ = 	snop  }
0x4f: {  	[spmem:s2] =	stream.indirect.scatter.add.f32 [tilespmem:s8], [sflag:$0x4], $0x80, s10, s11, $0xb8;
	v63 =	vld [tilespmem:$0x0]  }
0x50: {  	_ =	swait.ge [sflag:s9], $0x3800  }
0x51: {  	[sflag:s9] =	ssyncset.done $0x0  }
0x52: {  	[sflag:s9] =	ssyncadd.s32 $0xFFFFC800  }
0x53: {  	_ =	swait.ge [sflag:s15], $0x3800  }
0x54: {  	[sflag:s15] =	ssyncset.done $0x0  }
0x55: {  	s7 =	rddreg [dreg:$0x7];
	[sflag:s15] =	ssyncadd.s32 $0xFFFFC800  }
0x56: {  	[tilespmem:s8], [sflag:$0x1] =	stream.indirect.gather [hbm4b:s4+s11], $0x80, s7, s11, $0xb8;
	v63 =	vld [tilespmem:$0x0]  }
0x57: {  	s6 =	rddreg [dreg:$0x8]  }
0x58: {  	[spmem:s2] =	stream.indirect.scatter.add.f32 [tilespmem:s12], [sflag:$0x4], $0x80, s6, s11, $0xb8;
	v63 =	vld [tilespmem:$0x0]  }
0x59: {  	_ =	swait.ge [sflag:s9], $0x3800  }
0x5a: {  	[sflag:s9] =	ssyncset.done $0x0  }
0x5b: {  	[sflag:s9] =	ssyncadd.s32 $0xFFFFC800  }
0x5c: {  	_ =	swait.ge [sflag:s16], $0x3800  }
0x5d: {  	[sflag:s16] =	ssyncset.done $0x0  }
0x5e: {  	s6 =	rddreg [dreg:$0x9];
	[sflag:s16] =	ssyncadd.s32 $0xFFFFC800  }
0x5f: {  	[tilespmem:s12], [sflag:$0x2] =	stream.indirect.gather [hbm4b:s4+s11], $0x80, s6, s11, $0xb8;
	v63 =	vld [tilespmem:$0x0]  }
0x60: {  	s7 =	rddreg [dreg:$0xa]  }
0x61: {  	[spmem:s2] =	stream.indirect.scatter.add.f32 [tilespmem:s14], [sflag:$0x4], $0x80, s7, s11, $0xb8;
	v63 =	vld [tilespmem:$0x0]  }
0x62: {  	_ =	swait.ge [sflag:s9], $0x3800  }
0x63: {  	[sflag:s9] =	ssyncset.done $0x0  }
0x64: {  	[sflag:s9] =	ssyncadd.s32 $0xFFFFC800  }
0x65: {  	_ =	swait.ge [sflag:s13], $0x3800  }
0x66: {  	[sflag:s13] =	ssyncset.done $0x0  }
0x67: {  	s6 =	rddreg [dreg:$0xb];
	[sflag:s13] =	ssyncadd.s32 $0xFFFFC800  }
0x68: {  	[tilespmem:s14], [sflag:$0x3] =	stream.indirect.gather [hbm4b:s4+s11], $0x80, s6, s11, $0xb8;
	v63 =	vld [tilespmem:$0x0]  }
0x69: {  	s7 =	rddreg [dreg:$0xc]  }
0x6a: {  	[spmem:s2] =	stream.indirect.scatter.add.f32 [tilespmem:s8], [sflag:$0x4], $0x80, s7, s11, $0xb8;
	v63 =	vld [tilespmem:$0x0]  }
0x6b: {  	_ =	swait.ge [sflag:s9], $0x3800  }
0x6c: {  	[sflag:s9] =	ssyncset.done $0x0  }
0x6d: {  	[sflag:s9] =	ssyncadd.s32 $0xFFFFC800  }
0x6e: {  	_ =	swait.ge [sflag:s15], $0x3800  }
0x6f: {  	[sflag:s15] =	ssyncset.done $0x0  }
0x70: {  	s6 =	rddreg [dreg:$0xd];
	[sflag:s15] =	ssyncadd.s32 $0xFFFFC800  }
0x71: {  	[tilespmem:s8], [sflag:$0x1] =	stream.indirect.gather [hbm4b:s4+s11], $0x80, s6, s11, $0xb8;
	v63 =	vld [tilespmem:$0x0]  }
0x72: {  	s7 =	rddreg [dreg:$0xe]  }
0x73: {  	[spmem:s2] =	stream.indirect.scatter.add.f32 [tilespmem:s12], [sflag:$0x4], $0x80, s7, s11, $0xb8;
	v63 =	vld [tilespmem:$0x0]  }
0x74: {  	_ =	swait.ge [sflag:s9], $0x3800  }
0x75: {  	[sflag:s9] =	ssyncset.done $0x0  }
0x76: {  	[sflag:s9] =	ssyncadd.s32 $0xFFFFC800  }
0x77: {  	_ =	swait.ge [sflag:s16], $0x3800  }
0x78: {  	[sflag:s16] =	ssyncset.done $0x0  }
0x79: {  	s6 =	rddreg [dreg:$0xf];
	[sflag:s16] =	ssyncadd.s32 $0xFFFFC800  }
0x7a: {  	[tilespmem:s12], [sflag:$0x2] =	stream.indirect.gather [hbm4b:s4+s11], $0x80, s6, s11, $0xb8;
	v63 =	vld [tilespmem:$0x0]  }
0x7b: {  	s7 =	rddreg [dreg:$0x10]  }
0x7c: {  	[spmem:s2] =	stream.indirect.scatter.add.f32 [tilespmem:s14], [sflag:$0x4], $0x80, s7, s11, $0xb8;
	v63 =	vld [tilespmem:$0x0]  }
0x7d: {  	_ =	swait.ge [sflag:s9], $0x3800  }
0x7e: {  	[sflag:s9] =	ssyncset.done $0x0  }
0x7f: {  	[sflag:s9] =	ssyncadd.s32 $0xFFFFC800  }
0x80: {  	_ =	swait.ge [sflag:s13], $0x3800  }
0x81: {  	[sflag:s13] =	ssyncset.done $0x0  }
0x82: {  	s6 =	rddreg [dreg:$0x11];
	[sflag:s13] =	ssyncadd.s32 $0xFFFFC800  }
0x83: {  	[tilespmem:s14], [sflag:$0x3] =	stream.indirect.gather [hbm4b:s4+s11], $0x80, s6, s11, $0xb8;
	v63 =	vld [tilespmem:$0x0]  }
0x84: {  	s7 =	rddreg [dreg:$0x12]  }
0x85: {  	[spmem:s2] =	stream.indirect.scatter.add.f32 [tilespmem:s8], [sflag:$0x4], $0x80, s7, s11, $0xb8;
	v63 =	vld [tilespmem:$0x0]  }
0x86: {  	_ =	swait.ge [sflag:s9], $0x3800  }
0x87: {  	[sflag:s9] =	ssyncset.done $0x0  }
0x88: {  	[sflag:s9] =	ssyncadd.s32 $0xFFFFC800  }
0x89: {  	_ =	swait.ge [sflag:s15], $0x3800  }
0x8a: {  	[sflag:s15] =	ssyncset.done $0x0  }
0x8b: {  	s6 =	rddreg [dreg:$0x13];
	[sflag:s15] =	ssyncadd.s32 $0xFFFFC800  }
0x8c: {  	[tilespmem:s8], [sflag:$0x1] =	stream.indirect.gather [hbm4b:s4+s11], $0x80, s6, s11, $0xb8;
	v63 =	vld [tilespmem:$0x0]  }
0x8d: {  	s7 =	rddreg [dreg:$0x14]  }
0x8e: {  	[spmem:s2] =	stream.indirect.scatter.add.f32 [tilespmem:s12], [sflag:$0x4], $0x80, s7, s11, $0xb8;
	v63 =	vld [tilespmem:$0x0]  }
0x8f: {  	_ =	swait.ge [sflag:s9], $0x3800  }
0x90: {  	[sflag:s9] =	ssyncset.done $0x0  }
0x91: {  	[sflag:s9] =	ssyncadd.s32 $0xFFFFC800  }
0x92: {  	_ =	swait.ge [sflag:s16], $0x3800  }
0x93: {  	[sflag:s16] =	ssyncset.done $0x0  }
0x94: {  	s6 =	rddreg [dreg:$0x15];
	[sflag:s16] =	ssyncadd.s32 $0xFFFFC800  }
0x95: {  	[tilespmem:s12], [sflag:$0x2] =	stream.indirect.gather [hbm4b:s4+s11], $0x80, s6, s11, $0xb8;
	v63 =	vld [tilespmem:$0x0]  }
0x96: {  	s7 =	rddreg [dreg:$0x16]  }
0x97: {  	[spmem:s2] =	stream.indirect.scatter.add.f32 [tilespmem:s14], [sflag:$0x4], $0x80, s7, s11, $0xb8;
	v63 =	vld [tilespmem:$0x0]  }
0x98: {  	_ =	swait.ge [sflag:s9], $0x3800  }
0x99: {  	[sflag:s9] =	ssyncset.done $0x0  }
0x9a: {  	[sflag:s9] =	ssyncadd.s32 $0xFFFFC800  }
0x9b: {  	_ =	swait.ge [sflag:s13], $0x3800  }
0x9c: {  	[sflag:s13] =	ssyncset.done $0x0  }
0x9d: {  	s7 =	rddreg [dreg:$0x17];
	[sflag:s13] =	ssyncadd.s32 $0xFFFFC800  }
0x9e: {  	[tilespmem:s14], [sflag:$0x3] =	stream.indirect.gather [hbm4b:s4+s11], $0x80, s7, s11, $0xb8;
	v63 =	vld [tilespmem:$0x0]  }
0x9f: {  	_ = 	snop  }
0xa0: {  	[spmem:s2] =	stream.indirect.scatter.add.f32 [tilespmem:s8], [sflag:$0x4], $0x80, s17, s11, $0xb8;
	v63 =	vld [tilespmem:$0x0]  }
0xa1: {  	_ =	swait.ge [sflag:s9], $0x3800  }
0xa2: {  	[sflag:s9] =	ssyncset.done $0x0  }
0xa3: {  	[sflag:s9] =	ssyncadd.s32 $0xFFFFC800  }
0xa4: {  	_ =	swait.ge [sflag:s15], $0x3800  }
0xa5: {  	[sflag:s15] =	ssyncset.done $0x0  }
0xa6: {  	[sflag:s15] =	ssyncadd.s32 $0xFFFFC800  }
0xa7: {  	[tilespmem:s8], [sflag:$0x1] =	stream.indirect.gather [hbm4b:s4+s11], $0x80, s18, s11, $0xb8;
	v63 =	vld [tilespmem:$0x0]  }
0xa8: {  	_ = 	snop  }
0xa9: {  	[spmem:s2] =	stream.indirect.scatter.add.f32 [tilespmem:s12], [sflag:$0x4], $0x80, s19, s11, $0xb8;
	v63 =	vld [tilespmem:$0x0]  }
0xaa: {  	_ =	swait.ge [sflag:s9], $0x3800  }
0xab: {  	[sflag:s9] =	ssyncset.done $0x0  }
0xac: {  	[sflag:s9] =	ssyncadd.s32 $0xFFFFC800  }
0xad: {  	_ =	swait.ge [sflag:s16], $0x3800  }
0xae: {  	[sflag:s16] =	ssyncset.done $0x0  }
0xaf: {  	[sflag:s16] =	ssyncadd.s32 $0xFFFFC800  }
0xb0: {  	[tilespmem:s12], [sflag:$0x2] =	stream.indirect.gather [hbm4b:s4+s11], $0x80, s20, s11, $0xb8;
	v63 =	vld [tilespmem:$0x0]  }
0xb1: {  	_ = 	snop  }
0xb2: {  	[spmem:s2] =	stream.indirect.scatter.add.f32 [tilespmem:s14], [sflag:$0x4], $0x80, s21, s11, $0xb8;
	v63 =	vld [tilespmem:$0x0]  }
0xb3: {  	_ =	swait.ge [sflag:s9], $0x3800  }
0xb4: {  	[sflag:s9] =	ssyncset.done $0x0  }
0xb5: {  	[sflag:s9] =	ssyncadd.s32 $0xFFFFC800  }
0xb6: {  	_ =	swait.ge [sflag:s13], $0x3800  }
0xb7: {  	[sflag:s13] =	ssyncset.done $0x0  }
0xb8: {  	[sflag:s13] =	ssyncadd.s32 $0xFFFFC800  }
0xb9: {  	[tilespmem:s14], [sflag:$0x3] =	stream.indirect.gather [hbm4b:s4+s11], $0x80, s22, s11, $0xb8;
	v63 =	vld [tilespmem:$0x0]  }
0xba: {  	_ = 	snop  }
0xbb: {  	[spmem:s2] =	stream.indirect.scatter.add.f32 [tilespmem:s8], [sflag:$0x4], $0x80, s23, s11, $0xb8;
	v63 =	vld [tilespmem:$0x0]  }
0xbc: {  	_ =	swait.ge [sflag:s9], $0x3800  }
0xbd: {  	[sflag:s9] =	ssyncset.done $0x0  }
0xbe: {  	[sflag:s9] =	ssyncadd.s32 $0xFFFFC800  }
0xbf: {  	_ =	swait.ge [sflag:s15], $0x3800  }
0xc0: {  	[sflag:s15] =	ssyncset.done $0x0  }
0xc1: {  	[sflag:s15] =	ssyncadd.s32 $0xFFFFC800  }
0xc2: {  	[tilespmem:s8], [sflag:$0x1] =	stream.indirect.gather [hbm4b:s4+s11], $0x80, s24, s11, $0xb8;
	v63 =	vld [tilespmem:$0x0]  }
0xc3: {  	_ = 	snop  }
0xc4: {  	[spmem:s2] =	stream.indirect.scatter.add.f32 [tilespmem:s12], [sflag:$0x4], $0x80, s25, s11, $0xb8;
	v63 =	vld [tilespmem:$0x0]  }
0xc5: {  	_ =	swait.ge [sflag:s9], $0x3800  }
0xc6: {  	[sflag:s9] =	ssyncset.done $0x0  }
0xc7: {  	[sflag:s9] =	ssyncadd.s32 $0xFFFFC800  }
0xc8: {  	_ =	swait.ge [sflag:s16], $0x3800  }
0xc9: {  	[sflag:s16] =	ssyncset.done $0x0  }
0xca: {  	[sflag:s16] =	ssyncadd.s32 $0xFFFFC800  }
0xcb: {  	[tilespmem:s12], [sflag:$0x2] =	stream.indirect.gather [hbm4b:s4+s11], $0x80, s26, s11, $0xb8;
	v63 =	vld [tilespmem:$0x0]  }
0xcc: {  	_ = 	snop  }
0xcd: {  	[spmem:s2] =	stream.indirect.scatter.add.f32 [tilespmem:s14], [sflag:$0x4], $0x80, s28, s11, $0xb8;
	v63 =	vld [tilespmem:$0x0]  }
0xce: {  	_ =	swait.ge [sflag:s9], $0x3800  }
0xcf: {  	[sflag:s9] =	ssyncset.done $0x0  }
0xd0: {  	[sflag:s9] =	ssyncadd.s32 $0xFFFFC800  }
0xd1: {  	_ =	swait.ge [sflag:s13], $0x3800  }
0xd2: {  	[sflag:s13] =	ssyncset.done $0x0  }
0xd3: {  	[sflag:s13] =	ssyncadd.s32 $0xFFFFC800  }
0xd4: {  	[tilespmem:s14], [sflag:$0x3] =	stream.indirect.gather [hbm4b:s4+s11], $0x80, s29, s11, $0xb8;
	v63 =	vld [tilespmem:$0x0]  }
0xd5: {  	_ = 	snop  }
0xd6: {  	[spmem:s2] =	stream.indirect.scatter.add.f32 [tilespmem:s8], [sflag:$0x4], $0x80, s30, s11, $0xb8;
	v63 =	vld [tilespmem:$0x0]  }
0xd7: {  	_ =	swait.ge [sflag:s9], $0x3800  }
0xd8: {  	[sflag:s9] =	ssyncset.done $0x0  }
0xd9: {  	[sflag:s9] =	ssyncadd.s32 $0xFFFFC800  }
0xda: {  	_ =	swait.ge [sflag:s15], $0x3800  }
0xdb: {  	[sflag:s15] =	ssyncset.done $0x0  }
0xdc: {  	[sflag:s15] =	ssyncadd.s32 $0xFFFFC800  }
0xdd: {  	[spmem:s2] =	stream.indirect.scatter.add.f32 [tilespmem:s12], [sflag:$0x4], $0x80, s31, s11, $0xb8;
	v63 =	vld [tilespmem:$0x0]  }
0xde: {  	_ =	swait.ge [sflag:s9], $0x3800  }
0xdf: {  	[sflag:s9] =	ssyncset.done $0x0  }
0xe0: {  	[sflag:s9] =	ssyncadd.s32 $0xFFFFC800  }
0xe1: {  	_ =	swait.ge [sflag:s16], $0x3800  }
0xe2: {  	[sflag:s16] =	ssyncset.done $0x0  }
0xe3: {  	[sflag:s16] =	ssyncadd.s32 $0xFFFFC800  }
0xe4: {  	[spmem:s2] =	stream.indirect.scatter.add.f32 [tilespmem:s14], [sflag:$0x4], $0x80, s1, s11, $0xb8;
	v63 =	vld [tilespmem:$0x0]  }
0xe5: {  	s6 =	simm.s32 $0x180;
	_ =	swait.ge [sflag:s9], $0x3800  }
0xe6: {  	s7 =	simm.s32 $0x300;
	s0 =	rddreg [dreg:$0x4];
	[sflag:s9] =	ssyncset.done $0x0  }
.LBB2_6:
0xe7: {  	[sflag:s9] =	ssyncadd.s32 $0xFFFFC800;
	s0 =	sadd.s32 s6, s0  }
0xe8: {  	[tilespmem:s3], [sflag:$0x4] =	stream.linear.gather [hbm4b:s0+s3], $0x900, $0x38;
	v63 =	vld [tilespmem:$0x0]  }
0xe9: {  	_ =	swait.ge [sflag:s9], $0x900  }
0xea: {  	s0 =	rddreg [dreg:$0x3];
	[sflag:s9] =	ssyncset.done $0x0  }
0xeb: {  	[sflag:s9] =	ssyncadd.s32 $0xFFFFF700;
	s0 =	sadd.s32 s6, s0  }
0xec: {  	[tilespmem:s10], [sflag:$0x4] =	stream.linear.gather [hbm4b:s0+s3], $0x900, $0x38;
	v63 =	vld [tilespmem:$0x0]  }
0xed: {  	_ =	swait.ge [sflag:s9], $0x900  }
0xee: {  	[sflag:s9] =	ssyncset.done $0x0  }
0xef: {  	s17 =	smov.u32 s7;
	[sflag:s9] =	ssyncadd.s32 $0xFFFFF700  }
0xf0: {  	[tilespmem:s8], [sflag:$0x1] =	stream.indirect.gather [hbm4b:s4+s11], $0x80, s3, s11, $0xb8;
	v63 =	vld [tilespmem:$0x0]  }
0xf1: {  	s6 =	smov.u32 s17;
	s17 =	rddreg [dreg:$0x5]  }
0xf2: {  	[tilespmem:s12], [sflag:$0x2] =	stream.indirect.gather [hbm4b:s4+s11], $0x80, s17, s11, $0xb8;
	v63 =	vld [tilespmem:$0x0]  }
0xf3: {  	_ =	swait.ge [sflag:s13], $0x3800  }
0xf4: {  	[sflag:s13] =	ssyncset.done $0x0  }
0xf5: {  	s17 =	rddreg [dreg:$0x6];
	[sflag:s13] =	ssyncadd.s32 $0xFFFFC800  }
0xf6: {  	[tilespmem:s14], [sflag:$0x3] =	stream.indirect.gather [hbm4b:s4+s11], $0x80, s17, s11, $0xb8;
	v63 =	vld [tilespmem:$0x0]  }
0xf7: {  	_ = 	snop  }
0xf8: {  	[spmem:s2] =	stream.indirect.scatter.add.f32 [tilespmem:s8], [sflag:$0x4], $0x80, s10, s11, $0xb8;
	v63 =	vld [tilespmem:$0x0]  }
0xf9: {  	_ =	swait.ge [sflag:s9], $0x3800  }
0xfa: {  	[sflag:s9] =	ssyncset.done $0x0  }
0xfb: {  	[sflag:s9] =	ssyncadd.s32 $0xFFFFC800  }
0xfc: {  	_ =	swait.ge [sflag:s15], $0x3800  }
0xfd: {  	[sflag:s15] =	ssyncset.done $0x0  }
0xfe: {  	s0 =	rddreg [dreg:$0x7];
	[sflag:s15] =	ssyncadd.s32 $0xFFFFC800  }
0xff: {  	[tilespmem:s8], [sflag:$0x1] =	stream.indirect.gather [hbm4b:s4+s11], $0x80, s0, s11, $0xb8;
	v63 =	vld [tilespmem:$0x0]  }
0x100: {  	s17 =	rddreg [dreg:$0x8]  }
0x101: {  	[spmem:s2] =	stream.indirect.scatter.add.f32 [tilespmem:s12], [sflag:$0x4], $0x80, s17, s11, $0xb8;
	v63 =	vld [tilespmem:$0x0]  }
0x102: {  	_ =	swait.ge [sflag:s9], $0x3800  }
0x103: {  	[sflag:s9] =	ssyncset.done $0x0  }
0x104: {  	[sflag:s9] =	ssyncadd.s32 $0xFFFFC800  }
0x105: {  	_ =	swait.ge [sflag:s16], $0x3800  }
0x106: {  	[sflag:s16] =	ssyncset.done $0x0  }
0x107: {  	s0 =	rddreg [dreg:$0x9];
	[sflag:s16] =	ssyncadd.s32 $0xFFFFC800  }
0x108: {  	[tilespmem:s12], [sflag:$0x2] =	stream.indirect.gather [hbm4b:s4+s11], $0x80, s0, s11, $0xb8;
	v63 =	vld [tilespmem:$0x0]  }
0x109: {  	s17 =	rddreg [dreg:$0xa]  }
0x10a: {  	[spmem:s2] =	stream.indirect.scatter.add.f32 [tilespmem:s14], [sflag:$0x4], $0x80, s17, s11, $0xb8;
	v63 =	vld [tilespmem:$0x0]  }
0x10b: {  	_ =	swait.ge [sflag:s9], $0x3800  }
0x10c: {  	[sflag:s9] =	ssyncset.done $0x0  }
0x10d: {  	[sflag:s9] =	ssyncadd.s32 $0xFFFFC800  }
0x10e: {  	_ =	swait.ge [sflag:s13], $0x3800  }
0x10f: {  	[sflag:s13] =	ssyncset.done $0x0  }
0x110: {  	s0 =	rddreg [dreg:$0xb];
	[sflag:s13] =	ssyncadd.s32 $0xFFFFC800  }
0x111: {  	[tilespmem:s14], [sflag:$0x3] =	stream.indirect.gather [hbm4b:s4+s11], $0x80, s0, s11, $0xb8;
	v63 =	vld [tilespmem:$0x0]  }
0x112: {  	s17 =	rddreg [dreg:$0xc]  }
0x113: {  	[spmem:s2] =	stream.indirect.scatter.add.f32 [tilespmem:s8], [sflag:$0x4], $0x80, s17, s11, $0xb8;
	v63 =	vld [tilespmem:$0x0]  }
0x114: {  	_ =	swait.ge [sflag:s9], $0x3800  }
0x115: {  	[sflag:s9] =	ssyncset.done $0x0  }
0x116: {  	[sflag:s9] =	ssyncadd.s32 $0xFFFFC800  }
0x117: {  	_ =	swait.ge [sflag:s15], $0x3800  }
0x118: {  	[sflag:s15] =	ssyncset.done $0x0  }
0x119: {  	s0 =	rddreg [dreg:$0xd];
	[sflag:s15] =	ssyncadd.s32 $0xFFFFC800  }
0x11a: {  	[tilespmem:s8], [sflag:$0x1] =	stream.indirect.gather [hbm4b:s4+s11], $0x80, s0, s11, $0xb8;
	v63 =	vld [tilespmem:$0x0]  }
0x11b: {  	s17 =	rddreg [dreg:$0xe]  }
0x11c: {  	[spmem:s2] =	stream.indirect.scatter.add.f32 [tilespmem:s12], [sflag:$0x4], $0x80, s17, s11, $0xb8;
	v63 =	vld [tilespmem:$0x0]  }
0x11d: {  	_ =	swait.ge [sflag:s9], $0x3800  }
0x11e: {  	[sflag:s9] =	ssyncset.done $0x0  }
0x11f: {  	[sflag:s9] =	ssyncadd.s32 $0xFFFFC800  }
0x120: {  	_ =	swait.ge [sflag:s16], $0x3800  }
0x121: {  	[sflag:s16] =	ssyncset.done $0x0  }
0x122: {  	s0 =	rddreg [dreg:$0xf];
	[sflag:s16] =	ssyncadd.s32 $0xFFFFC800  }
0x123: {  	[tilespmem:s12], [sflag:$0x2] =	stream.indirect.gather [hbm4b:s4+s11], $0x80, s0, s11, $0xb8;
	v63 =	vld [tilespmem:$0x0]  }
0x124: {  	s17 =	rddreg [dreg:$0x10]  }
0x125: {  	[spmem:s2] =	stream.indirect.scatter.add.f32 [tilespmem:s14], [sflag:$0x4], $0x80, s17, s11, $0xb8;
	v63 =	vld [tilespmem:$0x0]  }
0x126: {  	_ =	swait.ge [sflag:s9], $0x3800  }
0x127: {  	[sflag:s9] =	ssyncset.done $0x0  }
0x128: {  	[sflag:s9] =	ssyncadd.s32 $0xFFFFC800  }
0x129: {  	_ =	swait.ge [sflag:s13], $0x3800  }
0x12a: {  	[sflag:s13] =	ssyncset.done $0x0  }
0x12b: {  	s0 =	rddreg [dreg:$0x11];
	[sflag:s13] =	ssyncadd.s32 $0xFFFFC800  }
0x12c: {  	[tilespmem:s14], [sflag:$0x3] =	stream.indirect.gather [hbm4b:s4+s11], $0x80, s0, s11, $0xb8;
	v63 =	vld [tilespmem:$0x0]  }
0x12d: {  	s17 =	rddreg [dreg:$0x12]  }
0x12e: {  	[spmem:s2] =	stream.indirect.scatter.add.f32 [tilespmem:s8], [sflag:$0x4], $0x80, s17, s11, $0xb8;
	v63 =	vld [tilespmem:$0x0]  }
0x12f: {  	_ =	swait.ge [sflag:s9], $0x3800  }
0x130: {  	[sflag:s9] =	ssyncset.done $0x0  }
0x131: {  	[sflag:s9] =	ssyncadd.s32 $0xFFFFC800  }
0x132: {  	_ =	swait.ge [sflag:s15], $0x3800  }
0x133: {  	[sflag:s15] =	ssyncset.done $0x0  }
0x134: {  	s0 =	rddreg [dreg:$0x13];
	[sflag:s15] =	ssyncadd.s32 $0xFFFFC800  }
0x135: {  	[tilespmem:s8], [sflag:$0x1] =	stream.indirect.gather [hbm4b:s4+s11], $0x80, s0, s11, $0xb8;
	v63 =	vld [tilespmem:$0x0]  }
0x136: {  	s17 =	rddreg [dreg:$0x14]  }
0x137: {  	[spmem:s2] =	stream.indirect.scatter.add.f32 [tilespmem:s12], [sflag:$0x4], $0x80, s17, s11, $0xb8;
	v63 =	vld [tilespmem:$0x0]  }
0x138: {  	_ =	swait.ge [sflag:s9], $0x3800  }
0x139: {  	[sflag:s9] =	ssyncset.done $0x0  }
0x13a: {  	[sflag:s9] =	ssyncadd.s32 $0xFFFFC800  }
0x13b: {  	_ =	swait.ge [sflag:s16], $0x3800  }
0x13c: {  	[sflag:s16] =	ssyncset.done $0x0  }
0x13d: {  	s0 =	rddreg [dreg:$0x15];
	[sflag:s16] =	ssyncadd.s32 $0xFFFFC800  }
0x13e: {  	[tilespmem:s12], [sflag:$0x2] =	stream.indirect.gather [hbm4b:s4+s11], $0x80, s0, s11, $0xb8;
	v63 =	vld [tilespmem:$0x0]  }
0x13f: {  	s17 =	rddreg [dreg:$0x16]  }
0x140: {  	[spmem:s2] =	stream.indirect.scatter.add.f32 [tilespmem:s14], [sflag:$0x4], $0x80, s17, s11, $0xb8;
	v63 =	vld [tilespmem:$0x0]  }
0x141: {  	_ =	swait.ge [sflag:s9], $0x3800  }
0x142: {  	[sflag:s9] =	ssyncset.done $0x0  }
0x143: {  	[sflag:s9] =	ssyncadd.s32 $0xFFFFC800  }
0x144: {  	_ =	swait.ge [sflag:s13], $0x3800  }
0x145: {  	[sflag:s13] =	ssyncset.done $0x0  }
0x146: {  	s0 =	rddreg [dreg:$0x17];
	[sflag:s13] =	ssyncadd.s32 $0xFFFFC800  }
0x147: {  	[tilespmem:s14], [sflag:$0x3] =	stream.indirect.gather [hbm4b:s4+s11], $0x80, s0, s11, $0xb8;
	v63 =	vld [tilespmem:$0x0]  }
0x148: {  	s17 =	simm.s32 $0x1080  }
0x149: {  	[spmem:s2] =	stream.indirect.scatter.add.f32 [tilespmem:s8], [sflag:$0x4], $0x80, s17, s11, $0xb8;
	v63 =	vld [tilespmem:$0x0]  }
0x14a: {  	_ =	swait.ge [sflag:s9], $0x3800  }
0x14b: {  	[sflag:s9] =	ssyncset.done $0x0  }
0x14c: {  	[sflag:s9] =	ssyncadd.s32 $0xFFFFC800  }
0x14d: {  	_ =	swait.ge [sflag:s15], $0x3800  }
0x14e: {  	[sflag:s15] =	ssyncset.done $0x0  }
0x14f: {  	[sflag:s15] =	ssyncadd.s32 $0xFFFFC800  }
0x150: {  	[tilespmem:s8], [sflag:$0x1] =	stream.indirect.gather [hbm4b:s4+s11], $0x80, s18, s11, $0xb8;
	v63 =	vld [tilespmem:$0x0]  }
0x151: {  	_ = 	snop  }
0x152: {  	[spmem:s2] =	stream.indirect.scatter.add.f32 [tilespmem:s12], [sflag:$0x4], $0x80, s19, s11, $0xb8;
	v63 =	vld [tilespmem:$0x0]  }
0x153: {  	_ =	swait.ge [sflag:s9], $0x3800  }
0x154: {  	[sflag:s9] =	ssyncset.done $0x0  }
0x155: {  	[sflag:s9] =	ssyncadd.s32 $0xFFFFC800  }
0x156: {  	_ =	swait.ge [sflag:s16], $0x3800  }
0x157: {  	[sflag:s16] =	ssyncset.done $0x0  }
0x158: {  	[sflag:s16] =	ssyncadd.s32 $0xFFFFC800  }
0x159: {  	[tilespmem:s12], [sflag:$0x2] =	stream.indirect.gather [hbm4b:s4+s11], $0x80, s20, s11, $0xb8;
	v63 =	vld [tilespmem:$0x0]  }
0x15a: {  	_ = 	snop  }
0x15b: {  	[spmem:s2] =	stream.indirect.scatter.add.f32 [tilespmem:s14], [sflag:$0x4], $0x80, s21, s11, $0xb8;
	v63 =	vld [tilespmem:$0x0]  }
0x15c: {  	_ =	swait.ge [sflag:s9], $0x3800  }
0x15d: {  	[sflag:s9] =	ssyncset.done $0x0  }
0x15e: {  	[sflag:s9] =	ssyncadd.s32 $0xFFFFC800  }
0x15f: {  	_ =	swait.ge [sflag:s13], $0x3800  }
0x160: {  	[sflag:s13] =	ssyncset.done $0x0  }
0x161: {  	[sflag:s13] =	ssyncadd.s32 $0xFFFFC800  }
0x162: {  	[tilespmem:s14], [sflag:$0x3] =	stream.indirect.gather [hbm4b:s4+s11], $0x80, s22, s11, $0xb8;
	v63 =	vld [tilespmem:$0x0]  }
0x163: {  	_ = 	snop  }
0x164: {  	[spmem:s2] =	stream.indirect.scatter.add.f32 [tilespmem:s8], [sflag:$0x4], $0x80, s23, s11, $0xb8;
	v63 =	vld [tilespmem:$0x0]  }
0x165: {  	_ =	swait.ge [sflag:s9], $0x3800  }
0x166: {  	[sflag:s9] =	ssyncset.done $0x0  }
0x167: {  	[sflag:s9] =	ssyncadd.s32 $0xFFFFC800  }
0x168: {  	_ =	swait.ge [sflag:s15], $0x3800  }
0x169: {  	[sflag:s15] =	ssyncset.done $0x0  }
0x16a: {  	[sflag:s15] =	ssyncadd.s32 $0xFFFFC800  }
0x16b: {  	[tilespmem:s8], [sflag:$0x1] =	stream.indirect.gather [hbm4b:s4+s11], $0x80, s24, s11, $0xb8;
	v63 =	vld [tilespmem:$0x0]  }
0x16c: {  	_ = 	snop  }
0x16d: {  	[spmem:s2] =	stream.indirect.scatter.add.f32 [tilespmem:s12], [sflag:$0x4], $0x80, s25, s11, $0xb8;
	v63 =	vld [tilespmem:$0x0]  }
0x16e: {  	_ =	swait.ge [sflag:s9], $0x3800  }
0x16f: {  	[sflag:s9] =	ssyncset.done $0x0  }
0x170: {  	[sflag:s9] =	ssyncadd.s32 $0xFFFFC800  }
0x171: {  	_ =	swait.ge [sflag:s16], $0x3800  }
0x172: {  	[sflag:s16] =	ssyncset.done $0x0  }
0x173: {  	[sflag:s16] =	ssyncadd.s32 $0xFFFFC800  }
0x174: {  	[tilespmem:s12], [sflag:$0x2] =	stream.indirect.gather [hbm4b:s4+s11], $0x80, s26, s11, $0xb8;
	v63 =	vld [tilespmem:$0x0]  }
0x175: {  	_ = 	snop  }
0x176: {  	[spmem:s2] =	stream.indirect.scatter.add.f32 [tilespmem:s14], [sflag:$0x4], $0x80, s28, s11, $0xb8;
	v63 =	vld [tilespmem:$0x0]  }
0x177: {  	_ =	swait.ge [sflag:s9], $0x3800  }
0x178: {  	[sflag:s9] =	ssyncset.done $0x0  }
0x179: {  	[sflag:s9] =	ssyncadd.s32 $0xFFFFC800  }
0x17a: {  	_ =	swait.ge [sflag:s13], $0x3800  }
0x17b: {  	[sflag:s13] =	ssyncset.done $0x0  }
0x17c: {  	[sflag:s13] =	ssyncadd.s32 $0xFFFFC800  }
0x17d: {  	[tilespmem:s14], [sflag:$0x3] =	stream.indirect.gather [hbm4b:s4+s11], $0x80, s29, s11, $0xb8;
	v63 =	vld [tilespmem:$0x0]  }
0x17e: {  	_ = 	snop  }
0x17f: {  	[spmem:s2] =	stream.indirect.scatter.add.f32 [tilespmem:s8], [sflag:$0x4], $0x80, s30, s11, $0xb8;
	v63 =	vld [tilespmem:$0x0]  }
0x180: {  	_ =	swait.ge [sflag:s9], $0x3800  }
0x181: {  	[sflag:s9] =	ssyncset.done $0x0  }
0x182: {  	[sflag:s9] =	ssyncadd.s32 $0xFFFFC800  }
0x183: {  	_ =	swait.ge [sflag:s15], $0x3800  }
0x184: {  	[sflag:s15] =	ssyncset.done $0x0  }
0x185: {  	[sflag:s15] =	ssyncadd.s32 $0xFFFFC800  }
0x186: {  	[spmem:s2] =	stream.indirect.scatter.add.f32 [tilespmem:s12], [sflag:$0x4], $0x80, s31, s11, $0xb8;
	v63 =	vld [tilespmem:$0x0]  }
0x187: {  	_ =	swait.ge [sflag:s9], $0x3800  }
0x188: {  	[sflag:s9] =	ssyncset.done $0x0  }
0x189: {  	[sflag:s9] =	ssyncadd.s32 $0xFFFFC800  }
0x18a: {  	p0 =	sne.s32 s7, $0x600;
	_ =	swait.ge [sflag:s16], $0x3800  }
.Ltmp2:
0x18b: {  	[sflag:s16] =	ssyncset.done $0x0;
	(pc) =	sbr.rel @p0 .LBB2_6-.Ltmp2, $4  }
0x18c: {  	[sflag:s16] =	ssyncadd.s32 $0xFFFFC800  }
0x18d: {  	[spmem:s2] =	stream.indirect.scatter.add.f32 [tilespmem:s14], [sflag:$0x4], $0x80, s1, s11, $0xb8;
	v63 =	vld [tilespmem:$0x0]  }
0x18e: {  	_ =	swait.ge [sflag:s9], $0x3800  }
0x18f: {  	s7 =	sadd.s32 $0x180, s7;
	s0 =	rddreg [dreg:$0x4];
	[sflag:s9] =	ssyncset.done $0x0  }
0x190: {  	[sflag:s9] =	ssyncadd.s32 $0xFFFFC800;
	s0 =	sadd.s32 s6, s0  }
0x191: {  	[tilespmem:s3], [sflag:$0x4] =	stream.linear.gather [hbm4b:s0+s3], $0x900, $0x38;
	v63 =	vld [tilespmem:$0x0]  }
0x192: {  	_ =	swait.ge [sflag:s9], $0x900  }
0x193: {  	s7 =	rddreg [dreg:$0x3];
	[sflag:s9] =	ssyncset.done $0x0  }
0x194: {  	[sflag:s9] =	ssyncadd.s32 $0xFFFFF700;
	s0 =	sadd.s32 s6, s7  }
0x195: {  	[tilespmem:s10], [sflag:$0x4] =	stream.linear.gather [hbm4b:s0+s3], $0x900, $0x38;
	v63 =	vld [tilespmem:$0x0]  }
0x196: {  	_ =	swait.ge [sflag:s9], $0x900  }
0x197: {  	[sflag:s9] =	ssyncset.done $0x0  }
0x198: {  	[sflag:s9] =	ssyncadd.s32 $0xFFFFF700  }
0x199: {  	[tilespmem:s8], [sflag:$0x1] =	stream.indirect.gather [hbm4b:s4+s11], $0x80, s3, s11, $0xb8;
	v63 =	vld [tilespmem:$0x0]  }
0x19a: {  	s6 =	rddreg [dreg:$0x5]  }
0x19b: {  	[tilespmem:s12], [sflag:$0x2] =	stream.indirect.gather [hbm4b:s4+s11], $0x80, s6, s11, $0xb8;
	v63 =	vld [tilespmem:$0x0]  }
0x19c: {  	_ =	swait.ge [sflag:s13], $0x3800  }
0x19d: {  	[sflag:s13] =	ssyncset.done $0x0  }
0x19e: {  	s7 =	rddreg [dreg:$0x6];
	[sflag:s13] =	ssyncadd.s32 $0xFFFFC800  }
0x19f: {  	[tilespmem:s14], [sflag:$0x3] =	stream.indirect.gather [hbm4b:s4+s11], $0x80, s7, s11, $0xb8;
	v63 =	vld [tilespmem:$0x0]  }
0x1a0: {  	_ = 	snop  }
0x1a1: {  	[spmem:s2] =	stream.indirect.scatter.add.f32 [tilespmem:s8], [sflag:$0x4], $0x80, s10, s11, $0xb8;
	v63 =	vld [tilespmem:$0x0]  }
0x1a2: {  	_ =	swait.ge [sflag:s9], $0x3800  }
0x1a3: {  	[sflag:s9] =	ssyncset.done $0x0  }
0x1a4: {  	[sflag:s9] =	ssyncadd.s32 $0xFFFFC800  }
0x1a5: {  	_ =	swait.ge [sflag:s15], $0x3800  }
0x1a6: {  	[sflag:s15] =	ssyncset.done $0x0  }
0x1a7: {  	s6 =	rddreg [dreg:$0x7];
	[sflag:s15] =	ssyncadd.s32 $0xFFFFC800  }
0x1a8: {  	[tilespmem:s8], [sflag:$0x1] =	stream.indirect.gather [hbm4b:s4+s11], $0x80, s6, s11, $0xb8;
	v63 =	vld [tilespmem:$0x0]  }
0x1a9: {  	s7 =	rddreg [dreg:$0x8]  }
0x1aa: {  	[spmem:s2] =	stream.indirect.scatter.add.f32 [tilespmem:s12], [sflag:$0x4], $0x80, s7, s11, $0xb8;
	v63 =	vld [tilespmem:$0x0]  }
0x1ab: {  	_ =	swait.ge [sflag:s9], $0x3800  }
0x1ac: {  	[sflag:s9] =	ssyncset.done $0x0  }
0x1ad: {  	[sflag:s9] =	ssyncadd.s32 $0xFFFFC800  }
0x1ae: {  	_ =	swait.ge [sflag:s16], $0x3800  }
0x1af: {  	[sflag:s16] =	ssyncset.done $0x0  }
0x1b0: {  	s6 =	rddreg [dreg:$0x9];
	[sflag:s16] =	ssyncadd.s32 $0xFFFFC800  }
0x1b1: {  	[tilespmem:s12], [sflag:$0x2] =	stream.indirect.gather [hbm4b:s4+s11], $0x80, s6, s11, $0xb8;
	v63 =	vld [tilespmem:$0x0]  }
0x1b2: {  	s7 =	rddreg [dreg:$0xa]  }
0x1b3: {  	[spmem:s2] =	stream.indirect.scatter.add.f32 [tilespmem:s14], [sflag:$0x4], $0x80, s7, s11, $0xb8;
	v63 =	vld [tilespmem:$0x0]  }
0x1b4: {  	_ =	swait.ge [sflag:s9], $0x3800  }
0x1b5: {  	[sflag:s9] =	ssyncset.done $0x0  }
0x1b6: {  	[sflag:s9] =	ssyncadd.s32 $0xFFFFC800  }
0x1b7: {  	_ =	swait.ge [sflag:s13], $0x3800  }
0x1b8: {  	[sflag:s13] =	ssyncset.done $0x0  }
0x1b9: {  	s6 =	rddreg [dreg:$0xb];
	[sflag:s13] =	ssyncadd.s32 $0xFFFFC800  }
0x1ba: {  	[tilespmem:s14], [sflag:$0x3] =	stream.indirect.gather [hbm4b:s4+s11], $0x80, s6, s11, $0xb8;
	v63 =	vld [tilespmem:$0x0]  }
0x1bb: {  	s7 =	rddreg [dreg:$0xc]  }
0x1bc: {  	[spmem:s2] =	stream.indirect.scatter.add.f32 [tilespmem:s8], [sflag:$0x4], $0x80, s7, s11, $0xb8;
	v63 =	vld [tilespmem:$0x0]  }
0x1bd: {  	_ =	swait.ge [sflag:s9], $0x3800  }
0x1be: {  	[sflag:s9] =	ssyncset.done $0x0  }
0x1bf: {  	[sflag:s9] =	ssyncadd.s32 $0xFFFFC800  }
0x1c0: {  	_ =	swait.ge [sflag:s15], $0x3800  }
0x1c1: {  	[sflag:s15] =	ssyncset.done $0x0  }
0x1c2: {  	s6 =	rddreg [dreg:$0xd];
	[sflag:s15] =	ssyncadd.s32 $0xFFFFC800  }
0x1c3: {  	[tilespmem:s8], [sflag:$0x1] =	stream.indirect.gather [hbm4b:s4+s11], $0x80, s6, s11, $0xb8;
	v63 =	vld [tilespmem:$0x0]  }
0x1c4: {  	s7 =	rddreg [dreg:$0xe]  }
0x1c5: {  	[spmem:s2] =	stream.indirect.scatter.add.f32 [tilespmem:s12], [sflag:$0x4], $0x80, s7, s11, $0xb8;
	v63 =	vld [tilespmem:$0x0]  }
0x1c6: {  	_ =	swait.ge [sflag:s9], $0x3800  }
0x1c7: {  	[sflag:s9] =	ssyncset.done $0x0  }
0x1c8: {  	[sflag:s9] =	ssyncadd.s32 $0xFFFFC800  }
0x1c9: {  	_ =	swait.ge [sflag:s16], $0x3800  }
0x1ca: {  	[sflag:s16] =	ssyncset.done $0x0  }
0x1cb: {  	s6 =	rddreg [dreg:$0xf];
	[sflag:s16] =	ssyncadd.s32 $0xFFFFC800  }
0x1cc: {  	[tilespmem:s12], [sflag:$0x2] =	stream.indirect.gather [hbm4b:s4+s11], $0x80, s6, s11, $0xb8;
	v63 =	vld [tilespmem:$0x0]  }
0x1cd: {  	s7 =	rddreg [dreg:$0x10]  }
0x1ce: {  	[spmem:s2] =	stream.indirect.scatter.add.f32 [tilespmem:s14], [sflag:$0x4], $0x80, s7, s11, $0xb8;
	v63 =	vld [tilespmem:$0x0]  }
0x1cf: {  	_ =	swait.ge [sflag:s9], $0x3800  }
0x1d0: {  	[sflag:s9] =	ssyncset.done $0x0  }
0x1d1: {  	[sflag:s9] =	ssyncadd.s32 $0xFFFFC800  }
0x1d2: {  	_ =	swait.ge [sflag:s13], $0x3800  }
0x1d3: {  	[sflag:s13] =	ssyncset.done $0x0  }
0x1d4: {  	s6 =	rddreg [dreg:$0x11];
	[sflag:s13] =	ssyncadd.s32 $0xFFFFC800  }
0x1d5: {  	[tilespmem:s14], [sflag:$0x3] =	stream.indirect.gather [hbm4b:s4+s11], $0x80, s6, s11, $0xb8;
	v63 =	vld [tilespmem:$0x0]  }
0x1d6: {  	s7 =	rddreg [dreg:$0x12]  }
0x1d7: {  	[spmem:s2] =	stream.indirect.scatter.add.f32 [tilespmem:s8], [sflag:$0x4], $0x80, s7, s11, $0xb8;
	v63 =	vld [tilespmem:$0x0]  }
0x1d8: {  	_ =	swait.ge [sflag:s9], $0x3800  }
0x1d9: {  	[sflag:s9] =	ssyncset.done $0x0  }
0x1da: {  	[sflag:s9] =	ssyncadd.s32 $0xFFFFC800  }
0x1db: {  	_ =	swait.ge [sflag:s15], $0x3800  }
0x1dc: {  	[sflag:s15] =	ssyncset.done $0x0  }
0x1dd: {  	s6 =	rddreg [dreg:$0x13];
	[sflag:s15] =	ssyncadd.s32 $0xFFFFC800  }
0x1de: {  	[tilespmem:s8], [sflag:$0x1] =	stream.indirect.gather [hbm4b:s4+s11], $0x80, s6, s11, $0xb8;
	v63 =	vld [tilespmem:$0x0]  }
0x1df: {  	s7 =	rddreg [dreg:$0x14]  }
0x1e0: {  	[spmem:s2] =	stream.indirect.scatter.add.f32 [tilespmem:s12], [sflag:$0x4], $0x80, s7, s11, $0xb8;
	v63 =	vld [tilespmem:$0x0]  }
0x1e1: {  	_ =	swait.ge [sflag:s9], $0x3800  }
0x1e2: {  	[sflag:s9] =	ssyncset.done $0x0  }
0x1e3: {  	[sflag:s9] =	ssyncadd.s32 $0xFFFFC800  }
0x1e4: {  	_ =	swait.ge [sflag:s16], $0x3800  }
0x1e5: {  	[sflag:s16] =	ssyncset.done $0x0  }
0x1e6: {  	s6 =	rddreg [dreg:$0x15];
	[sflag:s16] =	ssyncadd.s32 $0xFFFFC800  }
0x1e7: {  	[tilespmem:s12], [sflag:$0x2] =	stream.indirect.gather [hbm4b:s4+s11], $0x80, s6, s11, $0xb8;
	v63 =	vld [tilespmem:$0x0]  }
0x1e8: {  	s7 =	rddreg [dreg:$0x16]  }
0x1e9: {  	[spmem:s2] =	stream.indirect.scatter.add.f32 [tilespmem:s14], [sflag:$0x4], $0x80, s7, s11, $0xb8;
	v63 =	vld [tilespmem:$0x0]  }
0x1ea: {  	_ =	swait.ge [sflag:s9], $0x3800  }
0x1eb: {  	[sflag:s9] =	ssyncset.done $0x0  }
0x1ec: {  	[sflag:s9] =	ssyncadd.s32 $0xFFFFC800  }
0x1ed: {  	_ =	swait.ge [sflag:s13], $0x3800  }
0x1ee: {  	[sflag:s13] =	ssyncset.done $0x0  }
0x1ef: {  	s6 =	rddreg [dreg:$0x17];
	[sflag:s13] =	ssyncadd.s32 $0xFFFFC800  }
0x1f0: {  	[tilespmem:s14], [sflag:$0x3] =	stream.indirect.gather [hbm4b:s4+s11], $0x80, s6, s11, $0xb8;
	v63 =	vld [tilespmem:$0x0]  }
0x1f1: {  	_ = 	snop  }
0x1f2: {  	[spmem:s2] =	stream.indirect.scatter.add.f32 [tilespmem:s8], [sflag:$0x4], $0x80, s17, s11, $0xb8;
	v63 =	vld [tilespmem:$0x0]  }
0x1f3: {  	_ =	swait.ge [sflag:s9], $0x3800  }
0x1f4: {  	[sflag:s9] =	ssyncset.done $0x0  }
0x1f5: {  	[sflag:s9] =	ssyncadd.s32 $0xFFFFC800  }
0x1f6: {  	_ =	swait.ge [sflag:s15], $0x3800  }
0x1f7: {  	[sflag:s15] =	ssyncset.done $0x0  }
0x1f8: {  	[sflag:s15] =	ssyncadd.s32 $0xFFFFC800  }
0x1f9: {  	[tilespmem:s8], [sflag:$0x1] =	stream.indirect.gather [hbm4b:s4+s11], $0x80, s18, s11, $0xb8;
	v63 =	vld [tilespmem:$0x0]  }
0x1fa: {  	_ = 	snop  }
0x1fb: {  	[spmem:s2] =	stream.indirect.scatter.add.f32 [tilespmem:s12], [sflag:$0x4], $0x80, s19, s11, $0xb8;
	v63 =	vld [tilespmem:$0x0]  }
0x1fc: {  	_ =	swait.ge [sflag:s9], $0x3800  }
0x1fd: {  	[sflag:s9] =	ssyncset.done $0x0  }
0x1fe: {  	[sflag:s9] =	ssyncadd.s32 $0xFFFFC800  }
0x1ff: {  	_ =	swait.ge [sflag:s16], $0x3800  }
0x200: {  	[sflag:s16] =	ssyncset.done $0x0  }
0x201: {  	[sflag:s16] =	ssyncadd.s32 $0xFFFFC800  }
0x202: {  	[tilespmem:s12], [sflag:$0x2] =	stream.indirect.gather [hbm4b:s4+s11], $0x80, s20, s11, $0xb8;
	v63 =	vld [tilespmem:$0x0]  }
0x203: {  	_ = 	snop  }
0x204: {  	[spmem:s2] =	stream.indirect.scatter.add.f32 [tilespmem:s14], [sflag:$0x4], $0x80, s21, s11, $0xb8;
	v63 =	vld [tilespmem:$0x0]  }
0x205: {  	_ =	swait.ge [sflag:s9], $0x3800  }
0x206: {  	[sflag:s9] =	ssyncset.done $0x0  }
0x207: {  	[sflag:s9] =	ssyncadd.s32 $0xFFFFC800  }
0x208: {  	_ =	swait.ge [sflag:s13], $0x3800  }
0x209: {  	[sflag:s13] =	ssyncset.done $0x0  }
0x20a: {  	[sflag:s13] =	ssyncadd.s32 $0xFFFFC800  }
0x20b: {  	[tilespmem:s14], [sflag:$0x3] =	stream.indirect.gather [hbm4b:s4+s11], $0x80, s22, s11, $0xb8;
	v63 =	vld [tilespmem:$0x0]  }
0x20c: {  	_ = 	snop  }
0x20d: {  	[spmem:s2] =	stream.indirect.scatter.add.f32 [tilespmem:s8], [sflag:$0x4], $0x80, s23, s11, $0xb8;
	v63 =	vld [tilespmem:$0x0]  }
0x20e: {  	_ =	swait.ge [sflag:s9], $0x3800  }
0x20f: {  	[sflag:s9] =	ssyncset.done $0x0  }
0x210: {  	[sflag:s9] =	ssyncadd.s32 $0xFFFFC800  }
0x211: {  	_ =	swait.ge [sflag:s15], $0x3800  }
0x212: {  	[sflag:s15] =	ssyncset.done $0x0  }
0x213: {  	[sflag:s15] =	ssyncadd.s32 $0xFFFFC800  }
0x214: {  	[tilespmem:s8], [sflag:$0x1] =	stream.indirect.gather [hbm4b:s4+s11], $0x80, s24, s11, $0xb8;
	v63 =	vld [tilespmem:$0x0]  }
0x215: {  	_ = 	snop  }
0x216: {  	[spmem:s2] =	stream.indirect.scatter.add.f32 [tilespmem:s12], [sflag:$0x4], $0x80, s25, s11, $0xb8;
	v63 =	vld [tilespmem:$0x0]  }
0x217: {  	_ =	swait.ge [sflag:s9], $0x3800  }
0x218: {  	[sflag:s9] =	ssyncset.done $0x0  }
0x219: {  	[sflag:s9] =	ssyncadd.s32 $0xFFFFC800  }
0x21a: {  	_ =	swait.ge [sflag:s16], $0x3800  }
0x21b: {  	[sflag:s16] =	ssyncset.done $0x0  }
0x21c: {  	[sflag:s16] =	ssyncadd.s32 $0xFFFFC800  }
0x21d: {  	[tilespmem:s12], [sflag:$0x2] =	stream.indirect.gather [hbm4b:s4+s11], $0x80, s26, s11, $0xb8;
	v63 =	vld [tilespmem:$0x0]  }
0x21e: {  	_ = 	snop  }
0x21f: {  	[spmem:s2] =	stream.indirect.scatter.add.f32 [tilespmem:s14], [sflag:$0x4], $0x80, s28, s11, $0xb8;
	v63 =	vld [tilespmem:$0x0]  }
0x220: {  	_ =	swait.ge [sflag:s9], $0x3800  }
0x221: {  	[sflag:s9] =	ssyncset.done $0x0  }
0x222: {  	[sflag:s9] =	ssyncadd.s32 $0xFFFFC800  }
0x223: {  	_ =	swait.ge [sflag:s13], $0x3800  }
0x224: {  	[sflag:s13] =	ssyncset.done $0x0  }
0x225: {  	[sflag:s13] =	ssyncadd.s32 $0xFFFFC800  }
0x226: {  	[tilespmem:s14], [sflag:$0x3] =	stream.indirect.gather [hbm4b:s4+s11], $0x80, s29, s11, $0xb8;
	v63 =	vld [tilespmem:$0x0]  }
0x227: {  	_ = 	snop  }
0x228: {  	[spmem:s2] =	stream.indirect.scatter.add.f32 [tilespmem:s8], [sflag:$0x4], $0x80, s30, s11, $0xb8;
	v63 =	vld [tilespmem:$0x0]  }
0x229: {  	_ =	swait.ge [sflag:s9], $0x3800  }
0x22a: {  	[sflag:s9] =	ssyncset.done $0x0  }
0x22b: {  	[sflag:s9] =	ssyncadd.s32 $0xFFFFC800  }
0x22c: {  	_ =	swait.ge [sflag:s15], $0x3800  }
0x22d: {  	[sflag:s15] =	ssyncset.done $0x0  }
0x22e: {  	[sflag:s15] =	ssyncadd.s32 $0xFFFFC800  }
0x22f: {  	[spmem:s2] =	stream.indirect.scatter.add.f32 [tilespmem:s12], [sflag:$0x4], $0x80, s31, s11, $0xb8;
	v63 =	vld [tilespmem:$0x0]  }
0x230: {  	_ =	swait.ge [sflag:s9], $0x3800  }
0x231: {  	[sflag:s9] =	ssyncset.done $0x0  }
0x232: {  	[sflag:s9] =	ssyncadd.s32 $0xFFFFC800  }
0x233: {  	_ =	swait.ge [sflag:s16], $0x3800  }
0x234: {  	[sflag:s16] =	ssyncset.done $0x0  }
0x235: {  	[sflag:s16] =	ssyncadd.s32 $0xFFFFC800  }
0x236: {  	[spmem:s2] =	stream.indirect.scatter.add.f32 [tilespmem:s14], [sflag:$0x4], $0x80, s1, s11, $0xb8;
	v63 =	vld [tilespmem:$0x0]  }
0x237: {  	_ =	swait.ge [sflag:s9], $0x3800  }
0x238: {  	[sflag:s9] =	ssyncset.done $0x0  }
0x239: {  	s7 =	stileid.u32;
	[sflag:s9] =	ssyncadd.s32 $0xFFFFC800  }
0x23a: {  	s0 =	sshll.u32 s7, $0x6;
	[bflag:$0x0] =	sbarrier.arrive $0xFFFF  }
0x23b: {  	s0 =	sor.u32 $0x1C04, s0;
	s6 =	sshrl.u32 s5, $0x3;
	s7 =	rddreg [dreg:$0x18]  }
0x23c: {  	[hbm:s7], [sflag:s0] =	dma.local [spmem:s6], $0x2800  }
0x23d: {  	_ =	swait.ge [sflag:s9], $0x2800  }
0x23e: {  	s0 =	rddreg [dreg:$0x1a]  }
0x23f: {  	s7 =	rddreg [dreg:$0x19];
	s6 =	sadd.s32 $0x1, s0  }
0x240: {  	p0 =	sne.s32 s6, s7  }
.Ltmp3:
0x241: {  	_ = 	snop;
	(pc) =	sbr.rel @p0 .LBB2_1-.Ltmp3, $3  }
0x242: {  	_ =	sdelay $0x1  }
0x243: {  	[sflag:s9] =	ssyncset.done $0x0  }
0x244: {  	[sflag:s9] =	ssyncadd.s32 $0xFFFFD800  }
0x245: {  	_ =	sfence.sel $0x180000  }
0x246: {  	[bflag:$0x0] =	sbarrier.arrive $0xFFFF  }
0x247: {  	_ =	strace $0x90000050  }
0x248: {  	s0 =	stileid.u32;
	[bflag:$0x2] =	sbarrier.arrive $0xFFFF  }
0x249: {  	p0 =	sne.s32 s0, $0x0;
	s0 =	rddreg [dreg:$0x2]  }
0x24a: {  	s0 =	sadd.s32 @!p0 $0x100000, s0  }
0x24b: {  	[sflag:s0] =	ssyncadd.tile.s32 @!p0 $0x1;
	_ =	shalt  }
.Lfunc_end2:
_tile_overlayer_lowered:
.L_overlay_start_2:
0x24c: {  	(tag) =	ssettag $0x2  }
0x24d: {  	s0 =	rddreg [dreg:$0x0];
	s2 =	stileid.u32  }
0x24e: {  	s1 =	rddreg [dreg:$0x1];
	p0 =	sne.s32 s2, $0x0  }
0x24f: {  	s3 =	rddreg [dreg:$0x2];
	[bflag:$0x3] =	sbarrier.arrive $0xFFFF;
	s2 =	simm.s32 @!p0 $0x1C04  }
0x250: {  	[timem:s3], [sflag:s2] =	dma.local @!p0 [hbm:s0], s1  }
0x251: {  	s0 =	simm.s32 @!p0 $0x4  }
0x252: {  	_ =	swait.ge @!p0 [sflag:s0], s1  }
0x253: {  	s1 =	ssub.s32 @!p0 $0x0, s1;
	[sflag:s0] =	ssyncset.done @!p0 $0x0  }
0x254: {  	[sflag:s0] =	ssyncadd.s32 @!p0 s1  }
0x255: {  	[bflag:$0x3] =	sbarrier.arrive $0xFFFF  }
0x256: {  	_ =	shalt  }

</sc_bundles>
